<compile_context>
chip_gen: v7x
topology: tpu7x:2x2x1
jax: 0.10.2.dev20260603
libtpu: 0.0.44.dev20260713+nightly
codegen_flags: <defaults>
</compile_context>

<pallas_src>
import functools

import jax
import jax.numpy as jnp
from jax import lax
from jax.experimental import pallas as pl
from jax.experimental.pallas import tpu as pltpu
from jax.experimental.pallas import tpu_sc as plsc

N = 10000
E = 160000
DW = 128
NC = 2
NSUB = 16
NW = NC * NSUB
EPW = 5120
E_PAD = NW * EPW
CHUNK = 128
NCHUNK = EPW // CHUNK
RPT = 624
RCP = 640
BN = 1000
BE = 2048

_HI = jax.lax.Precision.HIGHEST


@functools.cache
def _mesh():
    return plsc.VectorSubcoreMesh(
        core_axis_name="c", subcore_axis_name="s",
        num_cores=NC, num_subcores=NSUB)



def _tp9(xv, av, w):
    acc = None
    for j in range(9):
        p = (xv * av[:, j:j + 1]).astype(jnp.bfloat16)
        t = jnp.dot(p, w[j], preferred_element_type=jnp.float32)
        acc = t if acc is None else acc + t
    return acc


def _gate(agg):
    s = agg[:, :16]
    g = agg[:, 16:24]
    v = agg[:, 24:48]
    sg = jax.nn.sigmoid(g)
    rows = lax.broadcasted_iota(jnp.int32, (8, 24), 0)
    cols = lax.broadcasted_iota(jnp.int32, (8, 24), 1)
    expand = jnp.where(cols // 3 == rows, 1.0, 0.0).astype(jnp.float32)
    vscale = jnp.dot(sg, expand, preferred_element_type=jnp.float32,
                     precision=_HI)
    z = jnp.zeros((agg.shape[0], 8), jnp.float32)
    return jnp.concatenate([s * jax.nn.sigmoid(s), v * vscale, z], axis=1)


def _ones_col0(na):
    cols = lax.broadcasted_iota(jnp.int32, na.shape, 1)
    return jnp.where(cols == 0, 1.0, na)


def _padw(x, width=DW):
    b, w = x.shape
    if w == width:
        return x
    return jnp.concatenate([x, jnp.zeros((b, width - w), jnp.float32)], axis=1)



def _embed_body(x_ref, na_ref, w_ref, h_ref):
    na = _ones_col0(na_ref[...])
    h_ref[...] = _padw(_tp9(_padw(x_ref[...]), na, w_ref[...]))


def _payload1_body(g_ref, ea_ref, amf_ref, ws_ref, out_ref):
    ea = ea_ref[...]
    amf = amf_ref[...]
    msg = _tp9(g_ref[...], ea, ws_ref[...])
    s0 = amf[:, 0:1] * ea
    s1 = amf[:, 1:2] * ea
    z = jnp.zeros((msg.shape[0], DW - 75), jnp.float32)
    out_ref[...] = jnp.concatenate([msg, ea, s0, s1, z], axis=1)


def _payload2_body(g_ref, ea_ref, ws_ref, out_ref):
    out_ref[...] = _padw(_tp9(g_ref[...], ea_ref[...], ws_ref[...]))


def _update1_body(p0_ref, p1_ref, p2_ref, p3_ref, h_ref, wd_ref, wa_ref,
                  h_out_ref, as_ref):
    r = (p0_ref[...] + p1_ref[...]) + (p2_ref[...] + p3_ref[...])
    h = h_ref[...]
    a = r[:, 48:57]
    s = r[:, 57:75]
    agg = r[:, :48] + _tp9(h, a, wd_ref[...]) + jnp.dot(
        s, wa_ref[...], preferred_element_type=jnp.float32, precision=_HI)
    h_out_ref[...] = h + _padw(_gate(agg))
    as_ref[...] = r[:, 48:75]


def _final_body(p0_ref, p1_ref, p2_ref, p3_ref, h_ref, as_ref, na_ref,
                wd_ref, wa_ref, wp1_ref, wp2_ref, out_ref):
    r = (p0_ref[...] + p1_ref[...]) + (p2_ref[...] + p3_ref[...])
    h = h_ref[...]
    asv = as_ref[...]
    agg = r[:, :48] + _tp9(h, asv[:, :9], wd_ref[...]) + jnp.dot(
        asv[:, 9:27], wa_ref[...], preferred_element_type=jnp.float32,
        precision=_HI)
    h2 = h + _padw(_gate(agg))
    na = _ones_col0(na_ref[...])
    t = _padw(_gate(_tp9(h2, na, wp1_ref[...])))
    out_ref[...] = _tp9(t, na, wp2_ref[...])



EH = E_PAD // 2
EPW_H = EPW // 2
NCHUNK_H = NCHUNK // 2


@functools.cache
def _sc_gather():
    @functools.partial(
        pl.kernel, mesh=_mesh(),
        out_type=jax.ShapeDtypeStruct((EH, DW), jnp.float32),
        scratch_types=[
            pltpu.VMEM((EPW_H,), jnp.int32),
            pltpu.VMEM((6, CHUNK, DW), jnp.float32),
            pltpu.SemaphoreType.DMA,
            pltpu.SemaphoreType.DMA,
        ])
    def gather(h_hbm, idx_hbm, out_hbm, idx_v, rows_v, gsem, wsem):
        wid = lax.axis_index("s") * NC + lax.axis_index("c")
        base = pl.multiple_of(wid * EPW_H, EPW_H)
        pltpu.sync_copy(idx_hbm.at[pl.ds(base, EPW_H)], idx_v)

        def fire(i):
            b = lax.rem(i, 6)
            off = pl.multiple_of(i * CHUNK, CHUNK)
            pltpu.async_copy(h_hbm.at[idx_v.at[pl.ds(off, CHUNK)]],
                             rows_v.at[b], gsem)

        def fire_wb(i):
            b = lax.rem(i, 6)
            off = pl.multiple_of(base + i * CHUNK, CHUNK)
            pltpu.async_copy(rows_v.at[b], out_hbm.at[pl.ds(off, CHUNK)], wsem)

        def drain(sem):
            pltpu.make_async_copy(
                out_hbm.at[pl.ds(0, CHUNK)], rows_v.at[0], sem).wait()

        for k in range(4):
            fire(k)

        def body(i, carry):
            @pl.when(i >= 2)
            def _():
                drain(wsem)

            @pl.when(i + 4 < NCHUNK_H)
            def _():
                fire(i + 4)

            drain(gsem)
            fire_wb(i)
            return carry

        lax.fori_loop(0, NCHUNK_H, body, 0)
        drain(wsem)
        drain(wsem)

    return gather


@functools.cache
def _sc_scatter():
    @functools.partial(
        pl.kernel, mesh=_mesh(),
        out_type=jax.ShapeDtypeStruct((2 * N, DW), jnp.float32),
        scratch_types=[
            pltpu.VMEM((NCHUNK_H + 4, CHUNK), jnp.int32),
            pltpu.VMEM((2, CHUNK, DW), jnp.float32),
            pltpu.VMEM_SHARED((N, DW), jnp.float32),
            pltpu.SemaphoreType.DMA,
            pltpu.SemaphoreType.DMA,
        ])
    def scatter(pay_hbm, idx_hbm, zeros_hbm, out_hbm, idx_v, rows_v, acc,
                lsem, ssem):
        cid = lax.axis_index("c")
        sid = lax.axis_index("s")
        wid = sid * NC + cid
        base = pl.multiple_of(wid * EPW_H, EPW_H)
        r0 = sid * RPT
        pltpu.sync_copy(zeros_hbm, acc.at[pl.ds(r0, RCP)])
        start = wid * NCHUNK_H
        delta = lax.rem(start, 8)
        row0 = pl.multiple_of(start - delta, 8)
        pltpu.sync_copy(idx_hbm.at[pl.ds(row0, NCHUNK_H + 4)], idx_v)
        plsc.subcore_barrier()

        def fire_load(i):
            b = lax.rem(i, 2)
            off = pl.multiple_of(base + i * CHUNK, CHUNK)
            pltpu.async_copy(pay_hbm.at[pl.ds(off, CHUNK)], rows_v.at[b], lsem)

        def fire_scat(i):
            b = lax.rem(i, 2)
            pltpu.async_copy(rows_v.at[b], acc.at[idx_v.at[i + delta]],
                             ssem, add=True)

        def drain(sem):
            pltpu.make_async_copy(
                pay_hbm.at[pl.ds(0, CHUNK)], rows_v.at[0], sem).wait()

        fire_load(0)

        def body(i, carry):
            @pl.when(i >= 1)
            def _():
                drain(ssem)

            @pl.when(i + 1 < NCHUNK_H)
            def _():
                fire_load(i + 1)

            drain(lsem)
            fire_scat(i)
            return carry

        lax.fori_loop(0, NCHUNK_H, body, 0)
        drain(ssem)
        plsc.subcore_barrier()
        pltpu.sync_copy(acc.at[pl.ds(r0, RCP)],
                        out_hbm.at[pl.ds(cid * N + r0, RCP)])

    return scatter



def _node_spec(w, i_map=None):
    return pl.BlockSpec((BN, w), i_map or (lambda i: (i, 0)))


def _full_spec(shape):
    nd = len(shape)
    return pl.BlockSpec(shape, lambda i: (0,) * nd)


def _embed(x, na, we):
    return pl.pallas_call(
        _embed_body,
        grid=(N // BN,),
        in_specs=[_node_spec(16), _node_spec(9), _full_spec((9, DW, 48))],
        out_specs=_node_spec(DW),
        out_shape=jax.ShapeDtypeStruct((N, DW), jnp.float32),
    )(x, na, we)


def _payload1(g, ea, amf, ws):
    nb = EH // BE
    espec = lambda w: pl.BlockSpec((BE, w), lambda i: (i, 0))
    return pl.pallas_call(
        _payload1_body,
        grid=(nb,),
        in_specs=[espec(DW), espec(9), espec(2), _full_spec((9, DW, 48))],
        out_specs=espec(DW),
        out_shape=jax.ShapeDtypeStruct((EH, DW), jnp.float32),
    )(g, ea, amf, ws)


def _payload2(g, ea, ws):
    nb = EH // BE
    espec = lambda w: pl.BlockSpec((BE, w), lambda i: (i, 0))
    return pl.pallas_call(
        _payload2_body,
        grid=(nb,),
        in_specs=[espec(DW), espec(9), _full_spec((9, DW, 48))],
        out_specs=espec(DW),
        out_shape=jax.ShapeDtypeStruct((EH, DW), jnp.float32),
    )(g, ea, ws)


def _update1(pa, pb, h, wd, wa):
    nb = N // BN
    return pl.pallas_call(
        _update1_body,
        grid=(nb,),
        in_specs=[
            _node_spec(DW),
            _node_spec(DW, lambda i: (i + nb, 0)),
            _node_spec(DW),
            _node_spec(DW, lambda i: (i + nb, 0)),
            _node_spec(DW),
            _full_spec((9, DW, 48)),
            _full_spec((18, 48)),
        ],
        out_specs=[_node_spec(DW), _node_spec(27)],
        out_shape=[jax.ShapeDtypeStruct((N, DW), jnp.float32),
                   jax.ShapeDtypeStruct((N, 27), jnp.float32)],
    )(pa, pa, pb, pb, h, wd, wa)


def _final(pa, pb, h, asv, na, wd, wa, wp1, wp2):
    nb = N // BN
    return pl.pallas_call(
        _final_body,
        grid=(nb,),
        in_specs=[
            _node_spec(DW),
            _node_spec(DW, lambda i: (i + nb, 0)),
            _node_spec(DW),
            _node_spec(DW, lambda i: (i + nb, 0)),
            _node_spec(DW),
            _node_spec(27),
            _node_spec(9),
            _full_spec((9, DW, 48)),
            _full_spec((18, 48)),
            _full_spec((9, DW, 48)),
            _full_spec((9, DW, 16)),
        ],
        out_specs=_node_spec(16),
        out_shape=jax.ShapeDtypeStruct((N, 16), jnp.float32),
    )(pa, pa, pb, pb, h, asv, na, wd, wa, wp1, wp2)



def kernel(x, pos, edge_index, edge_attr, node_attr, batch,
           additional_message_features, W_embed, W_msg0, W_msg1, W_pp1, W_pp2):
    f32 = jnp.float32
    pad_e = E_PAD - E
    src_r = edge_index[0]
    dst_r = edge_index[1]
    amf_r = additional_message_features
    dstA2 = dst_r[:EH].reshape(EH // CHUNK, CHUNK)
    srcB = jnp.concatenate([src_r[EH:], jnp.zeros((pad_e,), jnp.int32)])
    dstB2 = jnp.concatenate(
        [dst_r[EH:], jnp.zeros((pad_e,), jnp.int32)]).reshape(
            EH // CHUNK, CHUNK)
    eaB = jnp.concatenate([edge_attr[EH:], jnp.zeros((pad_e, 9), f32)], axis=0)
    amfB = jnp.concatenate([amf_r[EH:], jnp.zeros((pad_e, 2), f32)], axis=0)

    def prep_w(w, kpad=None):
        din, _, k = w.shape
        w = jnp.concatenate([w, jnp.zeros((DW - din, 9, k), f32)], axis=0)
        w = jnp.transpose(w, (1, 0, 2))
        if kpad is not None and k < kpad:
            w = jnp.concatenate([w, jnp.zeros((9, DW, kpad - k), f32)], axis=2)
        return w.astype(jnp.bfloat16)

    we = prep_w(W_embed, kpad=48)
    wd0 = prep_w(W_msg0[:40])
    ws0 = prep_w(W_msg0[40:80])
    wa0 = W_msg0[80:82].reshape(18, 48)
    wd1 = prep_w(W_msg1[:40])
    ws1 = prep_w(W_msg1[40:80])
    wa1 = W_msg1[80:82].reshape(18, 48)
    wp1 = prep_w(W_pp1)
    wp2 = prep_w(W_pp2)

    zrows = jnp.zeros((RCP, DW), f32)

    h0 = _embed(x, node_attr, we)
    g0a = _sc_gather()(h0, src_r)
    g0b = _sc_gather()(h0, srcB)
    p0a = _payload1(g0a, edge_attr, amf_r, ws0)
    p0b = _payload1(g0b, eaB, amfB, ws0)
    s0a = _sc_scatter()(p0a, dstA2, zrows)
    s0b = _sc_scatter()(p0b, dstB2, zrows)
    h1, asv = _update1(s0a, s0b, h0, wd0, wa0)
    g1a = _sc_gather()(h1, src_r)
    g1b = _sc_gather()(h1, srcB)
    p1a = _payload2(g1a, edge_attr, ws1)
    p1b = _payload2(g1b, eaB, ws1)
    s1a = _sc_scatter()(p1a, dstA2, zrows)
    s1b = _sc_scatter()(p1b, dstB2, zrows)
    return _final(s1a, s1b, h1, asv, node_attr, wd1, wa1, wp1, wp2)

# --- scband reference (transcript-rebuilt; emitter-appended) ---
"""Pipeline reference for scband-seconv-10900626998036 (READ-ONLY COPY).

The authoritative reference and input builder live on the scoring server;
editing this copy changes nothing except your own understanding.
"""

import jax, jax.numpy as jnp
import numpy as np

N_NODES = 10000
N_EDGES = 160000
D_IN = 16      # input_irreps 16x0e
D_ATTR = 9     # 1x0e+1x1o+1x2e spherical-harmonic attributes
D_ADD = 2      # additional_message_irreps 2x0e
NS = 16        # scalar multiplicity in hidden irreps
NV = 8         # vector (1o) multiplicity in hidden irreps
D_HID = NS + 3 * NV            # 40, hidden_irreps dim
D_G = NS + NV + 3 * NV         # 48, gate input irreps (scalars + gate scalars + gated vectors)
D_MSG_IN = 2 * D_HID + D_ADD   # 82
D_OUT = 16     # output_irreps 16x0e


def _tp(x, y, W):
    # Fully-connected O(3) tensor product between node/edge features x and
    # attribute embedding y with learned path weights W[i, j, k].
    return jnp.einsum('ni,nj,ijk->nk', x, y, W)


def _gate(m):
    # O3SwishGate: swish on scalar irreps, sigmoid-gated higher-order irreps.
    s = m[:, :NS]
    g = m[:, NS:NS + NV]
    v = m[:, NS + NV:].reshape(-1, NV, 3)
    v = v * jax.nn.sigmoid(g)[:, :, None]
    return jnp.concatenate([jax.nn.silu(s), v.reshape(-1, 3 * NV)], axis=-1)


def setup_inputs(seed: int = 0) -> dict:
    key = jax.random.key(seed)
    ks = jax.random.split(key, 12)
    x = jax.random.normal(ks[0], (N_NODES, D_IN), dtype=jnp.float32)
    pos = jax.random.normal(ks[1], (N_NODES, 3), dtype=jnp.float32)
    edge_index = jax.random.randint(ks[2], (2, N_EDGES), 0, N_NODES, dtype=jnp.int32)
    edge_attr = jax.random.normal(ks[3], (N_EDGES, D_ATTR), dtype=jnp.float32)
    node_attr = jax.random.normal(ks[4], (N_NODES, D_ATTR), dtype=jnp.float32)
    batch = jnp.zeros((N_NODES,), dtype=jnp.int32)
    additional_message_features = jax.random.normal(ks[5], (N_EDGES, D_ADD), dtype=jnp.float32)
    W_embed = jax.random.normal(ks[6], (D_IN, D_ATTR, D_HID), dtype=jnp.float32) / np.sqrt(D_IN * D_ATTR)
    W_msg0 = jax.random.normal(ks[7], (D_MSG_IN, D_ATTR, D_G), dtype=jnp.float32) / np.sqrt(D_MSG_IN * D_ATTR)
    W_msg1 = jax.random.normal(ks[8], (D_MSG_IN, D_ATTR, D_G), dtype=jnp.float32) / np.sqrt(D_MSG_IN * D_ATTR)
    W_pp1 = jax.random.normal(ks[9], (D_HID, D_ATTR, D_G), dtype=jnp.float32) / np.sqrt(D_HID * D_ATTR)
    W_pp2 = jax.random.normal(ks[10], (D_HID, D_ATTR, D_OUT), dtype=jnp.float32) / np.sqrt(D_HID * D_ATTR)
    return {
        'x': x, 'pos': pos, 'edge_index': edge_index, 'edge_attr': edge_attr,
        'node_attr': node_attr, 'batch': batch,
        'additional_message_features': additional_message_features,
        'W_embed': W_embed, 'W_msg0': W_msg0, 'W_msg1': W_msg1,
        'W_pp1': W_pp1, 'W_pp2': W_pp2,
    }


def reference(x, pos, edge_index, edge_attr, node_attr, batch,
              additional_message_features, W_embed, W_msg0, W_msg1, W_pp1, W_pp2):
    # catch_isolated_nodes: force first (scalar) attribute channel to 1.0
    node_attr = node_attr.at[:, 0].set(1.0)
    # embedding layer: O3TensorProduct(input_irreps -> hidden, node_attr)
    h = _tp(x, node_attr, W_embed)
    src = edge_index[0]  # x_j (source)
    dst = edge_index[1]  # x_i (target); PyG source_to_target flow, aggr='add'
    for W in (W_msg0, W_msg1):
        inp = jnp.concatenate([h[dst], h[src], additional_message_features], axis=-1)
        msg = _tp(inp, edge_attr, W)            # linear conv message layer
        agg = jax.ops.segment_sum(msg, dst, num_segments=N_NODES)
        h = h + _gate(agg)                       # update: x += gate(message)
    # task == 'node' head
    h = _gate(_tp(h, node_attr, W_pp1))          # pre_pool1 (TP + swish gate)
    out = _tp(h, node_attr, W_pp2)               # pre_pool2
    return out

if __name__ == "__main__":
    import jax
    _d = setup_inputs()
    print(jax.jit(kernel)(*tuple(_d.values())))

</pallas_src>

<mosaic_0001>
#map = affine_map<(d0, d1) -> (0, 0)>
#map1 = affine_map<(d0, d1) -> (0)>
module attributes {stable_mosaic.version = 14 : i64} {
  func.func @gather(%arg0: i32, %arg1: i32, %arg2: memref<10000x128xf32, #tpu.memory_space<hbm>>, %arg3: memref<81920xi32, #tpu.memory_space<hbm>>, %arg4: memref<81920x128xf32, #tpu.memory_space<hbm>>, %arg5: memref<2560xi32, #tpu.memory_space<vmem>>, %arg6: memref<6x128x128xf32, #tpu.memory_space<vmem>>, %arg7: memref<!tpu.dma_semaphore, #tpu.memory_space<semaphore_mem>>, %arg8: memref<!tpu.dma_semaphore, #tpu.memory_space<semaphore_mem>>) attributes {dimension_semantics = [#tpu.dimension_semantics<core_parallel>, #tpu.dimension_semantics<subcore_parallel>], iteration_bounds = array<i64: 2, 16>, scalar_prefetch = 0 : i64, scratch_operands = 4 : i64, tpu.core_type = #tpu.core_type<sc_vector_subcore>, window_params = [{transform_indices = #map}, {transform_indices = #map1}, {transform_indices = #map}]} {
    %mul3A = arith.constant 2 : i32
    %mul3A_0 = arith.muli %arg1, %mul3A : i32
    %add3A = arith.addi %mul3A_0, %arg0 : i32
    %mul3A_1 = arith.constant 2560 : i32
    %mul3A_2 = arith.muli %add3A, %mul3A_1 : i32
    %multiple_of3A = tpu.assume_multiple %mul3A_2, 2560 : i32
    "tpu.region"() ({
      %run_scoped3A = tpu.sem_alloc : memref<!tpu.dma_semaphore, #tpu.memory_space<semaphore_mem>>
      %dma_start3A_87 = tpu.memref_slice %arg3[%multiple_of3A] : memref<81920xi32, #tpu.memory_space<hbm>> -> memref<2560xi32, #tpu.memory_space<hbm>>
      %dma_start3A_88 = tpu.memref_slice %arg3[%multiple_of3A] : memref<81920xi32, #tpu.memory_space<hbm>> -> memref<2560xi32, #tpu.memory_space<hbm>>
      tpu.enqueue_dma source(%dma_start3A_88 : memref<2560xi32, #tpu.memory_space<hbm>>) target(%arg5 : memref<2560xi32, #tpu.memory_space<vmem>>) target_semaphore(%run_scoped3A : memref<!tpu.dma_semaphore, #tpu.memory_space<semaphore_mem>>)
      %dma_wait3A_89 = tpu.memref_slice %arg3[%multiple_of3A] : memref<81920xi32, #tpu.memory_space<hbm>> -> memref<2560xi32, #tpu.memory_space<hbm>>
      %dma_wait3A_90 = tpu.memref_slice %arg3[%multiple_of3A] : memref<81920xi32, #tpu.memory_space<hbm>> -> memref<2560xi32, #tpu.memory_space<hbm>>
      tpu.wait_dma2 semaphore(%run_scoped3A : memref<!tpu.dma_semaphore, #tpu.memory_space<semaphore_mem>>) src(%dma_wait3A_90 : memref<2560xi32, #tpu.memory_space<hbm>>) dst(%arg5 : memref<2560xi32, #tpu.memory_space<vmem>>)
      tpu.yield
    }) : () -> ()
    %rem3A = arith.constant 0 : i32
    %rem3A_3 = arith.constant 6 : i32
    %rem3A_4 = arith.remsi %rem3A, %rem3A_3 : i32
    %multiple_of3A_5 = arith.constant 0 : i32
    %multiple_of3A_6 = tpu.assume_multiple %multiple_of3A_5, 128 : i32
    %dma_start3A = arith.constant 0 : i32
    %dma_start3A_7 = arith.constant 0 : i32
    %dma_start3A_8 = tpu.memref_slice %arg6[%rem3A_4, %dma_start3A, %dma_start3A_7] : memref<6x128x128xf32, #tpu.memory_space<vmem>> -> memref<1x128x128xf32, #tpu.memory_space<vmem>>
    %dma_start3A_9 = tpu.memref_squeeze %dma_start3A_8 : memref<1x128x128xf32, #tpu.memory_space<vmem>> -> memref<128x128xf32, #tpu.memory_space<vmem>>
    %dma_start3A_10 = tpu.memref_slice %arg5[%multiple_of3A_6] : memref<2560xi32, #tpu.memory_space<vmem>> -> memref<128xi32, #tpu.memory_space<vmem>>
    %dma_start3A_11 = arith.constant 0 : i32
    %dma_start3A_12 = arith.constant 0 : i32
    %dma_start3A_13 = tpu.memref_slice %arg2[%dma_start3A_11, %dma_start3A_12] : memref<10000x128xf32, #tpu.memory_space<hbm>> -> memref<10000x128xf32, #tpu.memory_space<hbm>>
    tpu.enqueue_indirect_dma source(%dma_start3A_13 : memref<10000x128xf32, #tpu.memory_space<hbm>>) target(%dma_start3A_9 : memref<128x128xf32, #tpu.memory_space<vmem>>) offsets(%dma_start3A_10 : memref<128xi32, #tpu.memory_space<vmem>>) semaphore(%arg7 : memref<!tpu.dma_semaphore, #tpu.memory_space<semaphore_mem>>)
    %rem3A_14 = arith.constant 1 : i32
    %rem3A_15 = arith.constant 6 : i32
    %rem3A_16 = arith.remsi %rem3A_14, %rem3A_15 : i32
    %multiple_of3A_17 = arith.constant 128 : i32
    %multiple_of3A_18 = tpu.assume_multiple %multiple_of3A_17, 128 : i32
    %dma_start3A_19 = arith.constant 0 : i32
    %dma_start3A_20 = arith.constant 0 : i32
    %dma_start3A_21 = tpu.memref_slice %arg6[%rem3A_16, %dma_start3A_19, %dma_start3A_20] : memref<6x128x128xf32, #tpu.memory_space<vmem>> -> memref<1x128x128xf32, #tpu.memory_space<vmem>>
    %dma_start3A_22 = tpu.memref_squeeze %dma_start3A_21 : memref<1x128x128xf32, #tpu.memory_space<vmem>> -> memref<128x128xf32, #tpu.memory_space<vmem>>
    %dma_start3A_23 = tpu.memref_slice %arg5[%multiple_of3A_18] : memref<2560xi32, #tpu.memory_space<vmem>> -> memref<128xi32, #tpu.memory_space<vmem>>
    %dma_start3A_24 = arith.constant 0 : i32
    %dma_start3A_25 = arith.constant 0 : i32
    %dma_start3A_26 = tpu.memref_slice %arg2[%dma_start3A_24, %dma_start3A_25] : memref<10000x128xf32, #tpu.memory_space<hbm>> -> memref<10000x128xf32, #tpu.memory_space<hbm>>
    tpu.enqueue_indirect_dma source(%dma_start3A_26 : memref<10000x128xf32, #tpu.memory_space<hbm>>) target(%dma_start3A_22 : memref<128x128xf32, #tpu.memory_space<vmem>>) offsets(%dma_start3A_23 : memref<128xi32, #tpu.memory_space<vmem>>) semaphore(%arg7 : memref<!tpu.dma_semaphore, #tpu.memory_space<semaphore_mem>>)
    %rem3A_27 = arith.constant 2 : i32
    %rem3A_28 = arith.constant 6 : i32
    %rem3A_29 = arith.remsi %rem3A_27, %rem3A_28 : i32
    %multiple_of3A_30 = arith.constant 256 : i32
    %multiple_of3A_31 = tpu.assume_multiple %multiple_of3A_30, 128 : i32
    %dma_start3A_32 = arith.constant 0 : i32
    %dma_start3A_33 = arith.constant 0 : i32
    %dma_start3A_34 = tpu.memref_slice %arg6[%rem3A_29, %dma_start3A_32, %dma_start3A_33] : memref<6x128x128xf32, #tpu.memory_space<vmem>> -> memref<1x128x128xf32, #tpu.memory_space<vmem>>
    %dma_start3A_35 = tpu.memref_squeeze %dma_start3A_34 : memref<1x128x128xf32, #tpu.memory_space<vmem>> -> memref<128x128xf32, #tpu.memory_space<vmem>>
    %dma_start3A_36 = tpu.memref_slice %arg5[%multiple_of3A_31] : memref<2560xi32, #tpu.memory_space<vmem>> -> memref<128xi32, #tpu.memory_space<vmem>>
    %dma_start3A_37 = arith.constant 0 : i32
    %dma_start3A_38 = arith.constant 0 : i32
    %dma_start3A_39 = tpu.memref_slice %arg2[%dma_start3A_37, %dma_start3A_38] : memref<10000x128xf32, #tpu.memory_space<hbm>> -> memref<10000x128xf32, #tpu.memory_space<hbm>>
    tpu.enqueue_indirect_dma source(%dma_start3A_39 : memref<10000x128xf32, #tpu.memory_space<hbm>>) target(%dma_start3A_35 : memref<128x128xf32, #tpu.memory_space<vmem>>) offsets(%dma_start3A_36 : memref<128xi32, #tpu.memory_space<vmem>>) semaphore(%arg7 : memref<!tpu.dma_semaphore, #tpu.memory_space<semaphore_mem>>)
    %rem3A_40 = arith.constant 3 : i32
    %rem3A_41 = arith.constant 6 : i32
    %rem3A_42 = arith.remsi %rem3A_40, %rem3A_41 : i32
    %multiple_of3A_43 = arith.constant 384 : i32
    %multiple_of3A_44 = tpu.assume_multiple %multiple_of3A_43, 128 : i32
    %dma_start3A_45 = arith.constant 0 : i32
    %dma_start3A_46 = arith.constant 0 : i32
    %dma_start3A_47 = tpu.memref_slice %arg6[%rem3A_42, %dma_start3A_45, %dma_start3A_46] : memref<6x128x128xf32, #tpu.memory_space<vmem>> -> memref<1x128x128xf32, #tpu.memory_space<vmem>>
    %dma_start3A_48 = tpu.memref_squeeze %dma_start3A_47 : memref<1x128x128xf32, #tpu.memory_space<vmem>> -> memref<128x128xf32, #tpu.memory_space<vmem>>
    %dma_start3A_49 = tpu.memref_slice %arg5[%multiple_of3A_44] : memref<2560xi32, #tpu.memory_space<vmem>> -> memref<128xi32, #tpu.memory_space<vmem>>
    %dma_start3A_50 = arith.constant 0 : i32
    %dma_start3A_51 = arith.constant 0 : i32
    %dma_start3A_52 = tpu.memref_slice %arg2[%dma_start3A_50, %dma_start3A_51] : memref<10000x128xf32, #tpu.memory_space<hbm>> -> memref<10000x128xf32, #tpu.memory_space<hbm>>
    tpu.enqueue_indirect_dma source(%dma_start3A_52 : memref<10000x128xf32, #tpu.memory_space<hbm>>) target(%dma_start3A_48 : memref<128x128xf32, #tpu.memory_space<vmem>>) offsets(%dma_start3A_49 : memref<128xi32, #tpu.memory_space<vmem>>) semaphore(%arg7 : memref<!tpu.dma_semaphore, #tpu.memory_space<semaphore_mem>>)
    %scan3A = arith.constant 0 : i32
    %scan3A_53 = arith.constant 0 : i32
    %scan3A_54 = arith.constant 20 : i32
    %scan3A_55 = arith.addi %scan3A_53, %scan3A_54 : i32
    %scan3A_56 = arith.constant 1 : i32
    scf.for %scan3A_87 = %scan3A_53 to %scan3A_55 step %scan3A_56  : i32 {
      %ge3A = arith.constant 2 : i32
      %ge3A_88 = arith.cmpi sge, %scan3A_87, %ge3A : i32
      %convert_element_type3A = arith.extui %ge3A_88 : i1 to i32
      %cond3A = arith.constant 0 : i32
      %cond3A_89 = arith.cmpi ne, %convert_element_type3A, %cond3A : i32
      scf.if %cond3A_89 {
        %dma_wait3A_129 = arith.constant 0 : i32
        %dma_wait3A_130 = arith.constant 0 : i32
        %dma_wait3A_131 = arith.constant 0 : i32
        %dma_wait3A_132 = tpu.memref_slice %arg6[%dma_wait3A_129, %dma_wait3A_130, %dma_wait3A_131] : memref<6x128x128xf32, #tpu.memory_space<vmem>> -> memref<1x128x128xf32, #tpu.memory_space<vmem>>
        %dma_wait3A_133 = tpu.memref_squeeze %dma_wait3A_132 : memref<1x128x128xf32, #tpu.memory_space<vmem>> -> memref<128x128xf32, #tpu.memory_space<vmem>>
        %dma_wait3A_134 = arith.constant 0 : i32
        %dma_wait3A_135 = arith.constant 0 : i32
        %dma_wait3A_136 = tpu.memref_slice %arg4[%dma_wait3A_134, %dma_wait3A_135] : memref<81920x128xf32, #tpu.memory_space<hbm>> -> memref<128x128xf32, #tpu.memory_space<hbm>>
        %dma_wait3A_137 = arith.constant 0 : i32
        %dma_wait3A_138 = arith.constant 0 : i32
        %dma_wait3A_139 = tpu.memref_slice %arg6[%dma_wait3A_129, %dma_wait3A_137, %dma_wait3A_138] : memref<6x128x128xf32, #tpu.memory_space<vmem>> -> memref<1x128x128xf32, #tpu.memory_space<vmem>>
        %dma_wait3A_140 = tpu.memref_squeeze %dma_wait3A_139 : memref<1x128x128xf32, #tpu.memory_space<vmem>> -> memref<128x128xf32, #tpu.memory_space<vmem>>
        %dma_wait3A_141 = arith.constant 0 : i32
        %dma_wait3A_142 = arith.constant 0 : i32
        %dma_wait3A_143 = tpu.memref_slice %arg4[%dma_wait3A_141, %dma_wait3A_142] : memref<81920x128xf32, #tpu.memory_space<hbm>> -> memref<128x128xf32, #tpu.memory_space<hbm>>
        tpu.wait_dma2 semaphore(%arg8 : memref<!tpu.dma_semaphore, #tpu.memory_space<semaphore_mem>>) src(%dma_wait3A_143 : memref<128x128xf32, #tpu.memory_space<hbm>>) dst(%dma_wait3A_140 : memref<128x128xf32, #tpu.memory_space<vmem>>)
      } else {
      }
      %add3A_90 = arith.constant 4 : i32
      %add3A_91 = arith.addi %scan3A_87, %add3A_90 : i32
      %lt3A = arith.constant 20 : i32
      %lt3A_92 = arith.cmpi slt, %add3A_91, %lt3A : i32
      %convert_element_type3A_93 = arith.extui %lt3A_92 : i1 to i32
      %cond3A_94 = arith.constant 0 : i32
      %cond3A_95 = arith.cmpi ne, %convert_element_type3A_93, %cond3A_94 : i32
      scf.if %cond3A_95 {
        %add3A_129 = arith.constant 4 : i32
        %add3A_130 = arith.addi %scan3A_87, %add3A_129 : i32
        %rem3A_131 = arith.constant 6 : i32
        %rem3A_132 = arith.remsi %add3A_130, %rem3A_131 : i32
        %mul3A_133 = arith.constant 128 : i32
        %mul3A_134 = arith.muli %add3A_130, %mul3A_133 : i32
        %multiple_of3A_135 = tpu.assume_multiple %mul3A_134, 128 : i32
        %dma_start3A_136 = arith.constant 0 : i32
        %dma_start3A_137 = arith.constant 0 : i32
        %dma_start3A_138 = tpu.memref_slice %arg6[%rem3A_132, %dma_start3A_136, %dma_start3A_137] : memref<6x128x128xf32, #tpu.memory_space<vmem>> -> memref<1x128x128xf32, #tpu.memory_space<vmem>>
        %dma_start3A_139 = tpu.memref_squeeze %dma_start3A_138 : memref<1x128x128xf32, #tpu.memory_space<vmem>> -> memref<128x128xf32, #tpu.memory_space<vmem>>
        %dma_start3A_140 = tpu.memref_slice %arg5[%multiple_of3A_135] : memref<2560xi32, #tpu.memory_space<vmem>> -> memref<128xi32, #tpu.memory_space<vmem>>
        %dma_start3A_141 = arith.constant 0 : i32
        %dma_start3A_142 = arith.constant 0 : i32
        %dma_start3A_143 = tpu.memref_slice %arg2[%dma_start3A_141, %dma_start3A_142] : memref<10000x128xf32, #tpu.memory_space<hbm>> -> memref<10000x128xf32, #tpu.memory_space<hbm>>
        tpu.enqueue_indirect_dma source(%dma_start3A_143 : memref<10000x128xf32, #tpu.memory_space<hbm>>) target(%dma_start3A_139 : memref<128x128xf32, #tpu.memory_space<vmem>>) offsets(%dma_start3A_140 : memref<128xi32, #tpu.memory_space<vmem>>) semaphore(%arg7 : memref<!tpu.dma_semaphore, #tpu.memory_space<semaphore_mem>>)
      } else {
      }
      %dma_wait3A_96 = arith.constant 0 : i32
      %dma_wait3A_97 = arith.constant 0 : i32
      %dma_wait3A_98 = arith.constant 0 : i32
      %dma_wait3A_99 = tpu.memref_slice %arg6[%dma_wait3A_96, %dma_wait3A_97, %dma_wait3A_98] : memref<6x128x128xf32, #tpu.memory_space<vmem>> -> memref<1x128x128xf32, #tpu.memory_space<vmem>>
      %dma_wait3A_100 = tpu.memref_squeeze %dma_wait3A_99 : memref<1x128x128xf32, #tpu.memory_space<vmem>> -> memref<128x128xf32, #tpu.memory_space<vmem>>
      %dma_wait3A_101 = arith.constant 0 : i32
      %dma_wait3A_102 = arith.constant 0 : i32
      %dma_wait3A_103 = tpu.memref_slice %arg4[%dma_wait3A_101, %dma_wait3A_102] : memref<81920x128xf32, #tpu.memory_space<hbm>> -> memref<128x128xf32, #tpu.memory_space<hbm>>
      %dma_wait3A_104 = arith.constant 0 : i32
      %dma_wait3A_105 = arith.constant 0 : i32
      %dma_wait3A_106 = tpu.memref_slice %arg6[%dma_wait3A_96, %dma_wait3A_104, %dma_wait3A_105] : memref<6x128x128xf32, #tpu.memory_space<vmem>> -> memref<1x128x128xf32, #tpu.memory_space<vmem>>
      %dma_wait3A_107 = tpu.memref_squeeze %dma_wait3A_106 : memref<1x128x128xf32, #tpu.memory_space<vmem>> -> memref<128x128xf32, #tpu.memory_space<vmem>>
      %dma_wait3A_108 = arith.constant 0 : i32
      %dma_wait3A_109 = arith.constant 0 : i32
      %dma_wait3A_110 = tpu.memref_slice %arg4[%dma_wait3A_108, %dma_wait3A_109] : memref<81920x128xf32, #tpu.memory_space<hbm>> -> memref<128x128xf32, #tpu.memory_space<hbm>>
      tpu.wait_dma2 semaphore(%arg7 : memref<!tpu.dma_semaphore, #tpu.memory_space<semaphore_mem>>) src(%dma_wait3A_110 : memref<128x128xf32, #tpu.memory_space<hbm>>) dst(%dma_wait3A_107 : memref<128x128xf32, #tpu.memory_space<vmem>>)
      %rem3A_111 = arith.constant 6 : i32
      %rem3A_112 = arith.remsi %scan3A_87, %rem3A_111 : i32
      %mul3A_113 = arith.constant 128 : i32
      %mul3A_114 = arith.muli %scan3A_87, %mul3A_113 : i32
      %add3A_115 = arith.addi %multiple_of3A, %mul3A_114 : i32
      %multiple_of3A_116 = tpu.assume_multiple %add3A_115, 128 : i32
      %dma_start3A_117 = arith.constant 0 : i32
      %dma_start3A_118 = arith.constant 0 : i32
      %dma_start3A_119 = tpu.memref_slice %arg6[%rem3A_112, %dma_start3A_117, %dma_start3A_118] : memref<6x128x128xf32, #tpu.memory_space<vmem>> -> memref<1x128x128xf32, #tpu.memory_space<vmem>>
      %dma_start3A_120 = tpu.memref_squeeze %dma_start3A_119 : memref<1x128x128xf32, #tpu.memory_space<vmem>> -> memref<128x128xf32, #tpu.memory_space<vmem>>
      %dma_start3A_121 = arith.constant 0 : i32
      %dma_start3A_122 = tpu.memref_slice %arg4[%multiple_of3A_116, %dma_start3A_121] : memref<81920x128xf32, #tpu.memory_space<hbm>> -> memref<128x128xf32, #tpu.memory_space<hbm>>
      %dma_start3A_123 = arith.constant 0 : i32
      %dma_start3A_124 = tpu.memref_slice %arg4[%multiple_of3A_116, %dma_start3A_123] : memref<81920x128xf32, #tpu.memory_space<hbm>> -> memref<128x128xf32, #tpu.memory_space<hbm>>
      %dma_start3A_125 = arith.constant 0 : i32
      %dma_start3A_126 = arith.constant 0 : i32
      %dma_start3A_127 = tpu.memref_slice %arg6[%rem3A_112, %dma_start3A_125, %dma_start3A_126] : memref<6x128x128xf32, #tpu.memory_space<vmem>> -> memref<1x128x128xf32, #tpu.memory_space<vmem>>
      %dma_start3A_128 = tpu.memref_squeeze %dma_start3A_127 : memref<1x128x128xf32, #tpu.memory_space<vmem>> -> memref<128x128xf32, #tpu.memory_space<vmem>>
      tpu.enqueue_dma source(%dma_start3A_128 : memref<128x128xf32, #tpu.memory_space<vmem>>) target(%dma_start3A_124 : memref<128x128xf32, #tpu.memory_space<hbm>>) target_semaphore(%arg8 : memref<!tpu.dma_semaphore, #tpu.memory_space<semaphore_mem>>)
    }
    %scan3A_57 = arith.constant 20 : i32
    %dma_wait3A = arith.constant 0 : i32
    %dma_wait3A_58 = arith.constant 0 : i32
    %dma_wait3A_59 = arith.constant 0 : i32
    %dma_wait3A_60 = tpu.memref_slice %arg6[%dma_wait3A, %dma_wait3A_58, %dma_wait3A_59] : memref<6x128x128xf32, #tpu.memory_space<vmem>> -> memref<1x128x128xf32, #tpu.memory_space<vmem>>
    %dma_wait3A_61 = tpu.memref_squeeze %dma_wait3A_60 : memref<1x128x128xf32, #tpu.memory_space<vmem>> -> memref<128x128xf32, #tpu.memory_space<vmem>>
    %dma_wait3A_62 = arith.constant 0 : i32
    %dma_wait3A_63 = arith.constant 0 : i32
    %dma_wait3A_64 = tpu.memref_slice %arg4[%dma_wait3A_62, %dma_wait3A_63] : memref<81920x128xf32, #tpu.memory_space<hbm>> -> memref<128x128xf32, #tpu.memory_space<hbm>>
    %dma_wait3A_65 = arith.constant 0 : i32
    %dma_wait3A_66 = arith.constant 0 : i32
    %dma_wait3A_67 = tpu.memref_slice %arg6[%dma_wait3A, %dma_wait3A_65, %dma_wait3A_66] : memref<6x128x128xf32, #tpu.memory_space<vmem>> -> memref<1x128x128xf32, #tpu.memory_space<vmem>>
    %dma_wait3A_68 = tpu.memref_squeeze %dma_wait3A_67 : memref<1x128x128xf32, #tpu.memory_space<vmem>> -> memref<128x128xf32, #tpu.memory_space<vmem>>
    %dma_wait3A_69 = arith.constant 0 : i32
    %dma_wait3A_70 = arith.constant 0 : i32
    %dma_wait3A_71 = tpu.memref_slice %arg4[%dma_wait3A_69, %dma_wait3A_70] : memref<81920x128xf32, #tpu.memory_space<hbm>> -> memref<128x128xf32, #tpu.memory_space<hbm>>
    tpu.wait_dma2 semaphore(%arg8 : memref<!tpu.dma_semaphore, #tpu.memory_space<semaphore_mem>>) src(%dma_wait3A_71 : memref<128x128xf32, #tpu.memory_space<hbm>>) dst(%dma_wait3A_68 : memref<128x128xf32, #tpu.memory_space<vmem>>)
    %dma_wait3A_72 = arith.constant 0 : i32
    %dma_wait3A_73 = arith.constant 0 : i32
    %dma_wait3A_74 = arith.constant 0 : i32
    %dma_wait3A_75 = tpu.memref_slice %arg6[%dma_wait3A_72, %dma_wait3A_73, %dma_wait3A_74] : memref<6x128x128xf32, #tpu.memory_space<vmem>> -> memref<1x128x128xf32, #tpu.memory_space<vmem>>
    %dma_wait3A_76 = tpu.memref_squeeze %dma_wait3A_75 : memref<1x128x128xf32, #tpu.memory_space<vmem>> -> memref<128x128xf32, #tpu.memory_space<vmem>>
    %dma_wait3A_77 = arith.constant 0 : i32
    %dma_wait3A_78 = arith.constant 0 : i32
    %dma_wait3A_79 = tpu.memref_slice %arg4[%dma_wait3A_77, %dma_wait3A_78] : memref<81920x128xf32, #tpu.memory_space<hbm>> -> memref<128x128xf32, #tpu.memory_space<hbm>>
    %dma_wait3A_80 = arith.constant 0 : i32
    %dma_wait3A_81 = arith.constant 0 : i32
    %dma_wait3A_82 = tpu.memref_slice %arg6[%dma_wait3A_72, %dma_wait3A_80, %dma_wait3A_81] : memref<6x128x128xf32, #tpu.memory_space<vmem>> -> memref<1x128x128xf32, #tpu.memory_space<vmem>>
    %dma_wait3A_83 = tpu.memref_squeeze %dma_wait3A_82 : memref<1x128x128xf32, #tpu.memory_space<vmem>> -> memref<128x128xf32, #tpu.memory_space<vmem>>
    %dma_wait3A_84 = arith.constant 0 : i32
    %dma_wait3A_85 = arith.constant 0 : i32
    %dma_wait3A_86 = tpu.memref_slice %arg4[%dma_wait3A_84, %dma_wait3A_85] : memref<81920x128xf32, #tpu.memory_space<hbm>> -> memref<128x128xf32, #tpu.memory_space<hbm>>
    tpu.wait_dma2 semaphore(%arg8 : memref<!tpu.dma_semaphore, #tpu.memory_space<semaphore_mem>>) src(%dma_wait3A_86 : memref<128x128xf32, #tpu.memory_space<hbm>>) dst(%dma_wait3A_83 : memref<128x128xf32, #tpu.memory_space<vmem>>)
    return
  }
}

#map = affine_map<(d0, d1) -> (0, 0)>
module attributes {stable_mosaic.version = 14 : i64} {
  func.func @scatter(%arg0: i32, %arg1: i32, %arg2: memref<81920x128xf32, #tpu.memory_space<hbm>>, %arg3: memref<640x128xi32, #tpu.memory_space<hbm>>, %arg4: memref<640x128xf32, #tpu.memory_space<hbm>>, %arg5: memref<20000x128xf32, #tpu.memory_space<hbm>>, %arg6: memref<24x128xi32, #tpu.memory_space<vmem>>, %arg7: memref<2x128x128xf32, #tpu.memory_space<vmem>>, %arg8: memref<10000x128xf32, #tpu.memory_space<vmem_shared>>, %arg9: memref<!tpu.dma_semaphore, #tpu.memory_space<semaphore_mem>>, %arg10: memref<!tpu.dma_semaphore, #tpu.memory_space<semaphore_mem>>) attributes {dimension_semantics = [#tpu.dimension_semantics<core_parallel>, #tpu.dimension_semantics<subcore_parallel>], iteration_bounds = array<i64: 2, 16>, scalar_prefetch = 0 : i64, scratch_operands = 5 : i64, tpu.core_type = #tpu.core_type<sc_vector_subcore>, window_params = [{transform_indices = #map}, {transform_indices = #map}, {transform_indices = #map}, {transform_indices = #map}]} {
    %mul3A = arith.constant 2 : i32
    %mul3A_0 = arith.muli %arg1, %mul3A : i32
    %add3A = arith.addi %mul3A_0, %arg0 : i32
    %mul3A_1 = arith.constant 2560 : i32
    %mul3A_2 = arith.muli %add3A, %mul3A_1 : i32
    %multiple_of3A = tpu.assume_multiple %mul3A_2, 2560 : i32
    %mul3A_3 = arith.constant 624 : i32
    %mul3A_4 = arith.muli %arg1, %mul3A_3 : i32
    "tpu.region"() ({
      %run_scoped3A = tpu.sem_alloc : memref<!tpu.dma_semaphore, #tpu.memory_space<semaphore_mem>>
      %dma_start3A_49 = arith.constant 0 : i32
      %dma_start3A_50 = tpu.memref_slice %arg8[%mul3A_4, %dma_start3A_49] : memref<10000x128xf32, #tpu.memory_space<vmem_shared>> -> memref<640x128xf32, #tpu.memory_space<vmem_shared>>
      tpu.enqueue_dma source(%arg4 : memref<640x128xf32, #tpu.memory_space<hbm>>) target(%dma_start3A_50 : memref<640x128xf32, #tpu.memory_space<vmem_shared>>) target_semaphore(%run_scoped3A : memref<!tpu.dma_semaphore, #tpu.memory_space<semaphore_mem>>)
      %dma_wait3A_51 = arith.constant 0 : i32
      %dma_wait3A_52 = tpu.memref_slice %arg8[%mul3A_4, %dma_wait3A_51] : memref<10000x128xf32, #tpu.memory_space<vmem_shared>> -> memref<640x128xf32, #tpu.memory_space<vmem_shared>>
      tpu.wait_dma2 semaphore(%run_scoped3A : memref<!tpu.dma_semaphore, #tpu.memory_space<semaphore_mem>>) src(%arg4 : memref<640x128xf32, #tpu.memory_space<hbm>>) dst(%dma_wait3A_52 : memref<640x128xf32, #tpu.memory_space<vmem_shared>>)
      tpu.yield
    }) : () -> ()
    %mul3A_5 = arith.constant 20 : i32
    %mul3A_6 = arith.muli %add3A, %mul3A_5 : i32
    %rem3A = arith.constant 8 : i32
    %rem3A_7 = arith.remsi %mul3A_6, %rem3A : i32
    %sub3A = arith.subi %mul3A_6, %rem3A_7 : i32
    %multiple_of3A_8 = tpu.assume_multiple %sub3A, 8 : i32
    "tpu.region"() ({
      %run_scoped3A = tpu.sem_alloc : memref<!tpu.dma_semaphore, #tpu.memory_space<semaphore_mem>>
      %dma_start3A_49 = arith.constant 0 : i32
      %dma_start3A_50 = tpu.memref_slice %arg3[%multiple_of3A_8, %dma_start3A_49] : memref<640x128xi32, #tpu.memory_space<hbm>> -> memref<24x128xi32, #tpu.memory_space<hbm>>
      %dma_start3A_51 = arith.constant 0 : i32
      %dma_start3A_52 = tpu.memref_slice %arg3[%multiple_of3A_8, %dma_start3A_51] : memref<640x128xi32, #tpu.memory_space<hbm>> -> memref<24x128xi32, #tpu.memory_space<hbm>>
      tpu.enqueue_dma source(%dma_start3A_52 : memref<24x128xi32, #tpu.memory_space<hbm>>) target(%arg6 : memref<24x128xi32, #tpu.memory_space<vmem>>) target_semaphore(%run_scoped3A : memref<!tpu.dma_semaphore, #tpu.memory_space<semaphore_mem>>)
      %dma_wait3A_53 = arith.constant 0 : i32
      %dma_wait3A_54 = tpu.memref_slice %arg3[%multiple_of3A_8, %dma_wait3A_53] : memref<640x128xi32, #tpu.memory_space<hbm>> -> memref<24x128xi32, #tpu.memory_space<hbm>>
      %dma_wait3A_55 = arith.constant 0 : i32
      %dma_wait3A_56 = tpu.memref_slice %arg3[%multiple_of3A_8, %dma_wait3A_55] : memref<640x128xi32, #tpu.memory_space<hbm>> -> memref<24x128xi32, #tpu.memory_space<hbm>>
      tpu.wait_dma2 semaphore(%run_scoped3A : memref<!tpu.dma_semaphore, #tpu.memory_space<semaphore_mem>>) src(%dma_wait3A_56 : memref<24x128xi32, #tpu.memory_space<hbm>>) dst(%arg6 : memref<24x128xi32, #tpu.memory_space<vmem>>)
      tpu.yield
    }) : () -> ()
    %barrier3A = arith.constant 0 : index
    tpu.barrier barrier_id(%barrier3A)
    %rem3A_9 = arith.constant 0 : i32
    %rem3A_10 = arith.constant 2 : i32
    %rem3A_11 = arith.remsi %rem3A_9, %rem3A_10 : i32
    %add3A_12 = arith.constant 0 : i32
    %add3A_13 = arith.addi %multiple_of3A, %add3A_12 : i32
    %multiple_of3A_14 = tpu.assume_multiple %add3A_13, 128 : i32
    %dma_start3A = arith.constant 0 : i32
    %dma_start3A_15 = arith.constant 0 : i32
    %dma_start3A_16 = tpu.memref_slice %arg7[%rem3A_11, %dma_start3A, %dma_start3A_15] : memref<2x128x128xf32, #tpu.memory_space<vmem>> -> memref<1x128x128xf32, #tpu.memory_space<vmem>>
    %dma_start3A_17 = tpu.memref_squeeze %dma_start3A_16 : memref<1x128x128xf32, #tpu.memory_space<vmem>> -> memref<128x128xf32, #tpu.memory_space<vmem>>
    %dma_start3A_18 = arith.constant 0 : i32
    %dma_start3A_19 = tpu.memref_slice %arg2[%multiple_of3A_14, %dma_start3A_18] : memref<81920x128xf32, #tpu.memory_space<hbm>> -> memref<128x128xf32, #tpu.memory_space<hbm>>
    %dma_start3A_20 = arith.constant 0 : i32
    %dma_start3A_21 = arith.constant 0 : i32
    %dma_start3A_22 = tpu.memref_slice %arg7[%rem3A_11, %dma_start3A_20, %dma_start3A_21] : memref<2x128x128xf32, #tpu.memory_space<vmem>> -> memref<1x128x128xf32, #tpu.memory_space<vmem>>
    %dma_start3A_23 = tpu.memref_squeeze %dma_start3A_22 : memref<1x128x128xf32, #tpu.memory_space<vmem>> -> memref<128x128xf32, #tpu.memory_space<vmem>>
    %dma_start3A_24 = arith.constant 0 : i32
    %dma_start3A_25 = tpu.memref_slice %arg2[%multiple_of3A_14, %dma_start3A_24] : memref<81920x128xf32, #tpu.memory_space<hbm>> -> memref<128x128xf32, #tpu.memory_space<hbm>>
    tpu.enqueue_dma source(%dma_start3A_25 : memref<128x128xf32, #tpu.memory_space<hbm>>) target(%dma_start3A_23 : memref<128x128xf32, #tpu.memory_space<vmem>>) target_semaphore(%arg9 : memref<!tpu.dma_semaphore, #tpu.memory_space<semaphore_mem>>)
    %scan3A = arith.constant 0 : i32
    %scan3A_26 = arith.constant 0 : i32
    %scan3A_27 = arith.constant 20 : i32
    %scan3A_28 = arith.addi %scan3A_26, %scan3A_27 : i32
    %scan3A_29 = arith.constant 1 : i32
    scf.for %scan3A_49 = %scan3A_26 to %scan3A_28 step %scan3A_29  : i32 {
      %ge3A = arith.constant 1 : i32
      %ge3A_50 = arith.cmpi sge, %scan3A_49, %ge3A : i32
      %convert_element_type3A = arith.extui %ge3A_50 : i1 to i32
      %cond3A = arith.constant 0 : i32
      %cond3A_51 = arith.cmpi ne, %convert_element_type3A, %cond3A : i32
      scf.if %cond3A_51 {
        %dma_wait3A_86 = arith.constant 0 : i32
        %dma_wait3A_87 = arith.constant 0 : i32
        %dma_wait3A_88 = arith.constant 0 : i32
        %dma_wait3A_89 = tpu.memref_slice %arg7[%dma_wait3A_86, %dma_wait3A_87, %dma_wait3A_88] : memref<2x128x128xf32, #tpu.memory_space<vmem>> -> memref<1x128x128xf32, #tpu.memory_space<vmem>>
        %dma_wait3A_90 = tpu.memref_squeeze %dma_wait3A_89 : memref<1x128x128xf32, #tpu.memory_space<vmem>> -> memref<128x128xf32, #tpu.memory_space<vmem>>
        %dma_wait3A_91 = arith.constant 0 : i32
        %dma_wait3A_92 = arith.constant 0 : i32
        %dma_wait3A_93 = tpu.memref_slice %arg2[%dma_wait3A_91, %dma_wait3A_92] : memref<81920x128xf32, #tpu.memory_space<hbm>> -> memref<128x128xf32, #tpu.memory_space<hbm>>
        %dma_wait3A_94 = arith.constant 0 : i32
        %dma_wait3A_95 = arith.constant 0 : i32
        %dma_wait3A_96 = tpu.memref_slice %arg7[%dma_wait3A_86, %dma_wait3A_94, %dma_wait3A_95] : memref<2x128x128xf32, #tpu.memory_space<vmem>> -> memref<1x128x128xf32, #tpu.memory_space<vmem>>
        %dma_wait3A_97 = tpu.memref_squeeze %dma_wait3A_96 : memref<1x128x128xf32, #tpu.memory_space<vmem>> -> memref<128x128xf32, #tpu.memory_space<vmem>>
        %dma_wait3A_98 = arith.constant 0 : i32
        %dma_wait3A_99 = arith.constant 0 : i32
        %dma_wait3A_100 = tpu.memref_slice %arg2[%dma_wait3A_98, %dma_wait3A_99] : memref<81920x128xf32, #tpu.memory_space<hbm>> -> memref<128x128xf32, #tpu.memory_space<hbm>>
        tpu.wait_dma2 semaphore(%arg10 : memref<!tpu.dma_semaphore, #tpu.memory_space<semaphore_mem>>) src(%dma_wait3A_100 : memref<128x128xf32, #tpu.memory_space<hbm>>) dst(%dma_wait3A_97 : memref<128x128xf32, #tpu.memory_space<vmem>>)
      } else {
      }
      %add3A_52 = arith.constant 1 : i32
      %add3A_53 = arith.addi %scan3A_49, %add3A_52 : i32
      %lt3A = arith.constant 20 : i32
      %lt3A_54 = arith.cmpi slt, %add3A_53, %lt3A : i32
      %convert_element_type3A_55 = arith.extui %lt3A_54 : i1 to i32
      %cond3A_56 = arith.constant 0 : i32
      %cond3A_57 = arith.cmpi ne, %convert_element_type3A_55, %cond3A_56 : i32
      scf.if %cond3A_57 {
        %add3A_86 = arith.constant 1 : i32
        %add3A_87 = arith.addi %scan3A_49, %add3A_86 : i32
        %rem3A_88 = arith.constant 2 : i32
        %rem3A_89 = arith.remsi %add3A_87, %rem3A_88 : i32
        %mul3A_90 = arith.constant 128 : i32
        %mul3A_91 = arith.muli %add3A_87, %mul3A_90 : i32
        %add3A_92 = arith.addi %multiple_of3A, %mul3A_91 : i32
        %multiple_of3A_93 = tpu.assume_multiple %add3A_92, 128 : i32
        %dma_start3A_94 = arith.constant 0 : i32
        %dma_start3A_95 = arith.constant 0 : i32
        %dma_start3A_96 = tpu.memref_slice %arg7[%rem3A_89, %dma_start3A_94, %dma_start3A_95] : memref<2x128x128xf32, #tpu.memory_space<vmem>> -> memref<1x128x128xf32, #tpu.memory_space<vmem>>
        %dma_start3A_97 = tpu.memref_squeeze %dma_start3A_96 : memref<1x128x128xf32, #tpu.memory_space<vmem>> -> memref<128x128xf32, #tpu.memory_space<vmem>>
        %dma_start3A_98 = arith.constant 0 : i32
        %dma_start3A_99 = tpu.memref_slice %arg2[%multiple_of3A_93, %dma_start3A_98] : memref<81920x128xf32, #tpu.memory_space<hbm>> -> memref<128x128xf32, #tpu.memory_space<hbm>>
        %dma_start3A_100 = arith.constant 0 : i32
        %dma_start3A_101 = arith.constant 0 : i32
        %dma_start3A_102 = tpu.memref_slice %arg7[%rem3A_89, %dma_start3A_100, %dma_start3A_101] : memref<2x128x128xf32, #tpu.memory_space<vmem>> -> memref<1x128x128xf32, #tpu.memory_space<vmem>>
        %dma_start3A_103 = tpu.memref_squeeze %dma_start3A_102 : memref<1x128x128xf32, #tpu.memory_space<vmem>> -> memref<128x128xf32, #tpu.memory_space<vmem>>
        %dma_start3A_104 = arith.constant 0 : i32
        %dma_start3A_105 = tpu.memref_slice %arg2[%multiple_of3A_93, %dma_start3A_104] : memref<81920x128xf32, #tpu.memory_space<hbm>> -> memref<128x128xf32, #tpu.memory_space<hbm>>
        tpu.enqueue_dma source(%dma_start3A_105 : memref<128x128xf32, #tpu.memory_space<hbm>>) target(%dma_start3A_103 : memref<128x128xf32, #tpu.memory_space<vmem>>) target_semaphore(%arg9 : memref<!tpu.dma_semaphore, #tpu.memory_space<semaphore_mem>>)
      } else {
      }
      %dma_wait3A_58 = arith.constant 0 : i32
      %dma_wait3A_59 = arith.constant 0 : i32
      %dma_wait3A_60 = arith.constant 0 : i32
      %dma_wait3A_61 = tpu.memref_slice %arg7[%dma_wait3A_58, %dma_wait3A_59, %dma_wait3A_60] : memref<2x128x128xf32, #tpu.memory_space<vmem>> -> memref<1x128x128xf32, #tpu.memory_space<vmem>>
      %dma_wait3A_62 = tpu.memref_squeeze %dma_wait3A_61 : memref<1x128x128xf32, #tpu.memory_space<vmem>> -> memref<128x128xf32, #tpu.memory_space<vmem>>
      %dma_wait3A_63 = arith.constant 0 : i32
      %dma_wait3A_64 = arith.constant 0 : i32
      %dma_wait3A_65 = tpu.memref_slice %arg2[%dma_wait3A_63, %dma_wait3A_64] : memref<81920x128xf32, #tpu.memory_space<hbm>> -> memref<128x128xf32, #tpu.memory_space<hbm>>
      %dma_wait3A_66 = arith.constant 0 : i32
      %dma_wait3A_67 = arith.constant 0 : i32
      %dma_wait3A_68 = tpu.memref_slice %arg7[%dma_wait3A_58, %dma_wait3A_66, %dma_wait3A_67] : memref<2x128x128xf32, #tpu.memory_space<vmem>> -> memref<1x128x128xf32, #tpu.memory_space<vmem>>
      %dma_wait3A_69 = tpu.memref_squeeze %dma_wait3A_68 : memref<1x128x128xf32, #tpu.memory_space<vmem>> -> memref<128x128xf32, #tpu.memory_space<vmem>>
      %dma_wait3A_70 = arith.constant 0 : i32
      %dma_wait3A_71 = arith.constant 0 : i32
      %dma_wait3A_72 = tpu.memref_slice %arg2[%dma_wait3A_70, %dma_wait3A_71] : memref<81920x128xf32, #tpu.memory_space<hbm>> -> memref<128x128xf32, #tpu.memory_space<hbm>>
      tpu.wait_dma2 semaphore(%arg9 : memref<!tpu.dma_semaphore, #tpu.memory_space<semaphore_mem>>) src(%dma_wait3A_72 : memref<128x128xf32, #tpu.memory_space<hbm>>) dst(%dma_wait3A_69 : memref<128x128xf32, #tpu.memory_space<vmem>>)
      %rem3A_73 = arith.constant 2 : i32
      %rem3A_74 = arith.remsi %scan3A_49, %rem3A_73 : i32
      %add3A_75 = arith.addi %scan3A_49, %rem3A_7 : i32
      %dma_start3A_76 = arith.constant 0 : i32
      %dma_start3A_77 = arith.constant 0 : i32
      %dma_start3A_78 = tpu.memref_slice %arg7[%rem3A_74, %dma_start3A_76, %dma_start3A_77] : memref<2x128x128xf32, #tpu.memory_space<vmem>> -> memref<1x128x128xf32, #tpu.memory_space<vmem>>
      %dma_start3A_79 = tpu.memref_squeeze %dma_start3A_78 : memref<1x128x128xf32, #tpu.memory_space<vmem>> -> memref<128x128xf32, #tpu.memory_space<vmem>>
      %dma_start3A_80 = arith.constant 0 : i32
      %dma_start3A_81 = tpu.memref_slice %arg6[%add3A_75, %dma_start3A_80] : memref<24x128xi32, #tpu.memory_space<vmem>> -> memref<1x128xi32, #tpu.memory_space<vmem>>
      %dma_start3A_82 = tpu.memref_squeeze %dma_start3A_81 : memref<1x128xi32, #tpu.memory_space<vmem>> -> memref<128xi32, #tpu.memory_space<vmem>>
      %dma_start3A_83 = arith.constant 0 : i32
      %dma_start3A_84 = arith.constant 0 : i32
      %dma_start3A_85 = tpu.memref_slice %arg8[%dma_start3A_83, %dma_start3A_84] : memref<10000x128xf32, #tpu.memory_space<vmem_shared>> -> memref<10000x128xf32, #tpu.memory_space<vmem_shared>>
      tpu.enqueue_indirect_dma source(%dma_start3A_79 : memref<128x128xf32, #tpu.memory_space<vmem>>) target(%dma_start3A_85 : memref<10000x128xf32, #tpu.memory_space<vmem_shared>>) offsets(%dma_start3A_82 : memref<128xi32, #tpu.memory_space<vmem>>) semaphore(%arg10 : memref<!tpu.dma_semaphore, #tpu.memory_space<semaphore_mem>>) {add = true}
    }
    %scan3A_30 = arith.constant 20 : i32
    %dma_wait3A = arith.constant 0 : i32
    %dma_wait3A_31 = arith.constant 0 : i32
    %dma_wait3A_32 = arith.constant 0 : i32
    %dma_wait3A_33 = tpu.memref_slice %arg7[%dma_wait3A, %dma_wait3A_31, %dma_wait3A_32] : memref<2x128x128xf32, #tpu.memory_space<vmem>> -> memref<1x128x128xf32, #tpu.memory_space<vmem>>
    %dma_wait3A_34 = tpu.memref_squeeze %dma_wait3A_33 : memref<1x128x128xf32, #tpu.memory_space<vmem>> -> memref<128x128xf32, #tpu.memory_space<vmem>>
    %dma_wait3A_35 = arith.constant 0 : i32
    %dma_wait3A_36 = arith.constant 0 : i32
    %dma_wait3A_37 = tpu.memref_slice %arg2[%dma_wait3A_35, %dma_wait3A_36] : memref<81920x128xf32, #tpu.memory_space<hbm>> -> memref<128x128xf32, #tpu.memory_space<hbm>>
    %dma_wait3A_38 = arith.constant 0 : i32
    %dma_wait3A_39 = arith.constant 0 : i32
    %dma_wait3A_40 = tpu.memref_slice %arg7[%dma_wait3A, %dma_wait3A_38, %dma_wait3A_39] : memref<2x128x128xf32, #tpu.memory_space<vmem>> -> memref<1x128x128xf32, #tpu.memory_space<vmem>>
    %dma_wait3A_41 = tpu.memref_squeeze %dma_wait3A_40 : memref<1x128x128xf32, #tpu.memory_space<vmem>> -> memref<128x128xf32, #tpu.memory_space<vmem>>
    %dma_wait3A_42 = arith.constant 0 : i32
    %dma_wait3A_43 = arith.constant 0 : i32
    %dma_wait3A_44 = tpu.memref_slice %arg2[%dma_wait3A_42, %dma_wait3A_43] : memref<81920x128xf32, #tpu.memory_space<hbm>> -> memref<128x128xf32, #tpu.memory_space<hbm>>
    tpu.wait_dma2 semaphore(%arg10 : memref<!tpu.dma_semaphore, #tpu.memory_space<semaphore_mem>>) src(%dma_wait3A_44 : memref<128x128xf32, #tpu.memory_space<hbm>>) dst(%dma_wait3A_41 : memref<128x128xf32, #tpu.memory_space<vmem>>)
    %barrier3A_45 = arith.constant 0 : index
    tpu.barrier barrier_id(%barrier3A_45)
    %mul3A_46 = arith.constant 10000 : i32
    %mul3A_47 = arith.muli %arg0, %mul3A_46 : i32
    %add3A_48 = arith.addi %mul3A_47, %mul3A_4 : i32
    "tpu.region"() ({
      %run_scoped3A = tpu.sem_alloc : memref<!tpu.dma_semaphore, #tpu.memory_space<semaphore_mem>>
      %dma_start3A_49 = arith.constant 0 : i32
      %dma_start3A_50 = tpu.memref_slice %arg5[%add3A_48, %dma_start3A_49] : memref<20000x128xf32, #tpu.memory_space<hbm>> -> memref<640x128xf32, #tpu.memory_space<hbm>>
      %dma_start3A_51 = arith.constant 0 : i32
      %dma_start3A_52 = tpu.memref_slice %arg8[%mul3A_4, %dma_start3A_51] : memref<10000x128xf32, #tpu.memory_space<vmem_shared>> -> memref<640x128xf32, #tpu.memory_space<vmem_shared>>
      tpu.enqueue_dma source(%dma_start3A_52 : memref<640x128xf32, #tpu.memory_space<vmem_shared>>) target(%dma_start3A_50 : memref<640x128xf32, #tpu.memory_space<hbm>>) target_semaphore(%run_scoped3A : memref<!tpu.dma_semaphore, #tpu.memory_space<semaphore_mem>>)
      %dma_wait3A_53 = arith.constant 0 : i32
      %dma_wait3A_54 = tpu.memref_slice %arg5[%add3A_48, %dma_wait3A_53] : memref<20000x128xf32, #tpu.memory_space<hbm>> -> memref<640x128xf32, #tpu.memory_space<hbm>>
      %dma_wait3A_55 = arith.constant 0 : i32
      %dma_wait3A_56 = tpu.memref_slice %arg8[%mul3A_4, %dma_wait3A_55] : memref<10000x128xf32, #tpu.memory_space<vmem_shared>> -> memref<640x128xf32, #tpu.memory_space<vmem_shared>>
      tpu.wait_dma2 semaphore(%run_scoped3A : memref<!tpu.dma_semaphore, #tpu.memory_space<semaphore_mem>>) src(%dma_wait3A_56 : memref<640x128xf32, #tpu.memory_space<vmem_shared>>) dst(%dma_wait3A_54 : memref<640x128xf32, #tpu.memory_space<hbm>>)
      tpu.yield
    }) : () -> ()
    return
  }
}

#map = affine_map<(d0, d1) -> (0, 0)>
#map1 = affine_map<(d0, d1) -> (0)>
module attributes {stable_mosaic.version = 14 : i64} {
  func.func @gather(%arg0: i32, %arg1: i32, %arg2: memref<10000x128xf32, #tpu.memory_space<hbm>>, %arg3: memref<160000xi32, #tpu.memory_space<hbm>>, %arg4: memref<81920x128xf32, #tpu.memory_space<hbm>>, %arg5: memref<2560xi32, #tpu.memory_space<vmem>>, %arg6: memref<6x128x128xf32, #tpu.memory_space<vmem>>, %arg7: memref<!tpu.dma_semaphore, #tpu.memory_space<semaphore_mem>>, %arg8: memref<!tpu.dma_semaphore, #tpu.memory_space<semaphore_mem>>) attributes {dimension_semantics = [#tpu.dimension_semantics<core_parallel>, #tpu.dimension_semantics<subcore_parallel>], iteration_bounds = array<i64: 2, 16>, scalar_prefetch = 0 : i64, scratch_operands = 4 : i64, tpu.core_type = #tpu.core_type<sc_vector_subcore>, window_params = [{transform_indices = #map}, {transform_indices = #map1}, {transform_indices = #map}]} {
    %mul3A = arith.constant 2 : i32
    %mul3A_0 = arith.muli %arg1, %mul3A : i32
    %add3A = arith.addi %mul3A_0, %arg0 : i32
    %mul3A_1 = arith.constant 2560 : i32
    %mul3A_2 = arith.muli %add3A, %mul3A_1 : i32
    %multiple_of3A = tpu.assume_multiple %mul3A_2, 2560 : i32
    "tpu.region"() ({
      %run_scoped3A = tpu.sem_alloc : memref<!tpu.dma_semaphore, #tpu.memory_space<semaphore_mem>>
      %dma_start3A_87 = tpu.memref_slice %arg3[%multiple_of3A] : memref<160000xi32, #tpu.memory_space<hbm>> -> memref<2560xi32, #tpu.memory_space<hbm>>
      %dma_start3A_88 = tpu.memref_slice %arg3[%multiple_of3A] : memref<160000xi32, #tpu.memory_space<hbm>> -> memref<2560xi32, #tpu.memory_space<hbm>>
      tpu.enqueue_dma source(%dma_start3A_88 : memref<2560xi32, #tpu.memory_space<hbm>>) target(%arg5 : memref<2560xi32, #tpu.memory_space<vmem>>) target_semaphore(%run_scoped3A : memref<!tpu.dma_semaphore, #tpu.memory_space<semaphore_mem>>)
      %dma_wait3A_89 = tpu.memref_slice %arg3[%multiple_of3A] : memref<160000xi32, #tpu.memory_space<hbm>> -> memref<2560xi32, #tpu.memory_space<hbm>>
      %dma_wait3A_90 = tpu.memref_slice %arg3[%multiple_of3A] : memref<160000xi32, #tpu.memory_space<hbm>> -> memref<2560xi32, #tpu.memory_space<hbm>>
      tpu.wait_dma2 semaphore(%run_scoped3A : memref<!tpu.dma_semaphore, #tpu.memory_space<semaphore_mem>>) src(%dma_wait3A_90 : memref<2560xi32, #tpu.memory_space<hbm>>) dst(%arg5 : memref<2560xi32, #tpu.memory_space<vmem>>)
      tpu.yield
    }) : () -> ()
    %rem3A = arith.constant 0 : i32
    %rem3A_3 = arith.constant 6 : i32
    %rem3A_4 = arith.remsi %rem3A, %rem3A_3 : i32
    %multiple_of3A_5 = arith.constant 0 : i32
    %multiple_of3A_6 = tpu.assume_multiple %multiple_of3A_5, 128 : i32
    %dma_start3A = arith.constant 0 : i32
    %dma_start3A_7 = arith.constant 0 : i32
    %dma_start3A_8 = tpu.memref_slice %arg6[%rem3A_4, %dma_start3A, %dma_start3A_7] : memref<6x128x128xf32, #tpu.memory_space<vmem>> -> memref<1x128x128xf32, #tpu.memory_space<vmem>>
    %dma_start3A_9 = tpu.memref_squeeze %dma_start3A_8 : memref<1x128x128xf32, #tpu.memory_space<vmem>> -> memref<128x128xf32, #tpu.memory_space<vmem>>
    %dma_start3A_10 = tpu.memref_slice %arg5[%multiple_of3A_6] : memref<2560xi32, #tpu.memory_space<vmem>> -> memref<128xi32, #tpu.memory_space<vmem>>
    %dma_start3A_11 = arith.constant 0 : i32
    %dma_start3A_12 = arith.constant 0 : i32
    %dma_start3A_13 = tpu.memref_slice %arg2[%dma_start3A_11, %dma_start3A_12] : memref<10000x128xf32, #tpu.memory_space<hbm>> -> memref<10000x128xf32, #tpu.memory_space<hbm>>
    tpu.enqueue_indirect_dma source(%dma_start3A_13 : memref<10000x128xf32, #tpu.memory_space<hbm>>) target(%dma_start3A_9 : memref<128x128xf32, #tpu.memory_space<vmem>>) offsets(%dma_start3A_10 : memref<128xi32, #tpu.memory_space<vmem>>) semaphore(%arg7 : memref<!tpu.dma_semaphore, #tpu.memory_space<semaphore_mem>>)
    %rem3A_14 = arith.constant 1 : i32
    %rem3A_15 = arith.constant 6 : i32
    %rem3A_16 = arith.remsi %rem3A_14, %rem3A_15 : i32
    %multiple_of3A_17 = arith.constant 128 : i32
    %multiple_of3A_18 = tpu.assume_multiple %multiple_of3A_17, 128 : i32
    %dma_start3A_19 = arith.constant 0 : i32
    %dma_start3A_20 = arith.constant 0 : i32
    %dma_start3A_21 = tpu.memref_slice %arg6[%rem3A_16, %dma_start3A_19, %dma_start3A_20] : memref<6x128x128xf32, #tpu.memory_space<vmem>> -> memref<1x128x128xf32, #tpu.memory_space<vmem>>
    %dma_start3A_22 = tpu.memref_squeeze %dma_start3A_21 : memref<1x128x128xf32, #tpu.memory_space<vmem>> -> memref<128x128xf32, #tpu.memory_space<vmem>>
    %dma_start3A_23 = tpu.memref_slice %arg5[%multiple_of3A_18] : memref<2560xi32, #tpu.memory_space<vmem>> -> memref<128xi32, #tpu.memory_space<vmem>>
    %dma_start3A_24 = arith.constant 0 : i32
    %dma_start3A_25 = arith.constant 0 : i32
    %dma_start3A_26 = tpu.memref_slice %arg2[%dma_start3A_24, %dma_start3A_25] : memref<10000x128xf32, #tpu.memory_space<hbm>> -> memref<10000x128xf32, #tpu.memory_space<hbm>>
    tpu.enqueue_indirect_dma source(%dma_start3A_26 : memref<10000x128xf32, #tpu.memory_space<hbm>>) target(%dma_start3A_22 : memref<128x128xf32, #tpu.memory_space<vmem>>) offsets(%dma_start3A_23 : memref<128xi32, #tpu.memory_space<vmem>>) semaphore(%arg7 : memref<!tpu.dma_semaphore, #tpu.memory_space<semaphore_mem>>)
    %rem3A_27 = arith.constant 2 : i32
    %rem3A_28 = arith.constant 6 : i32
    %rem3A_29 = arith.remsi %rem3A_27, %rem3A_28 : i32
    %multiple_of3A_30 = arith.constant 256 : i32
    %multiple_of3A_31 = tpu.assume_multiple %multiple_of3A_30, 128 : i32
    %dma_start3A_32 = arith.constant 0 : i32
    %dma_start3A_33 = arith.constant 0 : i32
    %dma_start3A_34 = tpu.memref_slice %arg6[%rem3A_29, %dma_start3A_32, %dma_start3A_33] : memref<6x128x128xf32, #tpu.memory_space<vmem>> -> memref<1x128x128xf32, #tpu.memory_space<vmem>>
    %dma_start3A_35 = tpu.memref_squeeze %dma_start3A_34 : memref<1x128x128xf32, #tpu.memory_space<vmem>> -> memref<128x128xf32, #tpu.memory_space<vmem>>
    %dma_start3A_36 = tpu.memref_slice %arg5[%multiple_of3A_31] : memref<2560xi32, #tpu.memory_space<vmem>> -> memref<128xi32, #tpu.memory_space<vmem>>
    %dma_start3A_37 = arith.constant 0 : i32
    %dma_start3A_38 = arith.constant 0 : i32
    %dma_start3A_39 = tpu.memref_slice %arg2[%dma_start3A_37, %dma_start3A_38] : memref<10000x128xf32, #tpu.memory_space<hbm>> -> memref<10000x128xf32, #tpu.memory_space<hbm>>
    tpu.enqueue_indirect_dma source(%dma_start3A_39 : memref<10000x128xf32, #tpu.memory_space<hbm>>) target(%dma_start3A_35 : memref<128x128xf32, #tpu.memory_space<vmem>>) offsets(%dma_start3A_36 : memref<128xi32, #tpu.memory_space<vmem>>) semaphore(%arg7 : memref<!tpu.dma_semaphore, #tpu.memory_space<semaphore_mem>>)
    %rem3A_40 = arith.constant 3 : i32
    %rem3A_41 = arith.constant 6 : i32
    %rem3A_42 = arith.remsi %rem3A_40, %rem3A_41 : i32
    %multiple_of3A_43 = arith.constant 384 : i32
    %multiple_of3A_44 = tpu.assume_multiple %multiple_of3A_43, 128 : i32
    %dma_start3A_45 = arith.constant 0 : i32
    %dma_start3A_46 = arith.constant 0 : i32
    %dma_start3A_47 = tpu.memref_slice %arg6[%rem3A_42, %dma_start3A_45, %dma_start3A_46] : memref<6x128x128xf32, #tpu.memory_space<vmem>> -> memref<1x128x128xf32, #tpu.memory_space<vmem>>
    %dma_start3A_48 = tpu.memref_squeeze %dma_start3A_47 : memref<1x128x128xf32, #tpu.memory_space<vmem>> -> memref<128x128xf32, #tpu.memory_space<vmem>>
    %dma_start3A_49 = tpu.memref_slice %arg5[%multiple_of3A_44] : memref<2560xi32, #tpu.memory_space<vmem>> -> memref<128xi32, #tpu.memory_space<vmem>>
    %dma_start3A_50 = arith.constant 0 : i32
    %dma_start3A_51 = arith.constant 0 : i32
    %dma_start3A_52 = tpu.memref_slice %arg2[%dma_start3A_50, %dma_start3A_51] : memref<10000x128xf32, #tpu.memory_space<hbm>> -> memref<10000x128xf32, #tpu.memory_space<hbm>>
    tpu.enqueue_indirect_dma source(%dma_start3A_52 : memref<10000x128xf32, #tpu.memory_space<hbm>>) target(%dma_start3A_48 : memref<128x128xf32, #tpu.memory_space<vmem>>) offsets(%dma_start3A_49 : memref<128xi32, #tpu.memory_space<vmem>>) semaphore(%arg7 : memref<!tpu.dma_semaphore, #tpu.memory_space<semaphore_mem>>)
    %scan3A = arith.constant 0 : i32
    %scan3A_53 = arith.constant 0 : i32
    %scan3A_54 = arith.constant 20 : i32
    %scan3A_55 = arith.addi %scan3A_53, %scan3A_54 : i32
    %scan3A_56 = arith.constant 1 : i32
    scf.for %scan3A_87 = %scan3A_53 to %scan3A_55 step %scan3A_56  : i32 {
      %ge3A = arith.constant 2 : i32
      %ge3A_88 = arith.cmpi sge, %scan3A_87, %ge3A : i32
      %convert_element_type3A = arith.extui %ge3A_88 : i1 to i32
      %cond3A = arith.constant 0 : i32
      %cond3A_89 = arith.cmpi ne, %convert_element_type3A, %cond3A : i32
      scf.if %cond3A_89 {
        %dma_wait3A_129 = arith.constant 0 : i32
        %dma_wait3A_130 = arith.constant 0 : i32
        %dma_wait3A_131 = arith.constant 0 : i32
        %dma_wait3A_132 = tpu.memref_slice %arg6[%dma_wait3A_129, %dma_wait3A_130, %dma_wait3A_131] : memref<6x128x128xf32, #tpu.memory_space<vmem>> -> memref<1x128x128xf32, #tpu.memory_space<vmem>>
        %dma_wait3A_133 = tpu.memref_squeeze %dma_wait3A_132 : memref<1x128x128xf32, #tpu.memory_space<vmem>> -> memref<128x128xf32, #tpu.memory_space<vmem>>
        %dma_wait3A_134 = arith.constant 0 : i32
        %dma_wait3A_135 = arith.constant 0 : i32
        %dma_wait3A_136 = tpu.memref_slice %arg4[%dma_wait3A_134, %dma_wait3A_135] : memref<81920x128xf32, #tpu.memory_space<hbm>> -> memref<128x128xf32, #tpu.memory_space<hbm>>
        %dma_wait3A_137 = arith.constant 0 : i32
        %dma_wait3A_138 = arith.constant 0 : i32
        %dma_wait3A_139 = tpu.memref_slice %arg6[%dma_wait3A_129, %dma_wait3A_137, %dma_wait3A_138] : memref<6x128x128xf32, #tpu.memory_space<vmem>> -> memref<1x128x128xf32, #tpu.memory_space<vmem>>
        %dma_wait3A_140 = tpu.memref_squeeze %dma_wait3A_139 : memref<1x128x128xf32, #tpu.memory_space<vmem>> -> memref<128x128xf32, #tpu.memory_space<vmem>>
        %dma_wait3A_141 = arith.constant 0 : i32
        %dma_wait3A_142 = arith.constant 0 : i32
        %dma_wait3A_143 = tpu.memref_slice %arg4[%dma_wait3A_141, %dma_wait3A_142] : memref<81920x128xf32, #tpu.memory_space<hbm>> -> memref<128x128xf32, #tpu.memory_space<hbm>>
        tpu.wait_dma2 semaphore(%arg8 : memref<!tpu.dma_semaphore, #tpu.memory_space<semaphore_mem>>) src(%dma_wait3A_143 : memref<128x128xf32, #tpu.memory_space<hbm>>) dst(%dma_wait3A_140 : memref<128x128xf32, #tpu.memory_space<vmem>>)
      } else {
      }
      %add3A_90 = arith.constant 4 : i32
      %add3A_91 = arith.addi %scan3A_87, %add3A_90 : i32
      %lt3A = arith.constant 20 : i32
      %lt3A_92 = arith.cmpi slt, %add3A_91, %lt3A : i32
      %convert_element_type3A_93 = arith.extui %lt3A_92 : i1 to i32
      %cond3A_94 = arith.constant 0 : i32
      %cond3A_95 = arith.cmpi ne, %convert_element_type3A_93, %cond3A_94 : i32
      scf.if %cond3A_95 {
        %add3A_129 = arith.constant 4 : i32
        %add3A_130 = arith.addi %scan3A_87, %add3A_129 : i32
        %rem3A_131 = arith.constant 6 : i32
        %rem3A_132 = arith.remsi %add3A_130, %rem3A_131 : i32
        %mul3A_133 = arith.constant 128 : i32
        %mul3A_134 = arith.muli %add3A_130, %mul3A_133 : i32
        %multiple_of3A_135 = tpu.assume_multiple %mul3A_134, 128 : i32
        %dma_start3A_136 = arith.constant 0 : i32
        %dma_start3A_137 = arith.constant 0 : i32
        %dma_start3A_138 = tpu.memref_slice %arg6[%rem3A_132, %dma_start3A_136, %dma_start3A_137] : memref<6x128x128xf32, #tpu.memory_space<vmem>> -> memref<1x128x128xf32, #tpu.memory_space<vmem>>
        %dma_start3A_139 = tpu.memref_squeeze %dma_start3A_138 : memref<1x128x128xf32, #tpu.memory_space<vmem>> -> memref<128x128xf32, #tpu.memory_space<vmem>>
        %dma_start3A_140 = tpu.memref_slice %arg5[%multiple_of3A_135] : memref<2560xi32, #tpu.memory_space<vmem>> -> memref<128xi32, #tpu.memory_space<vmem>>
        %dma_start3A_141 = arith.constant 0 : i32
        %dma_start3A_142 = arith.constant 0 : i32
        %dma_start3A_143 = tpu.memref_slice %arg2[%dma_start3A_141, %dma_start3A_142] : memref<10000x128xf32, #tpu.memory_space<hbm>> -> memref<10000x128xf32, #tpu.memory_space<hbm>>
        tpu.enqueue_indirect_dma source(%dma_start3A_143 : memref<10000x128xf32, #tpu.memory_space<hbm>>) target(%dma_start3A_139 : memref<128x128xf32, #tpu.memory_space<vmem>>) offsets(%dma_start3A_140 : memref<128xi32, #tpu.memory_space<vmem>>) semaphore(%arg7 : memref<!tpu.dma_semaphore, #tpu.memory_space<semaphore_mem>>)
      } else {
      }
      %dma_wait3A_96 = arith.constant 0 : i32
      %dma_wait3A_97 = arith.constant 0 : i32
      %dma_wait3A_98 = arith.constant 0 : i32
      %dma_wait3A_99 = tpu.memref_slice %arg6[%dma_wait3A_96, %dma_wait3A_97, %dma_wait3A_98] : memref<6x128x128xf32, #tpu.memory_space<vmem>> -> memref<1x128x128xf32, #tpu.memory_space<vmem>>
      %dma_wait3A_100 = tpu.memref_squeeze %dma_wait3A_99 : memref<1x128x128xf32, #tpu.memory_space<vmem>> -> memref<128x128xf32, #tpu.memory_space<vmem>>
      %dma_wait3A_101 = arith.constant 0 : i32
      %dma_wait3A_102 = arith.constant 0 : i32
      %dma_wait3A_103 = tpu.memref_slice %arg4[%dma_wait3A_101, %dma_wait3A_102] : memref<81920x128xf32, #tpu.memory_space<hbm>> -> memref<128x128xf32, #tpu.memory_space<hbm>>
      %dma_wait3A_104 = arith.constant 0 : i32
      %dma_wait3A_105 = arith.constant 0 : i32
      %dma_wait3A_106 = tpu.memref_slice %arg6[%dma_wait3A_96, %dma_wait3A_104, %dma_wait3A_105] : memref<6x128x128xf32, #tpu.memory_space<vmem>> -> memref<1x128x128xf32, #tpu.memory_space<vmem>>
      %dma_wait3A_107 = tpu.memref_squeeze %dma_wait3A_106 : memref<1x128x128xf32, #tpu.memory_space<vmem>> -> memref<128x128xf32, #tpu.memory_space<vmem>>
      %dma_wait3A_108 = arith.constant 0 : i32
      %dma_wait3A_109 = arith.constant 0 : i32
      %dma_wait3A_110 = tpu.memref_slice %arg4[%dma_wait3A_108, %dma_wait3A_109] : memref<81920x128xf32, #tpu.memory_space<hbm>> -> memref<128x128xf32, #tpu.memory_space<hbm>>
      tpu.wait_dma2 semaphore(%arg7 : memref<!tpu.dma_semaphore, #tpu.memory_space<semaphore_mem>>) src(%dma_wait3A_110 : memref<128x128xf32, #tpu.memory_space<hbm>>) dst(%dma_wait3A_107 : memref<128x128xf32, #tpu.memory_space<vmem>>)
      %rem3A_111 = arith.constant 6 : i32
      %rem3A_112 = arith.remsi %scan3A_87, %rem3A_111 : i32
      %mul3A_113 = arith.constant 128 : i32
      %mul3A_114 = arith.muli %scan3A_87, %mul3A_113 : i32
      %add3A_115 = arith.addi %multiple_of3A, %mul3A_114 : i32
      %multiple_of3A_116 = tpu.assume_multiple %add3A_115, 128 : i32
      %dma_start3A_117 = arith.constant 0 : i32
      %dma_start3A_118 = arith.constant 0 : i32
      %dma_start3A_119 = tpu.memref_slice %arg6[%rem3A_112, %dma_start3A_117, %dma_start3A_118] : memref<6x128x128xf32, #tpu.memory_space<vmem>> -> memref<1x128x128xf32, #tpu.memory_space<vmem>>
      %dma_start3A_120 = tpu.memref_squeeze %dma_start3A_119 : memref<1x128x128xf32, #tpu.memory_space<vmem>> -> memref<128x128xf32, #tpu.memory_space<vmem>>
      %dma_start3A_121 = arith.constant 0 : i32
      %dma_start3A_122 = tpu.memref_slice %arg4[%multiple_of3A_116, %dma_start3A_121] : memref<81920x128xf32, #tpu.memory_space<hbm>> -> memref<128x128xf32, #tpu.memory_space<hbm>>
      %dma_start3A_123 = arith.constant 0 : i32
      %dma_start3A_124 = tpu.memref_slice %arg4[%multiple_of3A_116, %dma_start3A_123] : memref<81920x128xf32, #tpu.memory_space<hbm>> -> memref<128x128xf32, #tpu.memory_space<hbm>>
      %dma_start3A_125 = arith.constant 0 : i32
      %dma_start3A_126 = arith.constant 0 : i32
      %dma_start3A_127 = tpu.memref_slice %arg6[%rem3A_112, %dma_start3A_125, %dma_start3A_126] : memref<6x128x128xf32, #tpu.memory_space<vmem>> -> memref<1x128x128xf32, #tpu.memory_space<vmem>>
      %dma_start3A_128 = tpu.memref_squeeze %dma_start3A_127 : memref<1x128x128xf32, #tpu.memory_space<vmem>> -> memref<128x128xf32, #tpu.memory_space<vmem>>
      tpu.enqueue_dma source(%dma_start3A_128 : memref<128x128xf32, #tpu.memory_space<vmem>>) target(%dma_start3A_124 : memref<128x128xf32, #tpu.memory_space<hbm>>) target_semaphore(%arg8 : memref<!tpu.dma_semaphore, #tpu.memory_space<semaphore_mem>>)
    }
    %scan3A_57 = arith.constant 20 : i32
    %dma_wait3A = arith.constant 0 : i32
    %dma_wait3A_58 = arith.constant 0 : i32
    %dma_wait3A_59 = arith.constant 0 : i32
    %dma_wait3A_60 = tpu.memref_slice %arg6[%dma_wait3A, %dma_wait3A_58, %dma_wait3A_59] : memref<6x128x128xf32, #tpu.memory_space<vmem>> -> memref<1x128x128xf32, #tpu.memory_space<vmem>>
    %dma_wait3A_61 = tpu.memref_squeeze %dma_wait3A_60 : memref<1x128x128xf32, #tpu.memory_space<vmem>> -> memref<128x128xf32, #tpu.memory_space<vmem>>
    %dma_wait3A_62 = arith.constant 0 : i32
    %dma_wait3A_63 = arith.constant 0 : i32
    %dma_wait3A_64 = tpu.memref_slice %arg4[%dma_wait3A_62, %dma_wait3A_63] : memref<81920x128xf32, #tpu.memory_space<hbm>> -> memref<128x128xf32, #tpu.memory_space<hbm>>
    %dma_wait3A_65 = arith.constant 0 : i32
    %dma_wait3A_66 = arith.constant 0 : i32
    %dma_wait3A_67 = tpu.memref_slice %arg6[%dma_wait3A, %dma_wait3A_65, %dma_wait3A_66] : memref<6x128x128xf32, #tpu.memory_space<vmem>> -> memref<1x128x128xf32, #tpu.memory_space<vmem>>
    %dma_wait3A_68 = tpu.memref_squeeze %dma_wait3A_67 : memref<1x128x128xf32, #tpu.memory_space<vmem>> -> memref<128x128xf32, #tpu.memory_space<vmem>>
    %dma_wait3A_69 = arith.constant 0 : i32
    %dma_wait3A_70 = arith.constant 0 : i32
    %dma_wait3A_71 = tpu.memref_slice %arg4[%dma_wait3A_69, %dma_wait3A_70] : memref<81920x128xf32, #tpu.memory_space<hbm>> -> memref<128x128xf32, #tpu.memory_space<hbm>>
    tpu.wait_dma2 semaphore(%arg8 : memref<!tpu.dma_semaphore, #tpu.memory_space<semaphore_mem>>) src(%dma_wait3A_71 : memref<128x128xf32, #tpu.memory_space<hbm>>) dst(%dma_wait3A_68 : memref<128x128xf32, #tpu.memory_space<vmem>>)
    %dma_wait3A_72 = arith.constant 0 : i32
    %dma_wait3A_73 = arith.constant 0 : i32
    %dma_wait3A_74 = arith.constant 0 : i32
    %dma_wait3A_75 = tpu.memref_slice %arg6[%dma_wait3A_72, %dma_wait3A_73, %dma_wait3A_74] : memref<6x128x128xf32, #tpu.memory_space<vmem>> -> memref<1x128x128xf32, #tpu.memory_space<vmem>>
    %dma_wait3A_76 = tpu.memref_squeeze %dma_wait3A_75 : memref<1x128x128xf32, #tpu.memory_space<vmem>> -> memref<128x128xf32, #tpu.memory_space<vmem>>
    %dma_wait3A_77 = arith.constant 0 : i32
    %dma_wait3A_78 = arith.constant 0 : i32
    %dma_wait3A_79 = tpu.memref_slice %arg4[%dma_wait3A_77, %dma_wait3A_78] : memref<81920x128xf32, #tpu.memory_space<hbm>> -> memref<128x128xf32, #tpu.memory_space<hbm>>
    %dma_wait3A_80 = arith.constant 0 : i32
    %dma_wait3A_81 = arith.constant 0 : i32
    %dma_wait3A_82 = tpu.memref_slice %arg6[%dma_wait3A_72, %dma_wait3A_80, %dma_wait3A_81] : memref<6x128x128xf32, #tpu.memory_space<vmem>> -> memref<1x128x128xf32, #tpu.memory_space<vmem>>
    %dma_wait3A_83 = tpu.memref_squeeze %dma_wait3A_82 : memref<1x128x128xf32, #tpu.memory_space<vmem>> -> memref<128x128xf32, #tpu.memory_space<vmem>>
    %dma_wait3A_84 = arith.constant 0 : i32
    %dma_wait3A_85 = arith.constant 0 : i32
    %dma_wait3A_86 = tpu.memref_slice %arg4[%dma_wait3A_84, %dma_wait3A_85] : memref<81920x128xf32, #tpu.memory_space<hbm>> -> memref<128x128xf32, #tpu.memory_space<hbm>>
    tpu.wait_dma2 semaphore(%arg8 : memref<!tpu.dma_semaphore, #tpu.memory_space<semaphore_mem>>) src(%dma_wait3A_86 : memref<128x128xf32, #tpu.memory_space<hbm>>) dst(%dma_wait3A_83 : memref<128x128xf32, #tpu.memory_space<vmem>>)
    return
  }
}

#map = affine_map<(d0, d1) -> (0, 0)>
module attributes {stable_mosaic.version = 14 : i64} {
  func.func @scatter(%arg0: i32, %arg1: i32, %arg2: memref<81920x128xf32, #tpu.memory_space<hbm>>, %arg3: memref<640x128xi32, #tpu.memory_space<hbm>>, %arg4: memref<640x128xf32, #tpu.memory_space<hbm>>, %arg5: memref<20000x128xf32, #tpu.memory_space<hbm>>, %arg6: memref<24x128xi32, #tpu.memory_space<vmem>>, %arg7: memref<2x128x128xf32, #tpu.memory_space<vmem>>, %arg8: memref<10000x128xf32, #tpu.memory_space<vmem_shared>>, %arg9: memref<!tpu.dma_semaphore, #tpu.memory_space<semaphore_mem>>, %arg10: memref<!tpu.dma_semaphore, #tpu.memory_space<semaphore_mem>>) attributes {dimension_semantics = [#tpu.dimension_semantics<core_parallel>, #tpu.dimension_semantics<subcore_parallel>], iteration_bounds = array<i64: 2, 16>, scalar_prefetch = 0 : i64, scratch_operands = 5 : i64, tpu.core_type = #tpu.core_type<sc_vector_subcore>, window_params = [{transform_indices = #map}, {transform_indices = #map}, {transform_indices = #map}, {transform_indices = #map}]} {
    %mul3A = arith.constant 2 : i32
    %mul3A_0 = arith.muli %arg1, %mul3A : i32
    %add3A = arith.addi %mul3A_0, %arg0 : i32
    %mul3A_1 = arith.constant 2560 : i32
    %mul3A_2 = arith.muli %add3A, %mul3A_1 : i32
    %multiple_of3A = tpu.assume_multiple %mul3A_2, 2560 : i32
    %mul3A_3 = arith.constant 624 : i32
    %mul3A_4 = arith.muli %arg1, %mul3A_3 : i32
    "tpu.region"() ({
      %run_scoped3A = tpu.sem_alloc : memref<!tpu.dma_semaphore, #tpu.memory_space<semaphore_mem>>
      %dma_start3A_49 = arith.constant 0 : i32
      %dma_start3A_50 = tpu.memref_slice %arg8[%mul3A_4, %dma_start3A_49] : memref<10000x128xf32, #tpu.memory_space<vmem_shared>> -> memref<640x128xf32, #tpu.memory_space<vmem_shared>>
      tpu.enqueue_dma source(%arg4 : memref<640x128xf32, #tpu.memory_space<hbm>>) target(%dma_start3A_50 : memref<640x128xf32, #tpu.memory_space<vmem_shared>>) target_semaphore(%run_scoped3A : memref<!tpu.dma_semaphore, #tpu.memory_space<semaphore_mem>>)
      %dma_wait3A_51 = arith.constant 0 : i32
      %dma_wait3A_52 = tpu.memref_slice %arg8[%mul3A_4, %dma_wait3A_51] : memref<10000x128xf32, #tpu.memory_space<vmem_shared>> -> memref<640x128xf32, #tpu.memory_space<vmem_shared>>
      tpu.wait_dma2 semaphore(%run_scoped3A : memref<!tpu.dma_semaphore, #tpu.memory_space<semaphore_mem>>) src(%arg4 : memref<640x128xf32, #tpu.memory_space<hbm>>) dst(%dma_wait3A_52 : memref<640x128xf32, #tpu.memory_space<vmem_shared>>)
      tpu.yield
    }) : () -> ()
    %mul3A_5 = arith.constant 20 : i32
    %mul3A_6 = arith.muli %add3A, %mul3A_5 : i32
    %rem3A = arith.constant 8 : i32
    %rem3A_7 = arith.remsi %mul3A_6, %rem3A : i32
    %sub3A = arith.subi %mul3A_6, %rem3A_7 : i32
    %multiple_of3A_8 = tpu.assume_multiple %sub3A, 8 : i32
    "tpu.region"() ({
      %run_scoped3A = tpu.sem_alloc : memref<!tpu.dma_semaphore, #tpu.memory_space<semaphore_mem>>
      %dma_start3A_49 = arith.constant 0 : i32
      %dma_start3A_50 = tpu.memref_slice %arg3[%multiple_of3A_8, %dma_start3A_49] : memref<640x128xi32, #tpu.memory_space<hbm>> -> memref<24x128xi32, #tpu.memory_space<hbm>>
      %dma_start3A_51 = arith.constant 0 : i32
      %dma_start3A_52 = tpu.memref_slice %arg3[%multiple_of3A_8, %dma_start3A_51] : memref<640x128xi32, #tpu.memory_space<hbm>> -> memref<24x128xi32, #tpu.memory_space<hbm>>
      tpu.enqueue_dma source(%dma_start3A_52 : memref<24x128xi32, #tpu.memory_space<hbm>>) target(%arg6 : memref<24x128xi32, #tpu.memory_space<vmem>>) target_semaphore(%run_scoped3A : memref<!tpu.dma_semaphore, #tpu.memory_space<semaphore_mem>>)
      %dma_wait3A_53 = arith.constant 0 : i32
      %dma_wait3A_54 = tpu.memref_slice %arg3[%multiple_of3A_8, %dma_wait3A_53] : memref<640x128xi32, #tpu.memory_space<hbm>> -> memref<24x128xi32, #tpu.memory_space<hbm>>
      %dma_wait3A_55 = arith.constant 0 : i32
      %dma_wait3A_56 = tpu.memref_slice %arg3[%multiple_of3A_8, %dma_wait3A_55] : memref<640x128xi32, #tpu.memory_space<hbm>> -> memref<24x128xi32, #tpu.memory_space<hbm>>
      tpu.wait_dma2 semaphore(%run_scoped3A : memref<!tpu.dma_semaphore, #tpu.memory_space<semaphore_mem>>) src(%dma_wait3A_56 : memref<24x128xi32, #tpu.memory_space<hbm>>) dst(%arg6 : memref<24x128xi32, #tpu.memory_space<vmem>>)
      tpu.yield
    }) : () -> ()
    %barrier3A = arith.constant 0 : index
    tpu.barrier barrier_id(%barrier3A)
    %rem3A_9 = arith.constant 0 : i32
    %rem3A_10 = arith.constant 2 : i32
    %rem3A_11 = arith.remsi %rem3A_9, %rem3A_10 : i32
    %add3A_12 = arith.constant 0 : i32
    %add3A_13 = arith.addi %multiple_of3A, %add3A_12 : i32
    %multiple_of3A_14 = tpu.assume_multiple %add3A_13, 128 : i32
    %dma_start3A = arith.constant 0 : i32
    %dma_start3A_15 = arith.constant 0 : i32
    %dma_start3A_16 = tpu.memref_slice %arg7[%rem3A_11, %dma_start3A, %dma_start3A_15] : memref<2x128x128xf32, #tpu.memory_space<vmem>> -> memref<1x128x128xf32, #tpu.memory_space<vmem>>
    %dma_start3A_17 = tpu.memref_squeeze %dma_start3A_16 : memref<1x128x128xf32, #tpu.memory_space<vmem>> -> memref<128x128xf32, #tpu.memory_space<vmem>>
    %dma_start3A_18 = arith.constant 0 : i32
    %dma_start3A_19 = tpu.memref_slice %arg2[%multiple_of3A_14, %dma_start3A_18] : memref<81920x128xf32, #tpu.memory_space<hbm>> -> memref<128x128xf32, #tpu.memory_space<hbm>>
    %dma_start3A_20 = arith.constant 0 : i32
    %dma_start3A_21 = arith.constant 0 : i32
    %dma_start3A_22 = tpu.memref_slice %arg7[%rem3A_11, %dma_start3A_20, %dma_start3A_21] : memref<2x128x128xf32, #tpu.memory_space<vmem>> -> memref<1x128x128xf32, #tpu.memory_space<vmem>>
    %dma_start3A_23 = tpu.memref_squeeze %dma_start3A_22 : memref<1x128x128xf32, #tpu.memory_space<vmem>> -> memref<128x128xf32, #tpu.memory_space<vmem>>
    %dma_start3A_24 = arith.constant 0 : i32
    %dma_start3A_25 = tpu.memref_slice %arg2[%multiple_of3A_14, %dma_start3A_24] : memref<81920x128xf32, #tpu.memory_space<hbm>> -> memref<128x128xf32, #tpu.memory_space<hbm>>
    tpu.enqueue_dma source(%dma_start3A_25 : memref<128x128xf32, #tpu.memory_space<hbm>>) target(%dma_start3A_23 : memref<128x128xf32, #tpu.memory_space<vmem>>) target_semaphore(%arg9 : memref<!tpu.dma_semaphore, #tpu.memory_space<semaphore_mem>>)
    %scan3A = arith.constant 0 : i32
    %scan3A_26 = arith.constant 0 : i32
    %scan3A_27 = arith.constant 20 : i32
    %scan3A_28 = arith.addi %scan3A_26, %scan3A_27 : i32
    %scan3A_29 = arith.constant 1 : i32
    scf.for %scan3A_49 = %scan3A_26 to %scan3A_28 step %scan3A_29  : i32 {
      %ge3A = arith.constant 1 : i32
      %ge3A_50 = arith.cmpi sge, %scan3A_49, %ge3A : i32
      %convert_element_type3A = arith.extui %ge3A_50 : i1 to i32
      %cond3A = arith.constant 0 : i32
      %cond3A_51 = arith.cmpi ne, %convert_element_type3A, %cond3A : i32
      scf.if %cond3A_51 {
        %dma_wait3A_86 = arith.constant 0 : i32
        %dma_wait3A_87 = arith.constant 0 : i32
        %dma_wait3A_88 = arith.constant 0 : i32
        %dma_wait3A_89 = tpu.memref_slice %arg7[%dma_wait3A_86, %dma_wait3A_87, %dma_wait3A_88] : memref<2x128x128xf32, #tpu.memory_space<vmem>> -> memref<1x128x128xf32, #tpu.memory_space<vmem>>
        %dma_wait3A_90 = tpu.memref_squeeze %dma_wait3A_89 : memref<1x128x128xf32, #tpu.memory_space<vmem>> -> memref<128x128xf32, #tpu.memory_space<vmem>>
        %dma_wait3A_91 = arith.constant 0 : i32
        %dma_wait3A_92 = arith.constant 0 : i32
        %dma_wait3A_93 = tpu.memref_slice %arg2[%dma_wait3A_91, %dma_wait3A_92] : memref<81920x128xf32, #tpu.memory_space<hbm>> -> memref<128x128xf32, #tpu.memory_space<hbm>>
        %dma_wait3A_94 = arith.constant 0 : i32
        %dma_wait3A_95 = arith.constant 0 : i32
        %dma_wait3A_96 = tpu.memref_slice %arg7[%dma_wait3A_86, %dma_wait3A_94, %dma_wait3A_95] : memref<2x128x128xf32, #tpu.memory_space<vmem>> -> memref<1x128x128xf32, #tpu.memory_space<vmem>>
        %dma_wait3A_97 = tpu.memref_squeeze %dma_wait3A_96 : memref<1x128x128xf32, #tpu.memory_space<vmem>> -> memref<128x128xf32, #tpu.memory_space<vmem>>
        %dma_wait3A_98 = arith.constant 0 : i32
        %dma_wait3A_99 = arith.constant 0 : i32
        %dma_wait3A_100 = tpu.memref_slice %arg2[%dma_wait3A_98, %dma_wait3A_99] : memref<81920x128xf32, #tpu.memory_space<hbm>> -> memref<128x128xf32, #tpu.memory_space<hbm>>
        tpu.wait_dma2 semaphore(%arg10 : memref<!tpu.dma_semaphore, #tpu.memory_space<semaphore_mem>>) src(%dma_wait3A_100 : memref<128x128xf32, #tpu.memory_space<hbm>>) dst(%dma_wait3A_97 : memref<128x128xf32, #tpu.memory_space<vmem>>)
      } else {
      }
      %add3A_52 = arith.constant 1 : i32
      %add3A_53 = arith.addi %scan3A_49, %add3A_52 : i32
      %lt3A = arith.constant 20 : i32
      %lt3A_54 = arith.cmpi slt, %add3A_53, %lt3A : i32
      %convert_element_type3A_55 = arith.extui %lt3A_54 : i1 to i32
      %cond3A_56 = arith.constant 0 : i32
      %cond3A_57 = arith.cmpi ne, %convert_element_type3A_55, %cond3A_56 : i32
      scf.if %cond3A_57 {
        %add3A_86 = arith.constant 1 : i32
        %add3A_87 = arith.addi %scan3A_49, %add3A_86 : i32
        %rem3A_88 = arith.constant 2 : i32
        %rem3A_89 = arith.remsi %add3A_87, %rem3A_88 : i32
        %mul3A_90 = arith.constant 128 : i32
        %mul3A_91 = arith.muli %add3A_87, %mul3A_90 : i32
        %add3A_92 = arith.addi %multiple_of3A, %mul3A_91 : i32
        %multiple_of3A_93 = tpu.assume_multiple %add3A_92, 128 : i32
        %dma_start3A_94 = arith.constant 0 : i32
        %dma_start3A_95 = arith.constant 0 : i32
        %dma_start3A_96 = tpu.memref_slice %arg7[%rem3A_89, %dma_start3A_94, %dma_start3A_95] : memref<2x128x128xf32, #tpu.memory_space<vmem>> -> memref<1x128x128xf32, #tpu.memory_space<vmem>>
        %dma_start3A_97 = tpu.memref_squeeze %dma_start3A_96 : memref<1x128x128xf32, #tpu.memory_space<vmem>> -> memref<128x128xf32, #tpu.memory_space<vmem>>
        %dma_start3A_98 = arith.constant 0 : i32
        %dma_start3A_99 = tpu.memref_slice %arg2[%multiple_of3A_93, %dma_start3A_98] : memref<81920x128xf32, #tpu.memory_space<hbm>> -> memref<128x128xf32, #tpu.memory_space<hbm>>
        %dma_start3A_100 = arith.constant 0 : i32
        %dma_start3A_101 = arith.constant 0 : i32
        %dma_start3A_102 = tpu.memref_slice %arg7[%rem3A_89, %dma_start3A_100, %dma_start3A_101] : memref<2x128x128xf32, #tpu.memory_space<vmem>> -> memref<1x128x128xf32, #tpu.memory_space<vmem>>
        %dma_start3A_103 = tpu.memref_squeeze %dma_start3A_102 : memref<1x128x128xf32, #tpu.memory_space<vmem>> -> memref<128x128xf32, #tpu.memory_space<vmem>>
        %dma_start3A_104 = arith.constant 0 : i32
        %dma_start3A_105 = tpu.memref_slice %arg2[%multiple_of3A_93, %dma_start3A_104] : memref<81920x128xf32, #tpu.memory_space<hbm>> -> memref<128x128xf32, #tpu.memory_space<hbm>>
        tpu.enqueue_dma source(%dma_start3A_105 : memref<128x128xf32, #tpu.memory_space<hbm>>) target(%dma_start3A_103 : memref<128x128xf32, #tpu.memory_space<vmem>>) target_semaphore(%arg9 : memref<!tpu.dma_semaphore, #tpu.memory_space<semaphore_mem>>)
      } else {
      }
      %dma_wait3A_58 = arith.constant 0 : i32
      %dma_wait3A_59 = arith.constant 0 : i32
      %dma_wait3A_60 = arith.constant 0 : i32
      %dma_wait3A_61 = tpu.memref_slice %arg7[%dma_wait3A_58, %dma_wait3A_59, %dma_wait3A_60] : memref<2x128x128xf32, #tpu.memory_space<vmem>> -> memref<1x128x128xf32, #tpu.memory_space<vmem>>
      %dma_wait3A_62 = tpu.memref_squeeze %dma_wait3A_61 : memref<1x128x128xf32, #tpu.memory_space<vmem>> -> memref<128x128xf32, #tpu.memory_space<vmem>>
      %dma_wait3A_63 = arith.constant 0 : i32
      %dma_wait3A_64 = arith.constant 0 : i32
      %dma_wait3A_65 = tpu.memref_slice %arg2[%dma_wait3A_63, %dma_wait3A_64] : memref<81920x128xf32, #tpu.memory_space<hbm>> -> memref<128x128xf32, #tpu.memory_space<hbm>>
      %dma_wait3A_66 = arith.constant 0 : i32
      %dma_wait3A_67 = arith.constant 0 : i32
      %dma_wait3A_68 = tpu.memref_slice %arg7[%dma_wait3A_58, %dma_wait3A_66, %dma_wait3A_67] : memref<2x128x128xf32, #tpu.memory_space<vmem>> -> memref<1x128x128xf32, #tpu.memory_space<vmem>>
      %dma_wait3A_69 = tpu.memref_squeeze %dma_wait3A_68 : memref<1x128x128xf32, #tpu.memory_space<vmem>> -> memref<128x128xf32, #tpu.memory_space<vmem>>
      %dma_wait3A_70 = arith.constant 0 : i32
      %dma_wait3A_71 = arith.constant 0 : i32
      %dma_wait3A_72 = tpu.memref_slice %arg2[%dma_wait3A_70, %dma_wait3A_71] : memref<81920x128xf32, #tpu.memory_space<hbm>> -> memref<128x128xf32, #tpu.memory_space<hbm>>
      tpu.wait_dma2 semaphore(%arg9 : memref<!tpu.dma_semaphore, #tpu.memory_space<semaphore_mem>>) src(%dma_wait3A_72 : memref<128x128xf32, #tpu.memory_space<hbm>>) dst(%dma_wait3A_69 : memref<128x128xf32, #tpu.memory_space<vmem>>)
      %rem3A_73 = arith.constant 2 : i32
      %rem3A_74 = arith.remsi %scan3A_49, %rem3A_73 : i32
      %add3A_75 = arith.addi %scan3A_49, %rem3A_7 : i32
      %dma_start3A_76 = arith.constant 0 : i32
      %dma_start3A_77 = arith.constant 0 : i32
      %dma_start3A_78 = tpu.memref_slice %arg7[%rem3A_74, %dma_start3A_76, %dma_start3A_77] : memref<2x128x128xf32, #tpu.memory_space<vmem>> -> memref<1x128x128xf32, #tpu.memory_space<vmem>>
      %dma_start3A_79 = tpu.memref_squeeze %dma_start3A_78 : memref<1x128x128xf32, #tpu.memory_space<vmem>> -> memref<128x128xf32, #tpu.memory_space<vmem>>
      %dma_start3A_80 = arith.constant 0 : i32
      %dma_start3A_81 = tpu.memref_slice %arg6[%add3A_75, %dma_start3A_80] : memref<24x128xi32, #tpu.memory_space<vmem>> -> memref<1x128xi32, #tpu.memory_space<vmem>>
      %dma_start3A_82 = tpu.memref_squeeze %dma_start3A_81 : memref<1x128xi32, #tpu.memory_space<vmem>> -> memref<128xi32, #tpu.memory_space<vmem>>
      %dma_start3A_83 = arith.constant 0 : i32
      %dma_start3A_84 = arith.constant 0 : i32
      %dma_start3A_85 = tpu.memref_slice %arg8[%dma_start3A_83, %dma_start3A_84] : memref<10000x128xf32, #tpu.memory_space<vmem_shared>> -> memref<10000x128xf32, #tpu.memory_space<vmem_shared>>
      tpu.enqueue_indirect_dma source(%dma_start3A_79 : memref<128x128xf32, #tpu.memory_space<vmem>>) target(%dma_start3A_85 : memref<10000x128xf32, #tpu.memory_space<vmem_shared>>) offsets(%dma_start3A_82 : memref<128xi32, #tpu.memory_space<vmem>>) semaphore(%arg10 : memref<!tpu.dma_semaphore, #tpu.memory_space<semaphore_mem>>) {add = true}
    }
    %scan3A_30 = arith.constant 20 : i32
    %dma_wait3A = arith.constant 0 : i32
    %dma_wait3A_31 = arith.constant 0 : i32
    %dma_wait3A_32 = arith.constant 0 : i32
    %dma_wait3A_33 = tpu.memref_slice %arg7[%dma_wait3A, %dma_wait3A_31, %dma_wait3A_32] : memref<2x128x128xf32, #tpu.memory_space<vmem>> -> memref<1x128x128xf32, #tpu.memory_space<vmem>>
    %dma_wait3A_34 = tpu.memref_squeeze %dma_wait3A_33 : memref<1x128x128xf32, #tpu.memory_space<vmem>> -> memref<128x128xf32, #tpu.memory_space<vmem>>
    %dma_wait3A_35 = arith.constant 0 : i32
    %dma_wait3A_36 = arith.constant 0 : i32
    %dma_wait3A_37 = tpu.memref_slice %arg2[%dma_wait3A_35, %dma_wait3A_36] : memref<81920x128xf32, #tpu.memory_space<hbm>> -> memref<128x128xf32, #tpu.memory_space<hbm>>
    %dma_wait3A_38 = arith.constant 0 : i32
    %dma_wait3A_39 = arith.constant 0 : i32
    %dma_wait3A_40 = tpu.memref_slice %arg7[%dma_wait3A, %dma_wait3A_38, %dma_wait3A_39] : memref<2x128x128xf32, #tpu.memory_space<vmem>> -> memref<1x128x128xf32, #tpu.memory_space<vmem>>
    %dma_wait3A_41 = tpu.memref_squeeze %dma_wait3A_40 : memref<1x128x128xf32, #tpu.memory_space<vmem>> -> memref<128x128xf32, #tpu.memory_space<vmem>>
    %dma_wait3A_42 = arith.constant 0 : i32
    %dma_wait3A_43 = arith.constant 0 : i32
    %dma_wait3A_44 = tpu.memref_slice %arg2[%dma_wait3A_42, %dma_wait3A_43] : memref<81920x128xf32, #tpu.memory_space<hbm>> -> memref<128x128xf32, #tpu.memory_space<hbm>>
    tpu.wait_dma2 semaphore(%arg10 : memref<!tpu.dma_semaphore, #tpu.memory_space<semaphore_mem>>) src(%dma_wait3A_44 : memref<128x128xf32, #tpu.memory_space<hbm>>) dst(%dma_wait3A_41 : memref<128x128xf32, #tpu.memory_space<vmem>>)
    %barrier3A_45 = arith.constant 0 : index
    tpu.barrier barrier_id(%barrier3A_45)
    %mul3A_46 = arith.constant 10000 : i32
    %mul3A_47 = arith.muli %arg0, %mul3A_46 : i32
    %add3A_48 = arith.addi %mul3A_47, %mul3A_4 : i32
    "tpu.region"() ({
      %run_scoped3A = tpu.sem_alloc : memref<!tpu.dma_semaphore, #tpu.memory_space<semaphore_mem>>
      %dma_start3A_49 = arith.constant 0 : i32
      %dma_start3A_50 = tpu.memref_slice %arg5[%add3A_48, %dma_start3A_49] : memref<20000x128xf32, #tpu.memory_space<hbm>> -> memref<640x128xf32, #tpu.memory_space<hbm>>
      %dma_start3A_51 = arith.constant 0 : i32
      %dma_start3A_52 = tpu.memref_slice %arg8[%mul3A_4, %dma_start3A_51] : memref<10000x128xf32, #tpu.memory_space<vmem_shared>> -> memref<640x128xf32, #tpu.memory_space<vmem_shared>>
      tpu.enqueue_dma source(%dma_start3A_52 : memref<640x128xf32, #tpu.memory_space<vmem_shared>>) target(%dma_start3A_50 : memref<640x128xf32, #tpu.memory_space<hbm>>) target_semaphore(%run_scoped3A : memref<!tpu.dma_semaphore, #tpu.memory_space<semaphore_mem>>)
      %dma_wait3A_53 = arith.constant 0 : i32
      %dma_wait3A_54 = tpu.memref_slice %arg5[%add3A_48, %dma_wait3A_53] : memref<20000x128xf32, #tpu.memory_space<hbm>> -> memref<640x128xf32, #tpu.memory_space<hbm>>
      %dma_wait3A_55 = arith.constant 0 : i32
      %dma_wait3A_56 = tpu.memref_slice %arg8[%mul3A_4, %dma_wait3A_55] : memref<10000x128xf32, #tpu.memory_space<vmem_shared>> -> memref<640x128xf32, #tpu.memory_space<vmem_shared>>
      tpu.wait_dma2 semaphore(%run_scoped3A : memref<!tpu.dma_semaphore, #tpu.memory_space<semaphore_mem>>) src(%dma_wait3A_56 : memref<640x128xf32, #tpu.memory_space<vmem_shared>>) dst(%dma_wait3A_54 : memref<640x128xf32, #tpu.memory_space<hbm>>)
      tpu.yield
    }) : () -> ()
    return
  }
}

#map = affine_map<(d0, d1) -> (0, 0)>
#map1 = affine_map<(d0, d1) -> (0)>
module attributes {stable_mosaic.version = 14 : i64} {
  func.func @gather(%arg0: i32, %arg1: i32, %arg2: memref<10000x128xf32, #tpu.memory_space<hbm>>, %arg3: memref<160000xi32, #tpu.memory_space<hbm>>, %arg4: memref<81920x128xf32, #tpu.memory_space<hbm>>, %arg5: memref<2560xi32, #tpu.memory_space<vmem>>, %arg6: memref<6x128x128xf32, #tpu.memory_space<vmem>>, %arg7: memref<!tpu.dma_semaphore, #tpu.memory_space<semaphore_mem>>, %arg8: memref<!tpu.dma_semaphore, #tpu.memory_space<semaphore_mem>>) attributes {dimension_semantics = [#tpu.dimension_semantics<core_parallel>, #tpu.dimension_semantics<subcore_parallel>], iteration_bounds = array<i64: 2, 16>, scalar_prefetch = 0 : i64, scratch_operands = 4 : i64, tpu.core_type = #tpu.core_type<sc_vector_subcore>, window_params = [{transform_indices = #map}, {transform_indices = #map1}, {transform_indices = #map}]} {
    %mul3A = arith.constant 2 : i32
    %mul3A_0 = arith.muli %arg1, %mul3A : i32
    %add3A = arith.addi %mul3A_0, %arg0 : i32
    %mul3A_1 = arith.constant 2560 : i32
    %mul3A_2 = arith.muli %add3A, %mul3A_1 : i32
    %multiple_of3A = tpu.assume_multiple %mul3A_2, 2560 : i32
    "tpu.region"() ({
      %run_scoped3A = tpu.sem_alloc : memref<!tpu.dma_semaphore, #tpu.memory_space<semaphore_mem>>
      %dma_start3A_87 = tpu.memref_slice %arg3[%multiple_of3A] : memref<160000xi32, #tpu.memory_space<hbm>> -> memref<2560xi32, #tpu.memory_space<hbm>>
      %dma_start3A_88 = tpu.memref_slice %arg3[%multiple_of3A] : memref<160000xi32, #tpu.memory_space<hbm>> -> memref<2560xi32, #tpu.memory_space<hbm>>
      tpu.enqueue_dma source(%dma_start3A_88 : memref<2560xi32, #tpu.memory_space<hbm>>) target(%arg5 : memref<2560xi32, #tpu.memory_space<vmem>>) target_semaphore(%run_scoped3A : memref<!tpu.dma_semaphore, #tpu.memory_space<semaphore_mem>>)
      %dma_wait3A_89 = tpu.memref_slice %arg3[%multiple_of3A] : memref<160000xi32, #tpu.memory_space<hbm>> -> memref<2560xi32, #tpu.memory_space<hbm>>
      %dma_wait3A_90 = tpu.memref_slice %arg3[%multiple_of3A] : memref<160000xi32, #tpu.memory_space<hbm>> -> memref<2560xi32, #tpu.memory_space<hbm>>
      tpu.wait_dma2 semaphore(%run_scoped3A : memref<!tpu.dma_semaphore, #tpu.memory_space<semaphore_mem>>) src(%dma_wait3A_90 : memref<2560xi32, #tpu.memory_space<hbm>>) dst(%arg5 : memref<2560xi32, #tpu.memory_space<vmem>>)
      tpu.yield
    }) : () -> ()
    %rem3A = arith.constant 0 : i32
    %rem3A_3 = arith.constant 6 : i32
    %rem3A_4 = arith.remsi %rem3A, %rem3A_3 : i32
    %multiple_of3A_5 = arith.constant 0 : i32
    %multiple_of3A_6 = tpu.assume_multiple %multiple_of3A_5, 128 : i32
    %dma_start3A = arith.constant 0 : i32
    %dma_start3A_7 = arith.constant 0 : i32
    %dma_start3A_8 = tpu.memref_slice %arg6[%rem3A_4, %dma_start3A, %dma_start3A_7] : memref<6x128x128xf32, #tpu.memory_space<vmem>> -> memref<1x128x128xf32, #tpu.memory_space<vmem>>
    %dma_start3A_9 = tpu.memref_squeeze %dma_start3A_8 : memref<1x128x128xf32, #tpu.memory_space<vmem>> -> memref<128x128xf32, #tpu.memory_space<vmem>>
    %dma_start3A_10 = tpu.memref_slice %arg5[%multiple_of3A_6] : memref<2560xi32, #tpu.memory_space<vmem>> -> memref<128xi32, #tpu.memory_space<vmem>>
    %dma_start3A_11 = arith.constant 0 : i32
    %dma_start3A_12 = arith.constant 0 : i32
    %dma_start3A_13 = tpu.memref_slice %arg2[%dma_start3A_11, %dma_start3A_12] : memref<10000x128xf32, #tpu.memory_space<hbm>> -> memref<10000x128xf32, #tpu.memory_space<hbm>>
    tpu.enqueue_indirect_dma source(%dma_start3A_13 : memref<10000x128xf32, #tpu.memory_space<hbm>>) target(%dma_start3A_9 : memref<128x128xf32, #tpu.memory_space<vmem>>) offsets(%dma_start3A_10 : memref<128xi32, #tpu.memory_space<vmem>>) semaphore(%arg7 : memref<!tpu.dma_semaphore, #tpu.memory_space<semaphore_mem>>)
    %rem3A_14 = arith.constant 1 : i32
    %rem3A_15 = arith.constant 6 : i32
    %rem3A_16 = arith.remsi %rem3A_14, %rem3A_15 : i32
    %multiple_of3A_17 = arith.constant 128 : i32
    %multiple_of3A_18 = tpu.assume_multiple %multiple_of3A_17, 128 : i32
    %dma_start3A_19 = arith.constant 0 : i32
    %dma_start3A_20 = arith.constant 0 : i32
    %dma_start3A_21 = tpu.memref_slice %arg6[%rem3A_16, %dma_start3A_19, %dma_start3A_20] : memref<6x128x128xf32, #tpu.memory_space<vmem>> -> memref<1x128x128xf32, #tpu.memory_space<vmem>>
    %dma_start3A_22 = tpu.memref_squeeze %dma_start3A_21 : memref<1x128x128xf32, #tpu.memory_space<vmem>> -> memref<128x128xf32, #tpu.memory_space<vmem>>
    %dma_start3A_23 = tpu.memref_slice %arg5[%multiple_of3A_18] : memref<2560xi32, #tpu.memory_space<vmem>> -> memref<128xi32, #tpu.memory_space<vmem>>
    %dma_start3A_24 = arith.constant 0 : i32
    %dma_start3A_25 = arith.constant 0 : i32
    %dma_start3A_26 = tpu.memref_slice %arg2[%dma_start3A_24, %dma_start3A_25] : memref<10000x128xf32, #tpu.memory_space<hbm>> -> memref<10000x128xf32, #tpu.memory_space<hbm>>
    tpu.enqueue_indirect_dma source(%dma_start3A_26 : memref<10000x128xf32, #tpu.memory_space<hbm>>) target(%dma_start3A_22 : memref<128x128xf32, #tpu.memory_space<vmem>>) offsets(%dma_start3A_23 : memref<128xi32, #tpu.memory_space<vmem>>) semaphore(%arg7 : memref<!tpu.dma_semaphore, #tpu.memory_space<semaphore_mem>>)
    %rem3A_27 = arith.constant 2 : i32
    %rem3A_28 = arith.constant 6 : i32
    %rem3A_29 = arith.remsi %rem3A_27, %rem3A_28 : i32
    %multiple_of3A_30 = arith.constant 256 : i32
    %multiple_of3A_31 = tpu.assume_multiple %multiple_of3A_30, 128 : i32
    %dma_start3A_32 = arith.constant 0 : i32
    %dma_start3A_33 = arith.constant 0 : i32
    %dma_start3A_34 = tpu.memref_slice %arg6[%rem3A_29, %dma_start3A_32, %dma_start3A_33] : memref<6x128x128xf32, #tpu.memory_space<vmem>> -> memref<1x128x128xf32, #tpu.memory_space<vmem>>
    %dma_start3A_35 = tpu.memref_squeeze %dma_start3A_34 : memref<1x128x128xf32, #tpu.memory_space<vmem>> -> memref<128x128xf32, #tpu.memory_space<vmem>>
    %dma_start3A_36 = tpu.memref_slice %arg5[%multiple_of3A_31] : memref<2560xi32, #tpu.memory_space<vmem>> -> memref<128xi32, #tpu.memory_space<vmem>>
    %dma_start3A_37 = arith.constant 0 : i32
    %dma_start3A_38 = arith.constant 0 : i32
    %dma_start3A_39 = tpu.memref_slice %arg2[%dma_start3A_37, %dma_start3A_38] : memref<10000x128xf32, #tpu.memory_space<hbm>> -> memref<10000x128xf32, #tpu.memory_space<hbm>>
    tpu.enqueue_indirect_dma source(%dma_start3A_39 : memref<10000x128xf32, #tpu.memory_space<hbm>>) target(%dma_start3A_35 : memref<128x128xf32, #tpu.memory_space<vmem>>) offsets(%dma_start3A_36 : memref<128xi32, #tpu.memory_space<vmem>>) semaphore(%arg7 : memref<!tpu.dma_semaphore, #tpu.memory_space<semaphore_mem>>)
    %rem3A_40 = arith.constant 3 : i32
    %rem3A_41 = arith.constant 6 : i32
    %rem3A_42 = arith.remsi %rem3A_40, %rem3A_41 : i32
    %multiple_of3A_43 = arith.constant 384 : i32
    %multiple_of3A_44 = tpu.assume_multiple %multiple_of3A_43, 128 : i32
    %dma_start3A_45 = arith.constant 0 : i32
    %dma_start3A_46 = arith.constant 0 : i32
    %dma_start3A_47 = tpu.memref_slice %arg6[%rem3A_42, %dma_start3A_45, %dma_start3A_46] : memref<6x128x128xf32, #tpu.memory_space<vmem>> -> memref<1x128x128xf32, #tpu.memory_space<vmem>>
    %dma_start3A_48 = tpu.memref_squeeze %dma_start3A_47 : memref<1x128x128xf32, #tpu.memory_space<vmem>> -> memref<128x128xf32, #tpu.memory_space<vmem>>
    %dma_start3A_49 = tpu.memref_slice %arg5[%multiple_of3A_44] : memref<2560xi32, #tpu.memory_space<vmem>> -> memref<128xi32, #tpu.memory_space<vmem>>
    %dma_start3A_50 = arith.constant 0 : i32
    %dma_start3A_51 = arith.constant 0 : i32
    %dma_start3A_52 = tpu.memref_slice %arg2[%dma_start3A_50, %dma_start3A_51] : memref<10000x128xf32, #tpu.memory_space<hbm>> -> memref<10000x128xf32, #tpu.memory_space<hbm>>
    tpu.enqueue_indirect_dma source(%dma_start3A_52 : memref<10000x128xf32, #tpu.memory_space<hbm>>) target(%dma_start3A_48 : memref<128x128xf32, #tpu.memory_space<vmem>>) offsets(%dma_start3A_49 : memref<128xi32, #tpu.memory_space<vmem>>) semaphore(%arg7 : memref<!tpu.dma_semaphore, #tpu.memory_space<semaphore_mem>>)
    %scan3A = arith.constant 0 : i32
    %scan3A_53 = arith.constant 0 : i32
    %scan3A_54 = arith.constant 20 : i32
    %scan3A_55 = arith.addi %scan3A_53, %scan3A_54 : i32
    %scan3A_56 = arith.constant 1 : i32
    scf.for %scan3A_87 = %scan3A_53 to %scan3A_55 step %scan3A_56  : i32 {
      %ge3A = arith.constant 2 : i32
      %ge3A_88 = arith.cmpi sge, %scan3A_87, %ge3A : i32
      %convert_element_type3A = arith.extui %ge3A_88 : i1 to i32
      %cond3A = arith.constant 0 : i32
      %cond3A_89 = arith.cmpi ne, %convert_element_type3A, %cond3A : i32
      scf.if %cond3A_89 {
        %dma_wait3A_129 = arith.constant 0 : i32
        %dma_wait3A_130 = arith.constant 0 : i32
        %dma_wait3A_131 = arith.constant 0 : i32
        %dma_wait3A_132 = tpu.memref_slice %arg6[%dma_wait3A_129, %dma_wait3A_130, %dma_wait3A_131] : memref<6x128x128xf32, #tpu.memory_space<vmem>> -> memref<1x128x128xf32, #tpu.memory_space<vmem>>
        %dma_wait3A_133 = tpu.memref_squeeze %dma_wait3A_132 : memref<1x128x128xf32, #tpu.memory_space<vmem>> -> memref<128x128xf32, #tpu.memory_space<vmem>>
        %dma_wait3A_134 = arith.constant 0 : i32
        %dma_wait3A_135 = arith.constant 0 : i32
        %dma_wait3A_136 = tpu.memref_slice %arg4[%dma_wait3A_134, %dma_wait3A_135] : memref<81920x128xf32, #tpu.memory_space<hbm>> -> memref<128x128xf32, #tpu.memory_space<hbm>>
        %dma_wait3A_137 = arith.constant 0 : i32
        %dma_wait3A_138 = arith.constant 0 : i32
        %dma_wait3A_139 = tpu.memref_slice %arg6[%dma_wait3A_129, %dma_wait3A_137, %dma_wait3A_138] : memref<6x128x128xf32, #tpu.memory_space<vmem>> -> memref<1x128x128xf32, #tpu.memory_space<vmem>>
        %dma_wait3A_140 = tpu.memref_squeeze %dma_wait3A_139 : memref<1x128x128xf32, #tpu.memory_space<vmem>> -> memref<128x128xf32, #tpu.memory_space<vmem>>
        %dma_wait3A_141 = arith.constant 0 : i32
        %dma_wait3A_142 = arith.constant 0 : i32
        %dma_wait3A_143 = tpu.memref_slice %arg4[%dma_wait3A_141, %dma_wait3A_142] : memref<81920x128xf32, #tpu.memory_space<hbm>> -> memref<128x128xf32, #tpu.memory_space<hbm>>
        tpu.wait_dma2 semaphore(%arg8 : memref<!tpu.dma_semaphore, #tpu.memory_space<semaphore_mem>>) src(%dma_wait3A_143 : memref<128x128xf32, #tpu.memory_space<hbm>>) dst(%dma_wait3A_140 : memref<128x128xf32, #tpu.memory_space<vmem>>)
      } else {
      }
      %add3A_90 = arith.constant 4 : i32
      %add3A_91 = arith.addi %scan3A_87, %add3A_90 : i32
      %lt3A = arith.constant 20 : i32
      %lt3A_92 = arith.cmpi slt, %add3A_91, %lt3A : i32
      %convert_element_type3A_93 = arith.extui %lt3A_92 : i1 to i32
      %cond3A_94 = arith.constant 0 : i32
      %cond3A_95 = arith.cmpi ne, %convert_element_type3A_93, %cond3A_94 : i32
      scf.if %cond3A_95 {
        %add3A_129 = arith.constant 4 : i32
        %add3A_130 = arith.addi %scan3A_87, %add3A_129 : i32
        %rem3A_131 = arith.constant 6 : i32
        %rem3A_132 = arith.remsi %add3A_130, %rem3A_131 : i32
        %mul3A_133 = arith.constant 128 : i32
        %mul3A_134 = arith.muli %add3A_130, %mul3A_133 : i32
        %multiple_of3A_135 = tpu.assume_multiple %mul3A_134, 128 : i32
        %dma_start3A_136 = arith.constant 0 : i32
        %dma_start3A_137 = arith.constant 0 : i32
        %dma_start3A_138 = tpu.memref_slice %arg6[%rem3A_132, %dma_start3A_136, %dma_start3A_137] : memref<6x128x128xf32, #tpu.memory_space<vmem>> -> memref<1x128x128xf32, #tpu.memory_space<vmem>>
        %dma_start3A_139 = tpu.memref_squeeze %dma_start3A_138 : memref<1x128x128xf32, #tpu.memory_space<vmem>> -> memref<128x128xf32, #tpu.memory_space<vmem>>
        %dma_start3A_140 = tpu.memref_slice %arg5[%multiple_of3A_135] : memref<2560xi32, #tpu.memory_space<vmem>> -> memref<128xi32, #tpu.memory_space<vmem>>
        %dma_start3A_141 = arith.constant 0 : i32
        %dma_start3A_142 = arith.constant 0 : i32
        %dma_start3A_143 = tpu.memref_slice %arg2[%dma_start3A_141, %dma_start3A_142] : memref<10000x128xf32, #tpu.memory_space<hbm>> -> memref<10000x128xf32, #tpu.memory_space<hbm>>
        tpu.enqueue_indirect_dma source(%dma_start3A_143 : memref<10000x128xf32, #tpu.memory_space<hbm>>) target(%dma_start3A_139 : memref<128x128xf32, #tpu.memory_space<vmem>>) offsets(%dma_start3A_140 : memref<128xi32, #tpu.memory_space<vmem>>) semaphore(%arg7 : memref<!tpu.dma_semaphore, #tpu.memory_space<semaphore_mem>>)
      } else {
      }
      %dma_wait3A_96 = arith.constant 0 : i32
      %dma_wait3A_97 = arith.constant 0 : i32
      %dma_wait3A_98 = arith.constant 0 : i32
      %dma_wait3A_99 = tpu.memref_slice %arg6[%dma_wait3A_96, %dma_wait3A_97, %dma_wait3A_98] : memref<6x128x128xf32, #tpu.memory_space<vmem>> -> memref<1x128x128xf32, #tpu.memory_space<vmem>>
      %dma_wait3A_100 = tpu.memref_squeeze %dma_wait3A_99 : memref<1x128x128xf32, #tpu.memory_space<vmem>> -> memref<128x128xf32, #tpu.memory_space<vmem>>
      %dma_wait3A_101 = arith.constant 0 : i32
      %dma_wait3A_102 = arith.constant 0 : i32
      %dma_wait3A_103 = tpu.memref_slice %arg4[%dma_wait3A_101, %dma_wait3A_102] : memref<81920x128xf32, #tpu.memory_space<hbm>> -> memref<128x128xf32, #tpu.memory_space<hbm>>
      %dma_wait3A_104 = arith.constant 0 : i32
      %dma_wait3A_105 = arith.constant 0 : i32
      %dma_wait3A_106 = tpu.memref_slice %arg6[%dma_wait3A_96, %dma_wait3A_104, %dma_wait3A_105] : memref<6x128x128xf32, #tpu.memory_space<vmem>> -> memref<1x128x128xf32, #tpu.memory_space<vmem>>
      %dma_wait3A_107 = tpu.memref_squeeze %dma_wait3A_106 : memref<1x128x128xf32, #tpu.memory_space<vmem>> -> memref<128x128xf32, #tpu.memory_space<vmem>>
      %dma_wait3A_108 = arith.constant 0 : i32
      %dma_wait3A_109 = arith.constant 0 : i32
      %dma_wait3A_110 = tpu.memref_slice %arg4[%dma_wait3A_108, %dma_wait3A_109] : memref<81920x128xf32, #tpu.memory_space<hbm>> -> memref<128x128xf32, #tpu.memory_space<hbm>>
      tpu.wait_dma2 semaphore(%arg7 : memref<!tpu.dma_semaphore, #tpu.memory_space<semaphore_mem>>) src(%dma_wait3A_110 : memref<128x128xf32, #tpu.memory_space<hbm>>) dst(%dma_wait3A_107 : memref<128x128xf32, #tpu.memory_space<vmem>>)
      %rem3A_111 = arith.constant 6 : i32
      %rem3A_112 = arith.remsi %scan3A_87, %rem3A_111 : i32
      %mul3A_113 = arith.constant 128 : i32
      %mul3A_114 = arith.muli %scan3A_87, %mul3A_113 : i32
      %add3A_115 = arith.addi %multiple_of3A, %mul3A_114 : i32
      %multiple_of3A_116 = tpu.assume_multiple %add3A_115, 128 : i32
      %dma_start3A_117 = arith.constant 0 : i32
      %dma_start3A_118 = arith.constant 0 : i32
      %dma_start3A_119 = tpu.memref_slice %arg6[%rem3A_112, %dma_start3A_117, %dma_start3A_118] : memref<6x128x128xf32, #tpu.memory_space<vmem>> -> memref<1x128x128xf32, #tpu.memory_space<vmem>>
      %dma_start3A_120 = tpu.memref_squeeze %dma_start3A_119 : memref<1x128x128xf32, #tpu.memory_space<vmem>> -> memref<128x128xf32, #tpu.memory_space<vmem>>
      %dma_start3A_121 = arith.constant 0 : i32
      %dma_start3A_122 = tpu.memref_slice %arg4[%multiple_of3A_116, %dma_start3A_121] : memref<81920x128xf32, #tpu.memory_space<hbm>> -> memref<128x128xf32, #tpu.memory_space<hbm>>
      %dma_start3A_123 = arith.constant 0 : i32
      %dma_start3A_124 = tpu.memref_slice %arg4[%multiple_of3A_116, %dma_start3A_123] : memref<81920x128xf32, #tpu.memory_space<hbm>> -> memref<128x128xf32, #tpu.memory_space<hbm>>
      %dma_start3A_125 = arith.constant 0 : i32
      %dma_start3A_126 = arith.constant 0 : i32
      %dma_start3A_127 = tpu.memref_slice %arg6[%rem3A_112, %dma_start3A_125, %dma_start3A_126] : memref<6x128x128xf32, #tpu.memory_space<vmem>> -> memref<1x128x128xf32, #tpu.memory_space<vmem>>
      %dma_start3A_128 = tpu.memref_squeeze %dma_start3A_127 : memref<1x128x128xf32, #tpu.memory_space<vmem>> -> memref<128x128xf32, #tpu.memory_space<vmem>>
      tpu.enqueue_dma source(%dma_start3A_128 : memref<128x128xf32, #tpu.memory_space<vmem>>) target(%dma_start3A_124 : memref<128x128xf32, #tpu.memory_space<hbm>>) target_semaphore(%arg8 : memref<!tpu.dma_semaphore, #tpu.memory_space<semaphore_mem>>)
    }
    %scan3A_57 = arith.constant 20 : i32
    %dma_wait3A = arith.constant 0 : i32
    %dma_wait3A_58 = arith.constant 0 : i32
    %dma_wait3A_59 = arith.constant 0 : i32
    %dma_wait3A_60 = tpu.memref_slice %arg6[%dma_wait3A, %dma_wait3A_58, %dma_wait3A_59] : memref<6x128x128xf32, #tpu.memory_space<vmem>> -> memref<1x128x128xf32, #tpu.memory_space<vmem>>
    %dma_wait3A_61 = tpu.memref_squeeze %dma_wait3A_60 : memref<1x128x128xf32, #tpu.memory_space<vmem>> -> memref<128x128xf32, #tpu.memory_space<vmem>>
    %dma_wait3A_62 = arith.constant 0 : i32
    %dma_wait3A_63 = arith.constant 0 : i32
    %dma_wait3A_64 = tpu.memref_slice %arg4[%dma_wait3A_62, %dma_wait3A_63] : memref<81920x128xf32, #tpu.memory_space<hbm>> -> memref<128x128xf32, #tpu.memory_space<hbm>>
    %dma_wait3A_65 = arith.constant 0 : i32
    %dma_wait3A_66 = arith.constant 0 : i32
    %dma_wait3A_67 = tpu.memref_slice %arg6[%dma_wait3A, %dma_wait3A_65, %dma_wait3A_66] : memref<6x128x128xf32, #tpu.memory_space<vmem>> -> memref<1x128x128xf32, #tpu.memory_space<vmem>>
    %dma_wait3A_68 = tpu.memref_squeeze %dma_wait3A_67 : memref<1x128x128xf32, #tpu.memory_space<vmem>> -> memref<128x128xf32, #tpu.memory_space<vmem>>
    %dma_wait3A_69 = arith.constant 0 : i32
    %dma_wait3A_70 = arith.constant 0 : i32
    %dma_wait3A_71 = tpu.memref_slice %arg4[%dma_wait3A_69, %dma_wait3A_70] : memref<81920x128xf32, #tpu.memory_space<hbm>> -> memref<128x128xf32, #tpu.memory_space<hbm>>
    tpu.wait_dma2 semaphore(%arg8 : memref<!tpu.dma_semaphore, #tpu.memory_space<semaphore_mem>>) src(%dma_wait3A_71 : memref<128x128xf32, #tpu.memory_space<hbm>>) dst(%dma_wait3A_68 : memref<128x128xf32, #tpu.memory_space<vmem>>)
    %dma_wait3A_72 = arith.constant 0 : i32
    %dma_wait3A_73 = arith.constant 0 : i32
    %dma_wait3A_74 = arith.constant 0 : i32
    %dma_wait3A_75 = tpu.memref_slice %arg6[%dma_wait3A_72, %dma_wait3A_73, %dma_wait3A_74] : memref<6x128x128xf32, #tpu.memory_space<vmem>> -> memref<1x128x128xf32, #tpu.memory_space<vmem>>
    %dma_wait3A_76 = tpu.memref_squeeze %dma_wait3A_75 : memref<1x128x128xf32, #tpu.memory_space<vmem>> -> memref<128x128xf32, #tpu.memory_space<vmem>>
    %dma_wait3A_77 = arith.constant 0 : i32
    %dma_wait3A_78 = arith.constant 0 : i32
    %dma_wait3A_79 = tpu.memref_slice %arg4[%dma_wait3A_77, %dma_wait3A_78] : memref<81920x128xf32, #tpu.memory_space<hbm>> -> memref<128x128xf32, #tpu.memory_space<hbm>>
    %dma_wait3A_80 = arith.constant 0 : i32
    %dma_wait3A_81 = arith.constant 0 : i32
    %dma_wait3A_82 = tpu.memref_slice %arg6[%dma_wait3A_72, %dma_wait3A_80, %dma_wait3A_81] : memref<6x128x128xf32, #tpu.memory_space<vmem>> -> memref<1x128x128xf32, #tpu.memory_space<vmem>>
    %dma_wait3A_83 = tpu.memref_squeeze %dma_wait3A_82 : memref<1x128x128xf32, #tpu.memory_space<vmem>> -> memref<128x128xf32, #tpu.memory_space<vmem>>
    %dma_wait3A_84 = arith.constant 0 : i32
    %dma_wait3A_85 = arith.constant 0 : i32
    %dma_wait3A_86 = tpu.memref_slice %arg4[%dma_wait3A_84, %dma_wait3A_85] : memref<81920x128xf32, #tpu.memory_space<hbm>> -> memref<128x128xf32, #tpu.memory_space<hbm>>
    tpu.wait_dma2 semaphore(%arg8 : memref<!tpu.dma_semaphore, #tpu.memory_space<semaphore_mem>>) src(%dma_wait3A_86 : memref<128x128xf32, #tpu.memory_space<hbm>>) dst(%dma_wait3A_83 : memref<128x128xf32, #tpu.memory_space<vmem>>)
    return
  }
}

#map = affine_map<(d0, d1) -> (0, 0)>
#map1 = affine_map<(d0, d1) -> (0)>
module attributes {stable_mosaic.version = 14 : i64} {
  func.func @gather(%arg0: i32, %arg1: i32, %arg2: memref<10000x128xf32, #tpu.memory_space<hbm>>, %arg3: memref<81920xi32, #tpu.memory_space<hbm>>, %arg4: memref<81920x128xf32, #tpu.memory_space<hbm>>, %arg5: memref<2560xi32, #tpu.memory_space<vmem>>, %arg6: memref<6x128x128xf32, #tpu.memory_space<vmem>>, %arg7: memref<!tpu.dma_semaphore, #tpu.memory_space<semaphore_mem>>, %arg8: memref<!tpu.dma_semaphore, #tpu.memory_space<semaphore_mem>>) attributes {dimension_semantics = [#tpu.dimension_semantics<core_parallel>, #tpu.dimension_semantics<subcore_parallel>], iteration_bounds = array<i64: 2, 16>, scalar_prefetch = 0 : i64, scratch_operands = 4 : i64, tpu.core_type = #tpu.core_type<sc_vector_subcore>, window_params = [{transform_indices = #map}, {transform_indices = #map1}, {transform_indices = #map}]} {
    %mul3A = arith.constant 2 : i32
    %mul3A_0 = arith.muli %arg1, %mul3A : i32
    %add3A = arith.addi %mul3A_0, %arg0 : i32
    %mul3A_1 = arith.constant 2560 : i32
    %mul3A_2 = arith.muli %add3A, %mul3A_1 : i32
    %multiple_of3A = tpu.assume_multiple %mul3A_2, 2560 : i32
    "tpu.region"() ({
      %run_scoped3A = tpu.sem_alloc : memref<!tpu.dma_semaphore, #tpu.memory_space<semaphore_mem>>
      %dma_start3A_87 = tpu.memref_slice %arg3[%multiple_of3A] : memref<81920xi32, #tpu.memory_space<hbm>> -> memref<2560xi32, #tpu.memory_space<hbm>>
      %dma_start3A_88 = tpu.memref_slice %arg3[%multiple_of3A] : memref<81920xi32, #tpu.memory_space<hbm>> -> memref<2560xi32, #tpu.memory_space<hbm>>
      tpu.enqueue_dma source(%dma_start3A_88 : memref<2560xi32, #tpu.memory_space<hbm>>) target(%arg5 : memref<2560xi32, #tpu.memory_space<vmem>>) target_semaphore(%run_scoped3A : memref<!tpu.dma_semaphore, #tpu.memory_space<semaphore_mem>>)
      %dma_wait3A_89 = tpu.memref_slice %arg3[%multiple_of3A] : memref<81920xi32, #tpu.memory_space<hbm>> -> memref<2560xi32, #tpu.memory_space<hbm>>
      %dma_wait3A_90 = tpu.memref_slice %arg3[%multiple_of3A] : memref<81920xi32, #tpu.memory_space<hbm>> -> memref<2560xi32, #tpu.memory_space<hbm>>
      tpu.wait_dma2 semaphore(%run_scoped3A : memref<!tpu.dma_semaphore, #tpu.memory_space<semaphore_mem>>) src(%dma_wait3A_90 : memref<2560xi32, #tpu.memory_space<hbm>>) dst(%arg5 : memref<2560xi32, #tpu.memory_space<vmem>>)
      tpu.yield
    }) : () -> ()
    %rem3A = arith.constant 0 : i32
    %rem3A_3 = arith.constant 6 : i32
    %rem3A_4 = arith.remsi %rem3A, %rem3A_3 : i32
    %multiple_of3A_5 = arith.constant 0 : i32
    %multiple_of3A_6 = tpu.assume_multiple %multiple_of3A_5, 128 : i32
    %dma_start3A = arith.constant 0 : i32
    %dma_start3A_7 = arith.constant 0 : i32
    %dma_start3A_8 = tpu.memref_slice %arg6[%rem3A_4, %dma_start3A, %dma_start3A_7] : memref<6x128x128xf32, #tpu.memory_space<vmem>> -> memref<1x128x128xf32, #tpu.memory_space<vmem>>
    %dma_start3A_9 = tpu.memref_squeeze %dma_start3A_8 : memref<1x128x128xf32, #tpu.memory_space<vmem>> -> memref<128x128xf32, #tpu.memory_space<vmem>>
    %dma_start3A_10 = tpu.memref_slice %arg5[%multiple_of3A_6] : memref<2560xi32, #tpu.memory_space<vmem>> -> memref<128xi32, #tpu.memory_space<vmem>>
    %dma_start3A_11 = arith.constant 0 : i32
    %dma_start3A_12 = arith.constant 0 : i32
    %dma_start3A_13 = tpu.memref_slice %arg2[%dma_start3A_11, %dma_start3A_12] : memref<10000x128xf32, #tpu.memory_space<hbm>> -> memref<10000x128xf32, #tpu.memory_space<hbm>>
    tpu.enqueue_indirect_dma source(%dma_start3A_13 : memref<10000x128xf32, #tpu.memory_space<hbm>>) target(%dma_start3A_9 : memref<128x128xf32, #tpu.memory_space<vmem>>) offsets(%dma_start3A_10 : memref<128xi32, #tpu.memory_space<vmem>>) semaphore(%arg7 : memref<!tpu.dma_semaphore, #tpu.memory_space<semaphore_mem>>)
    %rem3A_14 = arith.constant 1 : i32
    %rem3A_15 = arith.constant 6 : i32
    %rem3A_16 = arith.remsi %rem3A_14, %rem3A_15 : i32
    %multiple_of3A_17 = arith.constant 128 : i32
    %multiple_of3A_18 = tpu.assume_multiple %multiple_of3A_17, 128 : i32
    %dma_start3A_19 = arith.constant 0 : i32
    %dma_start3A_20 = arith.constant 0 : i32
    %dma_start3A_21 = tpu.memref_slice %arg6[%rem3A_16, %dma_start3A_19, %dma_start3A_20] : memref<6x128x128xf32, #tpu.memory_space<vmem>> -> memref<1x128x128xf32, #tpu.memory_space<vmem>>
    %dma_start3A_22 = tpu.memref_squeeze %dma_start3A_21 : memref<1x128x128xf32, #tpu.memory_space<vmem>> -> memref<128x128xf32, #tpu.memory_space<vmem>>
    %dma_start3A_23 = tpu.memref_slice %arg5[%multiple_of3A_18] : memref<2560xi32, #tpu.memory_space<vmem>> -> memref<128xi32, #tpu.memory_space<vmem>>
    %dma_start3A_24 = arith.constant 0 : i32
    %dma_start3A_25 = arith.constant 0 : i32
    %dma_start3A_26 = tpu.memref_slice %arg2[%dma_start3A_24, %dma_start3A_25] : memref<10000x128xf32, #tpu.memory_space<hbm>> -> memref<10000x128xf32, #tpu.memory_space<hbm>>
    tpu.enqueue_indirect_dma source(%dma_start3A_26 : memref<10000x128xf32, #tpu.memory_space<hbm>>) target(%dma_start3A_22 : memref<128x128xf32, #tpu.memory_space<vmem>>) offsets(%dma_start3A_23 : memref<128xi32, #tpu.memory_space<vmem>>) semaphore(%arg7 : memref<!tpu.dma_semaphore, #tpu.memory_space<semaphore_mem>>)
    %rem3A_27 = arith.constant 2 : i32
    %rem3A_28 = arith.constant 6 : i32
    %rem3A_29 = arith.remsi %rem3A_27, %rem3A_28 : i32
    %multiple_of3A_30 = arith.constant 256 : i32
    %multiple_of3A_31 = tpu.assume_multiple %multiple_of3A_30, 128 : i32
    %dma_start3A_32 = arith.constant 0 : i32
    %dma_start3A_33 = arith.constant 0 : i32
    %dma_start3A_34 = tpu.memref_slice %arg6[%rem3A_29, %dma_start3A_32, %dma_start3A_33] : memref<6x128x128xf32, #tpu.memory_space<vmem>> -> memref<1x128x128xf32, #tpu.memory_space<vmem>>
    %dma_start3A_35 = tpu.memref_squeeze %dma_start3A_34 : memref<1x128x128xf32, #tpu.memory_space<vmem>> -> memref<128x128xf32, #tpu.memory_space<vmem>>
    %dma_start3A_36 = tpu.memref_slice %arg5[%multiple_of3A_31] : memref<2560xi32, #tpu.memory_space<vmem>> -> memref<128xi32, #tpu.memory_space<vmem>>
    %dma_start3A_37 = arith.constant 0 : i32
    %dma_start3A_38 = arith.constant 0 : i32
    %dma_start3A_39 = tpu.memref_slice %arg2[%dma_start3A_37, %dma_start3A_38] : memref<10000x128xf32, #tpu.memory_space<hbm>> -> memref<10000x128xf32, #tpu.memory_space<hbm>>
    tpu.enqueue_indirect_dma source(%dma_start3A_39 : memref<10000x128xf32, #tpu.memory_space<hbm>>) target(%dma_start3A_35 : memref<128x128xf32, #tpu.memory_space<vmem>>) offsets(%dma_start3A_36 : memref<128xi32, #tpu.memory_space<vmem>>) semaphore(%arg7 : memref<!tpu.dma_semaphore, #tpu.memory_space<semaphore_mem>>)
    %rem3A_40 = arith.constant 3 : i32
    %rem3A_41 = arith.constant 6 : i32
    %rem3A_42 = arith.remsi %rem3A_40, %rem3A_41 : i32
    %multiple_of3A_43 = arith.constant 384 : i32
    %multiple_of3A_44 = tpu.assume_multiple %multiple_of3A_43, 128 : i32
    %dma_start3A_45 = arith.constant 0 : i32
    %dma_start3A_46 = arith.constant 0 : i32
    %dma_start3A_47 = tpu.memref_slice %arg6[%rem3A_42, %dma_start3A_45, %dma_start3A_46] : memref<6x128x128xf32, #tpu.memory_space<vmem>> -> memref<1x128x128xf32, #tpu.memory_space<vmem>>
    %dma_start3A_48 = tpu.memref_squeeze %dma_start3A_47 : memref<1x128x128xf32, #tpu.memory_space<vmem>> -> memref<128x128xf32, #tpu.memory_space<vmem>>
    %dma_start3A_49 = tpu.memref_slice %arg5[%multiple_of3A_44] : memref<2560xi32, #tpu.memory_space<vmem>> -> memref<128xi32, #tpu.memory_space<vmem>>
    %dma_start3A_50 = arith.constant 0 : i32
    %dma_start3A_51 = arith.constant 0 : i32
    %dma_start3A_52 = tpu.memref_slice %arg2[%dma_start3A_50, %dma_start3A_51] : memref<10000x128xf32, #tpu.memory_space<hbm>> -> memref<10000x128xf32, #tpu.memory_space<hbm>>
    tpu.enqueue_indirect_dma source(%dma_start3A_52 : memref<10000x128xf32, #tpu.memory_space<hbm>>) target(%dma_start3A_48 : memref<128x128xf32, #tpu.memory_space<vmem>>) offsets(%dma_start3A_49 : memref<128xi32, #tpu.memory_space<vmem>>) semaphore(%arg7 : memref<!tpu.dma_semaphore, #tpu.memory_space<semaphore_mem>>)
    %scan3A = arith.constant 0 : i32
    %scan3A_53 = arith.constant 0 : i32
    %scan3A_54 = arith.constant 20 : i32
    %scan3A_55 = arith.addi %scan3A_53, %scan3A_54 : i32
    %scan3A_56 = arith.constant 1 : i32
    scf.for %scan3A_87 = %scan3A_53 to %scan3A_55 step %scan3A_56  : i32 {
      %ge3A = arith.constant 2 : i32
      %ge3A_88 = arith.cmpi sge, %scan3A_87, %ge3A : i32
      %convert_element_type3A = arith.extui %ge3A_88 : i1 to i32
      %cond3A = arith.constant 0 : i32
      %cond3A_89 = arith.cmpi ne, %convert_element_type3A, %cond3A : i32
      scf.if %cond3A_89 {
        %dma_wait3A_129 = arith.constant 0 : i32
        %dma_wait3A_130 = arith.constant 0 : i32
        %dma_wait3A_131 = arith.constant 0 : i32
        %dma_wait3A_132 = tpu.memref_slice %arg6[%dma_wait3A_129, %dma_wait3A_130, %dma_wait3A_131] : memref<6x128x128xf32, #tpu.memory_space<vmem>> -> memref<1x128x128xf32, #tpu.memory_space<vmem>>
        %dma_wait3A_133 = tpu.memref_squeeze %dma_wait3A_132 : memref<1x128x128xf32, #tpu.memory_space<vmem>> -> memref<128x128xf32, #tpu.memory_space<vmem>>
        %dma_wait3A_134 = arith.constant 0 : i32
        %dma_wait3A_135 = arith.constant 0 : i32
        %dma_wait3A_136 = tpu.memref_slice %arg4[%dma_wait3A_134, %dma_wait3A_135] : memref<81920x128xf32, #tpu.memory_space<hbm>> -> memref<128x128xf32, #tpu.memory_space<hbm>>
        %dma_wait3A_137 = arith.constant 0 : i32
        %dma_wait3A_138 = arith.constant 0 : i32
        %dma_wait3A_139 = tpu.memref_slice %arg6[%dma_wait3A_129, %dma_wait3A_137, %dma_wait3A_138] : memref<6x128x128xf32, #tpu.memory_space<vmem>> -> memref<1x128x128xf32, #tpu.memory_space<vmem>>
        %dma_wait3A_140 = tpu.memref_squeeze %dma_wait3A_139 : memref<1x128x128xf32, #tpu.memory_space<vmem>> -> memref<128x128xf32, #tpu.memory_space<vmem>>
        %dma_wait3A_141 = arith.constant 0 : i32
        %dma_wait3A_142 = arith.constant 0 : i32
        %dma_wait3A_143 = tpu.memref_slice %arg4[%dma_wait3A_141, %dma_wait3A_142] : memref<81920x128xf32, #tpu.memory_space<hbm>> -> memref<128x128xf32, #tpu.memory_space<hbm>>
        tpu.wait_dma2 semaphore(%arg8 : memref<!tpu.dma_semaphore, #tpu.memory_space<semaphore_mem>>) src(%dma_wait3A_143 : memref<128x128xf32, #tpu.memory_space<hbm>>) dst(%dma_wait3A_140 : memref<128x128xf32, #tpu.memory_space<vmem>>)
      } else {
      }
      %add3A_90 = arith.constant 4 : i32
      %add3A_91 = arith.addi %scan3A_87, %add3A_90 : i32
      %lt3A = arith.constant 20 : i32
      %lt3A_92 = arith.cmpi slt, %add3A_91, %lt3A : i32
      %convert_element_type3A_93 = arith.extui %lt3A_92 : i1 to i32
      %cond3A_94 = arith.constant 0 : i32
      %cond3A_95 = arith.cmpi ne, %convert_element_type3A_93, %cond3A_94 : i32
      scf.if %cond3A_95 {
        %add3A_129 = arith.constant 4 : i32
        %add3A_130 = arith.addi %scan3A_87, %add3A_129 : i32
        %rem3A_131 = arith.constant 6 : i32
        %rem3A_132 = arith.remsi %add3A_130, %rem3A_131 : i32
        %mul3A_133 = arith.constant 128 : i32
        %mul3A_134 = arith.muli %add3A_130, %mul3A_133 : i32
        %multiple_of3A_135 = tpu.assume_multiple %mul3A_134, 128 : i32
        %dma_start3A_136 = arith.constant 0 : i32
        %dma_start3A_137 = arith.constant 0 : i32
        %dma_start3A_138 = tpu.memref_slice %arg6[%rem3A_132, %dma_start3A_136, %dma_start3A_137] : memref<6x128x128xf32, #tpu.memory_space<vmem>> -> memref<1x128x128xf32, #tpu.memory_space<vmem>>
        %dma_start3A_139 = tpu.memref_squeeze %dma_start3A_138 : memref<1x128x128xf32, #tpu.memory_space<vmem>> -> memref<128x128xf32, #tpu.memory_space<vmem>>
        %dma_start3A_140 = tpu.memref_slice %arg5[%multiple_of3A_135] : memref<2560xi32, #tpu.memory_space<vmem>> -> memref<128xi32, #tpu.memory_space<vmem>>
        %dma_start3A_141 = arith.constant 0 : i32
        %dma_start3A_142 = arith.constant 0 : i32
        %dma_start3A_143 = tpu.memref_slice %arg2[%dma_start3A_141, %dma_start3A_142] : memref<10000x128xf32, #tpu.memory_space<hbm>> -> memref<10000x128xf32, #tpu.memory_space<hbm>>
        tpu.enqueue_indirect_dma source(%dma_start3A_143 : memref<10000x128xf32, #tpu.memory_space<hbm>>) target(%dma_start3A_139 : memref<128x128xf32, #tpu.memory_space<vmem>>) offsets(%dma_start3A_140 : memref<128xi32, #tpu.memory_space<vmem>>) semaphore(%arg7 : memref<!tpu.dma_semaphore, #tpu.memory_space<semaphore_mem>>)
      } else {
      }
      %dma_wait3A_96 = arith.constant 0 : i32
      %dma_wait3A_97 = arith.constant 0 : i32
      %dma_wait3A_98 = arith.constant 0 : i32
      %dma_wait3A_99 = tpu.memref_slice %arg6[%dma_wait3A_96, %dma_wait3A_97, %dma_wait3A_98] : memref<6x128x128xf32, #tpu.memory_space<vmem>> -> memref<1x128x128xf32, #tpu.memory_space<vmem>>
      %dma_wait3A_100 = tpu.memref_squeeze %dma_wait3A_99 : memref<1x128x128xf32, #tpu.memory_space<vmem>> -> memref<128x128xf32, #tpu.memory_space<vmem>>
      %dma_wait3A_101 = arith.constant 0 : i32
      %dma_wait3A_102 = arith.constant 0 : i32
      %dma_wait3A_103 = tpu.memref_slice %arg4[%dma_wait3A_101, %dma_wait3A_102] : memref<81920x128xf32, #tpu.memory_space<hbm>> -> memref<128x128xf32, #tpu.memory_space<hbm>>
      %dma_wait3A_104 = arith.constant 0 : i32
      %dma_wait3A_105 = arith.constant 0 : i32
      %dma_wait3A_106 = tpu.memref_slice %arg6[%dma_wait3A_96, %dma_wait3A_104, %dma_wait3A_105] : memref<6x128x128xf32, #tpu.memory_space<vmem>> -> memref<1x128x128xf32, #tpu.memory_space<vmem>>
      %dma_wait3A_107 = tpu.memref_squeeze %dma_wait3A_106 : memref<1x128x128xf32, #tpu.memory_space<vmem>> -> memref<128x128xf32, #tpu.memory_space<vmem>>
      %dma_wait3A_108 = arith.constant 0 : i32
      %dma_wait3A_109 = arith.constant 0 : i32
      %dma_wait3A_110 = tpu.memref_slice %arg4[%dma_wait3A_108, %dma_wait3A_109] : memref<81920x128xf32, #tpu.memory_space<hbm>> -> memref<128x128xf32, #tpu.memory_space<hbm>>
      tpu.wait_dma2 semaphore(%arg7 : memref<!tpu.dma_semaphore, #tpu.memory_space<semaphore_mem>>) src(%dma_wait3A_110 : memref<128x128xf32, #tpu.memory_space<hbm>>) dst(%dma_wait3A_107 : memref<128x128xf32, #tpu.memory_space<vmem>>)
      %rem3A_111 = arith.constant 6 : i32
      %rem3A_112 = arith.remsi %scan3A_87, %rem3A_111 : i32
      %mul3A_113 = arith.constant 128 : i32
      %mul3A_114 = arith.muli %scan3A_87, %mul3A_113 : i32
      %add3A_115 = arith.addi %multiple_of3A, %mul3A_114 : i32
      %multiple_of3A_116 = tpu.assume_multiple %add3A_115, 128 : i32
      %dma_start3A_117 = arith.constant 0 : i32
      %dma_start3A_118 = arith.constant 0 : i32
      %dma_start3A_119 = tpu.memref_slice %arg6[%rem3A_112, %dma_start3A_117, %dma_start3A_118] : memref<6x128x128xf32, #tpu.memory_space<vmem>> -> memref<1x128x128xf32, #tpu.memory_space<vmem>>
      %dma_start3A_120 = tpu.memref_squeeze %dma_start3A_119 : memref<1x128x128xf32, #tpu.memory_space<vmem>> -> memref<128x128xf32, #tpu.memory_space<vmem>>
      %dma_start3A_121 = arith.constant 0 : i32
      %dma_start3A_122 = tpu.memref_slice %arg4[%multiple_of3A_116, %dma_start3A_121] : memref<81920x128xf32, #tpu.memory_space<hbm>> -> memref<128x128xf32, #tpu.memory_space<hbm>>
      %dma_start3A_123 = arith.constant 0 : i32
      %dma_start3A_124 = tpu.memref_slice %arg4[%multiple_of3A_116, %dma_start3A_123] : memref<81920x128xf32, #tpu.memory_space<hbm>> -> memref<128x128xf32, #tpu.memory_space<hbm>>
      %dma_start3A_125 = arith.constant 0 : i32
      %dma_start3A_126 = arith.constant 0 : i32
      %dma_start3A_127 = tpu.memref_slice %arg6[%rem3A_112, %dma_start3A_125, %dma_start3A_126] : memref<6x128x128xf32, #tpu.memory_space<vmem>> -> memref<1x128x128xf32, #tpu.memory_space<vmem>>
      %dma_start3A_128 = tpu.memref_squeeze %dma_start3A_127 : memref<1x128x128xf32, #tpu.memory_space<vmem>> -> memref<128x128xf32, #tpu.memory_space<vmem>>
      tpu.enqueue_dma source(%dma_start3A_128 : memref<128x128xf32, #tpu.memory_space<vmem>>) target(%dma_start3A_124 : memref<128x128xf32, #tpu.memory_space<hbm>>) target_semaphore(%arg8 : memref<!tpu.dma_semaphore, #tpu.memory_space<semaphore_mem>>)
    }
    %scan3A_57 = arith.constant 20 : i32
    %dma_wait3A = arith.constant 0 : i32
    %dma_wait3A_58 = arith.constant 0 : i32
    %dma_wait3A_59 = arith.constant 0 : i32
    %dma_wait3A_60 = tpu.memref_slice %arg6[%dma_wait3A, %dma_wait3A_58, %dma_wait3A_59] : memref<6x128x128xf32, #tpu.memory_space<vmem>> -> memref<1x128x128xf32, #tpu.memory_space<vmem>>
    %dma_wait3A_61 = tpu.memref_squeeze %dma_wait3A_60 : memref<1x128x128xf32, #tpu.memory_space<vmem>> -> memref<128x128xf32, #tpu.memory_space<vmem>>
    %dma_wait3A_62 = arith.constant 0 : i32
    %dma_wait3A_63 = arith.constant 0 : i32
    %dma_wait3A_64 = tpu.memref_slice %arg4[%dma_wait3A_62, %dma_wait3A_63] : memref<81920x128xf32, #tpu.memory_space<hbm>> -> memref<128x128xf32, #tpu.memory_space<hbm>>
    %dma_wait3A_65 = arith.constant 0 : i32
    %dma_wait3A_66 = arith.constant 0 : i32
    %dma_wait3A_67 = tpu.memref_slice %arg6[%dma_wait3A, %dma_wait3A_65, %dma_wait3A_66] : memref<6x128x128xf32, #tpu.memory_space<vmem>> -> memref<1x128x128xf32, #tpu.memory_space<vmem>>
    %dma_wait3A_68 = tpu.memref_squeeze %dma_wait3A_67 : memref<1x128x128xf32, #tpu.memory_space<vmem>> -> memref<128x128xf32, #tpu.memory_space<vmem>>
    %dma_wait3A_69 = arith.constant 0 : i32
    %dma_wait3A_70 = arith.constant 0 : i32
    %dma_wait3A_71 = tpu.memref_slice %arg4[%dma_wait3A_69, %dma_wait3A_70] : memref<81920x128xf32, #tpu.memory_space<hbm>> -> memref<128x128xf32, #tpu.memory_space<hbm>>
    tpu.wait_dma2 semaphore(%arg8 : memref<!tpu.dma_semaphore, #tpu.memory_space<semaphore_mem>>) src(%dma_wait3A_71 : memref<128x128xf32, #tpu.memory_space<hbm>>) dst(%dma_wait3A_68 : memref<128x128xf32, #tpu.memory_space<vmem>>)
    %dma_wait3A_72 = arith.constant 0 : i32
    %dma_wait3A_73 = arith.constant 0 : i32
    %dma_wait3A_74 = arith.constant 0 : i32
    %dma_wait3A_75 = tpu.memref_slice %arg6[%dma_wait3A_72, %dma_wait3A_73, %dma_wait3A_74] : memref<6x128x128xf32, #tpu.memory_space<vmem>> -> memref<1x128x128xf32, #tpu.memory_space<vmem>>
    %dma_wait3A_76 = tpu.memref_squeeze %dma_wait3A_75 : memref<1x128x128xf32, #tpu.memory_space<vmem>> -> memref<128x128xf32, #tpu.memory_space<vmem>>
    %dma_wait3A_77 = arith.constant 0 : i32
    %dma_wait3A_78 = arith.constant 0 : i32
    %dma_wait3A_79 = tpu.memref_slice %arg4[%dma_wait3A_77, %dma_wait3A_78] : memref<81920x128xf32, #tpu.memory_space<hbm>> -> memref<128x128xf32, #tpu.memory_space<hbm>>
    %dma_wait3A_80 = arith.constant 0 : i32
    %dma_wait3A_81 = arith.constant 0 : i32
    %dma_wait3A_82 = tpu.memref_slice %arg6[%dma_wait3A_72, %dma_wait3A_80, %dma_wait3A_81] : memref<6x128x128xf32, #tpu.memory_space<vmem>> -> memref<1x128x128xf32, #tpu.memory_space<vmem>>
    %dma_wait3A_83 = tpu.memref_squeeze %dma_wait3A_82 : memref<1x128x128xf32, #tpu.memory_space<vmem>> -> memref<128x128xf32, #tpu.memory_space<vmem>>
    %dma_wait3A_84 = arith.constant 0 : i32
    %dma_wait3A_85 = arith.constant 0 : i32
    %dma_wait3A_86 = tpu.memref_slice %arg4[%dma_wait3A_84, %dma_wait3A_85] : memref<81920x128xf32, #tpu.memory_space<hbm>> -> memref<128x128xf32, #tpu.memory_space<hbm>>
    tpu.wait_dma2 semaphore(%arg8 : memref<!tpu.dma_semaphore, #tpu.memory_space<semaphore_mem>>) src(%dma_wait3A_86 : memref<128x128xf32, #tpu.memory_space<hbm>>) dst(%dma_wait3A_83 : memref<128x128xf32, #tpu.memory_space<vmem>>)
    return
  }
}

#map = affine_map<(d0, d1) -> (0, 0)>
module attributes {stable_mosaic.version = 14 : i64} {
  func.func @scatter(%arg0: i32, %arg1: i32, %arg2: memref<81920x128xf32, #tpu.memory_space<hbm>>, %arg3: memref<640x128xi32, #tpu.memory_space<hbm>>, %arg4: memref<640x128xf32, #tpu.memory_space<hbm>>, %arg5: memref<20000x128xf32, #tpu.memory_space<hbm>>, %arg6: memref<24x128xi32, #tpu.memory_space<vmem>>, %arg7: memref<2x128x128xf32, #tpu.memory_space<vmem>>, %arg8: memref<10000x128xf32, #tpu.memory_space<vmem_shared>>, %arg9: memref<!tpu.dma_semaphore, #tpu.memory_space<semaphore_mem>>, %arg10: memref<!tpu.dma_semaphore, #tpu.memory_space<semaphore_mem>>) attributes {dimension_semantics = [#tpu.dimension_semantics<core_parallel>, #tpu.dimension_semantics<subcore_parallel>], iteration_bounds = array<i64: 2, 16>, scalar_prefetch = 0 : i64, scratch_operands = 5 : i64, tpu.core_type = #tpu.core_type<sc_vector_subcore>, window_params = [{transform_indices = #map}, {transform_indices = #map}, {transform_indices = #map}, {transform_indices = #map}]} {
    %mul3A = arith.constant 2 : i32
    %mul3A_0 = arith.muli %arg1, %mul3A : i32
    %add3A = arith.addi %mul3A_0, %arg0 : i32
    %mul3A_1 = arith.constant 2560 : i32
    %mul3A_2 = arith.muli %add3A, %mul3A_1 : i32
    %multiple_of3A = tpu.assume_multiple %mul3A_2, 2560 : i32
    %mul3A_3 = arith.constant 624 : i32
    %mul3A_4 = arith.muli %arg1, %mul3A_3 : i32
    "tpu.region"() ({
      %run_scoped3A = tpu.sem_alloc : memref<!tpu.dma_semaphore, #tpu.memory_space<semaphore_mem>>
      %dma_start3A_49 = arith.constant 0 : i32
      %dma_start3A_50 = tpu.memref_slice %arg8[%mul3A_4, %dma_start3A_49] : memref<10000x128xf32, #tpu.memory_space<vmem_shared>> -> memref<640x128xf32, #tpu.memory_space<vmem_shared>>
      tpu.enqueue_dma source(%arg4 : memref<640x128xf32, #tpu.memory_space<hbm>>) target(%dma_start3A_50 : memref<640x128xf32, #tpu.memory_space<vmem_shared>>) target_semaphore(%run_scoped3A : memref<!tpu.dma_semaphore, #tpu.memory_space<semaphore_mem>>)
      %dma_wait3A_51 = arith.constant 0 : i32
      %dma_wait3A_52 = tpu.memref_slice %arg8[%mul3A_4, %dma_wait3A_51] : memref<10000x128xf32, #tpu.memory_space<vmem_shared>> -> memref<640x128xf32, #tpu.memory_space<vmem_shared>>
      tpu.wait_dma2 semaphore(%run_scoped3A : memref<!tpu.dma_semaphore, #tpu.memory_space<semaphore_mem>>) src(%arg4 : memref<640x128xf32, #tpu.memory_space<hbm>>) dst(%dma_wait3A_52 : memref<640x128xf32, #tpu.memory_space<vmem_shared>>)
      tpu.yield
    }) : () -> ()
    %mul3A_5 = arith.constant 20 : i32
    %mul3A_6 = arith.muli %add3A, %mul3A_5 : i32
    %rem3A = arith.constant 8 : i32
    %rem3A_7 = arith.remsi %mul3A_6, %rem3A : i32
    %sub3A = arith.subi %mul3A_6, %rem3A_7 : i32
    %multiple_of3A_8 = tpu.assume_multiple %sub3A, 8 : i32
    "tpu.region"() ({
      %run_scoped3A = tpu.sem_alloc : memref<!tpu.dma_semaphore, #tpu.memory_space<semaphore_mem>>
      %dma_start3A_49 = arith.constant 0 : i32
      %dma_start3A_50 = tpu.memref_slice %arg3[%multiple_of3A_8, %dma_start3A_49] : memref<640x128xi32, #tpu.memory_space<hbm>> -> memref<24x128xi32, #tpu.memory_space<hbm>>
      %dma_start3A_51 = arith.constant 0 : i32
      %dma_start3A_52 = tpu.memref_slice %arg3[%multiple_of3A_8, %dma_start3A_51] : memref<640x128xi32, #tpu.memory_space<hbm>> -> memref<24x128xi32, #tpu.memory_space<hbm>>
      tpu.enqueue_dma source(%dma_start3A_52 : memref<24x128xi32, #tpu.memory_space<hbm>>) target(%arg6 : memref<24x128xi32, #tpu.memory_space<vmem>>) target_semaphore(%run_scoped3A : memref<!tpu.dma_semaphore, #tpu.memory_space<semaphore_mem>>)
      %dma_wait3A_53 = arith.constant 0 : i32
      %dma_wait3A_54 = tpu.memref_slice %arg3[%multiple_of3A_8, %dma_wait3A_53] : memref<640x128xi32, #tpu.memory_space<hbm>> -> memref<24x128xi32, #tpu.memory_space<hbm>>
      %dma_wait3A_55 = arith.constant 0 : i32
      %dma_wait3A_56 = tpu.memref_slice %arg3[%multiple_of3A_8, %dma_wait3A_55] : memref<640x128xi32, #tpu.memory_space<hbm>> -> memref<24x128xi32, #tpu.memory_space<hbm>>
      tpu.wait_dma2 semaphore(%run_scoped3A : memref<!tpu.dma_semaphore, #tpu.memory_space<semaphore_mem>>) src(%dma_wait3A_56 : memref<24x128xi32, #tpu.memory_space<hbm>>) dst(%arg6 : memref<24x128xi32, #tpu.memory_space<vmem>>)
      tpu.yield
    }) : () -> ()
    %barrier3A = arith.constant 0 : index
    tpu.barrier barrier_id(%barrier3A)
    %rem3A_9 = arith.constant 0 : i32
    %rem3A_10 = arith.constant 2 : i32
    %rem3A_11 = arith.remsi %rem3A_9, %rem3A_10 : i32
    %add3A_12 = arith.constant 0 : i32
    %add3A_13 = arith.addi %multiple_of3A, %add3A_12 : i32
    %multiple_of3A_14 = tpu.assume_multiple %add3A_13, 128 : i32
    %dma_start3A = arith.constant 0 : i32
    %dma_start3A_15 = arith.constant 0 : i32
    %dma_start3A_16 = tpu.memref_slice %arg7[%rem3A_11, %dma_start3A, %dma_start3A_15] : memref<2x128x128xf32, #tpu.memory_space<vmem>> -> memref<1x128x128xf32, #tpu.memory_space<vmem>>
    %dma_start3A_17 = tpu.memref_squeeze %dma_start3A_16 : memref<1x128x128xf32, #tpu.memory_space<vmem>> -> memref<128x128xf32, #tpu.memory_space<vmem>>
    %dma_start3A_18 = arith.constant 0 : i32
    %dma_start3A_19 = tpu.memref_slice %arg2[%multiple_of3A_14, %dma_start3A_18] : memref<81920x128xf32, #tpu.memory_space<hbm>> -> memref<128x128xf32, #tpu.memory_space<hbm>>
    %dma_start3A_20 = arith.constant 0 : i32
    %dma_start3A_21 = arith.constant 0 : i32
    %dma_start3A_22 = tpu.memref_slice %arg7[%rem3A_11, %dma_start3A_20, %dma_start3A_21] : memref<2x128x128xf32, #tpu.memory_space<vmem>> -> memref<1x128x128xf32, #tpu.memory_space<vmem>>
    %dma_start3A_23 = tpu.memref_squeeze %dma_start3A_22 : memref<1x128x128xf32, #tpu.memory_space<vmem>> -> memref<128x128xf32, #tpu.memory_space<vmem>>
    %dma_start3A_24 = arith.constant 0 : i32
    %dma_start3A_25 = tpu.memref_slice %arg2[%multiple_of3A_14, %dma_start3A_24] : memref<81920x128xf32, #tpu.memory_space<hbm>> -> memref<128x128xf32, #tpu.memory_space<hbm>>
    tpu.enqueue_dma source(%dma_start3A_25 : memref<128x128xf32, #tpu.memory_space<hbm>>) target(%dma_start3A_23 : memref<128x128xf32, #tpu.memory_space<vmem>>) target_semaphore(%arg9 : memref<!tpu.dma_semaphore, #tpu.memory_space<semaphore_mem>>)
    %scan3A = arith.constant 0 : i32
    %scan3A_26 = arith.constant 0 : i32
    %scan3A_27 = arith.constant 20 : i32
    %scan3A_28 = arith.addi %scan3A_26, %scan3A_27 : i32
    %scan3A_29 = arith.constant 1 : i32
    scf.for %scan3A_49 = %scan3A_26 to %scan3A_28 step %scan3A_29  : i32 {
      %ge3A = arith.constant 1 : i32
      %ge3A_50 = arith.cmpi sge, %scan3A_49, %ge3A : i32
      %convert_element_type3A = arith.extui %ge3A_50 : i1 to i32
      %cond3A = arith.constant 0 : i32
      %cond3A_51 = arith.cmpi ne, %convert_element_type3A, %cond3A : i32
      scf.if %cond3A_51 {
        %dma_wait3A_86 = arith.constant 0 : i32
        %dma_wait3A_87 = arith.constant 0 : i32
        %dma_wait3A_88 = arith.constant 0 : i32
        %dma_wait3A_89 = tpu.memref_slice %arg7[%dma_wait3A_86, %dma_wait3A_87, %dma_wait3A_88] : memref<2x128x128xf32, #tpu.memory_space<vmem>> -> memref<1x128x128xf32, #tpu.memory_space<vmem>>
        %dma_wait3A_90 = tpu.memref_squeeze %dma_wait3A_89 : memref<1x128x128xf32, #tpu.memory_space<vmem>> -> memref<128x128xf32, #tpu.memory_space<vmem>>
        %dma_wait3A_91 = arith.constant 0 : i32
        %dma_wait3A_92 = arith.constant 0 : i32
        %dma_wait3A_93 = tpu.memref_slice %arg2[%dma_wait3A_91, %dma_wait3A_92] : memref<81920x128xf32, #tpu.memory_space<hbm>> -> memref<128x128xf32, #tpu.memory_space<hbm>>
        %dma_wait3A_94 = arith.constant 0 : i32
        %dma_wait3A_95 = arith.constant 0 : i32
        %dma_wait3A_96 = tpu.memref_slice %arg7[%dma_wait3A_86, %dma_wait3A_94, %dma_wait3A_95] : memref<2x128x128xf32, #tpu.memory_space<vmem>> -> memref<1x128x128xf32, #tpu.memory_space<vmem>>
        %dma_wait3A_97 = tpu.memref_squeeze %dma_wait3A_96 : memref<1x128x128xf32, #tpu.memory_space<vmem>> -> memref<128x128xf32, #tpu.memory_space<vmem>>
        %dma_wait3A_98 = arith.constant 0 : i32
        %dma_wait3A_99 = arith.constant 0 : i32
        %dma_wait3A_100 = tpu.memref_slice %arg2[%dma_wait3A_98, %dma_wait3A_99] : memref<81920x128xf32, #tpu.memory_space<hbm>> -> memref<128x128xf32, #tpu.memory_space<hbm>>
        tpu.wait_dma2 semaphore(%arg10 : memref<!tpu.dma_semaphore, #tpu.memory_space<semaphore_mem>>) src(%dma_wait3A_100 : memref<128x128xf32, #tpu.memory_space<hbm>>) dst(%dma_wait3A_97 : memref<128x128xf32, #tpu.memory_space<vmem>>)
      } else {
      }
      %add3A_52 = arith.constant 1 : i32
      %add3A_53 = arith.addi %scan3A_49, %add3A_52 : i32
      %lt3A = arith.constant 20 : i32
      %lt3A_54 = arith.cmpi slt, %add3A_53, %lt3A : i32
      %convert_element_type3A_55 = arith.extui %lt3A_54 : i1 to i32
      %cond3A_56 = arith.constant 0 : i32
      %cond3A_57 = arith.cmpi ne, %convert_element_type3A_55, %cond3A_56 : i32
      scf.if %cond3A_57 {
        %add3A_86 = arith.constant 1 : i32
        %add3A_87 = arith.addi %scan3A_49, %add3A_86 : i32
        %rem3A_88 = arith.constant 2 : i32
        %rem3A_89 = arith.remsi %add3A_87, %rem3A_88 : i32
        %mul3A_90 = arith.constant 128 : i32
        %mul3A_91 = arith.muli %add3A_87, %mul3A_90 : i32
        %add3A_92 = arith.addi %multiple_of3A, %mul3A_91 : i32
        %multiple_of3A_93 = tpu.assume_multiple %add3A_92, 128 : i32
        %dma_start3A_94 = arith.constant 0 : i32
        %dma_start3A_95 = arith.constant 0 : i32
        %dma_start3A_96 = tpu.memref_slice %arg7[%rem3A_89, %dma_start3A_94, %dma_start3A_95] : memref<2x128x128xf32, #tpu.memory_space<vmem>> -> memref<1x128x128xf32, #tpu.memory_space<vmem>>
        %dma_start3A_97 = tpu.memref_squeeze %dma_start3A_96 : memref<1x128x128xf32, #tpu.memory_space<vmem>> -> memref<128x128xf32, #tpu.memory_space<vmem>>
        %dma_start3A_98 = arith.constant 0 : i32
        %dma_start3A_99 = tpu.memref_slice %arg2[%multiple_of3A_93, %dma_start3A_98] : memref<81920x128xf32, #tpu.memory_space<hbm>> -> memref<128x128xf32, #tpu.memory_space<hbm>>
        %dma_start3A_100 = arith.constant 0 : i32
        %dma_start3A_101 = arith.constant 0 : i32
        %dma_start3A_102 = tpu.memref_slice %arg7[%rem3A_89, %dma_start3A_100, %dma_start3A_101] : memref<2x128x128xf32, #tpu.memory_space<vmem>> -> memref<1x128x128xf32, #tpu.memory_space<vmem>>
        %dma_start3A_103 = tpu.memref_squeeze %dma_start3A_102 : memref<1x128x128xf32, #tpu.memory_space<vmem>> -> memref<128x128xf32, #tpu.memory_space<vmem>>
        %dma_start3A_104 = arith.constant 0 : i32
        %dma_start3A_105 = tpu.memref_slice %arg2[%multiple_of3A_93, %dma_start3A_104] : memref<81920x128xf32, #tpu.memory_space<hbm>> -> memref<128x128xf32, #tpu.memory_space<hbm>>
        tpu.enqueue_dma source(%dma_start3A_105 : memref<128x128xf32, #tpu.memory_space<hbm>>) target(%dma_start3A_103 : memref<128x128xf32, #tpu.memory_space<vmem>>) target_semaphore(%arg9 : memref<!tpu.dma_semaphore, #tpu.memory_space<semaphore_mem>>)
      } else {
      }
      %dma_wait3A_58 = arith.constant 0 : i32
      %dma_wait3A_59 = arith.constant 0 : i32
      %dma_wait3A_60 = arith.constant 0 : i32
      %dma_wait3A_61 = tpu.memref_slice %arg7[%dma_wait3A_58, %dma_wait3A_59, %dma_wait3A_60] : memref<2x128x128xf32, #tpu.memory_space<vmem>> -> memref<1x128x128xf32, #tpu.memory_space<vmem>>
      %dma_wait3A_62 = tpu.memref_squeeze %dma_wait3A_61 : memref<1x128x128xf32, #tpu.memory_space<vmem>> -> memref<128x128xf32, #tpu.memory_space<vmem>>
      %dma_wait3A_63 = arith.constant 0 : i32
      %dma_wait3A_64 = arith.constant 0 : i32
      %dma_wait3A_65 = tpu.memref_slice %arg2[%dma_wait3A_63, %dma_wait3A_64] : memref<81920x128xf32, #tpu.memory_space<hbm>> -> memref<128x128xf32, #tpu.memory_space<hbm>>
      %dma_wait3A_66 = arith.constant 0 : i32
      %dma_wait3A_67 = arith.constant 0 : i32
      %dma_wait3A_68 = tpu.memref_slice %arg7[%dma_wait3A_58, %dma_wait3A_66, %dma_wait3A_67] : memref<2x128x128xf32, #tpu.memory_space<vmem>> -> memref<1x128x128xf32, #tpu.memory_space<vmem>>
      %dma_wait3A_69 = tpu.memref_squeeze %dma_wait3A_68 : memref<1x128x128xf32, #tpu.memory_space<vmem>> -> memref<128x128xf32, #tpu.memory_space<vmem>>
      %dma_wait3A_70 = arith.constant 0 : i32
      %dma_wait3A_71 = arith.constant 0 : i32
      %dma_wait3A_72 = tpu.memref_slice %arg2[%dma_wait3A_70, %dma_wait3A_71] : memref<81920x128xf32, #tpu.memory_space<hbm>> -> memref<128x128xf32, #tpu.memory_space<hbm>>
      tpu.wait_dma2 semaphore(%arg9 : memref<!tpu.dma_semaphore, #tpu.memory_space<semaphore_mem>>) src(%dma_wait3A_72 : memref<128x128xf32, #tpu.memory_space<hbm>>) dst(%dma_wait3A_69 : memref<128x128xf32, #tpu.memory_space<vmem>>)
      %rem3A_73 = arith.constant 2 : i32
      %rem3A_74 = arith.remsi %scan3A_49, %rem3A_73 : i32
      %add3A_75 = arith.addi %scan3A_49, %rem3A_7 : i32
      %dma_start3A_76 = arith.constant 0 : i32
      %dma_start3A_77 = arith.constant 0 : i32
      %dma_start3A_78 = tpu.memref_slice %arg7[%rem3A_74, %dma_start3A_76, %dma_start3A_77] : memref<2x128x128xf32, #tpu.memory_space<vmem>> -> memref<1x128x128xf32, #tpu.memory_space<vmem>>
      %dma_start3A_79 = tpu.memref_squeeze %dma_start3A_78 : memref<1x128x128xf32, #tpu.memory_space<vmem>> -> memref<128x128xf32, #tpu.memory_space<vmem>>
      %dma_start3A_80 = arith.constant 0 : i32
      %dma_start3A_81 = tpu.memref_slice %arg6[%add3A_75, %dma_start3A_80] : memref<24x128xi32, #tpu.memory_space<vmem>> -> memref<1x128xi32, #tpu.memory_space<vmem>>
      %dma_start3A_82 = tpu.memref_squeeze %dma_start3A_81 : memref<1x128xi32, #tpu.memory_space<vmem>> -> memref<128xi32, #tpu.memory_space<vmem>>
      %dma_start3A_83 = arith.constant 0 : i32
      %dma_start3A_84 = arith.constant 0 : i32
      %dma_start3A_85 = tpu.memref_slice %arg8[%dma_start3A_83, %dma_start3A_84] : memref<10000x128xf32, #tpu.memory_space<vmem_shared>> -> memref<10000x128xf32, #tpu.memory_space<vmem_shared>>
      tpu.enqueue_indirect_dma source(%dma_start3A_79 : memref<128x128xf32, #tpu.memory_space<vmem>>) target(%dma_start3A_85 : memref<10000x128xf32, #tpu.memory_space<vmem_shared>>) offsets(%dma_start3A_82 : memref<128xi32, #tpu.memory_space<vmem>>) semaphore(%arg10 : memref<!tpu.dma_semaphore, #tpu.memory_space<semaphore_mem>>) {add = true}
    }
    %scan3A_30 = arith.constant 20 : i32
    %dma_wait3A = arith.constant 0 : i32
    %dma_wait3A_31 = arith.constant 0 : i32
    %dma_wait3A_32 = arith.constant 0 : i32
    %dma_wait3A_33 = tpu.memref_slice %arg7[%dma_wait3A, %dma_wait3A_31, %dma_wait3A_32] : memref<2x128x128xf32, #tpu.memory_space<vmem>> -> memref<1x128x128xf32, #tpu.memory_space<vmem>>
    %dma_wait3A_34 = tpu.memref_squeeze %dma_wait3A_33 : memref<1x128x128xf32, #tpu.memory_space<vmem>> -> memref<128x128xf32, #tpu.memory_space<vmem>>
    %dma_wait3A_35 = arith.constant 0 : i32
    %dma_wait3A_36 = arith.constant 0 : i32
    %dma_wait3A_37 = tpu.memref_slice %arg2[%dma_wait3A_35, %dma_wait3A_36] : memref<81920x128xf32, #tpu.memory_space<hbm>> -> memref<128x128xf32, #tpu.memory_space<hbm>>
    %dma_wait3A_38 = arith.constant 0 : i32
    %dma_wait3A_39 = arith.constant 0 : i32
    %dma_wait3A_40 = tpu.memref_slice %arg7[%dma_wait3A, %dma_wait3A_38, %dma_wait3A_39] : memref<2x128x128xf32, #tpu.memory_space<vmem>> -> memref<1x128x128xf32, #tpu.memory_space<vmem>>
    %dma_wait3A_41 = tpu.memref_squeeze %dma_wait3A_40 : memref<1x128x128xf32, #tpu.memory_space<vmem>> -> memref<128x128xf32, #tpu.memory_space<vmem>>
    %dma_wait3A_42 = arith.constant 0 : i32
    %dma_wait3A_43 = arith.constant 0 : i32
    %dma_wait3A_44 = tpu.memref_slice %arg2[%dma_wait3A_42, %dma_wait3A_43] : memref<81920x128xf32, #tpu.memory_space<hbm>> -> memref<128x128xf32, #tpu.memory_space<hbm>>
    tpu.wait_dma2 semaphore(%arg10 : memref<!tpu.dma_semaphore, #tpu.memory_space<semaphore_mem>>) src(%dma_wait3A_44 : memref<128x128xf32, #tpu.memory_space<hbm>>) dst(%dma_wait3A_41 : memref<128x128xf32, #tpu.memory_space<vmem>>)
    %barrier3A_45 = arith.constant 0 : index
    tpu.barrier barrier_id(%barrier3A_45)
    %mul3A_46 = arith.constant 10000 : i32
    %mul3A_47 = arith.muli %arg0, %mul3A_46 : i32
    %add3A_48 = arith.addi %mul3A_47, %mul3A_4 : i32
    "tpu.region"() ({
      %run_scoped3A = tpu.sem_alloc : memref<!tpu.dma_semaphore, #tpu.memory_space<semaphore_mem>>
      %dma_start3A_49 = arith.constant 0 : i32
      %dma_start3A_50 = tpu.memref_slice %arg5[%add3A_48, %dma_start3A_49] : memref<20000x128xf32, #tpu.memory_space<hbm>> -> memref<640x128xf32, #tpu.memory_space<hbm>>
      %dma_start3A_51 = arith.constant 0 : i32
      %dma_start3A_52 = tpu.memref_slice %arg8[%mul3A_4, %dma_start3A_51] : memref<10000x128xf32, #tpu.memory_space<vmem_shared>> -> memref<640x128xf32, #tpu.memory_space<vmem_shared>>
      tpu.enqueue_dma source(%dma_start3A_52 : memref<640x128xf32, #tpu.memory_space<vmem_shared>>) target(%dma_start3A_50 : memref<640x128xf32, #tpu.memory_space<hbm>>) target_semaphore(%run_scoped3A : memref<!tpu.dma_semaphore, #tpu.memory_space<semaphore_mem>>)
      %dma_wait3A_53 = arith.constant 0 : i32
      %dma_wait3A_54 = tpu.memref_slice %arg5[%add3A_48, %dma_wait3A_53] : memref<20000x128xf32, #tpu.memory_space<hbm>> -> memref<640x128xf32, #tpu.memory_space<hbm>>
      %dma_wait3A_55 = arith.constant 0 : i32
      %dma_wait3A_56 = tpu.memref_slice %arg8[%mul3A_4, %dma_wait3A_55] : memref<10000x128xf32, #tpu.memory_space<vmem_shared>> -> memref<640x128xf32, #tpu.memory_space<vmem_shared>>
      tpu.wait_dma2 semaphore(%run_scoped3A : memref<!tpu.dma_semaphore, #tpu.memory_space<semaphore_mem>>) src(%dma_wait3A_56 : memref<640x128xf32, #tpu.memory_space<vmem_shared>>) dst(%dma_wait3A_54 : memref<640x128xf32, #tpu.memory_space<hbm>>)
      tpu.yield
    }) : () -> ()
    return
  }
}

#map = affine_map<(d0, d1) -> (0, 0)>
module attributes {stable_mosaic.version = 14 : i64} {
  func.func @scatter(%arg0: i32, %arg1: i32, %arg2: memref<81920x128xf32, #tpu.memory_space<hbm>>, %arg3: memref<640x128xi32, #tpu.memory_space<hbm>>, %arg4: memref<640x128xf32, #tpu.memory_space<hbm>>, %arg5: memref<20000x128xf32, #tpu.memory_space<hbm>>, %arg6: memref<24x128xi32, #tpu.memory_space<vmem>>, %arg7: memref<2x128x128xf32, #tpu.memory_space<vmem>>, %arg8: memref<10000x128xf32, #tpu.memory_space<vmem_shared>>, %arg9: memref<!tpu.dma_semaphore, #tpu.memory_space<semaphore_mem>>, %arg10: memref<!tpu.dma_semaphore, #tpu.memory_space<semaphore_mem>>) attributes {dimension_semantics = [#tpu.dimension_semantics<core_parallel>, #tpu.dimension_semantics<subcore_parallel>], iteration_bounds = array<i64: 2, 16>, scalar_prefetch = 0 : i64, scratch_operands = 5 : i64, tpu.core_type = #tpu.core_type<sc_vector_subcore>, window_params = [{transform_indices = #map}, {transform_indices = #map}, {transform_indices = #map}, {transform_indices = #map}]} {
    %mul3A = arith.constant 2 : i32
    %mul3A_0 = arith.muli %arg1, %mul3A : i32
    %add3A = arith.addi %mul3A_0, %arg0 : i32
    %mul3A_1 = arith.constant 2560 : i32
    %mul3A_2 = arith.muli %add3A, %mul3A_1 : i32
    %multiple_of3A = tpu.assume_multiple %mul3A_2, 2560 : i32
    %mul3A_3 = arith.constant 624 : i32
    %mul3A_4 = arith.muli %arg1, %mul3A_3 : i32
    "tpu.region"() ({
      %run_scoped3A = tpu.sem_alloc : memref<!tpu.dma_semaphore, #tpu.memory_space<semaphore_mem>>
      %dma_start3A_49 = arith.constant 0 : i32
      %dma_start3A_50 = tpu.memref_slice %arg8[%mul3A_4, %dma_start3A_49] : memref<10000x128xf32, #tpu.memory_space<vmem_shared>> -> memref<640x128xf32, #tpu.memory_space<vmem_shared>>
      tpu.enqueue_dma source(%arg4 : memref<640x128xf32, #tpu.memory_space<hbm>>) target(%dma_start3A_50 : memref<640x128xf32, #tpu.memory_space<vmem_shared>>) target_semaphore(%run_scoped3A : memref<!tpu.dma_semaphore, #tpu.memory_space<semaphore_mem>>)
      %dma_wait3A_51 = arith.constant 0 : i32
      %dma_wait3A_52 = tpu.memref_slice %arg8[%mul3A_4, %dma_wait3A_51] : memref<10000x128xf32, #tpu.memory_space<vmem_shared>> -> memref<640x128xf32, #tpu.memory_space<vmem_shared>>
      tpu.wait_dma2 semaphore(%run_scoped3A : memref<!tpu.dma_semaphore, #tpu.memory_space<semaphore_mem>>) src(%arg4 : memref<640x128xf32, #tpu.memory_space<hbm>>) dst(%dma_wait3A_52 : memref<640x128xf32, #tpu.memory_space<vmem_shared>>)
      tpu.yield
    }) : () -> ()
    %mul3A_5 = arith.constant 20 : i32
    %mul3A_6 = arith.muli %add3A, %mul3A_5 : i32
    %rem3A = arith.constant 8 : i32
    %rem3A_7 = arith.remsi %mul3A_6, %rem3A : i32
    %sub3A = arith.subi %mul3A_6, %rem3A_7 : i32
    %multiple_of3A_8 = tpu.assume_multiple %sub3A, 8 : i32
    "tpu.region"() ({
      %run_scoped3A = tpu.sem_alloc : memref<!tpu.dma_semaphore, #tpu.memory_space<semaphore_mem>>
      %dma_start3A_49 = arith.constant 0 : i32
      %dma_start3A_50 = tpu.memref_slice %arg3[%multiple_of3A_8, %dma_start3A_49] : memref<640x128xi32, #tpu.memory_space<hbm>> -> memref<24x128xi32, #tpu.memory_space<hbm>>
      %dma_start3A_51 = arith.constant 0 : i32
      %dma_start3A_52 = tpu.memref_slice %arg3[%multiple_of3A_8, %dma_start3A_51] : memref<640x128xi32, #tpu.memory_space<hbm>> -> memref<24x128xi32, #tpu.memory_space<hbm>>
      tpu.enqueue_dma source(%dma_start3A_52 : memref<24x128xi32, #tpu.memory_space<hbm>>) target(%arg6 : memref<24x128xi32, #tpu.memory_space<vmem>>) target_semaphore(%run_scoped3A : memref<!tpu.dma_semaphore, #tpu.memory_space<semaphore_mem>>)
      %dma_wait3A_53 = arith.constant 0 : i32
      %dma_wait3A_54 = tpu.memref_slice %arg3[%multiple_of3A_8, %dma_wait3A_53] : memref<640x128xi32, #tpu.memory_space<hbm>> -> memref<24x128xi32, #tpu.memory_space<hbm>>
      %dma_wait3A_55 = arith.constant 0 : i32
      %dma_wait3A_56 = tpu.memref_slice %arg3[%multiple_of3A_8, %dma_wait3A_55] : memref<640x128xi32, #tpu.memory_space<hbm>> -> memref<24x128xi32, #tpu.memory_space<hbm>>
      tpu.wait_dma2 semaphore(%run_scoped3A : memref<!tpu.dma_semaphore, #tpu.memory_space<semaphore_mem>>) src(%dma_wait3A_56 : memref<24x128xi32, #tpu.memory_space<hbm>>) dst(%arg6 : memref<24x128xi32, #tpu.memory_space<vmem>>)
      tpu.yield
    }) : () -> ()
    %barrier3A = arith.constant 0 : index
    tpu.barrier barrier_id(%barrier3A)
    %rem3A_9 = arith.constant 0 : i32
    %rem3A_10 = arith.constant 2 : i32
    %rem3A_11 = arith.remsi %rem3A_9, %rem3A_10 : i32
    %add3A_12 = arith.constant 0 : i32
    %add3A_13 = arith.addi %multiple_of3A, %add3A_12 : i32
    %multiple_of3A_14 = tpu.assume_multiple %add3A_13, 128 : i32
    %dma_start3A = arith.constant 0 : i32
    %dma_start3A_15 = arith.constant 0 : i32
    %dma_start3A_16 = tpu.memref_slice %arg7[%rem3A_11, %dma_start3A, %dma_start3A_15] : memref<2x128x128xf32, #tpu.memory_space<vmem>> -> memref<1x128x128xf32, #tpu.memory_space<vmem>>
    %dma_start3A_17 = tpu.memref_squeeze %dma_start3A_16 : memref<1x128x128xf32, #tpu.memory_space<vmem>> -> memref<128x128xf32, #tpu.memory_space<vmem>>
    %dma_start3A_18 = arith.constant 0 : i32
    %dma_start3A_19 = tpu.memref_slice %arg2[%multiple_of3A_14, %dma_start3A_18] : memref<81920x128xf32, #tpu.memory_space<hbm>> -> memref<128x128xf32, #tpu.memory_space<hbm>>
    %dma_start3A_20 = arith.constant 0 : i32
    %dma_start3A_21 = arith.constant 0 : i32
    %dma_start3A_22 = tpu.memref_slice %arg7[%rem3A_11, %dma_start3A_20, %dma_start3A_21] : memref<2x128x128xf32, #tpu.memory_space<vmem>> -> memref<1x128x128xf32, #tpu.memory_space<vmem>>
    %dma_start3A_23 = tpu.memref_squeeze %dma_start3A_22 : memref<1x128x128xf32, #tpu.memory_space<vmem>> -> memref<128x128xf32, #tpu.memory_space<vmem>>
    %dma_start3A_24 = arith.constant 0 : i32
    %dma_start3A_25 = tpu.memref_slice %arg2[%multiple_of3A_14, %dma_start3A_24] : memref<81920x128xf32, #tpu.memory_space<hbm>> -> memref<128x128xf32, #tpu.memory_space<hbm>>
    tpu.enqueue_dma source(%dma_start3A_25 : memref<128x128xf32, #tpu.memory_space<hbm>>) target(%dma_start3A_23 : memref<128x128xf32, #tpu.memory_space<vmem>>) target_semaphore(%arg9 : memref<!tpu.dma_semaphore, #tpu.memory_space<semaphore_mem>>)
    %scan3A = arith.constant 0 : i32
    %scan3A_26 = arith.constant 0 : i32
    %scan3A_27 = arith.constant 20 : i32
    %scan3A_28 = arith.addi %scan3A_26, %scan3A_27 : i32
    %scan3A_29 = arith.constant 1 : i32
    scf.for %scan3A_49 = %scan3A_26 to %scan3A_28 step %scan3A_29  : i32 {
      %ge3A = arith.constant 1 : i32
      %ge3A_50 = arith.cmpi sge, %scan3A_49, %ge3A : i32
      %convert_element_type3A = arith.extui %ge3A_50 : i1 to i32
      %cond3A = arith.constant 0 : i32
      %cond3A_51 = arith.cmpi ne, %convert_element_type3A, %cond3A : i32
      scf.if %cond3A_51 {
        %dma_wait3A_86 = arith.constant 0 : i32
        %dma_wait3A_87 = arith.constant 0 : i32
        %dma_wait3A_88 = arith.constant 0 : i32
        %dma_wait3A_89 = tpu.memref_slice %arg7[%dma_wait3A_86, %dma_wait3A_87, %dma_wait3A_88] : memref<2x128x128xf32, #tpu.memory_space<vmem>> -> memref<1x128x128xf32, #tpu.memory_space<vmem>>
        %dma_wait3A_90 = tpu.memref_squeeze %dma_wait3A_89 : memref<1x128x128xf32, #tpu.memory_space<vmem>> -> memref<128x128xf32, #tpu.memory_space<vmem>>
        %dma_wait3A_91 = arith.constant 0 : i32
        %dma_wait3A_92 = arith.constant 0 : i32
        %dma_wait3A_93 = tpu.memref_slice %arg2[%dma_wait3A_91, %dma_wait3A_92] : memref<81920x128xf32, #tpu.memory_space<hbm>> -> memref<128x128xf32, #tpu.memory_space<hbm>>
        %dma_wait3A_94 = arith.constant 0 : i32
        %dma_wait3A_95 = arith.constant 0 : i32
        %dma_wait3A_96 = tpu.memref_slice %arg7[%dma_wait3A_86, %dma_wait3A_94, %dma_wait3A_95] : memref<2x128x128xf32, #tpu.memory_space<vmem>> -> memref<1x128x128xf32, #tpu.memory_space<vmem>>
        %dma_wait3A_97 = tpu.memref_squeeze %dma_wait3A_96 : memref<1x128x128xf32, #tpu.memory_space<vmem>> -> memref<128x128xf32, #tpu.memory_space<vmem>>
        %dma_wait3A_98 = arith.constant 0 : i32
        %dma_wait3A_99 = arith.constant 0 : i32
        %dma_wait3A_100 = tpu.memref_slice %arg2[%dma_wait3A_98, %dma_wait3A_99] : memref<81920x128xf32, #tpu.memory_space<hbm>> -> memref<128x128xf32, #tpu.memory_space<hbm>>
        tpu.wait_dma2 semaphore(%arg10 : memref<!tpu.dma_semaphore, #tpu.memory_space<semaphore_mem>>) src(%dma_wait3A_100 : memref<128x128xf32, #tpu.memory_space<hbm>>) dst(%dma_wait3A_97 : memref<128x128xf32, #tpu.memory_space<vmem>>)
      } else {
      }
      %add3A_52 = arith.constant 1 : i32
      %add3A_53 = arith.addi %scan3A_49, %add3A_52 : i32
      %lt3A = arith.constant 20 : i32
      %lt3A_54 = arith.cmpi slt, %add3A_53, %lt3A : i32
      %convert_element_type3A_55 = arith.extui %lt3A_54 : i1 to i32
      %cond3A_56 = arith.constant 0 : i32
      %cond3A_57 = arith.cmpi ne, %convert_element_type3A_55, %cond3A_56 : i32
      scf.if %cond3A_57 {
        %add3A_86 = arith.constant 1 : i32
        %add3A_87 = arith.addi %scan3A_49, %add3A_86 : i32
        %rem3A_88 = arith.constant 2 : i32
        %rem3A_89 = arith.remsi %add3A_87, %rem3A_88 : i32
        %mul3A_90 = arith.constant 128 : i32
        %mul3A_91 = arith.muli %add3A_87, %mul3A_90 : i32
        %add3A_92 = arith.addi %multiple_of3A, %mul3A_91 : i32
        %multiple_of3A_93 = tpu.assume_multiple %add3A_92, 128 : i32
        %dma_start3A_94 = arith.constant 0 : i32
        %dma_start3A_95 = arith.constant 0 : i32
        %dma_start3A_96 = tpu.memref_slice %arg7[%rem3A_89, %dma_start3A_94, %dma_start3A_95] : memref<2x128x128xf32, #tpu.memory_space<vmem>> -> memref<1x128x128xf32, #tpu.memory_space<vmem>>
        %dma_start3A_97 = tpu.memref_squeeze %dma_start3A_96 : memref<1x128x128xf32, #tpu.memory_space<vmem>> -> memref<128x128xf32, #tpu.memory_space<vmem>>
        %dma_start3A_98 = arith.constant 0 : i32
        %dma_start3A_99 = tpu.memref_slice %arg2[%multiple_of3A_93, %dma_start3A_98] : memref<81920x128xf32, #tpu.memory_space<hbm>> -> memref<128x128xf32, #tpu.memory_space<hbm>>
        %dma_start3A_100 = arith.constant 0 : i32
        %dma_start3A_101 = arith.constant 0 : i32
        %dma_start3A_102 = tpu.memref_slice %arg7[%rem3A_89, %dma_start3A_100, %dma_start3A_101] : memref<2x128x128xf32, #tpu.memory_space<vmem>> -> memref<1x128x128xf32, #tpu.memory_space<vmem>>
        %dma_start3A_103 = tpu.memref_squeeze %dma_start3A_102 : memref<1x128x128xf32, #tpu.memory_space<vmem>> -> memref<128x128xf32, #tpu.memory_space<vmem>>
        %dma_start3A_104 = arith.constant 0 : i32
        %dma_start3A_105 = tpu.memref_slice %arg2[%multiple_of3A_93, %dma_start3A_104] : memref<81920x128xf32, #tpu.memory_space<hbm>> -> memref<128x128xf32, #tpu.memory_space<hbm>>
        tpu.enqueue_dma source(%dma_start3A_105 : memref<128x128xf32, #tpu.memory_space<hbm>>) target(%dma_start3A_103 : memref<128x128xf32, #tpu.memory_space<vmem>>) target_semaphore(%arg9 : memref<!tpu.dma_semaphore, #tpu.memory_space<semaphore_mem>>)
      } else {
      }
      %dma_wait3A_58 = arith.constant 0 : i32
      %dma_wait3A_59 = arith.constant 0 : i32
      %dma_wait3A_60 = arith.constant 0 : i32
      %dma_wait3A_61 = tpu.memref_slice %arg7[%dma_wait3A_58, %dma_wait3A_59, %dma_wait3A_60] : memref<2x128x128xf32, #tpu.memory_space<vmem>> -> memref<1x128x128xf32, #tpu.memory_space<vmem>>
      %dma_wait3A_62 = tpu.memref_squeeze %dma_wait3A_61 : memref<1x128x128xf32, #tpu.memory_space<vmem>> -> memref<128x128xf32, #tpu.memory_space<vmem>>
      %dma_wait3A_63 = arith.constant 0 : i32
      %dma_wait3A_64 = arith.constant 0 : i32
      %dma_wait3A_65 = tpu.memref_slice %arg2[%dma_wait3A_63, %dma_wait3A_64] : memref<81920x128xf32, #tpu.memory_space<hbm>> -> memref<128x128xf32, #tpu.memory_space<hbm>>
      %dma_wait3A_66 = arith.constant 0 : i32
      %dma_wait3A_67 = arith.constant 0 : i32
      %dma_wait3A_68 = tpu.memref_slice %arg7[%dma_wait3A_58, %dma_wait3A_66, %dma_wait3A_67] : memref<2x128x128xf32, #tpu.memory_space<vmem>> -> memref<1x128x128xf32, #tpu.memory_space<vmem>>
      %dma_wait3A_69 = tpu.memref_squeeze %dma_wait3A_68 : memref<1x128x128xf32, #tpu.memory_space<vmem>> -> memref<128x128xf32, #tpu.memory_space<vmem>>
      %dma_wait3A_70 = arith.constant 0 : i32
      %dma_wait3A_71 = arith.constant 0 : i32
      %dma_wait3A_72 = tpu.memref_slice %arg2[%dma_wait3A_70, %dma_wait3A_71] : memref<81920x128xf32, #tpu.memory_space<hbm>> -> memref<128x128xf32, #tpu.memory_space<hbm>>
      tpu.wait_dma2 semaphore(%arg9 : memref<!tpu.dma_semaphore, #tpu.memory_space<semaphore_mem>>) src(%dma_wait3A_72 : memref<128x128xf32, #tpu.memory_space<hbm>>) dst(%dma_wait3A_69 : memref<128x128xf32, #tpu.memory_space<vmem>>)
      %rem3A_73 = arith.constant 2 : i32
      %rem3A_74 = arith.remsi %scan3A_49, %rem3A_73 : i32
      %add3A_75 = arith.addi %scan3A_49, %rem3A_7 : i32
      %dma_start3A_76 = arith.constant 0 : i32
      %dma_start3A_77 = arith.constant 0 : i32
      %dma_start3A_78 = tpu.memref_slice %arg7[%rem3A_74, %dma_start3A_76, %dma_start3A_77] : memref<2x128x128xf32, #tpu.memory_space<vmem>> -> memref<1x128x128xf32, #tpu.memory_space<vmem>>
      %dma_start3A_79 = tpu.memref_squeeze %dma_start3A_78 : memref<1x128x128xf32, #tpu.memory_space<vmem>> -> memref<128x128xf32, #tpu.memory_space<vmem>>
      %dma_start3A_80 = arith.constant 0 : i32
      %dma_start3A_81 = tpu.memref_slice %arg6[%add3A_75, %dma_start3A_80] : memref<24x128xi32, #tpu.memory_space<vmem>> -> memref<1x128xi32, #tpu.memory_space<vmem>>
      %dma_start3A_82 = tpu.memref_squeeze %dma_start3A_81 : memref<1x128xi32, #tpu.memory_space<vmem>> -> memref<128xi32, #tpu.memory_space<vmem>>
      %dma_start3A_83 = arith.constant 0 : i32
      %dma_start3A_84 = arith.constant 0 : i32
      %dma_start3A_85 = tpu.memref_slice %arg8[%dma_start3A_83, %dma_start3A_84] : memref<10000x128xf32, #tpu.memory_space<vmem_shared>> -> memref<10000x128xf32, #tpu.memory_space<vmem_shared>>
      tpu.enqueue_indirect_dma source(%dma_start3A_79 : memref<128x128xf32, #tpu.memory_space<vmem>>) target(%dma_start3A_85 : memref<10000x128xf32, #tpu.memory_space<vmem_shared>>) offsets(%dma_start3A_82 : memref<128xi32, #tpu.memory_space<vmem>>) semaphore(%arg10 : memref<!tpu.dma_semaphore, #tpu.memory_space<semaphore_mem>>) {add = true}
    }
    %scan3A_30 = arith.constant 20 : i32
    %dma_wait3A = arith.constant 0 : i32
    %dma_wait3A_31 = arith.constant 0 : i32
    %dma_wait3A_32 = arith.constant 0 : i32
    %dma_wait3A_33 = tpu.memref_slice %arg7[%dma_wait3A, %dma_wait3A_31, %dma_wait3A_32] : memref<2x128x128xf32, #tpu.memory_space<vmem>> -> memref<1x128x128xf32, #tpu.memory_space<vmem>>
    %dma_wait3A_34 = tpu.memref_squeeze %dma_wait3A_33 : memref<1x128x128xf32, #tpu.memory_space<vmem>> -> memref<128x128xf32, #tpu.memory_space<vmem>>
    %dma_wait3A_35 = arith.constant 0 : i32
    %dma_wait3A_36 = arith.constant 0 : i32
    %dma_wait3A_37 = tpu.memref_slice %arg2[%dma_wait3A_35, %dma_wait3A_36] : memref<81920x128xf32, #tpu.memory_space<hbm>> -> memref<128x128xf32, #tpu.memory_space<hbm>>
    %dma_wait3A_38 = arith.constant 0 : i32
    %dma_wait3A_39 = arith.constant 0 : i32
    %dma_wait3A_40 = tpu.memref_slice %arg7[%dma_wait3A, %dma_wait3A_38, %dma_wait3A_39] : memref<2x128x128xf32, #tpu.memory_space<vmem>> -> memref<1x128x128xf32, #tpu.memory_space<vmem>>
    %dma_wait3A_41 = tpu.memref_squeeze %dma_wait3A_40 : memref<1x128x128xf32, #tpu.memory_space<vmem>> -> memref<128x128xf32, #tpu.memory_space<vmem>>
    %dma_wait3A_42 = arith.constant 0 : i32
    %dma_wait3A_43 = arith.constant 0 : i32
    %dma_wait3A_44 = tpu.memref_slice %arg2[%dma_wait3A_42, %dma_wait3A_43] : memref<81920x128xf32, #tpu.memory_space<hbm>> -> memref<128x128xf32, #tpu.memory_space<hbm>>
    tpu.wait_dma2 semaphore(%arg10 : memref<!tpu.dma_semaphore, #tpu.memory_space<semaphore_mem>>) src(%dma_wait3A_44 : memref<128x128xf32, #tpu.memory_space<hbm>>) dst(%dma_wait3A_41 : memref<128x128xf32, #tpu.memory_space<vmem>>)
    %barrier3A_45 = arith.constant 0 : index
    tpu.barrier barrier_id(%barrier3A_45)
    %mul3A_46 = arith.constant 10000 : i32
    %mul3A_47 = arith.muli %arg0, %mul3A_46 : i32
    %add3A_48 = arith.addi %mul3A_47, %mul3A_4 : i32
    "tpu.region"() ({
      %run_scoped3A = tpu.sem_alloc : memref<!tpu.dma_semaphore, #tpu.memory_space<semaphore_mem>>
      %dma_start3A_49 = arith.constant 0 : i32
      %dma_start3A_50 = tpu.memref_slice %arg5[%add3A_48, %dma_start3A_49] : memref<20000x128xf32, #tpu.memory_space<hbm>> -> memref<640x128xf32, #tpu.memory_space<hbm>>
      %dma_start3A_51 = arith.constant 0 : i32
      %dma_start3A_52 = tpu.memref_slice %arg8[%mul3A_4, %dma_start3A_51] : memref<10000x128xf32, #tpu.memory_space<vmem_shared>> -> memref<640x128xf32, #tpu.memory_space<vmem_shared>>
      tpu.enqueue_dma source(%dma_start3A_52 : memref<640x128xf32, #tpu.memory_space<vmem_shared>>) target(%dma_start3A_50 : memref<640x128xf32, #tpu.memory_space<hbm>>) target_semaphore(%run_scoped3A : memref<!tpu.dma_semaphore, #tpu.memory_space<semaphore_mem>>)
      %dma_wait3A_53 = arith.constant 0 : i32
      %dma_wait3A_54 = tpu.memref_slice %arg5[%add3A_48, %dma_wait3A_53] : memref<20000x128xf32, #tpu.memory_space<hbm>> -> memref<640x128xf32, #tpu.memory_space<hbm>>
      %dma_wait3A_55 = arith.constant 0 : i32
      %dma_wait3A_56 = tpu.memref_slice %arg8[%mul3A_4, %dma_wait3A_55] : memref<10000x128xf32, #tpu.memory_space<vmem_shared>> -> memref<640x128xf32, #tpu.memory_space<vmem_shared>>
      tpu.wait_dma2 semaphore(%run_scoped3A : memref<!tpu.dma_semaphore, #tpu.memory_space<semaphore_mem>>) src(%dma_wait3A_56 : memref<640x128xf32, #tpu.memory_space<vmem_shared>>) dst(%dma_wait3A_54 : memref<640x128xf32, #tpu.memory_space<hbm>>)
      tpu.yield
    }) : () -> ()
    return
  }
}

module attributes {stable_mosaic.version = 14 : i64} {
  func.func @_embed_body(%arg0: i32, %arg1: memref<1000x16xf32, #tpu.memory_space<vmem>>, %arg2: memref<1000x9xf32, #tpu.memory_space<vmem>>, %arg3: memref<9x128x48xbf16, #tpu.memory_space<vmem>>, %arg4: memref<1000x128xf32, #tpu.memory_space<vmem>>) attributes {dimension_semantics = [#tpu.dimension_semantics<arbitrary>], iteration_bounds = array<i64: 10>, scalar_prefetch = 0 : i64, scratch_operands = 0 : i64, tpu.core_type = #tpu.core_type<tc>, window_params = [{transform_indices = @transform_0, window_bounds = array<i64: 1000, 16>}, {transform_indices = @transform_1, window_bounds = array<i64: 1000, 9>}, {pipeline_mode = #tpu.pipeline_mode<synchronous>, transform_indices = @transform_2, window_bounds = array<i64: 9, 128, 48>}, {transform_indices = @transform_3, window_bounds = array<i64: 1000, 128>}]} {
    %get3A = arith.constant 0 : index
    %get3A_0 = arith.constant 0 : index
    %get3A_1 = vector.load %arg2[%get3A, %get3A_0] : memref<1000x9xf32, #tpu.memory_space<vmem>>, vector<1000x9xf32>
    %iota3A = tpu.iota {dimensions = array<i32: 1>} : vector<1000x9xi32>
    %eq3A = arith.constant 0 : i32
    %eq3A_2 = vector.broadcast %eq3A : i32 to vector<1000x9xi32>
    %eq3A_3 = arith.cmpi eq, %iota3A, %eq3A_2 : vector<1000x9xi32>
    %jit3A = arith.constant 1.000000e+00 : f32
    %broadcast_in_dim3A = vector.broadcast %jit3A : f32 to vector<1000x9xf32>
    %select_n3A = arith.select %eq3A_3, %broadcast_in_dim3A, %get3A_1 : vector<1000x9xi1>, vector<1000x9xf32>
    %get3A_4 = arith.constant 0 : index
    %get3A_5 = arith.constant 0 : index
    %get3A_6 = vector.load %arg1[%get3A_4, %get3A_5] : memref<1000x16xf32, #tpu.memory_space<vmem>>, vector<1000x16xf32>
    %broadcast_in_dim3A_7 = arith.constant 0.000000e+00 : f32
    %broadcast_in_dim3A_8 = vector.broadcast %broadcast_in_dim3A_7 : f32 to vector<1000x112xf32>
    %concatenate3A = tpu.concatenate %get3A_6, %broadcast_in_dim3A_8 in 1 : vector<1000x16xf32>, vector<1000x112xf32> -> vector<1000x128xf32>
    %get3A_9 = arith.constant 0 : index
    %get3A_10 = arith.constant 0 : index
    %get3A_11 = arith.constant 0 : index
    %get3A_12 = vector.load %arg3[%get3A_9, %get3A_10, %get3A_11] : memref<9x128x48xbf16, #tpu.memory_space<vmem>>, vector<9x128x48xbf16>
    %slice3A = vector.extract_strided_slice %select_n3A {offsets = [0, 0], sizes = [1000, 1], strides = [1, 1]} : vector<1000x9xf32> to vector<1000x1xf32>
    %mul3A = vector.broadcast %slice3A : vector<1000x1xf32> to vector<1000x128xf32>
    %mul3A_13 = arith.mulf %concatenate3A, %mul3A : vector<1000x128xf32>
    %convert_element_type3A = arith.truncf %mul3A_13 : vector<1000x128xf32> to vector<1000x128xbf16>
    %slice3A_14 = vector.extract_strided_slice %get3A_12 {offsets = [0, 0, 0], sizes = [1, 128, 48], strides = [1, 1, 1]} : vector<9x128x48xbf16> to vector<1x128x48xbf16>
    %squeeze3A = vector.shape_cast %slice3A_14 : vector<1x128x48xbf16> to vector<128x48xbf16>
    %dot_general3A = arith.constant dense<0.000000e+00> : vector<1000x48xf32>
    %dot_general3A_15 = tpu.matmul %convert_element_type3A, %squeeze3A, %dot_general3A {dimension_numbers = #tpu.dot_dimension_numbers<[1], [0], [0], [1], [0, 0, 1, 1], [], []>, transpose_lhs_hint = false} : vector<1000x128xbf16>, vector<128x48xbf16>, vector<1000x48xf32> -> vector<1000x48xf32>
    %slice3A_16 = vector.extract_strided_slice %select_n3A {offsets = [0, 1], sizes = [1000, 1], strides = [1, 1]} : vector<1000x9xf32> to vector<1000x1xf32>
    %mul3A_17 = vector.broadcast %slice3A_16 : vector<1000x1xf32> to vector<1000x128xf32>
    %mul3A_18 = arith.mulf %concatenate3A, %mul3A_17 : vector<1000x128xf32>
    %convert_element_type3A_19 = arith.truncf %mul3A_18 : vector<1000x128xf32> to vector<1000x128xbf16>
    %slice3A_20 = vector.extract_strided_slice %get3A_12 {offsets = [1, 0, 0], sizes = [1, 128, 48], strides = [1, 1, 1]} : vector<9x128x48xbf16> to vector<1x128x48xbf16>
    %squeeze3A_21 = vector.shape_cast %slice3A_20 : vector<1x128x48xbf16> to vector<128x48xbf16>
    %dot_general3A_22 = arith.constant dense<0.000000e+00> : vector<1000x48xf32>
    %dot_general3A_23 = tpu.matmul %convert_element_type3A_19, %squeeze3A_21, %dot_general3A_22 {dimension_numbers = #tpu.dot_dimension_numbers<[1], [0], [0], [1], [0, 0, 1, 1], [], []>, transpose_lhs_hint = false} : vector<1000x128xbf16>, vector<128x48xbf16>, vector<1000x48xf32> -> vector<1000x48xf32>
    %add3A = arith.addf %dot_general3A_15, %dot_general3A_23 : vector<1000x48xf32>
    %slice3A_24 = vector.extract_strided_slice %select_n3A {offsets = [0, 2], sizes = [1000, 1], strides = [1, 1]} : vector<1000x9xf32> to vector<1000x1xf32>
    %mul3A_25 = vector.broadcast %slice3A_24 : vector<1000x1xf32> to vector<1000x128xf32>
    %mul3A_26 = arith.mulf %concatenate3A, %mul3A_25 : vector<1000x128xf32>
    %convert_element_type3A_27 = arith.truncf %mul3A_26 : vector<1000x128xf32> to vector<1000x128xbf16>
    %slice3A_28 = vector.extract_strided_slice %get3A_12 {offsets = [2, 0, 0], sizes = [1, 128, 48], strides = [1, 1, 1]} : vector<9x128x48xbf16> to vector<1x128x48xbf16>
    %squeeze3A_29 = vector.shape_cast %slice3A_28 : vector<1x128x48xbf16> to vector<128x48xbf16>
    %dot_general3A_30 = arith.constant dense<0.000000e+00> : vector<1000x48xf32>
    %dot_general3A_31 = tpu.matmul %convert_element_type3A_27, %squeeze3A_29, %dot_general3A_30 {dimension_numbers = #tpu.dot_dimension_numbers<[1], [0], [0], [1], [0, 0, 1, 1], [], []>, transpose_lhs_hint = false} : vector<1000x128xbf16>, vector<128x48xbf16>, vector<1000x48xf32> -> vector<1000x48xf32>
    %add3A_32 = arith.addf %add3A, %dot_general3A_31 : vector<1000x48xf32>
    %slice3A_33 = vector.extract_strided_slice %select_n3A {offsets = [0, 3], sizes = [1000, 1], strides = [1, 1]} : vector<1000x9xf32> to vector<1000x1xf32>
    %mul3A_34 = vector.broadcast %slice3A_33 : vector<1000x1xf32> to vector<1000x128xf32>
    %mul3A_35 = arith.mulf %concatenate3A, %mul3A_34 : vector<1000x128xf32>
    %convert_element_type3A_36 = arith.truncf %mul3A_35 : vector<1000x128xf32> to vector<1000x128xbf16>
    %slice3A_37 = vector.extract_strided_slice %get3A_12 {offsets = [3, 0, 0], sizes = [1, 128, 48], strides = [1, 1, 1]} : vector<9x128x48xbf16> to vector<1x128x48xbf16>
    %squeeze3A_38 = vector.shape_cast %slice3A_37 : vector<1x128x48xbf16> to vector<128x48xbf16>
    %dot_general3A_39 = arith.constant dense<0.000000e+00> : vector<1000x48xf32>
    %dot_general3A_40 = tpu.matmul %convert_element_type3A_36, %squeeze3A_38, %dot_general3A_39 {dimension_numbers = #tpu.dot_dimension_numbers<[1], [0], [0], [1], [0, 0, 1, 1], [], []>, transpose_lhs_hint = false} : vector<1000x128xbf16>, vector<128x48xbf16>, vector<1000x48xf32> -> vector<1000x48xf32>
    %add3A_41 = arith.addf %add3A_32, %dot_general3A_40 : vector<1000x48xf32>
    %slice3A_42 = vector.extract_strided_slice %select_n3A {offsets = [0, 4], sizes = [1000, 1], strides = [1, 1]} : vector<1000x9xf32> to vector<1000x1xf32>
    %mul3A_43 = vector.broadcast %slice3A_42 : vector<1000x1xf32> to vector<1000x128xf32>
    %mul3A_44 = arith.mulf %concatenate3A, %mul3A_43 : vector<1000x128xf32>
    %convert_element_type3A_45 = arith.truncf %mul3A_44 : vector<1000x128xf32> to vector<1000x128xbf16>
    %slice3A_46 = vector.extract_strided_slice %get3A_12 {offsets = [4, 0, 0], sizes = [1, 128, 48], strides = [1, 1, 1]} : vector<9x128x48xbf16> to vector<1x128x48xbf16>
    %squeeze3A_47 = vector.shape_cast %slice3A_46 : vector<1x128x48xbf16> to vector<128x48xbf16>
    %dot_general3A_48 = arith.constant dense<0.000000e+00> : vector<1000x48xf32>
    %dot_general3A_49 = tpu.matmul %convert_element_type3A_45, %squeeze3A_47, %dot_general3A_48 {dimension_numbers = #tpu.dot_dimension_numbers<[1], [0], [0], [1], [0, 0, 1, 1], [], []>, transpose_lhs_hint = false} : vector<1000x128xbf16>, vector<128x48xbf16>, vector<1000x48xf32> -> vector<1000x48xf32>
    %add3A_50 = arith.addf %add3A_41, %dot_general3A_49 : vector<1000x48xf32>
    %slice3A_51 = vector.extract_strided_slice %select_n3A {offsets = [0, 5], sizes = [1000, 1], strides = [1, 1]} : vector<1000x9xf32> to vector<1000x1xf32>
    %mul3A_52 = vector.broadcast %slice3A_51 : vector<1000x1xf32> to vector<1000x128xf32>
    %mul3A_53 = arith.mulf %concatenate3A, %mul3A_52 : vector<1000x128xf32>
    %convert_element_type3A_54 = arith.truncf %mul3A_53 : vector<1000x128xf32> to vector<1000x128xbf16>
    %slice3A_55 = vector.extract_strided_slice %get3A_12 {offsets = [5, 0, 0], sizes = [1, 128, 48], strides = [1, 1, 1]} : vector<9x128x48xbf16> to vector<1x128x48xbf16>
    %squeeze3A_56 = vector.shape_cast %slice3A_55 : vector<1x128x48xbf16> to vector<128x48xbf16>
    %dot_general3A_57 = arith.constant dense<0.000000e+00> : vector<1000x48xf32>
    %dot_general3A_58 = tpu.matmul %convert_element_type3A_54, %squeeze3A_56, %dot_general3A_57 {dimension_numbers = #tpu.dot_dimension_numbers<[1], [0], [0], [1], [0, 0, 1, 1], [], []>, transpose_lhs_hint = false} : vector<1000x128xbf16>, vector<128x48xbf16>, vector<1000x48xf32> -> vector<1000x48xf32>
    %add3A_59 = arith.addf %add3A_50, %dot_general3A_58 : vector<1000x48xf32>
    %slice3A_60 = vector.extract_strided_slice %select_n3A {offsets = [0, 6], sizes = [1000, 1], strides = [1, 1]} : vector<1000x9xf32> to vector<1000x1xf32>
    %mul3A_61 = vector.broadcast %slice3A_60 : vector<1000x1xf32> to vector<1000x128xf32>
    %mul3A_62 = arith.mulf %concatenate3A, %mul3A_61 : vector<1000x128xf32>
    %convert_element_type3A_63 = arith.truncf %mul3A_62 : vector<1000x128xf32> to vector<1000x128xbf16>
    %slice3A_64 = vector.extract_strided_slice %get3A_12 {offsets = [6, 0, 0], sizes = [1, 128, 48], strides = [1, 1, 1]} : vector<9x128x48xbf16> to vector<1x128x48xbf16>
    %squeeze3A_65 = vector.shape_cast %slice3A_64 : vector<1x128x48xbf16> to vector<128x48xbf16>
    %dot_general3A_66 = arith.constant dense<0.000000e+00> : vector<1000x48xf32>
    %dot_general3A_67 = tpu.matmul %convert_element_type3A_63, %squeeze3A_65, %dot_general3A_66 {dimension_numbers = #tpu.dot_dimension_numbers<[1], [0], [0], [1], [0, 0, 1, 1], [], []>, transpose_lhs_hint = false} : vector<1000x128xbf16>, vector<128x48xbf16>, vector<1000x48xf32> -> vector<1000x48xf32>
    %add3A_68 = arith.addf %add3A_59, %dot_general3A_67 : vector<1000x48xf32>
    %slice3A_69 = vector.extract_strided_slice %select_n3A {offsets = [0, 7], sizes = [1000, 1], strides = [1, 1]} : vector<1000x9xf32> to vector<1000x1xf32>
    %mul3A_70 = vector.broadcast %slice3A_69 : vector<1000x1xf32> to vector<1000x128xf32>
    %mul3A_71 = arith.mulf %concatenate3A, %mul3A_70 : vector<1000x128xf32>
    %convert_element_type3A_72 = arith.truncf %mul3A_71 : vector<1000x128xf32> to vector<1000x128xbf16>
    %slice3A_73 = vector.extract_strided_slice %get3A_12 {offsets = [7, 0, 0], sizes = [1, 128, 48], strides = [1, 1, 1]} : vector<9x128x48xbf16> to vector<1x128x48xbf16>
    %squeeze3A_74 = vector.shape_cast %slice3A_73 : vector<1x128x48xbf16> to vector<128x48xbf16>
    %dot_general3A_75 = arith.constant dense<0.000000e+00> : vector<1000x48xf32>
    %dot_general3A_76 = tpu.matmul %convert_element_type3A_72, %squeeze3A_74, %dot_general3A_75 {dimension_numbers = #tpu.dot_dimension_numbers<[1], [0], [0], [1], [0, 0, 1, 1], [], []>, transpose_lhs_hint = false} : vector<1000x128xbf16>, vector<128x48xbf16>, vector<1000x48xf32> -> vector<1000x48xf32>
    %add3A_77 = arith.addf %add3A_68, %dot_general3A_76 : vector<1000x48xf32>
    %slice3A_78 = vector.extract_strided_slice %select_n3A {offsets = [0, 8], sizes = [1000, 1], strides = [1, 1]} : vector<1000x9xf32> to vector<1000x1xf32>
    %mul3A_79 = vector.broadcast %slice3A_78 : vector<1000x1xf32> to vector<1000x128xf32>
    %mul3A_80 = arith.mulf %concatenate3A, %mul3A_79 : vector<1000x128xf32>
    %convert_element_type3A_81 = arith.truncf %mul3A_80 : vector<1000x128xf32> to vector<1000x128xbf16>
    %slice3A_82 = vector.extract_strided_slice %get3A_12 {offsets = [8, 0, 0], sizes = [1, 128, 48], strides = [1, 1, 1]} : vector<9x128x48xbf16> to vector<1x128x48xbf16>
    %squeeze3A_83 = vector.shape_cast %slice3A_82 : vector<1x128x48xbf16> to vector<128x48xbf16>
    %dot_general3A_84 = arith.constant dense<0.000000e+00> : vector<1000x48xf32>
    %dot_general3A_85 = tpu.matmul %convert_element_type3A_81, %squeeze3A_83, %dot_general3A_84 {dimension_numbers = #tpu.dot_dimension_numbers<[1], [0], [0], [1], [0, 0, 1, 1], [], []>, transpose_lhs_hint = false} : vector<1000x128xbf16>, vector<128x48xbf16>, vector<1000x48xf32> -> vector<1000x48xf32>
    %add3A_86 = arith.addf %add3A_77, %dot_general3A_85 : vector<1000x48xf32>
    %broadcast_in_dim3A_87 = arith.constant 0.000000e+00 : f32
    %broadcast_in_dim3A_88 = vector.broadcast %broadcast_in_dim3A_87 : f32 to vector<1000x80xf32>
    %concatenate3A_89 = tpu.concatenate %add3A_86, %broadcast_in_dim3A_88 in 1 : vector<1000x48xf32>, vector<1000x80xf32> -> vector<1000x128xf32>
    %swap3A = arith.constant 0 : index
    %swap3A_90 = arith.constant 0 : index
    %swap3A_91 = vector.load %arg4[%swap3A, %swap3A_90] : memref<1000x128xf32, #tpu.memory_space<vmem>>, vector<1000x128xf32>
    tpu.vector_store %arg4[%swap3A, %swap3A_90], %concatenate3A_89 {strides = array<i32>} : memref<1000x128xf32, #tpu.memory_space<vmem>>, vector<1000x128xf32>,
    return
  }
  func.func @transform_0(%arg0: i32) -> (i32, i32) {
    %c0_i32 = arith.constant 0 : i32
    %c0_i32_0 = arith.constant 0 : i32
    return %arg0, %c0_i32 : i32, i32
  }
  func.func @transform_1(%arg0: i32) -> (i32, i32) {
    %c0_i32 = arith.constant 0 : i32
    %c0_i32_0 = arith.constant 0 : i32
    return %arg0, %c0_i32 : i32, i32
  }
  func.func @transform_2(%arg0: i32) -> (i32, i32, i32) {
    %c0_i32 = arith.constant 0 : i32
    %c0_i32_0 = arith.constant 0 : i32
    %c0_i32_1 = arith.constant 0 : i32
    %c0_i32_2 = arith.constant 0 : i32
    return %c0_i32, %c0_i32_0, %c0_i32_1 : i32, i32, i32
  }
  func.func @transform_3(%arg0: i32) -> (i32, i32) {
    %c0_i32 = arith.constant 0 : i32
    %c0_i32_0 = arith.constant 0 : i32
    return %arg0, %c0_i32 : i32, i32
  }
}

module attributes {stable_mosaic.version = 14 : i64} {
  func.func @_payload1_body(%arg0: i32, %arg1: memref<2048x128xf32, #tpu.memory_space<vmem>>, %arg2: memref<2048x9xf32, #tpu.memory_space<vmem>>, %arg3: memref<2048x2xf32, #tpu.memory_space<vmem>>, %arg4: memref<9x128x48xbf16, #tpu.memory_space<vmem>>, %arg5: memref<2048x128xf32, #tpu.memory_space<vmem>>) attributes {dimension_semantics = [#tpu.dimension_semantics<arbitrary>], iteration_bounds = array<i64: 40>, scalar_prefetch = 0 : i64, scratch_operands = 0 : i64, tpu.core_type = #tpu.core_type<tc>, window_params = [{transform_indices = @transform_0, window_bounds = array<i64: 2048, 128>}, {transform_indices = @transform_1, window_bounds = array<i64: 2048, 9>}, {transform_indices = @transform_2, window_bounds = array<i64: 2048, 2>}, {pipeline_mode = #tpu.pipeline_mode<synchronous>, transform_indices = @transform_3, window_bounds = array<i64: 9, 128, 48>}, {transform_indices = @transform_4, window_bounds = array<i64: 2048, 128>}]} {
    %get3A = arith.constant 0 : index
    %get3A_0 = arith.constant 0 : index
    %get3A_1 = vector.load %arg2[%get3A, %get3A_0] : memref<2048x9xf32, #tpu.memory_space<vmem>>, vector<2048x9xf32>
    %get3A_2 = arith.constant 0 : index
    %get3A_3 = arith.constant 0 : index
    %get3A_4 = vector.load %arg3[%get3A_2, %get3A_3] : memref<2048x2xf32, #tpu.memory_space<vmem>>, vector<2048x2xf32>
    %get3A_5 = arith.constant 0 : index
    %get3A_6 = arith.constant 0 : index
    %get3A_7 = vector.load %arg1[%get3A_5, %get3A_6] : memref<2048x128xf32, #tpu.memory_space<vmem>>, vector<2048x128xf32>
    %get3A_8 = arith.constant 0 : index
    %get3A_9 = arith.constant 0 : index
    %get3A_10 = arith.constant 0 : index
    %get3A_11 = vector.load %arg4[%get3A_8, %get3A_9, %get3A_10] : memref<9x128x48xbf16, #tpu.memory_space<vmem>>, vector<9x128x48xbf16>
    %slice3A = vector.extract_strided_slice %get3A_1 {offsets = [0, 0], sizes = [2048, 1], strides = [1, 1]} : vector<2048x9xf32> to vector<2048x1xf32>
    %mul3A = vector.broadcast %slice3A : vector<2048x1xf32> to vector<2048x128xf32>
    %mul3A_12 = arith.mulf %get3A_7, %mul3A : vector<2048x128xf32>
    %convert_element_type3A = arith.truncf %mul3A_12 : vector<2048x128xf32> to vector<2048x128xbf16>
    %slice3A_13 = vector.extract_strided_slice %get3A_11 {offsets = [0, 0, 0], sizes = [1, 128, 48], strides = [1, 1, 1]} : vector<9x128x48xbf16> to vector<1x128x48xbf16>
    %squeeze3A = vector.shape_cast %slice3A_13 : vector<1x128x48xbf16> to vector<128x48xbf16>
    %dot_general3A = arith.constant dense<0.000000e+00> : vector<2048x48xf32>
    %dot_general3A_14 = tpu.matmul %convert_element_type3A, %squeeze3A, %dot_general3A {dimension_numbers = #tpu.dot_dimension_numbers<[1], [0], [0], [1], [0, 0, 1, 1], [], []>, transpose_lhs_hint = false} : vector<2048x128xbf16>, vector<128x48xbf16>, vector<2048x48xf32> -> vector<2048x48xf32>
    %slice3A_15 = vector.extract_strided_slice %get3A_1 {offsets = [0, 1], sizes = [2048, 1], strides = [1, 1]} : vector<2048x9xf32> to vector<2048x1xf32>
    %mul3A_16 = vector.broadcast %slice3A_15 : vector<2048x1xf32> to vector<2048x128xf32>
    %mul3A_17 = arith.mulf %get3A_7, %mul3A_16 : vector<2048x128xf32>
    %convert_element_type3A_18 = arith.truncf %mul3A_17 : vector<2048x128xf32> to vector<2048x128xbf16>
    %slice3A_19 = vector.extract_strided_slice %get3A_11 {offsets = [1, 0, 0], sizes = [1, 128, 48], strides = [1, 1, 1]} : vector<9x128x48xbf16> to vector<1x128x48xbf16>
    %squeeze3A_20 = vector.shape_cast %slice3A_19 : vector<1x128x48xbf16> to vector<128x48xbf16>
    %dot_general3A_21 = arith.constant dense<0.000000e+00> : vector<2048x48xf32>
    %dot_general3A_22 = tpu.matmul %convert_element_type3A_18, %squeeze3A_20, %dot_general3A_21 {dimension_numbers = #tpu.dot_dimension_numbers<[1], [0], [0], [1], [0, 0, 1, 1], [], []>, transpose_lhs_hint = false} : vector<2048x128xbf16>, vector<128x48xbf16>, vector<2048x48xf32> -> vector<2048x48xf32>
    %add3A = arith.addf %dot_general3A_14, %dot_general3A_22 : vector<2048x48xf32>
    %slice3A_23 = vector.extract_strided_slice %get3A_1 {offsets = [0, 2], sizes = [2048, 1], strides = [1, 1]} : vector<2048x9xf32> to vector<2048x1xf32>
    %mul3A_24 = vector.broadcast %slice3A_23 : vector<2048x1xf32> to vector<2048x128xf32>
    %mul3A_25 = arith.mulf %get3A_7, %mul3A_24 : vector<2048x128xf32>
    %convert_element_type3A_26 = arith.truncf %mul3A_25 : vector<2048x128xf32> to vector<2048x128xbf16>
    %slice3A_27 = vector.extract_strided_slice %get3A_11 {offsets = [2, 0, 0], sizes = [1, 128, 48], strides = [1, 1, 1]} : vector<9x128x48xbf16> to vector<1x128x48xbf16>
    %squeeze3A_28 = vector.shape_cast %slice3A_27 : vector<1x128x48xbf16> to vector<128x48xbf16>
    %dot_general3A_29 = arith.constant dense<0.000000e+00> : vector<2048x48xf32>
    %dot_general3A_30 = tpu.matmul %convert_element_type3A_26, %squeeze3A_28, %dot_general3A_29 {dimension_numbers = #tpu.dot_dimension_numbers<[1], [0], [0], [1], [0, 0, 1, 1], [], []>, transpose_lhs_hint = false} : vector<2048x128xbf16>, vector<128x48xbf16>, vector<2048x48xf32> -> vector<2048x48xf32>
    %add3A_31 = arith.addf %add3A, %dot_general3A_30 : vector<2048x48xf32>
    %slice3A_32 = vector.extract_strided_slice %get3A_1 {offsets = [0, 3], sizes = [2048, 1], strides = [1, 1]} : vector<2048x9xf32> to vector<2048x1xf32>
    %mul3A_33 = vector.broadcast %slice3A_32 : vector<2048x1xf32> to vector<2048x128xf32>
    %mul3A_34 = arith.mulf %get3A_7, %mul3A_33 : vector<2048x128xf32>
    %convert_element_type3A_35 = arith.truncf %mul3A_34 : vector<2048x128xf32> to vector<2048x128xbf16>
    %slice3A_36 = vector.extract_strided_slice %get3A_11 {offsets = [3, 0, 0], sizes = [1, 128, 48], strides = [1, 1, 1]} : vector<9x128x48xbf16> to vector<1x128x48xbf16>
    %squeeze3A_37 = vector.shape_cast %slice3A_36 : vector<1x128x48xbf16> to vector<128x48xbf16>
    %dot_general3A_38 = arith.constant dense<0.000000e+00> : vector<2048x48xf32>
    %dot_general3A_39 = tpu.matmul %convert_element_type3A_35, %squeeze3A_37, %dot_general3A_38 {dimension_numbers = #tpu.dot_dimension_numbers<[1], [0], [0], [1], [0, 0, 1, 1], [], []>, transpose_lhs_hint = false} : vector<2048x128xbf16>, vector<128x48xbf16>, vector<2048x48xf32> -> vector<2048x48xf32>
    %add3A_40 = arith.addf %add3A_31, %dot_general3A_39 : vector<2048x48xf32>
    %slice3A_41 = vector.extract_strided_slice %get3A_1 {offsets = [0, 4], sizes = [2048, 1], strides = [1, 1]} : vector<2048x9xf32> to vector<2048x1xf32>
    %mul3A_42 = vector.broadcast %slice3A_41 : vector<2048x1xf32> to vector<2048x128xf32>
    %mul3A_43 = arith.mulf %get3A_7, %mul3A_42 : vector<2048x128xf32>
    %convert_element_type3A_44 = arith.truncf %mul3A_43 : vector<2048x128xf32> to vector<2048x128xbf16>
    %slice3A_45 = vector.extract_strided_slice %get3A_11 {offsets = [4, 0, 0], sizes = [1, 128, 48], strides = [1, 1, 1]} : vector<9x128x48xbf16> to vector<1x128x48xbf16>
    %squeeze3A_46 = vector.shape_cast %slice3A_45 : vector<1x128x48xbf16> to vector<128x48xbf16>
    %dot_general3A_47 = arith.constant dense<0.000000e+00> : vector<2048x48xf32>
    %dot_general3A_48 = tpu.matmul %convert_element_type3A_44, %squeeze3A_46, %dot_general3A_47 {dimension_numbers = #tpu.dot_dimension_numbers<[1], [0], [0], [1], [0, 0, 1, 1], [], []>, transpose_lhs_hint = false} : vector<2048x128xbf16>, vector<128x48xbf16>, vector<2048x48xf32> -> vector<2048x48xf32>
    %add3A_49 = arith.addf %add3A_40, %dot_general3A_48 : vector<2048x48xf32>
    %slice3A_50 = vector.extract_strided_slice %get3A_1 {offsets = [0, 5], sizes = [2048, 1], strides = [1, 1]} : vector<2048x9xf32> to vector<2048x1xf32>
    %mul3A_51 = vector.broadcast %slice3A_50 : vector<2048x1xf32> to vector<2048x128xf32>
    %mul3A_52 = arith.mulf %get3A_7, %mul3A_51 : vector<2048x128xf32>
    %convert_element_type3A_53 = arith.truncf %mul3A_52 : vector<2048x128xf32> to vector<2048x128xbf16>
    %slice3A_54 = vector.extract_strided_slice %get3A_11 {offsets = [5, 0, 0], sizes = [1, 128, 48], strides = [1, 1, 1]} : vector<9x128x48xbf16> to vector<1x128x48xbf16>
    %squeeze3A_55 = vector.shape_cast %slice3A_54 : vector<1x128x48xbf16> to vector<128x48xbf16>
    %dot_general3A_56 = arith.constant dense<0.000000e+00> : vector<2048x48xf32>
    %dot_general3A_57 = tpu.matmul %convert_element_type3A_53, %squeeze3A_55, %dot_general3A_56 {dimension_numbers = #tpu.dot_dimension_numbers<[1], [0], [0], [1], [0, 0, 1, 1], [], []>, transpose_lhs_hint = false} : vector<2048x128xbf16>, vector<128x48xbf16>, vector<2048x48xf32> -> vector<2048x48xf32>
    %add3A_58 = arith.addf %add3A_49, %dot_general3A_57 : vector<2048x48xf32>
    %slice3A_59 = vector.extract_strided_slice %get3A_1 {offsets = [0, 6], sizes = [2048, 1], strides = [1, 1]} : vector<2048x9xf32> to vector<2048x1xf32>
    %mul3A_60 = vector.broadcast %slice3A_59 : vector<2048x1xf32> to vector<2048x128xf32>
    %mul3A_61 = arith.mulf %get3A_7, %mul3A_60 : vector<2048x128xf32>
    %convert_element_type3A_62 = arith.truncf %mul3A_61 : vector<2048x128xf32> to vector<2048x128xbf16>
    %slice3A_63 = vector.extract_strided_slice %get3A_11 {offsets = [6, 0, 0], sizes = [1, 128, 48], strides = [1, 1, 1]} : vector<9x128x48xbf16> to vector<1x128x48xbf16>
    %squeeze3A_64 = vector.shape_cast %slice3A_63 : vector<1x128x48xbf16> to vector<128x48xbf16>
    %dot_general3A_65 = arith.constant dense<0.000000e+00> : vector<2048x48xf32>
    %dot_general3A_66 = tpu.matmul %convert_element_type3A_62, %squeeze3A_64, %dot_general3A_65 {dimension_numbers = #tpu.dot_dimension_numbers<[1], [0], [0], [1], [0, 0, 1, 1], [], []>, transpose_lhs_hint = false} : vector<2048x128xbf16>, vector<128x48xbf16>, vector<2048x48xf32> -> vector<2048x48xf32>
    %add3A_67 = arith.addf %add3A_58, %dot_general3A_66 : vector<2048x48xf32>
    %slice3A_68 = vector.extract_strided_slice %get3A_1 {offsets = [0, 7], sizes = [2048, 1], strides = [1, 1]} : vector<2048x9xf32> to vector<2048x1xf32>
    %mul3A_69 = vector.broadcast %slice3A_68 : vector<2048x1xf32> to vector<2048x128xf32>
    %mul3A_70 = arith.mulf %get3A_7, %mul3A_69 : vector<2048x128xf32>
    %convert_element_type3A_71 = arith.truncf %mul3A_70 : vector<2048x128xf32> to vector<2048x128xbf16>
    %slice3A_72 = vector.extract_strided_slice %get3A_11 {offsets = [7, 0, 0], sizes = [1, 128, 48], strides = [1, 1, 1]} : vector<9x128x48xbf16> to vector<1x128x48xbf16>
    %squeeze3A_73 = vector.shape_cast %slice3A_72 : vector<1x128x48xbf16> to vector<128x48xbf16>
    %dot_general3A_74 = arith.constant dense<0.000000e+00> : vector<2048x48xf32>
    %dot_general3A_75 = tpu.matmul %convert_element_type3A_71, %squeeze3A_73, %dot_general3A_74 {dimension_numbers = #tpu.dot_dimension_numbers<[1], [0], [0], [1], [0, 0, 1, 1], [], []>, transpose_lhs_hint = false} : vector<2048x128xbf16>, vector<128x48xbf16>, vector<2048x48xf32> -> vector<2048x48xf32>
    %add3A_76 = arith.addf %add3A_67, %dot_general3A_75 : vector<2048x48xf32>
    %slice3A_77 = vector.extract_strided_slice %get3A_1 {offsets = [0, 8], sizes = [2048, 1], strides = [1, 1]} : vector<2048x9xf32> to vector<2048x1xf32>
    %mul3A_78 = vector.broadcast %slice3A_77 : vector<2048x1xf32> to vector<2048x128xf32>
    %mul3A_79 = arith.mulf %get3A_7, %mul3A_78 : vector<2048x128xf32>
    %convert_element_type3A_80 = arith.truncf %mul3A_79 : vector<2048x128xf32> to vector<2048x128xbf16>
    %slice3A_81 = vector.extract_strided_slice %get3A_11 {offsets = [8, 0, 0], sizes = [1, 128, 48], strides = [1, 1, 1]} : vector<9x128x48xbf16> to vector<1x128x48xbf16>
    %squeeze3A_82 = vector.shape_cast %slice3A_81 : vector<1x128x48xbf16> to vector<128x48xbf16>
    %dot_general3A_83 = arith.constant dense<0.000000e+00> : vector<2048x48xf32>
    %dot_general3A_84 = tpu.matmul %convert_element_type3A_80, %squeeze3A_82, %dot_general3A_83 {dimension_numbers = #tpu.dot_dimension_numbers<[1], [0], [0], [1], [0, 0, 1, 1], [], []>, transpose_lhs_hint = false} : vector<2048x128xbf16>, vector<128x48xbf16>, vector<2048x48xf32> -> vector<2048x48xf32>
    %add3A_85 = arith.addf %add3A_76, %dot_general3A_84 : vector<2048x48xf32>
    %slice3A_86 = vector.extract_strided_slice %get3A_4 {offsets = [0, 0], sizes = [2048, 1], strides = [1, 1]} : vector<2048x2xf32> to vector<2048x1xf32>
    %mul3A_87 = vector.broadcast %slice3A_86 : vector<2048x1xf32> to vector<2048x9xf32>
    %mul3A_88 = arith.mulf %mul3A_87, %get3A_1 : vector<2048x9xf32>
    %slice3A_89 = vector.extract_strided_slice %get3A_4 {offsets = [0, 1], sizes = [2048, 1], strides = [1, 1]} : vector<2048x2xf32> to vector<2048x1xf32>
    %mul3A_90 = vector.broadcast %slice3A_89 : vector<2048x1xf32> to vector<2048x9xf32>
    %mul3A_91 = arith.mulf %mul3A_90, %get3A_1 : vector<2048x9xf32>
    %broadcast_in_dim3A = arith.constant 0.000000e+00 : f32
    %broadcast_in_dim3A_92 = vector.broadcast %broadcast_in_dim3A : f32 to vector<2048x53xf32>
    %concatenate3A = tpu.concatenate %add3A_85, %get3A_1, %mul3A_88, %mul3A_91, %broadcast_in_dim3A_92 in 1 : vector<2048x48xf32>, vector<2048x9xf32>, vector<2048x9xf32>, vector<2048x9xf32>, vector<2048x53xf32> -> vector<2048x128xf32>
    %swap3A = arith.constant 0 : index
    %swap3A_93 = arith.constant 0 : index
    %swap3A_94 = vector.load %arg5[%swap3A, %swap3A_93] : memref<2048x128xf32, #tpu.memory_space<vmem>>, vector<2048x128xf32>
    tpu.vector_store %arg5[%swap3A, %swap3A_93], %concatenate3A {strides = array<i32>} : memref<2048x128xf32, #tpu.memory_space<vmem>>, vector<2048x128xf32>,
    return
  }
  func.func @transform_0(%arg0: i32) -> (i32, i32) {
    %c0_i32 = arith.constant 0 : i32
    %c0_i32_0 = arith.constant 0 : i32
    return %arg0, %c0_i32 : i32, i32
  }
  func.func @transform_1(%arg0: i32) -> (i32, i32) {
    %c0_i32 = arith.constant 0 : i32
    %c0_i32_0 = arith.constant 0 : i32
    return %arg0, %c0_i32 : i32, i32
  }
  func.func @transform_2(%arg0: i32) -> (i32, i32) {
    %c0_i32 = arith.constant 0 : i32
    %c0_i32_0 = arith.constant 0 : i32
    return %arg0, %c0_i32 : i32, i32
  }
  func.func @transform_3(%arg0: i32) -> (i32, i32, i32) {
    %c0_i32 = arith.constant 0 : i32
    %c0_i32_0 = arith.constant 0 : i32
    %c0_i32_1 = arith.constant 0 : i32
    %c0_i32_2 = arith.constant 0 : i32
    return %c0_i32, %c0_i32_0, %c0_i32_1 : i32, i32, i32
  }
  func.func @transform_4(%arg0: i32) -> (i32, i32) {
    %c0_i32 = arith.constant 0 : i32
    %c0_i32_0 = arith.constant 0 : i32
    return %arg0, %c0_i32 : i32, i32
  }
}

module attributes {stable_mosaic.version = 14 : i64} {
  func.func @_payload1_body(%arg0: i32, %arg1: memref<2048x128xf32, #tpu.memory_space<vmem>>, %arg2: memref<2048x9xf32, #tpu.memory_space<vmem>>, %arg3: memref<2048x2xf32, #tpu.memory_space<vmem>>, %arg4: memref<9x128x48xbf16, #tpu.memory_space<vmem>>, %arg5: memref<2048x128xf32, #tpu.memory_space<vmem>>) attributes {dimension_semantics = [#tpu.dimension_semantics<arbitrary>], iteration_bounds = array<i64: 40>, scalar_prefetch = 0 : i64, scratch_operands = 0 : i64, tpu.core_type = #tpu.core_type<tc>, window_params = [{transform_indices = @transform_0, window_bounds = array<i64: 2048, 128>}, {transform_indices = @transform_1, window_bounds = array<i64: 2048, 9>}, {transform_indices = @transform_2, window_bounds = array<i64: 2048, 2>}, {pipeline_mode = #tpu.pipeline_mode<synchronous>, transform_indices = @transform_3, window_bounds = array<i64: 9, 128, 48>}, {transform_indices = @transform_4, window_bounds = array<i64: 2048, 128>}]} {
    %get3A = arith.constant 0 : index
    %get3A_0 = arith.constant 0 : index
    %get3A_1 = vector.load %arg2[%get3A, %get3A_0] : memref<2048x9xf32, #tpu.memory_space<vmem>>, vector<2048x9xf32>
    %get3A_2 = arith.constant 0 : index
    %get3A_3 = arith.constant 0 : index
    %get3A_4 = vector.load %arg3[%get3A_2, %get3A_3] : memref<2048x2xf32, #tpu.memory_space<vmem>>, vector<2048x2xf32>
    %get3A_5 = arith.constant 0 : index
    %get3A_6 = arith.constant 0 : index
    %get3A_7 = vector.load %arg1[%get3A_5, %get3A_6] : memref<2048x128xf32, #tpu.memory_space<vmem>>, vector<2048x128xf32>
    %get3A_8 = arith.constant 0 : index
    %get3A_9 = arith.constant 0 : index
    %get3A_10 = arith.constant 0 : index
    %get3A_11 = vector.load %arg4[%get3A_8, %get3A_9, %get3A_10] : memref<9x128x48xbf16, #tpu.memory_space<vmem>>, vector<9x128x48xbf16>
    %slice3A = vector.extract_strided_slice %get3A_1 {offsets = [0, 0], sizes = [2048, 1], strides = [1, 1]} : vector<2048x9xf32> to vector<2048x1xf32>
    %mul3A = vector.broadcast %slice3A : vector<2048x1xf32> to vector<2048x128xf32>
    %mul3A_12 = arith.mulf %get3A_7, %mul3A : vector<2048x128xf32>
    %convert_element_type3A = arith.truncf %mul3A_12 : vector<2048x128xf32> to vector<2048x128xbf16>
    %slice3A_13 = vector.extract_strided_slice %get3A_11 {offsets = [0, 0, 0], sizes = [1, 128, 48], strides = [1, 1, 1]} : vector<9x128x48xbf16> to vector<1x128x48xbf16>
    %squeeze3A = vector.shape_cast %slice3A_13 : vector<1x128x48xbf16> to vector<128x48xbf16>
    %dot_general3A = arith.constant dense<0.000000e+00> : vector<2048x48xf32>
    %dot_general3A_14 = tpu.matmul %convert_element_type3A, %squeeze3A, %dot_general3A {dimension_numbers = #tpu.dot_dimension_numbers<[1], [0], [0], [1], [0, 0, 1, 1], [], []>, transpose_lhs_hint = false} : vector<2048x128xbf16>, vector<128x48xbf16>, vector<2048x48xf32> -> vector<2048x48xf32>
    %slice3A_15 = vector.extract_strided_slice %get3A_1 {offsets = [0, 1], sizes = [2048, 1], strides = [1, 1]} : vector<2048x9xf32> to vector<2048x1xf32>
    %mul3A_16 = vector.broadcast %slice3A_15 : vector<2048x1xf32> to vector<2048x128xf32>
    %mul3A_17 = arith.mulf %get3A_7, %mul3A_16 : vector<2048x128xf32>
    %convert_element_type3A_18 = arith.truncf %mul3A_17 : vector<2048x128xf32> to vector<2048x128xbf16>
    %slice3A_19 = vector.extract_strided_slice %get3A_11 {offsets = [1, 0, 0], sizes = [1, 128, 48], strides = [1, 1, 1]} : vector<9x128x48xbf16> to vector<1x128x48xbf16>
    %squeeze3A_20 = vector.shape_cast %slice3A_19 : vector<1x128x48xbf16> to vector<128x48xbf16>
    %dot_general3A_21 = arith.constant dense<0.000000e+00> : vector<2048x48xf32>
    %dot_general3A_22 = tpu.matmul %convert_element_type3A_18, %squeeze3A_20, %dot_general3A_21 {dimension_numbers = #tpu.dot_dimension_numbers<[1], [0], [0], [1], [0, 0, 1, 1], [], []>, transpose_lhs_hint = false} : vector<2048x128xbf16>, vector<128x48xbf16>, vector<2048x48xf32> -> vector<2048x48xf32>
    %add3A = arith.addf %dot_general3A_14, %dot_general3A_22 : vector<2048x48xf32>
    %slice3A_23 = vector.extract_strided_slice %get3A_1 {offsets = [0, 2], sizes = [2048, 1], strides = [1, 1]} : vector<2048x9xf32> to vector<2048x1xf32>
    %mul3A_24 = vector.broadcast %slice3A_23 : vector<2048x1xf32> to vector<2048x128xf32>
    %mul3A_25 = arith.mulf %get3A_7, %mul3A_24 : vector<2048x128xf32>
    %convert_element_type3A_26 = arith.truncf %mul3A_25 : vector<2048x128xf32> to vector<2048x128xbf16>
    %slice3A_27 = vector.extract_strided_slice %get3A_11 {offsets = [2, 0, 0], sizes = [1, 128, 48], strides = [1, 1, 1]} : vector<9x128x48xbf16> to vector<1x128x48xbf16>
    %squeeze3A_28 = vector.shape_cast %slice3A_27 : vector<1x128x48xbf16> to vector<128x48xbf16>
    %dot_general3A_29 = arith.constant dense<0.000000e+00> : vector<2048x48xf32>
    %dot_general3A_30 = tpu.matmul %convert_element_type3A_26, %squeeze3A_28, %dot_general3A_29 {dimension_numbers = #tpu.dot_dimension_numbers<[1], [0], [0], [1], [0, 0, 1, 1], [], []>, transpose_lhs_hint = false} : vector<2048x128xbf16>, vector<128x48xbf16>, vector<2048x48xf32> -> vector<2048x48xf32>
    %add3A_31 = arith.addf %add3A, %dot_general3A_30 : vector<2048x48xf32>
    %slice3A_32 = vector.extract_strided_slice %get3A_1 {offsets = [0, 3], sizes = [2048, 1], strides = [1, 1]} : vector<2048x9xf32> to vector<2048x1xf32>
    %mul3A_33 = vector.broadcast %slice3A_32 : vector<2048x1xf32> to vector<2048x128xf32>
    %mul3A_34 = arith.mulf %get3A_7, %mul3A_33 : vector<2048x128xf32>
    %convert_element_type3A_35 = arith.truncf %mul3A_34 : vector<2048x128xf32> to vector<2048x128xbf16>
    %slice3A_36 = vector.extract_strided_slice %get3A_11 {offsets = [3, 0, 0], sizes = [1, 128, 48], strides = [1, 1, 1]} : vector<9x128x48xbf16> to vector<1x128x48xbf16>
    %squeeze3A_37 = vector.shape_cast %slice3A_36 : vector<1x128x48xbf16> to vector<128x48xbf16>
    %dot_general3A_38 = arith.constant dense<0.000000e+00> : vector<2048x48xf32>
    %dot_general3A_39 = tpu.matmul %convert_element_type3A_35, %squeeze3A_37, %dot_general3A_38 {dimension_numbers = #tpu.dot_dimension_numbers<[1], [0], [0], [1], [0, 0, 1, 1], [], []>, transpose_lhs_hint = false} : vector<2048x128xbf16>, vector<128x48xbf16>, vector<2048x48xf32> -> vector<2048x48xf32>
    %add3A_40 = arith.addf %add3A_31, %dot_general3A_39 : vector<2048x48xf32>
    %slice3A_41 = vector.extract_strided_slice %get3A_1 {offsets = [0, 4], sizes = [2048, 1], strides = [1, 1]} : vector<2048x9xf32> to vector<2048x1xf32>
    %mul3A_42 = vector.broadcast %slice3A_41 : vector<2048x1xf32> to vector<2048x128xf32>
    %mul3A_43 = arith.mulf %get3A_7, %mul3A_42 : vector<2048x128xf32>
    %convert_element_type3A_44 = arith.truncf %mul3A_43 : vector<2048x128xf32> to vector<2048x128xbf16>
    %slice3A_45 = vector.extract_strided_slice %get3A_11 {offsets = [4, 0, 0], sizes = [1, 128, 48], strides = [1, 1, 1]} : vector<9x128x48xbf16> to vector<1x128x48xbf16>
    %squeeze3A_46 = vector.shape_cast %slice3A_45 : vector<1x128x48xbf16> to vector<128x48xbf16>
    %dot_general3A_47 = arith.constant dense<0.000000e+00> : vector<2048x48xf32>
    %dot_general3A_48 = tpu.matmul %convert_element_type3A_44, %squeeze3A_46, %dot_general3A_47 {dimension_numbers = #tpu.dot_dimension_numbers<[1], [0], [0], [1], [0, 0, 1, 1], [], []>, transpose_lhs_hint = false} : vector<2048x128xbf16>, vector<128x48xbf16>, vector<2048x48xf32> -> vector<2048x48xf32>
    %add3A_49 = arith.addf %add3A_40, %dot_general3A_48 : vector<2048x48xf32>
    %slice3A_50 = vector.extract_strided_slice %get3A_1 {offsets = [0, 5], sizes = [2048, 1], strides = [1, 1]} : vector<2048x9xf32> to vector<2048x1xf32>
    %mul3A_51 = vector.broadcast %slice3A_50 : vector<2048x1xf32> to vector<2048x128xf32>
    %mul3A_52 = arith.mulf %get3A_7, %mul3A_51 : vector<2048x128xf32>
    %convert_element_type3A_53 = arith.truncf %mul3A_52 : vector<2048x128xf32> to vector<2048x128xbf16>
    %slice3A_54 = vector.extract_strided_slice %get3A_11 {offsets = [5, 0, 0], sizes = [1, 128, 48], strides = [1, 1, 1]} : vector<9x128x48xbf16> to vector<1x128x48xbf16>
    %squeeze3A_55 = vector.shape_cast %slice3A_54 : vector<1x128x48xbf16> to vector<128x48xbf16>
    %dot_general3A_56 = arith.constant dense<0.000000e+00> : vector<2048x48xf32>
    %dot_general3A_57 = tpu.matmul %convert_element_type3A_53, %squeeze3A_55, %dot_general3A_56 {dimension_numbers = #tpu.dot_dimension_numbers<[1], [0], [0], [1], [0, 0, 1, 1], [], []>, transpose_lhs_hint = false} : vector<2048x128xbf16>, vector<128x48xbf16>, vector<2048x48xf32> -> vector<2048x48xf32>
    %add3A_58 = arith.addf %add3A_49, %dot_general3A_57 : vector<2048x48xf32>
    %slice3A_59 = vector.extract_strided_slice %get3A_1 {offsets = [0, 6], sizes = [2048, 1], strides = [1, 1]} : vector<2048x9xf32> to vector<2048x1xf32>
    %mul3A_60 = vector.broadcast %slice3A_59 : vector<2048x1xf32> to vector<2048x128xf32>
    %mul3A_61 = arith.mulf %get3A_7, %mul3A_60 : vector<2048x128xf32>
    %convert_element_type3A_62 = arith.truncf %mul3A_61 : vector<2048x128xf32> to vector<2048x128xbf16>
    %slice3A_63 = vector.extract_strided_slice %get3A_11 {offsets = [6, 0, 0], sizes = [1, 128, 48], strides = [1, 1, 1]} : vector<9x128x48xbf16> to vector<1x128x48xbf16>
    %squeeze3A_64 = vector.shape_cast %slice3A_63 : vector<1x128x48xbf16> to vector<128x48xbf16>
    %dot_general3A_65 = arith.constant dense<0.000000e+00> : vector<2048x48xf32>
    %dot_general3A_66 = tpu.matmul %convert_element_type3A_62, %squeeze3A_64, %dot_general3A_65 {dimension_numbers = #tpu.dot_dimension_numbers<[1], [0], [0], [1], [0, 0, 1, 1], [], []>, transpose_lhs_hint = false} : vector<2048x128xbf16>, vector<128x48xbf16>, vector<2048x48xf32> -> vector<2048x48xf32>
    %add3A_67 = arith.addf %add3A_58, %dot_general3A_66 : vector<2048x48xf32>
    %slice3A_68 = vector.extract_strided_slice %get3A_1 {offsets = [0, 7], sizes = [2048, 1], strides = [1, 1]} : vector<2048x9xf32> to vector<2048x1xf32>
    %mul3A_69 = vector.broadcast %slice3A_68 : vector<2048x1xf32> to vector<2048x128xf32>
    %mul3A_70 = arith.mulf %get3A_7, %mul3A_69 : vector<2048x128xf32>
    %convert_element_type3A_71 = arith.truncf %mul3A_70 : vector<2048x128xf32> to vector<2048x128xbf16>
    %slice3A_72 = vector.extract_strided_slice %get3A_11 {offsets = [7, 0, 0], sizes = [1, 128, 48], strides = [1, 1, 1]} : vector<9x128x48xbf16> to vector<1x128x48xbf16>
    %squeeze3A_73 = vector.shape_cast %slice3A_72 : vector<1x128x48xbf16> to vector<128x48xbf16>
    %dot_general3A_74 = arith.constant dense<0.000000e+00> : vector<2048x48xf32>
    %dot_general3A_75 = tpu.matmul %convert_element_type3A_71, %squeeze3A_73, %dot_general3A_74 {dimension_numbers = #tpu.dot_dimension_numbers<[1], [0], [0], [1], [0, 0, 1, 1], [], []>, transpose_lhs_hint = false} : vector<2048x128xbf16>, vector<128x48xbf16>, vector<2048x48xf32> -> vector<2048x48xf32>
    %add3A_76 = arith.addf %add3A_67, %dot_general3A_75 : vector<2048x48xf32>
    %slice3A_77 = vector.extract_strided_slice %get3A_1 {offsets = [0, 8], sizes = [2048, 1], strides = [1, 1]} : vector<2048x9xf32> to vector<2048x1xf32>
    %mul3A_78 = vector.broadcast %slice3A_77 : vector<2048x1xf32> to vector<2048x128xf32>
    %mul3A_79 = arith.mulf %get3A_7, %mul3A_78 : vector<2048x128xf32>
    %convert_element_type3A_80 = arith.truncf %mul3A_79 : vector<2048x128xf32> to vector<2048x128xbf16>
    %slice3A_81 = vector.extract_strided_slice %get3A_11 {offsets = [8, 0, 0], sizes = [1, 128, 48], strides = [1, 1, 1]} : vector<9x128x48xbf16> to vector<1x128x48xbf16>
    %squeeze3A_82 = vector.shape_cast %slice3A_81 : vector<1x128x48xbf16> to vector<128x48xbf16>
    %dot_general3A_83 = arith.constant dense<0.000000e+00> : vector<2048x48xf32>
    %dot_general3A_84 = tpu.matmul %convert_element_type3A_80, %squeeze3A_82, %dot_general3A_83 {dimension_numbers = #tpu.dot_dimension_numbers<[1], [0], [0], [1], [0, 0, 1, 1], [], []>, transpose_lhs_hint = false} : vector<2048x128xbf16>, vector<128x48xbf16>, vector<2048x48xf32> -> vector<2048x48xf32>
    %add3A_85 = arith.addf %add3A_76, %dot_general3A_84 : vector<2048x48xf32>
    %slice3A_86 = vector.extract_strided_slice %get3A_4 {offsets = [0, 0], sizes = [2048, 1], strides = [1, 1]} : vector<2048x2xf32> to vector<2048x1xf32>
    %mul3A_87 = vector.broadcast %slice3A_86 : vector<2048x1xf32> to vector<2048x9xf32>
    %mul3A_88 = arith.mulf %mul3A_87, %get3A_1 : vector<2048x9xf32>
    %slice3A_89 = vector.extract_strided_slice %get3A_4 {offsets = [0, 1], sizes = [2048, 1], strides = [1, 1]} : vector<2048x2xf32> to vector<2048x1xf32>
    %mul3A_90 = vector.broadcast %slice3A_89 : vector<2048x1xf32> to vector<2048x9xf32>
    %mul3A_91 = arith.mulf %mul3A_90, %get3A_1 : vector<2048x9xf32>
    %broadcast_in_dim3A = arith.constant 0.000000e+00 : f32
    %broadcast_in_dim3A_92 = vector.broadcast %broadcast_in_dim3A : f32 to vector<2048x53xf32>
    %concatenate3A = tpu.concatenate %add3A_85, %get3A_1, %mul3A_88, %mul3A_91, %broadcast_in_dim3A_92 in 1 : vector<2048x48xf32>, vector<2048x9xf32>, vector<2048x9xf32>, vector<2048x9xf32>, vector<2048x53xf32> -> vector<2048x128xf32>
    %swap3A = arith.constant 0 : index
    %swap3A_93 = arith.constant 0 : index
    %swap3A_94 = vector.load %arg5[%swap3A, %swap3A_93] : memref<2048x128xf32, #tpu.memory_space<vmem>>, vector<2048x128xf32>
    tpu.vector_store %arg5[%swap3A, %swap3A_93], %concatenate3A {strides = array<i32>} : memref<2048x128xf32, #tpu.memory_space<vmem>>, vector<2048x128xf32>,
    return
  }
  func.func @transform_0(%arg0: i32) -> (i32, i32) {
    %c0_i32 = arith.constant 0 : i32
    %c0_i32_0 = arith.constant 0 : i32
    return %arg0, %c0_i32 : i32, i32
  }
  func.func @transform_1(%arg0: i32) -> (i32, i32) {
    %c0_i32 = arith.constant 0 : i32
    %c0_i32_0 = arith.constant 0 : i32
    return %arg0, %c0_i32 : i32, i32
  }
  func.func @transform_2(%arg0: i32) -> (i32, i32) {
    %c0_i32 = arith.constant 0 : i32
    %c0_i32_0 = arith.constant 0 : i32
    return %arg0, %c0_i32 : i32, i32
  }
  func.func @transform_3(%arg0: i32) -> (i32, i32, i32) {
    %c0_i32 = arith.constant 0 : i32
    %c0_i32_0 = arith.constant 0 : i32
    %c0_i32_1 = arith.constant 0 : i32
    %c0_i32_2 = arith.constant 0 : i32
    return %c0_i32, %c0_i32_0, %c0_i32_1 : i32, i32, i32
  }
  func.func @transform_4(%arg0: i32) -> (i32, i32) {
    %c0_i32 = arith.constant 0 : i32
    %c0_i32_0 = arith.constant 0 : i32
    return %arg0, %c0_i32 : i32, i32
  }
}

module attributes {stable_mosaic.version = 14 : i64} {
  func.func @_update1_body(%arg0: i32, %arg1: memref<1000x128xf32, #tpu.memory_space<vmem>>, %arg2: memref<1000x128xf32, #tpu.memory_space<vmem>>, %arg3: memref<1000x128xf32, #tpu.memory_space<vmem>>, %arg4: memref<1000x128xf32, #tpu.memory_space<vmem>>, %arg5: memref<1000x128xf32, #tpu.memory_space<vmem>>, %arg6: memref<9x128x48xbf16, #tpu.memory_space<vmem>>, %arg7: memref<18x48xf32, #tpu.memory_space<vmem>>, %arg8: memref<1000x128xf32, #tpu.memory_space<vmem>>, %arg9: memref<1000x27xf32, #tpu.memory_space<vmem>>) attributes {dimension_semantics = [#tpu.dimension_semantics<arbitrary>], iteration_bounds = array<i64: 10>, scalar_prefetch = 0 : i64, scratch_operands = 0 : i64, tpu.core_type = #tpu.core_type<tc>, window_params = [{transform_indices = @transform_0, window_bounds = array<i64: 1000, 128>}, {transform_indices = @transform_1, window_bounds = array<i64: 1000, 128>}, {transform_indices = @transform_2, window_bounds = array<i64: 1000, 128>}, {transform_indices = @transform_3, window_bounds = array<i64: 1000, 128>}, {transform_indices = @transform_4, window_bounds = array<i64: 1000, 128>}, {pipeline_mode = #tpu.pipeline_mode<synchronous>, transform_indices = @transform_5, window_bounds = array<i64: 9, 128, 48>}, {pipeline_mode = #tpu.pipeline_mode<synchronous>, transform_indices = @transform_6, window_bounds = array<i64: 18, 48>}, {transform_indices = @transform_7, window_bounds = array<i64: 1000, 128>}, {transform_indices = @transform_8, window_bounds = array<i64: 1000, 27>}]} {
    %get3A = arith.constant 0 : index
    %get3A_0 = arith.constant 0 : index
    %get3A_1 = vector.load %arg1[%get3A, %get3A_0] : memref<1000x128xf32, #tpu.memory_space<vmem>>, vector<1000x128xf32>
    %get3A_2 = arith.constant 0 : index
    %get3A_3 = arith.constant 0 : index
    %get3A_4 = vector.load %arg2[%get3A_2, %get3A_3] : memref<1000x128xf32, #tpu.memory_space<vmem>>, vector<1000x128xf32>
    %add3A = arith.addf %get3A_1, %get3A_4 : vector<1000x128xf32>
    %get3A_5 = arith.constant 0 : index
    %get3A_6 = arith.constant 0 : index
    %get3A_7 = vector.load %arg3[%get3A_5, %get3A_6] : memref<1000x128xf32, #tpu.memory_space<vmem>>, vector<1000x128xf32>
    %get3A_8 = arith.constant 0 : index
    %get3A_9 = arith.constant 0 : index
    %get3A_10 = vector.load %arg4[%get3A_8, %get3A_9] : memref<1000x128xf32, #tpu.memory_space<vmem>>, vector<1000x128xf32>
    %add3A_11 = arith.addf %get3A_7, %get3A_10 : vector<1000x128xf32>
    %add3A_12 = arith.addf %add3A, %add3A_11 : vector<1000x128xf32>
    %get3A_13 = arith.constant 0 : index
    %get3A_14 = arith.constant 0 : index
    %get3A_15 = vector.load %arg5[%get3A_13, %get3A_14] : memref<1000x128xf32, #tpu.memory_space<vmem>>, vector<1000x128xf32>
    %slice3A = vector.extract_strided_slice %add3A_12 {offsets = [0, 48], sizes = [1000, 9], strides = [1, 1]} : vector<1000x128xf32> to vector<1000x9xf32>
    %slice3A_16 = vector.extract_strided_slice %add3A_12 {offsets = [0, 57], sizes = [1000, 18], strides = [1, 1]} : vector<1000x128xf32> to vector<1000x18xf32>
    %slice3A_17 = vector.extract_strided_slice %add3A_12 {offsets = [0, 0], sizes = [1000, 48], strides = [1, 1]} : vector<1000x128xf32> to vector<1000x48xf32>
    %get3A_18 = arith.constant 0 : index
    %get3A_19 = arith.constant 0 : index
    %get3A_20 = arith.constant 0 : index
    %get3A_21 = vector.load %arg6[%get3A_18, %get3A_19, %get3A_20] : memref<9x128x48xbf16, #tpu.memory_space<vmem>>, vector<9x128x48xbf16>
    %slice3A_22 = vector.extract_strided_slice %slice3A {offsets = [0, 0], sizes = [1000, 1], strides = [1, 1]} : vector<1000x9xf32> to vector<1000x1xf32>
    %mul3A = vector.broadcast %slice3A_22 : vector<1000x1xf32> to vector<1000x128xf32>
    %mul3A_23 = arith.mulf %get3A_15, %mul3A : vector<1000x128xf32>
    %convert_element_type3A = arith.truncf %mul3A_23 : vector<1000x128xf32> to vector<1000x128xbf16>
    %slice3A_24 = vector.extract_strided_slice %get3A_21 {offsets = [0, 0, 0], sizes = [1, 128, 48], strides = [1, 1, 1]} : vector<9x128x48xbf16> to vector<1x128x48xbf16>
    %squeeze3A = vector.shape_cast %slice3A_24 : vector<1x128x48xbf16> to vector<128x48xbf16>
    %dot_general3A = arith.constant dense<0.000000e+00> : vector<1000x48xf32>
    %dot_general3A_25 = tpu.matmul %convert_element_type3A, %squeeze3A, %dot_general3A {dimension_numbers = #tpu.dot_dimension_numbers<[1], [0], [0], [1], [0, 0, 1, 1], [], []>, transpose_lhs_hint = false} : vector<1000x128xbf16>, vector<128x48xbf16>, vector<1000x48xf32> -> vector<1000x48xf32>
    %slice3A_26 = vector.extract_strided_slice %slice3A {offsets = [0, 1], sizes = [1000, 1], strides = [1, 1]} : vector<1000x9xf32> to vector<1000x1xf32>
    %mul3A_27 = vector.broadcast %slice3A_26 : vector<1000x1xf32> to vector<1000x128xf32>
    %mul3A_28 = arith.mulf %get3A_15, %mul3A_27 : vector<1000x128xf32>
    %convert_element_type3A_29 = arith.truncf %mul3A_28 : vector<1000x128xf32> to vector<1000x128xbf16>
    %slice3A_30 = vector.extract_strided_slice %get3A_21 {offsets = [1, 0, 0], sizes = [1, 128, 48], strides = [1, 1, 1]} : vector<9x128x48xbf16> to vector<1x128x48xbf16>
    %squeeze3A_31 = vector.shape_cast %slice3A_30 : vector<1x128x48xbf16> to vector<128x48xbf16>
    %dot_general3A_32 = arith.constant dense<0.000000e+00> : vector<1000x48xf32>
    %dot_general3A_33 = tpu.matmul %convert_element_type3A_29, %squeeze3A_31, %dot_general3A_32 {dimension_numbers = #tpu.dot_dimension_numbers<[1], [0], [0], [1], [0, 0, 1, 1], [], []>, transpose_lhs_hint = false} : vector<1000x128xbf16>, vector<128x48xbf16>, vector<1000x48xf32> -> vector<1000x48xf32>
    %add3A_34 = arith.addf %dot_general3A_25, %dot_general3A_33 : vector<1000x48xf32>
    %slice3A_35 = vector.extract_strided_slice %slice3A {offsets = [0, 2], sizes = [1000, 1], strides = [1, 1]} : vector<1000x9xf32> to vector<1000x1xf32>
    %mul3A_36 = vector.broadcast %slice3A_35 : vector<1000x1xf32> to vector<1000x128xf32>
    %mul3A_37 = arith.mulf %get3A_15, %mul3A_36 : vector<1000x128xf32>
    %convert_element_type3A_38 = arith.truncf %mul3A_37 : vector<1000x128xf32> to vector<1000x128xbf16>
    %slice3A_39 = vector.extract_strided_slice %get3A_21 {offsets = [2, 0, 0], sizes = [1, 128, 48], strides = [1, 1, 1]} : vector<9x128x48xbf16> to vector<1x128x48xbf16>
    %squeeze3A_40 = vector.shape_cast %slice3A_39 : vector<1x128x48xbf16> to vector<128x48xbf16>
    %dot_general3A_41 = arith.constant dense<0.000000e+00> : vector<1000x48xf32>
    %dot_general3A_42 = tpu.matmul %convert_element_type3A_38, %squeeze3A_40, %dot_general3A_41 {dimension_numbers = #tpu.dot_dimension_numbers<[1], [0], [0], [1], [0, 0, 1, 1], [], []>, transpose_lhs_hint = false} : vector<1000x128xbf16>, vector<128x48xbf16>, vector<1000x48xf32> -> vector<1000x48xf32>
    %add3A_43 = arith.addf %add3A_34, %dot_general3A_42 : vector<1000x48xf32>
    %slice3A_44 = vector.extract_strided_slice %slice3A {offsets = [0, 3], sizes = [1000, 1], strides = [1, 1]} : vector<1000x9xf32> to vector<1000x1xf32>
    %mul3A_45 = vector.broadcast %slice3A_44 : vector<1000x1xf32> to vector<1000x128xf32>
    %mul3A_46 = arith.mulf %get3A_15, %mul3A_45 : vector<1000x128xf32>
    %convert_element_type3A_47 = arith.truncf %mul3A_46 : vector<1000x128xf32> to vector<1000x128xbf16>
    %slice3A_48 = vector.extract_strided_slice %get3A_21 {offsets = [3, 0, 0], sizes = [1, 128, 48], strides = [1, 1, 1]} : vector<9x128x48xbf16> to vector<1x128x48xbf16>
    %squeeze3A_49 = vector.shape_cast %slice3A_48 : vector<1x128x48xbf16> to vector<128x48xbf16>
    %dot_general3A_50 = arith.constant dense<0.000000e+00> : vector<1000x48xf32>
    %dot_general3A_51 = tpu.matmul %convert_element_type3A_47, %squeeze3A_49, %dot_general3A_50 {dimension_numbers = #tpu.dot_dimension_numbers<[1], [0], [0], [1], [0, 0, 1, 1], [], []>, transpose_lhs_hint = false} : vector<1000x128xbf16>, vector<128x48xbf16>, vector<1000x48xf32> -> vector<1000x48xf32>
    %add3A_52 = arith.addf %add3A_43, %dot_general3A_51 : vector<1000x48xf32>
    %slice3A_53 = vector.extract_strided_slice %slice3A {offsets = [0, 4], sizes = [1000, 1], strides = [1, 1]} : vector<1000x9xf32> to vector<1000x1xf32>
    %mul3A_54 = vector.broadcast %slice3A_53 : vector<1000x1xf32> to vector<1000x128xf32>
    %mul3A_55 = arith.mulf %get3A_15, %mul3A_54 : vector<1000x128xf32>
    %convert_element_type3A_56 = arith.truncf %mul3A_55 : vector<1000x128xf32> to vector<1000x128xbf16>
    %slice3A_57 = vector.extract_strided_slice %get3A_21 {offsets = [4, 0, 0], sizes = [1, 128, 48], strides = [1, 1, 1]} : vector<9x128x48xbf16> to vector<1x128x48xbf16>
    %squeeze3A_58 = vector.shape_cast %slice3A_57 : vector<1x128x48xbf16> to vector<128x48xbf16>
    %dot_general3A_59 = arith.constant dense<0.000000e+00> : vector<1000x48xf32>
    %dot_general3A_60 = tpu.matmul %convert_element_type3A_56, %squeeze3A_58, %dot_general3A_59 {dimension_numbers = #tpu.dot_dimension_numbers<[1], [0], [0], [1], [0, 0, 1, 1], [], []>, transpose_lhs_hint = false} : vector<1000x128xbf16>, vector<128x48xbf16>, vector<1000x48xf32> -> vector<1000x48xf32>
    %add3A_61 = arith.addf %add3A_52, %dot_general3A_60 : vector<1000x48xf32>
    %slice3A_62 = vector.extract_strided_slice %slice3A {offsets = [0, 5], sizes = [1000, 1], strides = [1, 1]} : vector<1000x9xf32> to vector<1000x1xf32>
    %mul3A_63 = vector.broadcast %slice3A_62 : vector<1000x1xf32> to vector<1000x128xf32>
    %mul3A_64 = arith.mulf %get3A_15, %mul3A_63 : vector<1000x128xf32>
    %convert_element_type3A_65 = arith.truncf %mul3A_64 : vector<1000x128xf32> to vector<1000x128xbf16>
    %slice3A_66 = vector.extract_strided_slice %get3A_21 {offsets = [5, 0, 0], sizes = [1, 128, 48], strides = [1, 1, 1]} : vector<9x128x48xbf16> to vector<1x128x48xbf16>
    %squeeze3A_67 = vector.shape_cast %slice3A_66 : vector<1x128x48xbf16> to vector<128x48xbf16>
    %dot_general3A_68 = arith.constant dense<0.000000e+00> : vector<1000x48xf32>
    %dot_general3A_69 = tpu.matmul %convert_element_type3A_65, %squeeze3A_67, %dot_general3A_68 {dimension_numbers = #tpu.dot_dimension_numbers<[1], [0], [0], [1], [0, 0, 1, 1], [], []>, transpose_lhs_hint = false} : vector<1000x128xbf16>, vector<128x48xbf16>, vector<1000x48xf32> -> vector<1000x48xf32>
    %add3A_70 = arith.addf %add3A_61, %dot_general3A_69 : vector<1000x48xf32>
    %slice3A_71 = vector.extract_strided_slice %slice3A {offsets = [0, 6], sizes = [1000, 1], strides = [1, 1]} : vector<1000x9xf32> to vector<1000x1xf32>
    %mul3A_72 = vector.broadcast %slice3A_71 : vector<1000x1xf32> to vector<1000x128xf32>
    %mul3A_73 = arith.mulf %get3A_15, %mul3A_72 : vector<1000x128xf32>
    %convert_element_type3A_74 = arith.truncf %mul3A_73 : vector<1000x128xf32> to vector<1000x128xbf16>
    %slice3A_75 = vector.extract_strided_slice %get3A_21 {offsets = [6, 0, 0], sizes = [1, 128, 48], strides = [1, 1, 1]} : vector<9x128x48xbf16> to vector<1x128x48xbf16>
    %squeeze3A_76 = vector.shape_cast %slice3A_75 : vector<1x128x48xbf16> to vector<128x48xbf16>
    %dot_general3A_77 = arith.constant dense<0.000000e+00> : vector<1000x48xf32>
    %dot_general3A_78 = tpu.matmul %convert_element_type3A_74, %squeeze3A_76, %dot_general3A_77 {dimension_numbers = #tpu.dot_dimension_numbers<[1], [0], [0], [1], [0, 0, 1, 1], [], []>, transpose_lhs_hint = false} : vector<1000x128xbf16>, vector<128x48xbf16>, vector<1000x48xf32> -> vector<1000x48xf32>
    %add3A_79 = arith.addf %add3A_70, %dot_general3A_78 : vector<1000x48xf32>
    %slice3A_80 = vector.extract_strided_slice %slice3A {offsets = [0, 7], sizes = [1000, 1], strides = [1, 1]} : vector<1000x9xf32> to vector<1000x1xf32>
    %mul3A_81 = vector.broadcast %slice3A_80 : vector<1000x1xf32> to vector<1000x128xf32>
    %mul3A_82 = arith.mulf %get3A_15, %mul3A_81 : vector<1000x128xf32>
    %convert_element_type3A_83 = arith.truncf %mul3A_82 : vector<1000x128xf32> to vector<1000x128xbf16>
    %slice3A_84 = vector.extract_strided_slice %get3A_21 {offsets = [7, 0, 0], sizes = [1, 128, 48], strides = [1, 1, 1]} : vector<9x128x48xbf16> to vector<1x128x48xbf16>
    %squeeze3A_85 = vector.shape_cast %slice3A_84 : vector<1x128x48xbf16> to vector<128x48xbf16>
    %dot_general3A_86 = arith.constant dense<0.000000e+00> : vector<1000x48xf32>
    %dot_general3A_87 = tpu.matmul %convert_element_type3A_83, %squeeze3A_85, %dot_general3A_86 {dimension_numbers = #tpu.dot_dimension_numbers<[1], [0], [0], [1], [0, 0, 1, 1], [], []>, transpose_lhs_hint = false} : vector<1000x128xbf16>, vector<128x48xbf16>, vector<1000x48xf32> -> vector<1000x48xf32>
    %add3A_88 = arith.addf %add3A_79, %dot_general3A_87 : vector<1000x48xf32>
    %slice3A_89 = vector.extract_strided_slice %slice3A {offsets = [0, 8], sizes = [1000, 1], strides = [1, 1]} : vector<1000x9xf32> to vector<1000x1xf32>
    %mul3A_90 = vector.broadcast %slice3A_89 : vector<1000x1xf32> to vector<1000x128xf32>
    %mul3A_91 = arith.mulf %get3A_15, %mul3A_90 : vector<1000x128xf32>
    %convert_element_type3A_92 = arith.truncf %mul3A_91 : vector<1000x128xf32> to vector<1000x128xbf16>
    %slice3A_93 = vector.extract_strided_slice %get3A_21 {offsets = [8, 0, 0], sizes = [1, 128, 48], strides = [1, 1, 1]} : vector<9x128x48xbf16> to vector<1x128x48xbf16>
    %squeeze3A_94 = vector.shape_cast %slice3A_93 : vector<1x128x48xbf16> to vector<128x48xbf16>
    %dot_general3A_95 = arith.constant dense<0.000000e+00> : vector<1000x48xf32>
    %dot_general3A_96 = tpu.matmul %convert_element_type3A_92, %squeeze3A_94, %dot_general3A_95 {dimension_numbers = #tpu.dot_dimension_numbers<[1], [0], [0], [1], [0, 0, 1, 1], [], []>, transpose_lhs_hint = false} : vector<1000x128xbf16>, vector<128x48xbf16>, vector<1000x48xf32> -> vector<1000x48xf32>
    %add3A_97 = arith.addf %add3A_88, %dot_general3A_96 : vector<1000x48xf32>
    %add3A_98 = arith.addf %slice3A_17, %add3A_97 : vector<1000x48xf32>
    %get3A_99 = arith.constant 0 : index
    %get3A_100 = arith.constant 0 : index
    %get3A_101 = vector.load %arg7[%get3A_99, %get3A_100] : memref<18x48xf32, #tpu.memory_space<vmem>>, vector<18x48xf32>
    %dot_general3A_102 = arith.constant dense<0.000000e+00> : vector<1000x48xf32>
    %dot_general3A_103 = tpu.matmul %slice3A_16, %get3A_101, %dot_general3A_102 {dimension_numbers = #tpu.dot_dimension_numbers<[1], [0], [0], [1], [0, 0, 1, 1], [], []>, precision = #tpu.contract_precision<fp32>, transpose_lhs_hint = false} : vector<1000x18xf32>, vector<18x48xf32>, vector<1000x48xf32> -> vector<1000x48xf32>
    %add3A_104 = arith.addf %add3A_98, %dot_general3A_103 : vector<1000x48xf32>
    %slice3A_105 = vector.extract_strided_slice %add3A_104 {offsets = [0, 0], sizes = [1000, 16], strides = [1, 1]} : vector<1000x48xf32> to vector<1000x16xf32>
    %slice3A_106 = vector.extract_strided_slice %add3A_104 {offsets = [0, 16], sizes = [1000, 8], strides = [1, 1]} : vector<1000x48xf32> to vector<1000x8xf32>
    %slice3A_107 = vector.extract_strided_slice %add3A_104 {offsets = [0, 24], sizes = [1000, 24], strides = [1, 1]} : vector<1000x48xf32> to vector<1000x24xf32>
    %reshape3A = vector.shape_cast %slice3A_107 : vector<1000x24xf32> to vector<1000x8x3xf32>
    %logistic3A = arith.negf %slice3A_106 : vector<1000x8xf32>
    %logistic3A_108 = math.exp %logistic3A : vector<1000x8xf32>
    %logistic3A_109 = arith.constant 1.000000e+00 : f32
    %logistic3A_110 = vector.broadcast %logistic3A_109 : f32 to vector<1000x8xf32>
    %logistic3A_111 = arith.addf %logistic3A_110, %logistic3A_108 : vector<1000x8xf32>
    %logistic3A_112 = arith.divf %logistic3A_110, %logistic3A_111 : vector<1000x8xf32>
    %broadcast_in_dim3A = vector.shape_cast %logistic3A_112 : vector<1000x8xf32> to vector<1000x8x1xf32>
    %mul3A_113 = vector.broadcast %broadcast_in_dim3A : vector<1000x8x1xf32> to vector<1000x8x3xf32>
    %mul3A_114 = arith.mulf %reshape3A, %mul3A_113 : vector<1000x8x3xf32>
    %logistic3A_115 = arith.negf %slice3A_105 : vector<1000x16xf32>
    %logistic3A_116 = math.exp %logistic3A_115 : vector<1000x16xf32>
    %logistic3A_117 = arith.constant 1.000000e+00 : f32
    %logistic3A_118 = vector.broadcast %logistic3A_117 : f32 to vector<1000x16xf32>
    %logistic3A_119 = arith.addf %logistic3A_118, %logistic3A_116 : vector<1000x16xf32>
    %logistic3A_120 = arith.divf %logistic3A_118, %logistic3A_119 : vector<1000x16xf32>
    %mul3A_121 = arith.mulf %slice3A_105, %logistic3A_120 : vector<1000x16xf32>
    %reshape3A_122 = vector.shape_cast %mul3A_114 : vector<1000x8x3xf32> to vector<1000x24xf32>
    %concatenate3A = tpu.concatenate %mul3A_121, %reshape3A_122 in 1 : vector<1000x16xf32>, vector<1000x24xf32> -> vector<1000x40xf32>
    %broadcast_in_dim3A_123 = arith.constant 0.000000e+00 : f32
    %broadcast_in_dim3A_124 = vector.broadcast %broadcast_in_dim3A_123 : f32 to vector<1000x88xf32>
    %concatenate3A_125 = tpu.concatenate %concatenate3A, %broadcast_in_dim3A_124 in 1 : vector<1000x40xf32>, vector<1000x88xf32> -> vector<1000x128xf32>
    %add3A_126 = arith.addf %get3A_15, %concatenate3A_125 : vector<1000x128xf32>
    %swap3A = arith.constant 0 : index
    %swap3A_127 = arith.constant 0 : index
    %swap3A_128 = vector.load %arg8[%swap3A, %swap3A_127] : memref<1000x128xf32, #tpu.memory_space<vmem>>, vector<1000x128xf32>
    tpu.vector_store %arg8[%swap3A, %swap3A_127], %add3A_126 {strides = array<i32>} : memref<1000x128xf32, #tpu.memory_space<vmem>>, vector<1000x128xf32>,
    %slice3A_129 = vector.extract_strided_slice %add3A_12 {offsets = [0, 48], sizes = [1000, 27], strides = [1, 1]} : vector<1000x128xf32> to vector<1000x27xf32>
    %swap3A_130 = arith.constant 0 : index
    %swap3A_131 = arith.constant 0 : index
    %swap3A_132 = vector.load %arg9[%swap3A_130, %swap3A_131] : memref<1000x27xf32, #tpu.memory_space<vmem>>, vector<1000x27xf32>
    tpu.vector_store %arg9[%swap3A_130, %swap3A_131], %slice3A_129 {strides = array<i32>} : memref<1000x27xf32, #tpu.memory_space<vmem>>, vector<1000x27xf32>,
    return
  }
  func.func @transform_0(%arg0: i32) -> (i32, i32) {
    %c0_i32 = arith.constant 0 : i32
    %c0_i32_0 = arith.constant 0 : i32
    return %arg0, %c0_i32 : i32, i32
  }
  func.func @transform_1(%arg0: i32) -> (i32, i32) {
    %add3A = arith.constant 10 : i32
    %add3A_0 = arith.addi %arg0, %add3A : i32
    %c0_i32 = arith.constant 0 : i32
    %c0_i32_1 = arith.constant 0 : i32
    return %add3A_0, %c0_i32 : i32, i32
  }
  func.func @transform_2(%arg0: i32) -> (i32, i32) {
    %c0_i32 = arith.constant 0 : i32
    %c0_i32_0 = arith.constant 0 : i32
    return %arg0, %c0_i32 : i32, i32
  }
  func.func @transform_3(%arg0: i32) -> (i32, i32) {
    %add3A = arith.constant 10 : i32
    %add3A_0 = arith.addi %arg0, %add3A : i32
    %c0_i32 = arith.constant 0 : i32
    %c0_i32_1 = arith.constant 0 : i32
    return %add3A_0, %c0_i32 : i32, i32
  }
  func.func @transform_4(%arg0: i32) -> (i32, i32) {
    %c0_i32 = arith.constant 0 : i32
    %c0_i32_0 = arith.constant 0 : i32
    return %arg0, %c0_i32 : i32, i32
  }
  func.func @transform_5(%arg0: i32) -> (i32, i32, i32) {
    %c0_i32 = arith.constant 0 : i32
    %c0_i32_0 = arith.constant 0 : i32
    %c0_i32_1 = arith.constant 0 : i32
    %c0_i32_2 = arith.constant 0 : i32
    return %c0_i32, %c0_i32_0, %c0_i32_1 : i32, i32, i32
  }
  func.func @transform_6(%arg0: i32) -> (i32, i32) {
    %c0_i32 = arith.constant 0 : i32
    %c0_i32_0 = arith.constant 0 : i32
    %c0_i32_1 = arith.constant 0 : i32
    return %c0_i32, %c0_i32_0 : i32, i32
  }
  func.func @transform_7(%arg0: i32) -> (i32, i32) {
    %c0_i32 = arith.constant 0 : i32
    %c0_i32_0 = arith.constant 0 : i32
    return %arg0, %c0_i32 : i32, i32
  }
  func.func @transform_8(%arg0: i32) -> (i32, i32) {
    %c0_i32 = arith.constant 0 : i32
    %c0_i32_0 = arith.constant 0 : i32
    return %arg0, %c0_i32 : i32, i32
  }
}

module attributes {stable_mosaic.version = 14 : i64} {
  func.func @_payload2_body(%arg0: i32, %arg1: memref<2048x128xf32, #tpu.memory_space<vmem>>, %arg2: memref<2048x9xf32, #tpu.memory_space<vmem>>, %arg3: memref<9x128x48xbf16, #tpu.memory_space<vmem>>, %arg4: memref<2048x128xf32, #tpu.memory_space<vmem>>) attributes {dimension_semantics = [#tpu.dimension_semantics<arbitrary>], iteration_bounds = array<i64: 40>, scalar_prefetch = 0 : i64, scratch_operands = 0 : i64, tpu.core_type = #tpu.core_type<tc>, window_params = [{transform_indices = @transform_0, window_bounds = array<i64: 2048, 128>}, {transform_indices = @transform_1, window_bounds = array<i64: 2048, 9>}, {pipeline_mode = #tpu.pipeline_mode<synchronous>, transform_indices = @transform_2, window_bounds = array<i64: 9, 128, 48>}, {transform_indices = @transform_3, window_bounds = array<i64: 2048, 128>}]} {
    %get3A = arith.constant 0 : index
    %get3A_0 = arith.constant 0 : index
    %get3A_1 = vector.load %arg1[%get3A, %get3A_0] : memref<2048x128xf32, #tpu.memory_space<vmem>>, vector<2048x128xf32>
    %get3A_2 = arith.constant 0 : index
    %get3A_3 = arith.constant 0 : index
    %get3A_4 = vector.load %arg2[%get3A_2, %get3A_3] : memref<2048x9xf32, #tpu.memory_space<vmem>>, vector<2048x9xf32>
    %get3A_5 = arith.constant 0 : index
    %get3A_6 = arith.constant 0 : index
    %get3A_7 = arith.constant 0 : index
    %get3A_8 = vector.load %arg3[%get3A_5, %get3A_6, %get3A_7] : memref<9x128x48xbf16, #tpu.memory_space<vmem>>, vector<9x128x48xbf16>
    %slice3A = vector.extract_strided_slice %get3A_4 {offsets = [0, 0], sizes = [2048, 1], strides = [1, 1]} : vector<2048x9xf32> to vector<2048x1xf32>
    %mul3A = vector.broadcast %slice3A : vector<2048x1xf32> to vector<2048x128xf32>
    %mul3A_9 = arith.mulf %get3A_1, %mul3A : vector<2048x128xf32>
    %convert_element_type3A = arith.truncf %mul3A_9 : vector<2048x128xf32> to vector<2048x128xbf16>
    %slice3A_10 = vector.extract_strided_slice %get3A_8 {offsets = [0, 0, 0], sizes = [1, 128, 48], strides = [1, 1, 1]} : vector<9x128x48xbf16> to vector<1x128x48xbf16>
    %squeeze3A = vector.shape_cast %slice3A_10 : vector<1x128x48xbf16> to vector<128x48xbf16>
    %dot_general3A = arith.constant dense<0.000000e+00> : vector<2048x48xf32>
    %dot_general3A_11 = tpu.matmul %convert_element_type3A, %squeeze3A, %dot_general3A {dimension_numbers = #tpu.dot_dimension_numbers<[1], [0], [0], [1], [0, 0, 1, 1], [], []>, transpose_lhs_hint = false} : vector<2048x128xbf16>, vector<128x48xbf16>, vector<2048x48xf32> -> vector<2048x48xf32>
    %slice3A_12 = vector.extract_strided_slice %get3A_4 {offsets = [0, 1], sizes = [2048, 1], strides = [1, 1]} : vector<2048x9xf32> to vector<2048x1xf32>
    %mul3A_13 = vector.broadcast %slice3A_12 : vector<2048x1xf32> to vector<2048x128xf32>
    %mul3A_14 = arith.mulf %get3A_1, %mul3A_13 : vector<2048x128xf32>
    %convert_element_type3A_15 = arith.truncf %mul3A_14 : vector<2048x128xf32> to vector<2048x128xbf16>
    %slice3A_16 = vector.extract_strided_slice %get3A_8 {offsets = [1, 0, 0], sizes = [1, 128, 48], strides = [1, 1, 1]} : vector<9x128x48xbf16> to vector<1x128x48xbf16>
    %squeeze3A_17 = vector.shape_cast %slice3A_16 : vector<1x128x48xbf16> to vector<128x48xbf16>
    %dot_general3A_18 = arith.constant dense<0.000000e+00> : vector<2048x48xf32>
    %dot_general3A_19 = tpu.matmul %convert_element_type3A_15, %squeeze3A_17, %dot_general3A_18 {dimension_numbers = #tpu.dot_dimension_numbers<[1], [0], [0], [1], [0, 0, 1, 1], [], []>, transpose_lhs_hint = false} : vector<2048x128xbf16>, vector<128x48xbf16>, vector<2048x48xf32> -> vector<2048x48xf32>
    %add3A = arith.addf %dot_general3A_11, %dot_general3A_19 : vector<2048x48xf32>
    %slice3A_20 = vector.extract_strided_slice %get3A_4 {offsets = [0, 2], sizes = [2048, 1], strides = [1, 1]} : vector<2048x9xf32> to vector<2048x1xf32>
    %mul3A_21 = vector.broadcast %slice3A_20 : vector<2048x1xf32> to vector<2048x128xf32>
    %mul3A_22 = arith.mulf %get3A_1, %mul3A_21 : vector<2048x128xf32>
    %convert_element_type3A_23 = arith.truncf %mul3A_22 : vector<2048x128xf32> to vector<2048x128xbf16>
    %slice3A_24 = vector.extract_strided_slice %get3A_8 {offsets = [2, 0, 0], sizes = [1, 128, 48], strides = [1, 1, 1]} : vector<9x128x48xbf16> to vector<1x128x48xbf16>
    %squeeze3A_25 = vector.shape_cast %slice3A_24 : vector<1x128x48xbf16> to vector<128x48xbf16>
    %dot_general3A_26 = arith.constant dense<0.000000e+00> : vector<2048x48xf32>
    %dot_general3A_27 = tpu.matmul %convert_element_type3A_23, %squeeze3A_25, %dot_general3A_26 {dimension_numbers = #tpu.dot_dimension_numbers<[1], [0], [0], [1], [0, 0, 1, 1], [], []>, transpose_lhs_hint = false} : vector<2048x128xbf16>, vector<128x48xbf16>, vector<2048x48xf32> -> vector<2048x48xf32>
    %add3A_28 = arith.addf %add3A, %dot_general3A_27 : vector<2048x48xf32>
    %slice3A_29 = vector.extract_strided_slice %get3A_4 {offsets = [0, 3], sizes = [2048, 1], strides = [1, 1]} : vector<2048x9xf32> to vector<2048x1xf32>
    %mul3A_30 = vector.broadcast %slice3A_29 : vector<2048x1xf32> to vector<2048x128xf32>
    %mul3A_31 = arith.mulf %get3A_1, %mul3A_30 : vector<2048x128xf32>
    %convert_element_type3A_32 = arith.truncf %mul3A_31 : vector<2048x128xf32> to vector<2048x128xbf16>
    %slice3A_33 = vector.extract_strided_slice %get3A_8 {offsets = [3, 0, 0], sizes = [1, 128, 48], strides = [1, 1, 1]} : vector<9x128x48xbf16> to vector<1x128x48xbf16>
    %squeeze3A_34 = vector.shape_cast %slice3A_33 : vector<1x128x48xbf16> to vector<128x48xbf16>
    %dot_general3A_35 = arith.constant dense<0.000000e+00> : vector<2048x48xf32>
    %dot_general3A_36 = tpu.matmul %convert_element_type3A_32, %squeeze3A_34, %dot_general3A_35 {dimension_numbers = #tpu.dot_dimension_numbers<[1], [0], [0], [1], [0, 0, 1, 1], [], []>, transpose_lhs_hint = false} : vector<2048x128xbf16>, vector<128x48xbf16>, vector<2048x48xf32> -> vector<2048x48xf32>
    %add3A_37 = arith.addf %add3A_28, %dot_general3A_36 : vector<2048x48xf32>
    %slice3A_38 = vector.extract_strided_slice %get3A_4 {offsets = [0, 4], sizes = [2048, 1], strides = [1, 1]} : vector<2048x9xf32> to vector<2048x1xf32>
    %mul3A_39 = vector.broadcast %slice3A_38 : vector<2048x1xf32> to vector<2048x128xf32>
    %mul3A_40 = arith.mulf %get3A_1, %mul3A_39 : vector<2048x128xf32>
    %convert_element_type3A_41 = arith.truncf %mul3A_40 : vector<2048x128xf32> to vector<2048x128xbf16>
    %slice3A_42 = vector.extract_strided_slice %get3A_8 {offsets = [4, 0, 0], sizes = [1, 128, 48], strides = [1, 1, 1]} : vector<9x128x48xbf16> to vector<1x128x48xbf16>
    %squeeze3A_43 = vector.shape_cast %slice3A_42 : vector<1x128x48xbf16> to vector<128x48xbf16>
    %dot_general3A_44 = arith.constant dense<0.000000e+00> : vector<2048x48xf32>
    %dot_general3A_45 = tpu.matmul %convert_element_type3A_41, %squeeze3A_43, %dot_general3A_44 {dimension_numbers = #tpu.dot_dimension_numbers<[1], [0], [0], [1], [0, 0, 1, 1], [], []>, transpose_lhs_hint = false} : vector<2048x128xbf16>, vector<128x48xbf16>, vector<2048x48xf32> -> vector<2048x48xf32>
    %add3A_46 = arith.addf %add3A_37, %dot_general3A_45 : vector<2048x48xf32>
    %slice3A_47 = vector.extract_strided_slice %get3A_4 {offsets = [0, 5], sizes = [2048, 1], strides = [1, 1]} : vector<2048x9xf32> to vector<2048x1xf32>
    %mul3A_48 = vector.broadcast %slice3A_47 : vector<2048x1xf32> to vector<2048x128xf32>
    %mul3A_49 = arith.mulf %get3A_1, %mul3A_48 : vector<2048x128xf32>
    %convert_element_type3A_50 = arith.truncf %mul3A_49 : vector<2048x128xf32> to vector<2048x128xbf16>
    %slice3A_51 = vector.extract_strided_slice %get3A_8 {offsets = [5, 0, 0], sizes = [1, 128, 48], strides = [1, 1, 1]} : vector<9x128x48xbf16> to vector<1x128x48xbf16>
    %squeeze3A_52 = vector.shape_cast %slice3A_51 : vector<1x128x48xbf16> to vector<128x48xbf16>
    %dot_general3A_53 = arith.constant dense<0.000000e+00> : vector<2048x48xf32>
    %dot_general3A_54 = tpu.matmul %convert_element_type3A_50, %squeeze3A_52, %dot_general3A_53 {dimension_numbers = #tpu.dot_dimension_numbers<[1], [0], [0], [1], [0, 0, 1, 1], [], []>, transpose_lhs_hint = false} : vector<2048x128xbf16>, vector<128x48xbf16>, vector<2048x48xf32> -> vector<2048x48xf32>
    %add3A_55 = arith.addf %add3A_46, %dot_general3A_54 : vector<2048x48xf32>
    %slice3A_56 = vector.extract_strided_slice %get3A_4 {offsets = [0, 6], sizes = [2048, 1], strides = [1, 1]} : vector<2048x9xf32> to vector<2048x1xf32>
    %mul3A_57 = vector.broadcast %slice3A_56 : vector<2048x1xf32> to vector<2048x128xf32>
    %mul3A_58 = arith.mulf %get3A_1, %mul3A_57 : vector<2048x128xf32>
    %convert_element_type3A_59 = arith.truncf %mul3A_58 : vector<2048x128xf32> to vector<2048x128xbf16>
    %slice3A_60 = vector.extract_strided_slice %get3A_8 {offsets = [6, 0, 0], sizes = [1, 128, 48], strides = [1, 1, 1]} : vector<9x128x48xbf16> to vector<1x128x48xbf16>
    %squeeze3A_61 = vector.shape_cast %slice3A_60 : vector<1x128x48xbf16> to vector<128x48xbf16>
    %dot_general3A_62 = arith.constant dense<0.000000e+00> : vector<2048x48xf32>
    %dot_general3A_63 = tpu.matmul %convert_element_type3A_59, %squeeze3A_61, %dot_general3A_62 {dimension_numbers = #tpu.dot_dimension_numbers<[1], [0], [0], [1], [0, 0, 1, 1], [], []>, transpose_lhs_hint = false} : vector<2048x128xbf16>, vector<128x48xbf16>, vector<2048x48xf32> -> vector<2048x48xf32>
    %add3A_64 = arith.addf %add3A_55, %dot_general3A_63 : vector<2048x48xf32>
    %slice3A_65 = vector.extract_strided_slice %get3A_4 {offsets = [0, 7], sizes = [2048, 1], strides = [1, 1]} : vector<2048x9xf32> to vector<2048x1xf32>
    %mul3A_66 = vector.broadcast %slice3A_65 : vector<2048x1xf32> to vector<2048x128xf32>
    %mul3A_67 = arith.mulf %get3A_1, %mul3A_66 : vector<2048x128xf32>
    %convert_element_type3A_68 = arith.truncf %mul3A_67 : vector<2048x128xf32> to vector<2048x128xbf16>
    %slice3A_69 = vector.extract_strided_slice %get3A_8 {offsets = [7, 0, 0], sizes = [1, 128, 48], strides = [1, 1, 1]} : vector<9x128x48xbf16> to vector<1x128x48xbf16>
    %squeeze3A_70 = vector.shape_cast %slice3A_69 : vector<1x128x48xbf16> to vector<128x48xbf16>
    %dot_general3A_71 = arith.constant dense<0.000000e+00> : vector<2048x48xf32>
    %dot_general3A_72 = tpu.matmul %convert_element_type3A_68, %squeeze3A_70, %dot_general3A_71 {dimension_numbers = #tpu.dot_dimension_numbers<[1], [0], [0], [1], [0, 0, 1, 1], [], []>, transpose_lhs_hint = false} : vector<2048x128xbf16>, vector<128x48xbf16>, vector<2048x48xf32> -> vector<2048x48xf32>
    %add3A_73 = arith.addf %add3A_64, %dot_general3A_72 : vector<2048x48xf32>
    %slice3A_74 = vector.extract_strided_slice %get3A_4 {offsets = [0, 8], sizes = [2048, 1], strides = [1, 1]} : vector<2048x9xf32> to vector<2048x1xf32>
    %mul3A_75 = vector.broadcast %slice3A_74 : vector<2048x1xf32> to vector<2048x128xf32>
    %mul3A_76 = arith.mulf %get3A_1, %mul3A_75 : vector<2048x128xf32>
    %convert_element_type3A_77 = arith.truncf %mul3A_76 : vector<2048x128xf32> to vector<2048x128xbf16>
    %slice3A_78 = vector.extract_strided_slice %get3A_8 {offsets = [8, 0, 0], sizes = [1, 128, 48], strides = [1, 1, 1]} : vector<9x128x48xbf16> to vector<1x128x48xbf16>
    %squeeze3A_79 = vector.shape_cast %slice3A_78 : vector<1x128x48xbf16> to vector<128x48xbf16>
    %dot_general3A_80 = arith.constant dense<0.000000e+00> : vector<2048x48xf32>
    %dot_general3A_81 = tpu.matmul %convert_element_type3A_77, %squeeze3A_79, %dot_general3A_80 {dimension_numbers = #tpu.dot_dimension_numbers<[1], [0], [0], [1], [0, 0, 1, 1], [], []>, transpose_lhs_hint = false} : vector<2048x128xbf16>, vector<128x48xbf16>, vector<2048x48xf32> -> vector<2048x48xf32>
    %add3A_82 = arith.addf %add3A_73, %dot_general3A_81 : vector<2048x48xf32>
    %broadcast_in_dim3A = arith.constant 0.000000e+00 : f32
    %broadcast_in_dim3A_83 = vector.broadcast %broadcast_in_dim3A : f32 to vector<2048x80xf32>
    %concatenate3A = tpu.concatenate %add3A_82, %broadcast_in_dim3A_83 in 1 : vector<2048x48xf32>, vector<2048x80xf32> -> vector<2048x128xf32>
    %swap3A = arith.constant 0 : index
    %swap3A_84 = arith.constant 0 : index
    %swap3A_85 = vector.load %arg4[%swap3A, %swap3A_84] : memref<2048x128xf32, #tpu.memory_space<vmem>>, vector<2048x128xf32>
    tpu.vector_store %arg4[%swap3A, %swap3A_84], %concatenate3A {strides = array<i32>} : memref<2048x128xf32, #tpu.memory_space<vmem>>, vector<2048x128xf32>,
    return
  }
  func.func @transform_0(%arg0: i32) -> (i32, i32) {
    %c0_i32 = arith.constant 0 : i32
    %c0_i32_0 = arith.constant 0 : i32
    return %arg0, %c0_i32 : i32, i32
  }
  func.func @transform_1(%arg0: i32) -> (i32, i32) {
    %c0_i32 = arith.constant 0 : i32
    %c0_i32_0 = arith.constant 0 : i32
    return %arg0, %c0_i32 : i32, i32
  }
  func.func @transform_2(%arg0: i32) -> (i32, i32, i32) {
    %c0_i32 = arith.constant 0 : i32
    %c0_i32_0 = arith.constant 0 : i32
    %c0_i32_1 = arith.constant 0 : i32
    %c0_i32_2 = arith.constant 0 : i32
    return %c0_i32, %c0_i32_0, %c0_i32_1 : i32, i32, i32
  }
  func.func @transform_3(%arg0: i32) -> (i32, i32) {
    %c0_i32 = arith.constant 0 : i32
    %c0_i32_0 = arith.constant 0 : i32
    return %arg0, %c0_i32 : i32, i32
  }
}

module attributes {stable_mosaic.version = 14 : i64} {
  func.func @_payload2_body(%arg0: i32, %arg1: memref<2048x128xf32, #tpu.memory_space<vmem>>, %arg2: memref<2048x9xf32, #tpu.memory_space<vmem>>, %arg3: memref<9x128x48xbf16, #tpu.memory_space<vmem>>, %arg4: memref<2048x128xf32, #tpu.memory_space<vmem>>) attributes {dimension_semantics = [#tpu.dimension_semantics<arbitrary>], iteration_bounds = array<i64: 40>, scalar_prefetch = 0 : i64, scratch_operands = 0 : i64, tpu.core_type = #tpu.core_type<tc>, window_params = [{transform_indices = @transform_0, window_bounds = array<i64: 2048, 128>}, {transform_indices = @transform_1, window_bounds = array<i64: 2048, 9>}, {pipeline_mode = #tpu.pipeline_mode<synchronous>, transform_indices = @transform_2, window_bounds = array<i64: 9, 128, 48>}, {transform_indices = @transform_3, window_bounds = array<i64: 2048, 128>}]} {
    %get3A = arith.constant 0 : index
    %get3A_0 = arith.constant 0 : index
    %get3A_1 = vector.load %arg1[%get3A, %get3A_0] : memref<2048x128xf32, #tpu.memory_space<vmem>>, vector<2048x128xf32>
    %get3A_2 = arith.constant 0 : index
    %get3A_3 = arith.constant 0 : index
    %get3A_4 = vector.load %arg2[%get3A_2, %get3A_3] : memref<2048x9xf32, #tpu.memory_space<vmem>>, vector<2048x9xf32>
    %get3A_5 = arith.constant 0 : index
    %get3A_6 = arith.constant 0 : index
    %get3A_7 = arith.constant 0 : index
    %get3A_8 = vector.load %arg3[%get3A_5, %get3A_6, %get3A_7] : memref<9x128x48xbf16, #tpu.memory_space<vmem>>, vector<9x128x48xbf16>
    %slice3A = vector.extract_strided_slice %get3A_4 {offsets = [0, 0], sizes = [2048, 1], strides = [1, 1]} : vector<2048x9xf32> to vector<2048x1xf32>
    %mul3A = vector.broadcast %slice3A : vector<2048x1xf32> to vector<2048x128xf32>
    %mul3A_9 = arith.mulf %get3A_1, %mul3A : vector<2048x128xf32>
    %convert_element_type3A = arith.truncf %mul3A_9 : vector<2048x128xf32> to vector<2048x128xbf16>
    %slice3A_10 = vector.extract_strided_slice %get3A_8 {offsets = [0, 0, 0], sizes = [1, 128, 48], strides = [1, 1, 1]} : vector<9x128x48xbf16> to vector<1x128x48xbf16>
    %squeeze3A = vector.shape_cast %slice3A_10 : vector<1x128x48xbf16> to vector<128x48xbf16>
    %dot_general3A = arith.constant dense<0.000000e+00> : vector<2048x48xf32>
    %dot_general3A_11 = tpu.matmul %convert_element_type3A, %squeeze3A, %dot_general3A {dimension_numbers = #tpu.dot_dimension_numbers<[1], [0], [0], [1], [0, 0, 1, 1], [], []>, transpose_lhs_hint = false} : vector<2048x128xbf16>, vector<128x48xbf16>, vector<2048x48xf32> -> vector<2048x48xf32>
    %slice3A_12 = vector.extract_strided_slice %get3A_4 {offsets = [0, 1], sizes = [2048, 1], strides = [1, 1]} : vector<2048x9xf32> to vector<2048x1xf32>
    %mul3A_13 = vector.broadcast %slice3A_12 : vector<2048x1xf32> to vector<2048x128xf32>
    %mul3A_14 = arith.mulf %get3A_1, %mul3A_13 : vector<2048x128xf32>
    %convert_element_type3A_15 = arith.truncf %mul3A_14 : vector<2048x128xf32> to vector<2048x128xbf16>
    %slice3A_16 = vector.extract_strided_slice %get3A_8 {offsets = [1, 0, 0], sizes = [1, 128, 48], strides = [1, 1, 1]} : vector<9x128x48xbf16> to vector<1x128x48xbf16>
    %squeeze3A_17 = vector.shape_cast %slice3A_16 : vector<1x128x48xbf16> to vector<128x48xbf16>
    %dot_general3A_18 = arith.constant dense<0.000000e+00> : vector<2048x48xf32>
    %dot_general3A_19 = tpu.matmul %convert_element_type3A_15, %squeeze3A_17, %dot_general3A_18 {dimension_numbers = #tpu.dot_dimension_numbers<[1], [0], [0], [1], [0, 0, 1, 1], [], []>, transpose_lhs_hint = false} : vector<2048x128xbf16>, vector<128x48xbf16>, vector<2048x48xf32> -> vector<2048x48xf32>
    %add3A = arith.addf %dot_general3A_11, %dot_general3A_19 : vector<2048x48xf32>
    %slice3A_20 = vector.extract_strided_slice %get3A_4 {offsets = [0, 2], sizes = [2048, 1], strides = [1, 1]} : vector<2048x9xf32> to vector<2048x1xf32>
    %mul3A_21 = vector.broadcast %slice3A_20 : vector<2048x1xf32> to vector<2048x128xf32>
    %mul3A_22 = arith.mulf %get3A_1, %mul3A_21 : vector<2048x128xf32>
    %convert_element_type3A_23 = arith.truncf %mul3A_22 : vector<2048x128xf32> to vector<2048x128xbf16>
    %slice3A_24 = vector.extract_strided_slice %get3A_8 {offsets = [2, 0, 0], sizes = [1, 128, 48], strides = [1, 1, 1]} : vector<9x128x48xbf16> to vector<1x128x48xbf16>
    %squeeze3A_25 = vector.shape_cast %slice3A_24 : vector<1x128x48xbf16> to vector<128x48xbf16>
    %dot_general3A_26 = arith.constant dense<0.000000e+00> : vector<2048x48xf32>
    %dot_general3A_27 = tpu.matmul %convert_element_type3A_23, %squeeze3A_25, %dot_general3A_26 {dimension_numbers = #tpu.dot_dimension_numbers<[1], [0], [0], [1], [0, 0, 1, 1], [], []>, transpose_lhs_hint = false} : vector<2048x128xbf16>, vector<128x48xbf16>, vector<2048x48xf32> -> vector<2048x48xf32>
    %add3A_28 = arith.addf %add3A, %dot_general3A_27 : vector<2048x48xf32>
    %slice3A_29 = vector.extract_strided_slice %get3A_4 {offsets = [0, 3], sizes = [2048, 1], strides = [1, 1]} : vector<2048x9xf32> to vector<2048x1xf32>
    %mul3A_30 = vector.broadcast %slice3A_29 : vector<2048x1xf32> to vector<2048x128xf32>
    %mul3A_31 = arith.mulf %get3A_1, %mul3A_30 : vector<2048x128xf32>
    %convert_element_type3A_32 = arith.truncf %mul3A_31 : vector<2048x128xf32> to vector<2048x128xbf16>
    %slice3A_33 = vector.extract_strided_slice %get3A_8 {offsets = [3, 0, 0], sizes = [1, 128, 48], strides = [1, 1, 1]} : vector<9x128x48xbf16> to vector<1x128x48xbf16>
    %squeeze3A_34 = vector.shape_cast %slice3A_33 : vector<1x128x48xbf16> to vector<128x48xbf16>
    %dot_general3A_35 = arith.constant dense<0.000000e+00> : vector<2048x48xf32>
    %dot_general3A_36 = tpu.matmul %convert_element_type3A_32, %squeeze3A_34, %dot_general3A_35 {dimension_numbers = #tpu.dot_dimension_numbers<[1], [0], [0], [1], [0, 0, 1, 1], [], []>, transpose_lhs_hint = false} : vector<2048x128xbf16>, vector<128x48xbf16>, vector<2048x48xf32> -> vector<2048x48xf32>
    %add3A_37 = arith.addf %add3A_28, %dot_general3A_36 : vector<2048x48xf32>
    %slice3A_38 = vector.extract_strided_slice %get3A_4 {offsets = [0, 4], sizes = [2048, 1], strides = [1, 1]} : vector<2048x9xf32> to vector<2048x1xf32>
    %mul3A_39 = vector.broadcast %slice3A_38 : vector<2048x1xf32> to vector<2048x128xf32>
    %mul3A_40 = arith.mulf %get3A_1, %mul3A_39 : vector<2048x128xf32>
    %convert_element_type3A_41 = arith.truncf %mul3A_40 : vector<2048x128xf32> to vector<2048x128xbf16>
    %slice3A_42 = vector.extract_strided_slice %get3A_8 {offsets = [4, 0, 0], sizes = [1, 128, 48], strides = [1, 1, 1]} : vector<9x128x48xbf16> to vector<1x128x48xbf16>
    %squeeze3A_43 = vector.shape_cast %slice3A_42 : vector<1x128x48xbf16> to vector<128x48xbf16>
    %dot_general3A_44 = arith.constant dense<0.000000e+00> : vector<2048x48xf32>
    %dot_general3A_45 = tpu.matmul %convert_element_type3A_41, %squeeze3A_43, %dot_general3A_44 {dimension_numbers = #tpu.dot_dimension_numbers<[1], [0], [0], [1], [0, 0, 1, 1], [], []>, transpose_lhs_hint = false} : vector<2048x128xbf16>, vector<128x48xbf16>, vector<2048x48xf32> -> vector<2048x48xf32>
    %add3A_46 = arith.addf %add3A_37, %dot_general3A_45 : vector<2048x48xf32>
    %slice3A_47 = vector.extract_strided_slice %get3A_4 {offsets = [0, 5], sizes = [2048, 1], strides = [1, 1]} : vector<2048x9xf32> to vector<2048x1xf32>
    %mul3A_48 = vector.broadcast %slice3A_47 : vector<2048x1xf32> to vector<2048x128xf32>
    %mul3A_49 = arith.mulf %get3A_1, %mul3A_48 : vector<2048x128xf32>
    %convert_element_type3A_50 = arith.truncf %mul3A_49 : vector<2048x128xf32> to vector<2048x128xbf16>
    %slice3A_51 = vector.extract_strided_slice %get3A_8 {offsets = [5, 0, 0], sizes = [1, 128, 48], strides = [1, 1, 1]} : vector<9x128x48xbf16> to vector<1x128x48xbf16>
    %squeeze3A_52 = vector.shape_cast %slice3A_51 : vector<1x128x48xbf16> to vector<128x48xbf16>
    %dot_general3A_53 = arith.constant dense<0.000000e+00> : vector<2048x48xf32>
    %dot_general3A_54 = tpu.matmul %convert_element_type3A_50, %squeeze3A_52, %dot_general3A_53 {dimension_numbers = #tpu.dot_dimension_numbers<[1], [0], [0], [1], [0, 0, 1, 1], [], []>, transpose_lhs_hint = false} : vector<2048x128xbf16>, vector<128x48xbf16>, vector<2048x48xf32> -> vector<2048x48xf32>
    %add3A_55 = arith.addf %add3A_46, %dot_general3A_54 : vector<2048x48xf32>
    %slice3A_56 = vector.extract_strided_slice %get3A_4 {offsets = [0, 6], sizes = [2048, 1], strides = [1, 1]} : vector<2048x9xf32> to vector<2048x1xf32>
    %mul3A_57 = vector.broadcast %slice3A_56 : vector<2048x1xf32> to vector<2048x128xf32>
    %mul3A_58 = arith.mulf %get3A_1, %mul3A_57 : vector<2048x128xf32>
    %convert_element_type3A_59 = arith.truncf %mul3A_58 : vector<2048x128xf32> to vector<2048x128xbf16>
    %slice3A_60 = vector.extract_strided_slice %get3A_8 {offsets = [6, 0, 0], sizes = [1, 128, 48], strides = [1, 1, 1]} : vector<9x128x48xbf16> to vector<1x128x48xbf16>
    %squeeze3A_61 = vector.shape_cast %slice3A_60 : vector<1x128x48xbf16> to vector<128x48xbf16>
    %dot_general3A_62 = arith.constant dense<0.000000e+00> : vector<2048x48xf32>
    %dot_general3A_63 = tpu.matmul %convert_element_type3A_59, %squeeze3A_61, %dot_general3A_62 {dimension_numbers = #tpu.dot_dimension_numbers<[1], [0], [0], [1], [0, 0, 1, 1], [], []>, transpose_lhs_hint = false} : vector<2048x128xbf16>, vector<128x48xbf16>, vector<2048x48xf32> -> vector<2048x48xf32>
    %add3A_64 = arith.addf %add3A_55, %dot_general3A_63 : vector<2048x48xf32>
    %slice3A_65 = vector.extract_strided_slice %get3A_4 {offsets = [0, 7], sizes = [2048, 1], strides = [1, 1]} : vector<2048x9xf32> to vector<2048x1xf32>
    %mul3A_66 = vector.broadcast %slice3A_65 : vector<2048x1xf32> to vector<2048x128xf32>
    %mul3A_67 = arith.mulf %get3A_1, %mul3A_66 : vector<2048x128xf32>
    %convert_element_type3A_68 = arith.truncf %mul3A_67 : vector<2048x128xf32> to vector<2048x128xbf16>
    %slice3A_69 = vector.extract_strided_slice %get3A_8 {offsets = [7, 0, 0], sizes = [1, 128, 48], strides = [1, 1, 1]} : vector<9x128x48xbf16> to vector<1x128x48xbf16>
    %squeeze3A_70 = vector.shape_cast %slice3A_69 : vector<1x128x48xbf16> to vector<128x48xbf16>
    %dot_general3A_71 = arith.constant dense<0.000000e+00> : vector<2048x48xf32>
    %dot_general3A_72 = tpu.matmul %convert_element_type3A_68, %squeeze3A_70, %dot_general3A_71 {dimension_numbers = #tpu.dot_dimension_numbers<[1], [0], [0], [1], [0, 0, 1, 1], [], []>, transpose_lhs_hint = false} : vector<2048x128xbf16>, vector<128x48xbf16>, vector<2048x48xf32> -> vector<2048x48xf32>
    %add3A_73 = arith.addf %add3A_64, %dot_general3A_72 : vector<2048x48xf32>
    %slice3A_74 = vector.extract_strided_slice %get3A_4 {offsets = [0, 8], sizes = [2048, 1], strides = [1, 1]} : vector<2048x9xf32> to vector<2048x1xf32>
    %mul3A_75 = vector.broadcast %slice3A_74 : vector<2048x1xf32> to vector<2048x128xf32>
    %mul3A_76 = arith.mulf %get3A_1, %mul3A_75 : vector<2048x128xf32>
    %convert_element_type3A_77 = arith.truncf %mul3A_76 : vector<2048x128xf32> to vector<2048x128xbf16>
    %slice3A_78 = vector.extract_strided_slice %get3A_8 {offsets = [8, 0, 0], sizes = [1, 128, 48], strides = [1, 1, 1]} : vector<9x128x48xbf16> to vector<1x128x48xbf16>
    %squeeze3A_79 = vector.shape_cast %slice3A_78 : vector<1x128x48xbf16> to vector<128x48xbf16>
    %dot_general3A_80 = arith.constant dense<0.000000e+00> : vector<2048x48xf32>
    %dot_general3A_81 = tpu.matmul %convert_element_type3A_77, %squeeze3A_79, %dot_general3A_80 {dimension_numbers = #tpu.dot_dimension_numbers<[1], [0], [0], [1], [0, 0, 1, 1], [], []>, transpose_lhs_hint = false} : vector<2048x128xbf16>, vector<128x48xbf16>, vector<2048x48xf32> -> vector<2048x48xf32>
    %add3A_82 = arith.addf %add3A_73, %dot_general3A_81 : vector<2048x48xf32>
    %broadcast_in_dim3A = arith.constant 0.000000e+00 : f32
    %broadcast_in_dim3A_83 = vector.broadcast %broadcast_in_dim3A : f32 to vector<2048x80xf32>
    %concatenate3A = tpu.concatenate %add3A_82, %broadcast_in_dim3A_83 in 1 : vector<2048x48xf32>, vector<2048x80xf32> -> vector<2048x128xf32>
    %swap3A = arith.constant 0 : index
    %swap3A_84 = arith.constant 0 : index
    %swap3A_85 = vector.load %arg4[%swap3A, %swap3A_84] : memref<2048x128xf32, #tpu.memory_space<vmem>>, vector<2048x128xf32>
    tpu.vector_store %arg4[%swap3A, %swap3A_84], %concatenate3A {strides = array<i32>} : memref<2048x128xf32, #tpu.memory_space<vmem>>, vector<2048x128xf32>,
    return
  }
  func.func @transform_0(%arg0: i32) -> (i32, i32) {
    %c0_i32 = arith.constant 0 : i32
    %c0_i32_0 = arith.constant 0 : i32
    return %arg0, %c0_i32 : i32, i32
  }
  func.func @transform_1(%arg0: i32) -> (i32, i32) {
    %c0_i32 = arith.constant 0 : i32
    %c0_i32_0 = arith.constant 0 : i32
    return %arg0, %c0_i32 : i32, i32
  }
  func.func @transform_2(%arg0: i32) -> (i32, i32, i32) {
    %c0_i32 = arith.constant 0 : i32
    %c0_i32_0 = arith.constant 0 : i32
    %c0_i32_1 = arith.constant 0 : i32
    %c0_i32_2 = arith.constant 0 : i32
    return %c0_i32, %c0_i32_0, %c0_i32_1 : i32, i32, i32
  }
  func.func @transform_3(%arg0: i32) -> (i32, i32) {
    %c0_i32 = arith.constant 0 : i32
    %c0_i32_0 = arith.constant 0 : i32
    return %arg0, %c0_i32 : i32, i32
  }
}

module attributes {stable_mosaic.version = 14 : i64} {
  func.func @_final_body(%arg0: i32, %arg1: memref<1000x128xf32, #tpu.memory_space<vmem>>, %arg2: memref<1000x128xf32, #tpu.memory_space<vmem>>, %arg3: memref<1000x128xf32, #tpu.memory_space<vmem>>, %arg4: memref<1000x128xf32, #tpu.memory_space<vmem>>, %arg5: memref<1000x128xf32, #tpu.memory_space<vmem>>, %arg6: memref<1000x27xf32, #tpu.memory_space<vmem>>, %arg7: memref<1000x9xf32, #tpu.memory_space<vmem>>, %arg8: memref<9x128x48xbf16, #tpu.memory_space<vmem>>, %arg9: memref<18x48xf32, #tpu.memory_space<vmem>>, %arg10: memref<9x128x48xbf16, #tpu.memory_space<vmem>>, %arg11: memref<9x128x16xbf16, #tpu.memory_space<vmem>>, %arg12: memref<1000x16xf32, #tpu.memory_space<vmem>>) attributes {dimension_semantics = [#tpu.dimension_semantics<arbitrary>], iteration_bounds = array<i64: 10>, scalar_prefetch = 0 : i64, scratch_operands = 0 : i64, tpu.core_type = #tpu.core_type<tc>, window_params = [{transform_indices = @transform_0, window_bounds = array<i64: 1000, 128>}, {transform_indices = @transform_1, window_bounds = array<i64: 1000, 128>}, {transform_indices = @transform_2, window_bounds = array<i64: 1000, 128>}, {transform_indices = @transform_3, window_bounds = array<i64: 1000, 128>}, {transform_indices = @transform_4, window_bounds = array<i64: 1000, 128>}, {transform_indices = @transform_5, window_bounds = array<i64: 1000, 27>}, {transform_indices = @transform_6, window_bounds = array<i64: 1000, 9>}, {pipeline_mode = #tpu.pipeline_mode<synchronous>, transform_indices = @transform_7, window_bounds = array<i64: 9, 128, 48>}, {pipeline_mode = #tpu.pipeline_mode<synchronous>, transform_indices = @transform_8, window_bounds = array<i64: 18, 48>}, {pipeline_mode = #tpu.pipeline_mode<synchronous>, transform_indices = @transform_9, window_bounds = array<i64: 9, 128, 48>}, {pipeline_mode = #tpu.pipeline_mode<synchronous>, transform_indices = @transform_10, window_bounds = array<i64: 9, 128, 16>}, {transform_indices = @transform_11, window_bounds = array<i64: 1000, 16>}]} {
    %get3A = arith.constant 0 : index
    %get3A_0 = arith.constant 0 : index
    %get3A_1 = vector.load %arg1[%get3A, %get3A_0] : memref<1000x128xf32, #tpu.memory_space<vmem>>, vector<1000x128xf32>
    %get3A_2 = arith.constant 0 : index
    %get3A_3 = arith.constant 0 : index
    %get3A_4 = vector.load %arg2[%get3A_2, %get3A_3] : memref<1000x128xf32, #tpu.memory_space<vmem>>, vector<1000x128xf32>
    %add3A = arith.addf %get3A_1, %get3A_4 : vector<1000x128xf32>
    %get3A_5 = arith.constant 0 : index
    %get3A_6 = arith.constant 0 : index
    %get3A_7 = vector.load %arg3[%get3A_5, %get3A_6] : memref<1000x128xf32, #tpu.memory_space<vmem>>, vector<1000x128xf32>
    %get3A_8 = arith.constant 0 : index
    %get3A_9 = arith.constant 0 : index
    %get3A_10 = vector.load %arg4[%get3A_8, %get3A_9] : memref<1000x128xf32, #tpu.memory_space<vmem>>, vector<1000x128xf32>
    %add3A_11 = arith.addf %get3A_7, %get3A_10 : vector<1000x128xf32>
    %add3A_12 = arith.addf %add3A, %add3A_11 : vector<1000x128xf32>
    %get3A_13 = arith.constant 0 : index
    %get3A_14 = arith.constant 0 : index
    %get3A_15 = vector.load %arg5[%get3A_13, %get3A_14] : memref<1000x128xf32, #tpu.memory_space<vmem>>, vector<1000x128xf32>
    %get3A_16 = arith.constant 0 : index
    %get3A_17 = arith.constant 0 : index
    %get3A_18 = vector.load %arg6[%get3A_16, %get3A_17] : memref<1000x27xf32, #tpu.memory_space<vmem>>, vector<1000x27xf32>
    %slice3A = vector.extract_strided_slice %add3A_12 {offsets = [0, 0], sizes = [1000, 48], strides = [1, 1]} : vector<1000x128xf32> to vector<1000x48xf32>
    %slice3A_19 = vector.extract_strided_slice %get3A_18 {offsets = [0, 0], sizes = [1000, 9], strides = [1, 1]} : vector<1000x27xf32> to vector<1000x9xf32>
    %get3A_20 = arith.constant 0 : index
    %get3A_21 = arith.constant 0 : index
    %get3A_22 = arith.constant 0 : index
    %get3A_23 = vector.load %arg8[%get3A_20, %get3A_21, %get3A_22] : memref<9x128x48xbf16, #tpu.memory_space<vmem>>, vector<9x128x48xbf16>
    %slice3A_24 = vector.extract_strided_slice %slice3A_19 {offsets = [0, 0], sizes = [1000, 1], strides = [1, 1]} : vector<1000x9xf32> to vector<1000x1xf32>
    %mul3A = vector.broadcast %slice3A_24 : vector<1000x1xf32> to vector<1000x128xf32>
    %mul3A_25 = arith.mulf %get3A_15, %mul3A : vector<1000x128xf32>
    %convert_element_type3A = arith.truncf %mul3A_25 : vector<1000x128xf32> to vector<1000x128xbf16>
    %slice3A_26 = vector.extract_strided_slice %get3A_23 {offsets = [0, 0, 0], sizes = [1, 128, 48], strides = [1, 1, 1]} : vector<9x128x48xbf16> to vector<1x128x48xbf16>
    %squeeze3A = vector.shape_cast %slice3A_26 : vector<1x128x48xbf16> to vector<128x48xbf16>
    %dot_general3A = arith.constant dense<0.000000e+00> : vector<1000x48xf32>
    %dot_general3A_27 = tpu.matmul %convert_element_type3A, %squeeze3A, %dot_general3A {dimension_numbers = #tpu.dot_dimension_numbers<[1], [0], [0], [1], [0, 0, 1, 1], [], []>, transpose_lhs_hint = false} : vector<1000x128xbf16>, vector<128x48xbf16>, vector<1000x48xf32> -> vector<1000x48xf32>
    %slice3A_28 = vector.extract_strided_slice %slice3A_19 {offsets = [0, 1], sizes = [1000, 1], strides = [1, 1]} : vector<1000x9xf32> to vector<1000x1xf32>
    %mul3A_29 = vector.broadcast %slice3A_28 : vector<1000x1xf32> to vector<1000x128xf32>
    %mul3A_30 = arith.mulf %get3A_15, %mul3A_29 : vector<1000x128xf32>
    %convert_element_type3A_31 = arith.truncf %mul3A_30 : vector<1000x128xf32> to vector<1000x128xbf16>
    %slice3A_32 = vector.extract_strided_slice %get3A_23 {offsets = [1, 0, 0], sizes = [1, 128, 48], strides = [1, 1, 1]} : vector<9x128x48xbf16> to vector<1x128x48xbf16>
    %squeeze3A_33 = vector.shape_cast %slice3A_32 : vector<1x128x48xbf16> to vector<128x48xbf16>
    %dot_general3A_34 = arith.constant dense<0.000000e+00> : vector<1000x48xf32>
    %dot_general3A_35 = tpu.matmul %convert_element_type3A_31, %squeeze3A_33, %dot_general3A_34 {dimension_numbers = #tpu.dot_dimension_numbers<[1], [0], [0], [1], [0, 0, 1, 1], [], []>, transpose_lhs_hint = false} : vector<1000x128xbf16>, vector<128x48xbf16>, vector<1000x48xf32> -> vector<1000x48xf32>
    %add3A_36 = arith.addf %dot_general3A_27, %dot_general3A_35 : vector<1000x48xf32>
    %slice3A_37 = vector.extract_strided_slice %slice3A_19 {offsets = [0, 2], sizes = [1000, 1], strides = [1, 1]} : vector<1000x9xf32> to vector<1000x1xf32>
    %mul3A_38 = vector.broadcast %slice3A_37 : vector<1000x1xf32> to vector<1000x128xf32>
    %mul3A_39 = arith.mulf %get3A_15, %mul3A_38 : vector<1000x128xf32>
    %convert_element_type3A_40 = arith.truncf %mul3A_39 : vector<1000x128xf32> to vector<1000x128xbf16>
    %slice3A_41 = vector.extract_strided_slice %get3A_23 {offsets = [2, 0, 0], sizes = [1, 128, 48], strides = [1, 1, 1]} : vector<9x128x48xbf16> to vector<1x128x48xbf16>
    %squeeze3A_42 = vector.shape_cast %slice3A_41 : vector<1x128x48xbf16> to vector<128x48xbf16>
    %dot_general3A_43 = arith.constant dense<0.000000e+00> : vector<1000x48xf32>
    %dot_general3A_44 = tpu.matmul %convert_element_type3A_40, %squeeze3A_42, %dot_general3A_43 {dimension_numbers = #tpu.dot_dimension_numbers<[1], [0], [0], [1], [0, 0, 1, 1], [], []>, transpose_lhs_hint = false} : vector<1000x128xbf16>, vector<128x48xbf16>, vector<1000x48xf32> -> vector<1000x48xf32>
    %add3A_45 = arith.addf %add3A_36, %dot_general3A_44 : vector<1000x48xf32>
    %slice3A_46 = vector.extract_strided_slice %slice3A_19 {offsets = [0, 3], sizes = [1000, 1], strides = [1, 1]} : vector<1000x9xf32> to vector<1000x1xf32>
    %mul3A_47 = vector.broadcast %slice3A_46 : vector<1000x1xf32> to vector<1000x128xf32>
    %mul3A_48 = arith.mulf %get3A_15, %mul3A_47 : vector<1000x128xf32>
    %convert_element_type3A_49 = arith.truncf %mul3A_48 : vector<1000x128xf32> to vector<1000x128xbf16>
    %slice3A_50 = vector.extract_strided_slice %get3A_23 {offsets = [3, 0, 0], sizes = [1, 128, 48], strides = [1, 1, 1]} : vector<9x128x48xbf16> to vector<1x128x48xbf16>
    %squeeze3A_51 = vector.shape_cast %slice3A_50 : vector<1x128x48xbf16> to vector<128x48xbf16>
    %dot_general3A_52 = arith.constant dense<0.000000e+00> : vector<1000x48xf32>
    %dot_general3A_53 = tpu.matmul %convert_element_type3A_49, %squeeze3A_51, %dot_general3A_52 {dimension_numbers = #tpu.dot_dimension_numbers<[1], [0], [0], [1], [0, 0, 1, 1], [], []>, transpose_lhs_hint = false} : vector<1000x128xbf16>, vector<128x48xbf16>, vector<1000x48xf32> -> vector<1000x48xf32>
    %add3A_54 = arith.addf %add3A_45, %dot_general3A_53 : vector<1000x48xf32>
    %slice3A_55 = vector.extract_strided_slice %slice3A_19 {offsets = [0, 4], sizes = [1000, 1], strides = [1, 1]} : vector<1000x9xf32> to vector<1000x1xf32>
    %mul3A_56 = vector.broadcast %slice3A_55 : vector<1000x1xf32> to vector<1000x128xf32>
    %mul3A_57 = arith.mulf %get3A_15, %mul3A_56 : vector<1000x128xf32>
    %convert_element_type3A_58 = arith.truncf %mul3A_57 : vector<1000x128xf32> to vector<1000x128xbf16>
    %slice3A_59 = vector.extract_strided_slice %get3A_23 {offsets = [4, 0, 0], sizes = [1, 128, 48], strides = [1, 1, 1]} : vector<9x128x48xbf16> to vector<1x128x48xbf16>
    %squeeze3A_60 = vector.shape_cast %slice3A_59 : vector<1x128x48xbf16> to vector<128x48xbf16>
    %dot_general3A_61 = arith.constant dense<0.000000e+00> : vector<1000x48xf32>
    %dot_general3A_62 = tpu.matmul %convert_element_type3A_58, %squeeze3A_60, %dot_general3A_61 {dimension_numbers = #tpu.dot_dimension_numbers<[1], [0], [0], [1], [0, 0, 1, 1], [], []>, transpose_lhs_hint = false} : vector<1000x128xbf16>, vector<128x48xbf16>, vector<1000x48xf32> -> vector<1000x48xf32>
    %add3A_63 = arith.addf %add3A_54, %dot_general3A_62 : vector<1000x48xf32>
    %slice3A_64 = vector.extract_strided_slice %slice3A_19 {offsets = [0, 5], sizes = [1000, 1], strides = [1, 1]} : vector<1000x9xf32> to vector<1000x1xf32>
    %mul3A_65 = vector.broadcast %slice3A_64 : vector<1000x1xf32> to vector<1000x128xf32>
    %mul3A_66 = arith.mulf %get3A_15, %mul3A_65 : vector<1000x128xf32>
    %convert_element_type3A_67 = arith.truncf %mul3A_66 : vector<1000x128xf32> to vector<1000x128xbf16>
    %slice3A_68 = vector.extract_strided_slice %get3A_23 {offsets = [5, 0, 0], sizes = [1, 128, 48], strides = [1, 1, 1]} : vector<9x128x48xbf16> to vector<1x128x48xbf16>
    %squeeze3A_69 = vector.shape_cast %slice3A_68 : vector<1x128x48xbf16> to vector<128x48xbf16>
    %dot_general3A_70 = arith.constant dense<0.000000e+00> : vector<1000x48xf32>
    %dot_general3A_71 = tpu.matmul %convert_element_type3A_67, %squeeze3A_69, %dot_general3A_70 {dimension_numbers = #tpu.dot_dimension_numbers<[1], [0], [0], [1], [0, 0, 1, 1], [], []>, transpose_lhs_hint = false} : vector<1000x128xbf16>, vector<128x48xbf16>, vector<1000x48xf32> -> vector<1000x48xf32>
    %add3A_72 = arith.addf %add3A_63, %dot_general3A_71 : vector<1000x48xf32>
    %slice3A_73 = vector.extract_strided_slice %slice3A_19 {offsets = [0, 6], sizes = [1000, 1], strides = [1, 1]} : vector<1000x9xf32> to vector<1000x1xf32>
    %mul3A_74 = vector.broadcast %slice3A_73 : vector<1000x1xf32> to vector<1000x128xf32>
    %mul3A_75 = arith.mulf %get3A_15, %mul3A_74 : vector<1000x128xf32>
    %convert_element_type3A_76 = arith.truncf %mul3A_75 : vector<1000x128xf32> to vector<1000x128xbf16>
    %slice3A_77 = vector.extract_strided_slice %get3A_23 {offsets = [6, 0, 0], sizes = [1, 128, 48], strides = [1, 1, 1]} : vector<9x128x48xbf16> to vector<1x128x48xbf16>
    %squeeze3A_78 = vector.shape_cast %slice3A_77 : vector<1x128x48xbf16> to vector<128x48xbf16>
    %dot_general3A_79 = arith.constant dense<0.000000e+00> : vector<1000x48xf32>
    %dot_general3A_80 = tpu.matmul %convert_element_type3A_76, %squeeze3A_78, %dot_general3A_79 {dimension_numbers = #tpu.dot_dimension_numbers<[1], [0], [0], [1], [0, 0, 1, 1], [], []>, transpose_lhs_hint = false} : vector<1000x128xbf16>, vector<128x48xbf16>, vector<1000x48xf32> -> vector<1000x48xf32>
    %add3A_81 = arith.addf %add3A_72, %dot_general3A_80 : vector<1000x48xf32>
    %slice3A_82 = vector.extract_strided_slice %slice3A_19 {offsets = [0, 7], sizes = [1000, 1], strides = [1, 1]} : vector<1000x9xf32> to vector<1000x1xf32>
    %mul3A_83 = vector.broadcast %slice3A_82 : vector<1000x1xf32> to vector<1000x128xf32>
    %mul3A_84 = arith.mulf %get3A_15, %mul3A_83 : vector<1000x128xf32>
    %convert_element_type3A_85 = arith.truncf %mul3A_84 : vector<1000x128xf32> to vector<1000x128xbf16>
    %slice3A_86 = vector.extract_strided_slice %get3A_23 {offsets = [7, 0, 0], sizes = [1, 128, 48], strides = [1, 1, 1]} : vector<9x128x48xbf16> to vector<1x128x48xbf16>
    %squeeze3A_87 = vector.shape_cast %slice3A_86 : vector<1x128x48xbf16> to vector<128x48xbf16>
    %dot_general3A_88 = arith.constant dense<0.000000e+00> : vector<1000x48xf32>
    %dot_general3A_89 = tpu.matmul %convert_element_type3A_85, %squeeze3A_87, %dot_general3A_88 {dimension_numbers = #tpu.dot_dimension_numbers<[1], [0], [0], [1], [0, 0, 1, 1], [], []>, transpose_lhs_hint = false} : vector<1000x128xbf16>, vector<128x48xbf16>, vector<1000x48xf32> -> vector<1000x48xf32>
    %add3A_90 = arith.addf %add3A_81, %dot_general3A_89 : vector<1000x48xf32>
    %slice3A_91 = vector.extract_strided_slice %slice3A_19 {offsets = [0, 8], sizes = [1000, 1], strides = [1, 1]} : vector<1000x9xf32> to vector<1000x1xf32>
    %mul3A_92 = vector.broadcast %slice3A_91 : vector<1000x1xf32> to vector<1000x128xf32>
    %mul3A_93 = arith.mulf %get3A_15, %mul3A_92 : vector<1000x128xf32>
    %convert_element_type3A_94 = arith.truncf %mul3A_93 : vector<1000x128xf32> to vector<1000x128xbf16>
    %slice3A_95 = vector.extract_strided_slice %get3A_23 {offsets = [8, 0, 0], sizes = [1, 128, 48], strides = [1, 1, 1]} : vector<9x128x48xbf16> to vector<1x128x48xbf16>
    %squeeze3A_96 = vector.shape_cast %slice3A_95 : vector<1x128x48xbf16> to vector<128x48xbf16>
    %dot_general3A_97 = arith.constant dense<0.000000e+00> : vector<1000x48xf32>
    %dot_general3A_98 = tpu.matmul %convert_element_type3A_94, %squeeze3A_96, %dot_general3A_97 {dimension_numbers = #tpu.dot_dimension_numbers<[1], [0], [0], [1], [0, 0, 1, 1], [], []>, transpose_lhs_hint = false} : vector<1000x128xbf16>, vector<128x48xbf16>, vector<1000x48xf32> -> vector<1000x48xf32>
    %add3A_99 = arith.addf %add3A_90, %dot_general3A_98 : vector<1000x48xf32>
    %add3A_100 = arith.addf %slice3A, %add3A_99 : vector<1000x48xf32>
    %slice3A_101 = vector.extract_strided_slice %get3A_18 {offsets = [0, 9], sizes = [1000, 18], strides = [1, 1]} : vector<1000x27xf32> to vector<1000x18xf32>
    %get3A_102 = arith.constant 0 : index
    %get3A_103 = arith.constant 0 : index
    %get3A_104 = vector.load %arg9[%get3A_102, %get3A_103] : memref<18x48xf32, #tpu.memory_space<vmem>>, vector<18x48xf32>
    %dot_general3A_105 = arith.constant dense<0.000000e+00> : vector<1000x48xf32>
    %dot_general3A_106 = tpu.matmul %slice3A_101, %get3A_104, %dot_general3A_105 {dimension_numbers = #tpu.dot_dimension_numbers<[1], [0], [0], [1], [0, 0, 1, 1], [], []>, precision = #tpu.contract_precision<fp32>, transpose_lhs_hint = false} : vector<1000x18xf32>, vector<18x48xf32>, vector<1000x48xf32> -> vector<1000x48xf32>
    %add3A_107 = arith.addf %add3A_100, %dot_general3A_106 : vector<1000x48xf32>
    %slice3A_108 = vector.extract_strided_slice %add3A_107 {offsets = [0, 0], sizes = [1000, 16], strides = [1, 1]} : vector<1000x48xf32> to vector<1000x16xf32>
    %slice3A_109 = vector.extract_strided_slice %add3A_107 {offsets = [0, 16], sizes = [1000, 8], strides = [1, 1]} : vector<1000x48xf32> to vector<1000x8xf32>
    %slice3A_110 = vector.extract_strided_slice %add3A_107 {offsets = [0, 24], sizes = [1000, 24], strides = [1, 1]} : vector<1000x48xf32> to vector<1000x24xf32>
    %reshape3A = vector.shape_cast %slice3A_110 : vector<1000x24xf32> to vector<1000x8x3xf32>
    %logistic3A = arith.negf %slice3A_109 : vector<1000x8xf32>
    %logistic3A_111 = math.exp %logistic3A : vector<1000x8xf32>
    %logistic3A_112 = arith.constant 1.000000e+00 : f32
    %logistic3A_113 = vector.broadcast %logistic3A_112 : f32 to vector<1000x8xf32>
    %logistic3A_114 = arith.addf %logistic3A_113, %logistic3A_111 : vector<1000x8xf32>
    %logistic3A_115 = arith.divf %logistic3A_113, %logistic3A_114 : vector<1000x8xf32>
    %broadcast_in_dim3A = vector.shape_cast %logistic3A_115 : vector<1000x8xf32> to vector<1000x8x1xf32>
    %mul3A_116 = vector.broadcast %broadcast_in_dim3A : vector<1000x8x1xf32> to vector<1000x8x3xf32>
    %mul3A_117 = arith.mulf %reshape3A, %mul3A_116 : vector<1000x8x3xf32>
    %logistic3A_118 = arith.negf %slice3A_108 : vector<1000x16xf32>
    %logistic3A_119 = math.exp %logistic3A_118 : vector<1000x16xf32>
    %logistic3A_120 = arith.constant 1.000000e+00 : f32
    %logistic3A_121 = vector.broadcast %logistic3A_120 : f32 to vector<1000x16xf32>
    %logistic3A_122 = arith.addf %logistic3A_121, %logistic3A_119 : vector<1000x16xf32>
    %logistic3A_123 = arith.divf %logistic3A_121, %logistic3A_122 : vector<1000x16xf32>
    %mul3A_124 = arith.mulf %slice3A_108, %logistic3A_123 : vector<1000x16xf32>
    %reshape3A_125 = vector.shape_cast %mul3A_117 : vector<1000x8x3xf32> to vector<1000x24xf32>
    %concatenate3A = tpu.concatenate %mul3A_124, %reshape3A_125 in 1 : vector<1000x16xf32>, vector<1000x24xf32> -> vector<1000x40xf32>
    %broadcast_in_dim3A_126 = arith.constant 0.000000e+00 : f32
    %broadcast_in_dim3A_127 = vector.broadcast %broadcast_in_dim3A_126 : f32 to vector<1000x88xf32>
    %concatenate3A_128 = tpu.concatenate %concatenate3A, %broadcast_in_dim3A_127 in 1 : vector<1000x40xf32>, vector<1000x88xf32> -> vector<1000x128xf32>
    %add3A_129 = arith.addf %get3A_15, %concatenate3A_128 : vector<1000x128xf32>
    %get3A_130 = arith.constant 0 : index
    %get3A_131 = arith.constant 0 : index
    %get3A_132 = vector.load %arg7[%get3A_130, %get3A_131] : memref<1000x9xf32, #tpu.memory_space<vmem>>, vector<1000x9xf32>
    %iota3A = tpu.iota {dimensions = array<i32: 1>} : vector<1000x9xi32>
    %eq3A = arith.constant 0 : i32
    %eq3A_133 = vector.broadcast %eq3A : i32 to vector<1000x9xi32>
    %eq3A_134 = arith.cmpi eq, %iota3A, %eq3A_133 : vector<1000x9xi32>
    %jit3A = arith.constant 1.000000e+00 : f32
    %broadcast_in_dim3A_135 = vector.broadcast %jit3A : f32 to vector<1000x9xf32>
    %select_n3A = arith.select %eq3A_134, %broadcast_in_dim3A_135, %get3A_132 : vector<1000x9xi1>, vector<1000x9xf32>
    %get3A_136 = arith.constant 0 : index
    %get3A_137 = arith.constant 0 : index
    %get3A_138 = arith.constant 0 : index
    %get3A_139 = vector.load %arg10[%get3A_136, %get3A_137, %get3A_138] : memref<9x128x48xbf16, #tpu.memory_space<vmem>>, vector<9x128x48xbf16>
    %slice3A_140 = vector.extract_strided_slice %select_n3A {offsets = [0, 0], sizes = [1000, 1], strides = [1, 1]} : vector<1000x9xf32> to vector<1000x1xf32>
    %mul3A_141 = vector.broadcast %slice3A_140 : vector<1000x1xf32> to vector<1000x128xf32>
    %mul3A_142 = arith.mulf %add3A_129, %mul3A_141 : vector<1000x128xf32>
    %convert_element_type3A_143 = arith.truncf %mul3A_142 : vector<1000x128xf32> to vector<1000x128xbf16>
    %slice3A_144 = vector.extract_strided_slice %get3A_139 {offsets = [0, 0, 0], sizes = [1, 128, 48], strides = [1, 1, 1]} : vector<9x128x48xbf16> to vector<1x128x48xbf16>
    %squeeze3A_145 = vector.shape_cast %slice3A_144 : vector<1x128x48xbf16> to vector<128x48xbf16>
    %dot_general3A_146 = arith.constant dense<0.000000e+00> : vector<1000x48xf32>
    %dot_general3A_147 = tpu.matmul %convert_element_type3A_143, %squeeze3A_145, %dot_general3A_146 {dimension_numbers = #tpu.dot_dimension_numbers<[1], [0], [0], [1], [0, 0, 1, 1], [], []>, transpose_lhs_hint = false} : vector<1000x128xbf16>, vector<128x48xbf16>, vector<1000x48xf32> -> vector<1000x48xf32>
    %slice3A_148 = vector.extract_strided_slice %select_n3A {offsets = [0, 1], sizes = [1000, 1], strides = [1, 1]} : vector<1000x9xf32> to vector<1000x1xf32>
    %mul3A_149 = vector.broadcast %slice3A_148 : vector<1000x1xf32> to vector<1000x128xf32>
    %mul3A_150 = arith.mulf %add3A_129, %mul3A_149 : vector<1000x128xf32>
    %convert_element_type3A_151 = arith.truncf %mul3A_150 : vector<1000x128xf32> to vector<1000x128xbf16>
    %slice3A_152 = vector.extract_strided_slice %get3A_139 {offsets = [1, 0, 0], sizes = [1, 128, 48], strides = [1, 1, 1]} : vector<9x128x48xbf16> to vector<1x128x48xbf16>
    %squeeze3A_153 = vector.shape_cast %slice3A_152 : vector<1x128x48xbf16> to vector<128x48xbf16>
    %dot_general3A_154 = arith.constant dense<0.000000e+00> : vector<1000x48xf32>
    %dot_general3A_155 = tpu.matmul %convert_element_type3A_151, %squeeze3A_153, %dot_general3A_154 {dimension_numbers = #tpu.dot_dimension_numbers<[1], [0], [0], [1], [0, 0, 1, 1], [], []>, transpose_lhs_hint = false} : vector<1000x128xbf16>, vector<128x48xbf16>, vector<1000x48xf32> -> vector<1000x48xf32>
    %add3A_156 = arith.addf %dot_general3A_147, %dot_general3A_155 : vector<1000x48xf32>
    %slice3A_157 = vector.extract_strided_slice %select_n3A {offsets = [0, 2], sizes = [1000, 1], strides = [1, 1]} : vector<1000x9xf32> to vector<1000x1xf32>
    %mul3A_158 = vector.broadcast %slice3A_157 : vector<1000x1xf32> to vector<1000x128xf32>
    %mul3A_159 = arith.mulf %add3A_129, %mul3A_158 : vector<1000x128xf32>
    %convert_element_type3A_160 = arith.truncf %mul3A_159 : vector<1000x128xf32> to vector<1000x128xbf16>
    %slice3A_161 = vector.extract_strided_slice %get3A_139 {offsets = [2, 0, 0], sizes = [1, 128, 48], strides = [1, 1, 1]} : vector<9x128x48xbf16> to vector<1x128x48xbf16>
    %squeeze3A_162 = vector.shape_cast %slice3A_161 : vector<1x128x48xbf16> to vector<128x48xbf16>
    %dot_general3A_163 = arith.constant dense<0.000000e+00> : vector<1000x48xf32>
    %dot_general3A_164 = tpu.matmul %convert_element_type3A_160, %squeeze3A_162, %dot_general3A_163 {dimension_numbers = #tpu.dot_dimension_numbers<[1], [0], [0], [1], [0, 0, 1, 1], [], []>, transpose_lhs_hint = false} : vector<1000x128xbf16>, vector<128x48xbf16>, vector<1000x48xf32> -> vector<1000x48xf32>
    %add3A_165 = arith.addf %add3A_156, %dot_general3A_164 : vector<1000x48xf32>
    %slice3A_166 = vector.extract_strided_slice %select_n3A {offsets = [0, 3], sizes = [1000, 1], strides = [1, 1]} : vector<1000x9xf32> to vector<1000x1xf32>
    %mul3A_167 = vector.broadcast %slice3A_166 : vector<1000x1xf32> to vector<1000x128xf32>
    %mul3A_168 = arith.mulf %add3A_129, %mul3A_167 : vector<1000x128xf32>
    %convert_element_type3A_169 = arith.truncf %mul3A_168 : vector<1000x128xf32> to vector<1000x128xbf16>
    %slice3A_170 = vector.extract_strided_slice %get3A_139 {offsets = [3, 0, 0], sizes = [1, 128, 48], strides = [1, 1, 1]} : vector<9x128x48xbf16> to vector<1x128x48xbf16>
    %squeeze3A_171 = vector.shape_cast %slice3A_170 : vector<1x128x48xbf16> to vector<128x48xbf16>
    %dot_general3A_172 = arith.constant dense<0.000000e+00> : vector<1000x48xf32>
    %dot_general3A_173 = tpu.matmul %convert_element_type3A_169, %squeeze3A_171, %dot_general3A_172 {dimension_numbers = #tpu.dot_dimension_numbers<[1], [0], [0], [1], [0, 0, 1, 1], [], []>, transpose_lhs_hint = false} : vector<1000x128xbf16>, vector<128x48xbf16>, vector<1000x48xf32> -> vector<1000x48xf32>
    %add3A_174 = arith.addf %add3A_165, %dot_general3A_173 : vector<1000x48xf32>
    %slice3A_175 = vector.extract_strided_slice %select_n3A {offsets = [0, 4], sizes = [1000, 1], strides = [1, 1]} : vector<1000x9xf32> to vector<1000x1xf32>
    %mul3A_176 = vector.broadcast %slice3A_175 : vector<1000x1xf32> to vector<1000x128xf32>
    %mul3A_177 = arith.mulf %add3A_129, %mul3A_176 : vector<1000x128xf32>
    %convert_element_type3A_178 = arith.truncf %mul3A_177 : vector<1000x128xf32> to vector<1000x128xbf16>
    %slice3A_179 = vector.extract_strided_slice %get3A_139 {offsets = [4, 0, 0], sizes = [1, 128, 48], strides = [1, 1, 1]} : vector<9x128x48xbf16> to vector<1x128x48xbf16>
    %squeeze3A_180 = vector.shape_cast %slice3A_179 : vector<1x128x48xbf16> to vector<128x48xbf16>
    %dot_general3A_181 = arith.constant dense<0.000000e+00> : vector<1000x48xf32>
    %dot_general3A_182 = tpu.matmul %convert_element_type3A_178, %squeeze3A_180, %dot_general3A_181 {dimension_numbers = #tpu.dot_dimension_numbers<[1], [0], [0], [1], [0, 0, 1, 1], [], []>, transpose_lhs_hint = false} : vector<1000x128xbf16>, vector<128x48xbf16>, vector<1000x48xf32> -> vector<1000x48xf32>
    %add3A_183 = arith.addf %add3A_174, %dot_general3A_182 : vector<1000x48xf32>
    %slice3A_184 = vector.extract_strided_slice %select_n3A {offsets = [0, 5], sizes = [1000, 1], strides = [1, 1]} : vector<1000x9xf32> to vector<1000x1xf32>
    %mul3A_185 = vector.broadcast %slice3A_184 : vector<1000x1xf32> to vector<1000x128xf32>
    %mul3A_186 = arith.mulf %add3A_129, %mul3A_185 : vector<1000x128xf32>
    %convert_element_type3A_187 = arith.truncf %mul3A_186 : vector<1000x128xf32> to vector<1000x128xbf16>
    %slice3A_188 = vector.extract_strided_slice %get3A_139 {offsets = [5, 0, 0], sizes = [1, 128, 48], strides = [1, 1, 1]} : vector<9x128x48xbf16> to vector<1x128x48xbf16>
    %squeeze3A_189 = vector.shape_cast %slice3A_188 : vector<1x128x48xbf16> to vector<128x48xbf16>
    %dot_general3A_190 = arith.constant dense<0.000000e+00> : vector<1000x48xf32>
    %dot_general3A_191 = tpu.matmul %convert_element_type3A_187, %squeeze3A_189, %dot_general3A_190 {dimension_numbers = #tpu.dot_dimension_numbers<[1], [0], [0], [1], [0, 0, 1, 1], [], []>, transpose_lhs_hint = false} : vector<1000x128xbf16>, vector<128x48xbf16>, vector<1000x48xf32> -> vector<1000x48xf32>
    %add3A_192 = arith.addf %add3A_183, %dot_general3A_191 : vector<1000x48xf32>
    %slice3A_193 = vector.extract_strided_slice %select_n3A {offsets = [0, 6], sizes = [1000, 1], strides = [1, 1]} : vector<1000x9xf32> to vector<1000x1xf32>
    %mul3A_194 = vector.broadcast %slice3A_193 : vector<1000x1xf32> to vector<1000x128xf32>
    %mul3A_195 = arith.mulf %add3A_129, %mul3A_194 : vector<1000x128xf32>
    %convert_element_type3A_196 = arith.truncf %mul3A_195 : vector<1000x128xf32> to vector<1000x128xbf16>
    %slice3A_197 = vector.extract_strided_slice %get3A_139 {offsets = [6, 0, 0], sizes = [1, 128, 48], strides = [1, 1, 1]} : vector<9x128x48xbf16> to vector<1x128x48xbf16>
    %squeeze3A_198 = vector.shape_cast %slice3A_197 : vector<1x128x48xbf16> to vector<128x48xbf16>
    %dot_general3A_199 = arith.constant dense<0.000000e+00> : vector<1000x48xf32>
    %dot_general3A_200 = tpu.matmul %convert_element_type3A_196, %squeeze3A_198, %dot_general3A_199 {dimension_numbers = #tpu.dot_dimension_numbers<[1], [0], [0], [1], [0, 0, 1, 1], [], []>, transpose_lhs_hint = false} : vector<1000x128xbf16>, vector<128x48xbf16>, vector<1000x48xf32> -> vector<1000x48xf32>
    %add3A_201 = arith.addf %add3A_192, %dot_general3A_200 : vector<1000x48xf32>
    %slice3A_202 = vector.extract_strided_slice %select_n3A {offsets = [0, 7], sizes = [1000, 1], strides = [1, 1]} : vector<1000x9xf32> to vector<1000x1xf32>
    %mul3A_203 = vector.broadcast %slice3A_202 : vector<1000x1xf32> to vector<1000x128xf32>
    %mul3A_204 = arith.mulf %add3A_129, %mul3A_203 : vector<1000x128xf32>
    %convert_element_type3A_205 = arith.truncf %mul3A_204 : vector<1000x128xf32> to vector<1000x128xbf16>
    %slice3A_206 = vector.extract_strided_slice %get3A_139 {offsets = [7, 0, 0], sizes = [1, 128, 48], strides = [1, 1, 1]} : vector<9x128x48xbf16> to vector<1x128x48xbf16>
    %squeeze3A_207 = vector.shape_cast %slice3A_206 : vector<1x128x48xbf16> to vector<128x48xbf16>
    %dot_general3A_208 = arith.constant dense<0.000000e+00> : vector<1000x48xf32>
    %dot_general3A_209 = tpu.matmul %convert_element_type3A_205, %squeeze3A_207, %dot_general3A_208 {dimension_numbers = #tpu.dot_dimension_numbers<[1], [0], [0], [1], [0, 0, 1, 1], [], []>, transpose_lhs_hint = false} : vector<1000x128xbf16>, vector<128x48xbf16>, vector<1000x48xf32> -> vector<1000x48xf32>
    %add3A_210 = arith.addf %add3A_201, %dot_general3A_209 : vector<1000x48xf32>
    %slice3A_211 = vector.extract_strided_slice %select_n3A {offsets = [0, 8], sizes = [1000, 1], strides = [1, 1]} : vector<1000x9xf32> to vector<1000x1xf32>
    %mul3A_212 = vector.broadcast %slice3A_211 : vector<1000x1xf32> to vector<1000x128xf32>
    %mul3A_213 = arith.mulf %add3A_129, %mul3A_212 : vector<1000x128xf32>
    %convert_element_type3A_214 = arith.truncf %mul3A_213 : vector<1000x128xf32> to vector<1000x128xbf16>
    %slice3A_215 = vector.extract_strided_slice %get3A_139 {offsets = [8, 0, 0], sizes = [1, 128, 48], strides = [1, 1, 1]} : vector<9x128x48xbf16> to vector<1x128x48xbf16>
    %squeeze3A_216 = vector.shape_cast %slice3A_215 : vector<1x128x48xbf16> to vector<128x48xbf16>
    %dot_general3A_217 = arith.constant dense<0.000000e+00> : vector<1000x48xf32>
    %dot_general3A_218 = tpu.matmul %convert_element_type3A_214, %squeeze3A_216, %dot_general3A_217 {dimension_numbers = #tpu.dot_dimension_numbers<[1], [0], [0], [1], [0, 0, 1, 1], [], []>, transpose_lhs_hint = false} : vector<1000x128xbf16>, vector<128x48xbf16>, vector<1000x48xf32> -> vector<1000x48xf32>
    %add3A_219 = arith.addf %add3A_210, %dot_general3A_218 : vector<1000x48xf32>
    %slice3A_220 = vector.extract_strided_slice %add3A_219 {offsets = [0, 0], sizes = [1000, 16], strides = [1, 1]} : vector<1000x48xf32> to vector<1000x16xf32>
    %slice3A_221 = vector.extract_strided_slice %add3A_219 {offsets = [0, 16], sizes = [1000, 8], strides = [1, 1]} : vector<1000x48xf32> to vector<1000x8xf32>
    %slice3A_222 = vector.extract_strided_slice %add3A_219 {offsets = [0, 24], sizes = [1000, 24], strides = [1, 1]} : vector<1000x48xf32> to vector<1000x24xf32>
    %reshape3A_223 = vector.shape_cast %slice3A_222 : vector<1000x24xf32> to vector<1000x8x3xf32>
    %logistic3A_224 = arith.negf %slice3A_221 : vector<1000x8xf32>
    %logistic3A_225 = math.exp %logistic3A_224 : vector<1000x8xf32>
    %logistic3A_226 = arith.constant 1.000000e+00 : f32
    %logistic3A_227 = vector.broadcast %logistic3A_226 : f32 to vector<1000x8xf32>
    %logistic3A_228 = arith.addf %logistic3A_227, %logistic3A_225 : vector<1000x8xf32>
    %logistic3A_229 = arith.divf %logistic3A_227, %logistic3A_228 : vector<1000x8xf32>
    %broadcast_in_dim3A_230 = vector.shape_cast %logistic3A_229 : vector<1000x8xf32> to vector<1000x8x1xf32>
    %mul3A_231 = vector.broadcast %broadcast_in_dim3A_230 : vector<1000x8x1xf32> to vector<1000x8x3xf32>
    %mul3A_232 = arith.mulf %reshape3A_223, %mul3A_231 : vector<1000x8x3xf32>
    %logistic3A_233 = arith.negf %slice3A_220 : vector<1000x16xf32>
    %logistic3A_234 = math.exp %logistic3A_233 : vector<1000x16xf32>
    %logistic3A_235 = arith.constant 1.000000e+00 : f32
    %logistic3A_236 = vector.broadcast %logistic3A_235 : f32 to vector<1000x16xf32>
    %logistic3A_237 = arith.addf %logistic3A_236, %logistic3A_234 : vector<1000x16xf32>
    %logistic3A_238 = arith.divf %logistic3A_236, %logistic3A_237 : vector<1000x16xf32>
    %mul3A_239 = arith.mulf %slice3A_220, %logistic3A_238 : vector<1000x16xf32>
    %reshape3A_240 = vector.shape_cast %mul3A_232 : vector<1000x8x3xf32> to vector<1000x24xf32>
    %concatenate3A_241 = tpu.concatenate %mul3A_239, %reshape3A_240 in 1 : vector<1000x16xf32>, vector<1000x24xf32> -> vector<1000x40xf32>
    %broadcast_in_dim3A_242 = arith.constant 0.000000e+00 : f32
    %broadcast_in_dim3A_243 = vector.broadcast %broadcast_in_dim3A_242 : f32 to vector<1000x88xf32>
    %concatenate3A_244 = tpu.concatenate %concatenate3A_241, %broadcast_in_dim3A_243 in 1 : vector<1000x40xf32>, vector<1000x88xf32> -> vector<1000x128xf32>
    %get3A_245 = arith.constant 0 : index
    %get3A_246 = arith.constant 0 : index
    %get3A_247 = arith.constant 0 : index
    %get3A_248 = vector.load %arg11[%get3A_245, %get3A_246, %get3A_247] : memref<9x128x16xbf16, #tpu.memory_space<vmem>>, vector<9x128x16xbf16>
    %slice3A_249 = vector.extract_strided_slice %select_n3A {offsets = [0, 0], sizes = [1000, 1], strides = [1, 1]} : vector<1000x9xf32> to vector<1000x1xf32>
    %mul3A_250 = vector.broadcast %slice3A_249 : vector<1000x1xf32> to vector<1000x128xf32>
    %mul3A_251 = arith.mulf %concatenate3A_244, %mul3A_250 : vector<1000x128xf32>
    %convert_element_type3A_252 = arith.truncf %mul3A_251 : vector<1000x128xf32> to vector<1000x128xbf16>
    %slice3A_253 = vector.extract_strided_slice %get3A_248 {offsets = [0, 0, 0], sizes = [1, 128, 16], strides = [1, 1, 1]} : vector<9x128x16xbf16> to vector<1x128x16xbf16>
    %squeeze3A_254 = vector.shape_cast %slice3A_253 : vector<1x128x16xbf16> to vector<128x16xbf16>
    %dot_general3A_255 = arith.constant dense<0.000000e+00> : vector<1000x16xf32>
    %dot_general3A_256 = tpu.matmul %convert_element_type3A_252, %squeeze3A_254, %dot_general3A_255 {dimension_numbers = #tpu.dot_dimension_numbers<[1], [0], [0], [1], [0, 0, 1, 1], [], []>, transpose_lhs_hint = false} : vector<1000x128xbf16>, vector<128x16xbf16>, vector<1000x16xf32> -> vector<1000x16xf32>
    %slice3A_257 = vector.extract_strided_slice %select_n3A {offsets = [0, 1], sizes = [1000, 1], strides = [1, 1]} : vector<1000x9xf32> to vector<1000x1xf32>
    %mul3A_258 = vector.broadcast %slice3A_257 : vector<1000x1xf32> to vector<1000x128xf32>
    %mul3A_259 = arith.mulf %concatenate3A_244, %mul3A_258 : vector<1000x128xf32>
    %convert_element_type3A_260 = arith.truncf %mul3A_259 : vector<1000x128xf32> to vector<1000x128xbf16>
    %slice3A_261 = vector.extract_strided_slice %get3A_248 {offsets = [1, 0, 0], sizes = [1, 128, 16], strides = [1, 1, 1]} : vector<9x128x16xbf16> to vector<1x128x16xbf16>
    %squeeze3A_262 = vector.shape_cast %slice3A_261 : vector<1x128x16xbf16> to vector<128x16xbf16>
    %dot_general3A_263 = arith.constant dense<0.000000e+00> : vector<1000x16xf32>
    %dot_general3A_264 = tpu.matmul %convert_element_type3A_260, %squeeze3A_262, %dot_general3A_263 {dimension_numbers = #tpu.dot_dimension_numbers<[1], [0], [0], [1], [0, 0, 1, 1], [], []>, transpose_lhs_hint = false} : vector<1000x128xbf16>, vector<128x16xbf16>, vector<1000x16xf32> -> vector<1000x16xf32>
    %add3A_265 = arith.addf %dot_general3A_256, %dot_general3A_264 : vector<1000x16xf32>
    %slice3A_266 = vector.extract_strided_slice %select_n3A {offsets = [0, 2], sizes = [1000, 1], strides = [1, 1]} : vector<1000x9xf32> to vector<1000x1xf32>
    %mul3A_267 = vector.broadcast %slice3A_266 : vector<1000x1xf32> to vector<1000x128xf32>
    %mul3A_268 = arith.mulf %concatenate3A_244, %mul3A_267 : vector<1000x128xf32>
    %convert_element_type3A_269 = arith.truncf %mul3A_268 : vector<1000x128xf32> to vector<1000x128xbf16>
    %slice3A_270 = vector.extract_strided_slice %get3A_248 {offsets = [2, 0, 0], sizes = [1, 128, 16], strides = [1, 1, 1]} : vector<9x128x16xbf16> to vector<1x128x16xbf16>
    %squeeze3A_271 = vector.shape_cast %slice3A_270 : vector<1x128x16xbf16> to vector<128x16xbf16>
    %dot_general3A_272 = arith.constant dense<0.000000e+00> : vector<1000x16xf32>
    %dot_general3A_273 = tpu.matmul %convert_element_type3A_269, %squeeze3A_271, %dot_general3A_272 {dimension_numbers = #tpu.dot_dimension_numbers<[1], [0], [0], [1], [0, 0, 1, 1], [], []>, transpose_lhs_hint = false} : vector<1000x128xbf16>, vector<128x16xbf16>, vector<1000x16xf32> -> vector<1000x16xf32>
    %add3A_274 = arith.addf %add3A_265, %dot_general3A_273 : vector<1000x16xf32>
    %slice3A_275 = vector.extract_strided_slice %select_n3A {offsets = [0, 3], sizes = [1000, 1], strides = [1, 1]} : vector<1000x9xf32> to vector<1000x1xf32>
    %mul3A_276 = vector.broadcast %slice3A_275 : vector<1000x1xf32> to vector<1000x128xf32>
    %mul3A_277 = arith.mulf %concatenate3A_244, %mul3A_276 : vector<1000x128xf32>
    %convert_element_type3A_278 = arith.truncf %mul3A_277 : vector<1000x128xf32> to vector<1000x128xbf16>
    %slice3A_279 = vector.extract_strided_slice %get3A_248 {offsets = [3, 0, 0], sizes = [1, 128, 16], strides = [1, 1, 1]} : vector<9x128x16xbf16> to vector<1x128x16xbf16>
    %squeeze3A_280 = vector.shape_cast %slice3A_279 : vector<1x128x16xbf16> to vector<128x16xbf16>
    %dot_general3A_281 = arith.constant dense<0.000000e+00> : vector<1000x16xf32>
    %dot_general3A_282 = tpu.matmul %convert_element_type3A_278, %squeeze3A_280, %dot_general3A_281 {dimension_numbers = #tpu.dot_dimension_numbers<[1], [0], [0], [1], [0, 0, 1, 1], [], []>, transpose_lhs_hint = false} : vector<1000x128xbf16>, vector<128x16xbf16>, vector<1000x16xf32> -> vector<1000x16xf32>
    %add3A_283 = arith.addf %add3A_274, %dot_general3A_282 : vector<1000x16xf32>
    %slice3A_284 = vector.extract_strided_slice %select_n3A {offsets = [0, 4], sizes = [1000, 1], strides = [1, 1]} : vector<1000x9xf32> to vector<1000x1xf32>
    %mul3A_285 = vector.broadcast %slice3A_284 : vector<1000x1xf32> to vector<1000x128xf32>
    %mul3A_286 = arith.mulf %concatenate3A_244, %mul3A_285 : vector<1000x128xf32>
    %convert_element_type3A_287 = arith.truncf %mul3A_286 : vector<1000x128xf32> to vector<1000x128xbf16>
    %slice3A_288 = vector.extract_strided_slice %get3A_248 {offsets = [4, 0, 0], sizes = [1, 128, 16], strides = [1, 1, 1]} : vector<9x128x16xbf16> to vector<1x128x16xbf16>
    %squeeze3A_289 = vector.shape_cast %slice3A_288 : vector<1x128x16xbf16> to vector<128x16xbf16>
    %dot_general3A_290 = arith.constant dense<0.000000e+00> : vector<1000x16xf32>
    %dot_general3A_291 = tpu.matmul %convert_element_type3A_287, %squeeze3A_289, %dot_general3A_290 {dimension_numbers = #tpu.dot_dimension_numbers<[1], [0], [0], [1], [0, 0, 1, 1], [], []>, transpose_lhs_hint = false} : vector<1000x128xbf16>, vector<128x16xbf16>, vector<1000x16xf32> -> vector<1000x16xf32>
    %add3A_292 = arith.addf %add3A_283, %dot_general3A_291 : vector<1000x16xf32>
    %slice3A_293 = vector.extract_strided_slice %select_n3A {offsets = [0, 5], sizes = [1000, 1], strides = [1, 1]} : vector<1000x9xf32> to vector<1000x1xf32>
    %mul3A_294 = vector.broadcast %slice3A_293 : vector<1000x1xf32> to vector<1000x128xf32>
    %mul3A_295 = arith.mulf %concatenate3A_244, %mul3A_294 : vector<1000x128xf32>
    %convert_element_type3A_296 = arith.truncf %mul3A_295 : vector<1000x128xf32> to vector<1000x128xbf16>
    %slice3A_297 = vector.extract_strided_slice %get3A_248 {offsets = [5, 0, 0], sizes = [1, 128, 16], strides = [1, 1, 1]} : vector<9x128x16xbf16> to vector<1x128x16xbf16>
    %squeeze3A_298 = vector.shape_cast %slice3A_297 : vector<1x128x16xbf16> to vector<128x16xbf16>
    %dot_general3A_299 = arith.constant dense<0.000000e+00> : vector<1000x16xf32>
    %dot_general3A_300 = tpu.matmul %convert_element_type3A_296, %squeeze3A_298, %dot_general3A_299 {dimension_numbers = #tpu.dot_dimension_numbers<[1], [0], [0], [1], [0, 0, 1, 1], [], []>, transpose_lhs_hint = false} : vector<1000x128xbf16>, vector<128x16xbf16>, vector<1000x16xf32> -> vector<1000x16xf32>
    %add3A_301 = arith.addf %add3A_292, %dot_general3A_300 : vector<1000x16xf32>
    %slice3A_302 = vector.extract_strided_slice %select_n3A {offsets = [0, 6], sizes = [1000, 1], strides = [1, 1]} : vector<1000x9xf32> to vector<1000x1xf32>
    %mul3A_303 = vector.broadcast %slice3A_302 : vector<1000x1xf32> to vector<1000x128xf32>
    %mul3A_304 = arith.mulf %concatenate3A_244, %mul3A_303 : vector<1000x128xf32>
    %convert_element_type3A_305 = arith.truncf %mul3A_304 : vector<1000x128xf32> to vector<1000x128xbf16>
    %slice3A_306 = vector.extract_strided_slice %get3A_248 {offsets = [6, 0, 0], sizes = [1, 128, 16], strides = [1, 1, 1]} : vector<9x128x16xbf16> to vector<1x128x16xbf16>
    %squeeze3A_307 = vector.shape_cast %slice3A_306 : vector<1x128x16xbf16> to vector<128x16xbf16>
    %dot_general3A_308 = arith.constant dense<0.000000e+00> : vector<1000x16xf32>
    %dot_general3A_309 = tpu.matmul %convert_element_type3A_305, %squeeze3A_307, %dot_general3A_308 {dimension_numbers = #tpu.dot_dimension_numbers<[1], [0], [0], [1], [0, 0, 1, 1], [], []>, transpose_lhs_hint = false} : vector<1000x128xbf16>, vector<128x16xbf16>, vector<1000x16xf32> -> vector<1000x16xf32>
    %add3A_310 = arith.addf %add3A_301, %dot_general3A_309 : vector<1000x16xf32>
    %slice3A_311 = vector.extract_strided_slice %select_n3A {offsets = [0, 7], sizes = [1000, 1], strides = [1, 1]} : vector<1000x9xf32> to vector<1000x1xf32>
    %mul3A_312 = vector.broadcast %slice3A_311 : vector<1000x1xf32> to vector<1000x128xf32>
    %mul3A_313 = arith.mulf %concatenate3A_244, %mul3A_312 : vector<1000x128xf32>
    %convert_element_type3A_314 = arith.truncf %mul3A_313 : vector<1000x128xf32> to vector<1000x128xbf16>
    %slice3A_315 = vector.extract_strided_slice %get3A_248 {offsets = [7, 0, 0], sizes = [1, 128, 16], strides = [1, 1, 1]} : vector<9x128x16xbf16> to vector<1x128x16xbf16>
    %squeeze3A_316 = vector.shape_cast %slice3A_315 : vector<1x128x16xbf16> to vector<128x16xbf16>
    %dot_general3A_317 = arith.constant dense<0.000000e+00> : vector<1000x16xf32>
    %dot_general3A_318 = tpu.matmul %convert_element_type3A_314, %squeeze3A_316, %dot_general3A_317 {dimension_numbers = #tpu.dot_dimension_numbers<[1], [0], [0], [1], [0, 0, 1, 1], [], []>, transpose_lhs_hint = false} : vector<1000x128xbf16>, vector<128x16xbf16>, vector<1000x16xf32> -> vector<1000x16xf32>
    %add3A_319 = arith.addf %add3A_310, %dot_general3A_318 : vector<1000x16xf32>
    %slice3A_320 = vector.extract_strided_slice %select_n3A {offsets = [0, 8], sizes = [1000, 1], strides = [1, 1]} : vector<1000x9xf32> to vector<1000x1xf32>
    %mul3A_321 = vector.broadcast %slice3A_320 : vector<1000x1xf32> to vector<1000x128xf32>
    %mul3A_322 = arith.mulf %concatenate3A_244, %mul3A_321 : vector<1000x128xf32>
    %convert_element_type3A_323 = arith.truncf %mul3A_322 : vector<1000x128xf32> to vector<1000x128xbf16>
    %slice3A_324 = vector.extract_strided_slice %get3A_248 {offsets = [8, 0, 0], sizes = [1, 128, 16], strides = [1, 1, 1]} : vector<9x128x16xbf16> to vector<1x128x16xbf16>
    %squeeze3A_325 = vector.shape_cast %slice3A_324 : vector<1x128x16xbf16> to vector<128x16xbf16>
    %dot_general3A_326 = arith.constant dense<0.000000e+00> : vector<1000x16xf32>
    %dot_general3A_327 = tpu.matmul %convert_element_type3A_323, %squeeze3A_325, %dot_general3A_326 {dimension_numbers = #tpu.dot_dimension_numbers<[1], [0], [0], [1], [0, 0, 1, 1], [], []>, transpose_lhs_hint = false} : vector<1000x128xbf16>, vector<128x16xbf16>, vector<1000x16xf32> -> vector<1000x16xf32>
    %add3A_328 = arith.addf %add3A_319, %dot_general3A_327 : vector<1000x16xf32>
    %swap3A = arith.constant 0 : index
    %swap3A_329 = arith.constant 0 : index
    %swap3A_330 = vector.load %arg12[%swap3A, %swap3A_329] : memref<1000x16xf32, #tpu.memory_space<vmem>>, vector<1000x16xf32>
    tpu.vector_store %arg12[%swap3A, %swap3A_329], %add3A_328 {strides = array<i32>} : memref<1000x16xf32, #tpu.memory_space<vmem>>, vector<1000x16xf32>,
    return
  }
  func.func @transform_0(%arg0: i32) -> (i32, i32) {
    %c0_i32 = arith.constant 0 : i32
    %c0_i32_0 = arith.constant 0 : i32
    return %arg0, %c0_i32 : i32, i32
  }
  func.func @transform_1(%arg0: i32) -> (i32, i32) {
    %add3A = arith.constant 10 : i32
    %add3A_0 = arith.addi %arg0, %add3A : i32
    %c0_i32 = arith.constant 0 : i32
    %c0_i32_1 = arith.constant 0 : i32
    return %add3A_0, %c0_i32 : i32, i32
  }
  func.func @transform_2(%arg0: i32) -> (i32, i32) {
    %c0_i32 = arith.constant 0 : i32
    %c0_i32_0 = arith.constant 0 : i32
    return %arg0, %c0_i32 : i32, i32
  }
  func.func @transform_3(%arg0: i32) -> (i32, i32) {
    %add3A = arith.constant 10 : i32
    %add3A_0 = arith.addi %arg0, %add3A : i32
    %c0_i32 = arith.constant 0 : i32
    %c0_i32_1 = arith.constant 0 : i32
    return %add3A_0, %c0_i32 : i32, i32
  }
  func.func @transform_4(%arg0: i32) -> (i32, i32) {
    %c0_i32 = arith.constant 0 : i32
    %c0_i32_0 = arith.constant 0 : i32
    return %arg0, %c0_i32 : i32, i32
  }
  func.func @transform_5(%arg0: i32) -> (i32, i32) {
    %c0_i32 = arith.constant 0 : i32
    %c0_i32_0 = arith.constant 0 : i32
    return %arg0, %c0_i32 : i32, i32
  }
  func.func @transform_6(%arg0: i32) -> (i32, i32) {
    %c0_i32 = arith.constant 0 : i32
    %c0_i32_0 = arith.constant 0 : i32
    return %arg0, %c0_i32 : i32, i32
  }
  func.func @transform_7(%arg0: i32) -> (i32, i32, i32) {
    %c0_i32 = arith.constant 0 : i32
    %c0_i32_0 = arith.constant 0 : i32
    %c0_i32_1 = arith.constant 0 : i32
    %c0_i32_2 = arith.constant 0 : i32
    return %c0_i32, %c0_i32_0, %c0_i32_1 : i32, i32, i32
  }
  func.func @transform_8(%arg0: i32) -> (i32, i32) {
    %c0_i32 = arith.constant 0 : i32
    %c0_i32_0 = arith.constant 0 : i32
    %c0_i32_1 = arith.constant 0 : i32
    return %c0_i32, %c0_i32_0 : i32, i32
  }
  func.func @transform_9(%arg0: i32) -> (i32, i32, i32) {
    %c0_i32 = arith.constant 0 : i32
    %c0_i32_0 = arith.constant 0 : i32
    %c0_i32_1 = arith.constant 0 : i32
    %c0_i32_2 = arith.constant 0 : i32
    return %c0_i32, %c0_i32_0, %c0_i32_1 : i32, i32, i32
  }
  func.func @transform_10(%arg0: i32) -> (i32, i32, i32) {
    %c0_i32 = arith.constant 0 : i32
    %c0_i32_0 = arith.constant 0 : i32
    %c0_i32_1 = arith.constant 0 : i32
    %c0_i32_2 = arith.constant 0 : i32
    return %c0_i32, %c0_i32_0, %c0_i32_1 : i32, i32, i32
  }
  func.func @transform_11(%arg0: i32) -> (i32, i32) {
    %c0_i32 = arith.constant 0 : i32
    %c0_i32_0 = arith.constant 0 : i32
    return %arg0, %c0_i32 : i32, i32
  }
}

</mosaic_0001>

<sc_bundles>
// kernel: kernel.17.cloned.1.call-start
scs
__scs_entry_jumppad:
0x0: {  	(pc) =	sbr.rel $0x88, $3  }
0x1: {  	(tag) =	ssettag $0x0;
	lr =	simm.s32 $0x1  }
0x2: {  	[smem:$0x3F97] =	sst lr;
	_ =	strace $0xD0000000  }
0x3: {  	_ = 	snop  }
0x4: {  	_ = 	snop  }
0x5: {  	_ = 	snop  }
0x6: {  	_ = 	snop  }
0x7: {  	_ = 	snop  }
__scs_overlays_trampoline_lowered:
0x8: {  	[smem:$0x3FA6] =	sst s0  }
0x9: {  	[smem:$0x3FA7] =	sst s1  }
0xa: {  	[smem:$0x3FA8] =	sst s2  }
0xb: {  	[smem:$0x3FA9] =	sst s3  }
0xc: {  	[smem:$0x3FAA] =	sst s4  }
0xd: {  	[smem:$0x3FAB] =	sst s5  }
0xe: {  	[smem:$0x3FAC] =	sst s6  }
0xf: {  	[smem:$0x3FAD] =	sst s7  }
0x10: {  	[smem:$0x3FAE] =	sst s8  }
0x11: {  	[smem:$0x3FAF] =	sst s9;
	s0 =	simm.s32 @!p0 $0x0  }
0x12: {  	s1 =	sld [smem:$0x3F95];
	s0 =	simm.s32 @p0 $0x1  }
0x13: {  	[smem:$0x3FB0] =	sst s0;
	s0 =	simm.s32 @!p1 $0x0  }
0x14: {  	s2 =	sld [smem:$0x3F94];
	s0 =	simm.s32 @p1 $0x1  }
0x15: {  	[smem:$0x3FB1] =	sst s0;
	s0 =	simm.s32 @!p2 $0x0  }
0x16: {  	s3 =	sld [smem:$0x3FDB];
	s0 =	simm.s32 @p2 $0x1  }
0x17: {  	s4 =	simm.s32 $0x1BF5;
	[smem:$0x3FB3] =	sst s0  }
0x18: {  	s0 =	sld [smem:$0x3F96];
	_ =	swait.ge [sflag:s4], $0x0  }
0x19: {  	s7 =	sld [smem:$0x3F97]  }
0x1a: {  	s8 =	sadd.s32 $0xFFFFE003, lr  }
0x1b: {  	s9 =	sadd.s32 $0xFFFFFEF7, lr;
	s5 =	simm.s32 $0xFFFFFFFF;
	p2 =	slt.u32 s8, $0xFFFFF086  }
0x1c: {  	p1 =	slt.u32 s9, $0xF7A;
	s5 =	simm.s32 @!p2 $0x0  }
0x1d: {  	s5 =	simm.s32 @p1 $0x1;
	p0 =	seq.s32 s7, s2  }
0x1e: {  	s7 =	smul.u32 @!p0 $0xF7A, s2;
	p2 =	seq.s32 @!p0 s5, $0x0  }
0x1f: {  	s9 =	smul.u32 $0xF7A, s1;
	s8 =	simm.s32 @!p0 $0x1BF5;
	p2 =	por !p2, p0  }
0x20: {  	[sflag:s8] =	ssyncset.s32 @!p0 $0xFFFFF086;
	s6 =	sadd.s32 @!p0 s3, s7;
	s7 =	simm.s32 @!p0 $0x108  }
0x21: {  	s3 =	sadd.s32 s3, s9;
	s6 =	sadd.s32 @!p0 $0x88, s6;
	s7 =	simm.s32 @p2 $0x1082  }
0x22: {  	[simem:s7], [sflag:s8] =	dma.local @!p0 [hbm:s6], $0xF7A  }
0x23: {  	s9 =	sor.u32 $0xD0000000, s2;
	s6 =	simm.s32 $0x108;
	_ =	swait.ge @!p0 [sflag:s8], $0x0  }
0x24: {  	s3 =	sadd.s32 $0x88, s3;
	s6 =	simm.s32 @!p1 $0x1082;
	[sflag:s4] =	ssyncset.s32 $0xFFFFF086  }
0x25: {  	[simem:s6], [sflag:s4] =	dma.local [hbm:s3], $0xF7A  }
0x26: {  	[smem:$0x3F97] =	sst s1;
	(tag) =	ssettag s2;
	_ =	strace s9  }
0x27: {  	s1 =	sld [smem:$0x3FA7]  }
0x28: {  	s2 =	sld [smem:$0x3FA8]  }
0x29: {  	s4 =	sld [smem:$0x3FAA]  }
0x2a: {  	p0 =	seq.s32 s5, $0x0;
	s5 =	sld [smem:$0x3FAB]  }
0x2b: {  	s6 =	sld [smem:$0x3FAC]  }
0x2c: {  	s7 =	sld [smem:$0x3FAD]  }
0x2d: {  	s3 =	simm.s32 $0x108;
	s8 =	sld [smem:$0x3FAE]  }
0x2e: {  	s3 =	simm.s32 @!p0 $0x1082;
	s9 =	sld [smem:$0x3FAF]  }
0x2f: {  	lr =	sadd.s32 s0, s3;
	s0 =	sld [smem:$0x3FA6]  }
0x30: {  	s3 =	sld [smem:$0x3FA9]  }
0x31: {  	[smem:$0x3FB2] =	sst s10  }
0x32: {  	s10 =	sld [smem:$0x3FB0];
	_ =	sdelay $0x3  }
0x33: {  	p0 =	seq.s32 s10, $0x1;
	s10 =	sld [smem:$0x3FB2];
	_ =	sdelay $0x3  }
0x34: {  	[smem:$0x3FB2] =	sst s10  }
0x35: {  	s10 =	sld [smem:$0x3FB1];
	_ =	sdelay $0x3  }
0x36: {  	p1 =	seq.s32 s10, $0x1;
	s10 =	sld [smem:$0x3FB2];
	_ =	sdelay $0x3  }
0x37: {  	[smem:$0x3FB2] =	sst s10  }
0x38: {  	s10 =	sld [smem:$0x3FB3]  }
0x39: {  	_ = 	snop;
	(pc) =	sbr.ind lr, $3  }
0x3a: {  	_ = 	snop  }
0x3b: {  	_ = 	snop  }
0x3c: {  	p2 =	seq.s32 s10, $0x1;
	s10 =	sld [smem:$0x3FB2]  }
0x3d: {  	_ =	shalt  }
0x3e: {  	_ =	shalt  }
0x3f: {  	_ =	shalt  }
0x40: {  	_ =	shalt  }
0x41: {  	_ =	shalt  }
0x42: {  	_ =	shalt  }
0x43: {  	_ =	shalt  }
0x44: {  	_ =	shalt  }
0x45: {  	_ =	shalt  }
0x46: {  	_ =	shalt  }
0x47: {  	_ =	shalt  }
0x48: {  	_ =	shalt  }
0x49: {  	_ =	shalt  }
0x4a: {  	_ =	shalt  }
0x4b: {  	_ =	shalt  }
0x4c: {  	_ =	shalt  }
0x4d: {  	_ =	shalt  }
0x4e: {  	_ =	shalt  }
0x4f: {  	_ =	shalt  }
0x50: {  	_ =	shalt  }
0x51: {  	_ =	shalt  }
0x52: {  	_ =	shalt  }
0x53: {  	_ =	shalt  }
0x54: {  	_ =	shalt  }
0x55: {  	_ =	shalt  }
0x56: {  	_ =	shalt  }
0x57: {  	_ =	shalt  }
0x58: {  	_ =	shalt  }
0x59: {  	_ =	shalt  }
0x5a: {  	_ =	shalt  }
0x5b: {  	_ =	shalt  }
0x5c: {  	_ =	shalt  }
0x5d: {  	_ =	shalt  }
0x5e: {  	_ =	shalt  }
0x5f: {  	_ =	shalt  }
0x60: {  	_ =	shalt  }
0x61: {  	_ =	shalt  }
0x62: {  	_ =	shalt  }
0x63: {  	_ =	shalt  }
0x64: {  	_ =	shalt  }
0x65: {  	_ =	shalt  }
0x66: {  	_ =	shalt  }
0x67: {  	_ =	shalt  }
0x68: {  	_ =	shalt  }
0x69: {  	_ =	shalt  }
0x6a: {  	_ =	shalt  }
0x6b: {  	_ =	shalt  }
0x6c: {  	_ =	shalt  }
0x6d: {  	_ =	shalt  }
0x6e: {  	_ =	shalt  }
0x6f: {  	_ =	shalt  }
0x70: {  	_ =	shalt  }
0x71: {  	_ =	shalt  }
0x72: {  	_ =	shalt  }
0x73: {  	_ =	shalt  }
0x74: {  	_ =	shalt  }
0x75: {  	_ =	shalt  }
0x76: {  	_ =	shalt  }
0x77: {  	_ =	shalt  }
0x78: {  	_ =	shalt  }
0x79: {  	_ =	shalt  }
0x7a: {  	_ =	shalt  }
0x7b: {  	_ =	shalt  }
0x7c: {  	_ =	shalt  }
0x7d: {  	_ =	shalt  }
0x7e: {  	_ =	shalt  }
0x7f: {  	_ =	shalt  }
0x80: {  	_ =	shalt  }
0x81: {  	_ =	shalt  }
0x82: {  	_ =	shalt  }
0x83: {  	_ =	shalt  }
0x84: {  	_ =	shalt  }
0x85: {  	_ =	shalt  }
0x86: {  	_ =	shalt  }
0x87: {  	_ =	shalt  }
.Lfunc_end0:
.L_simem_size_0:
called_computation_lowered:
.L_overlay_start_0:
0x88: {  	s2 =	sld [smem:$0x3FD9]  }
0x89: {  	s3 =	sld [smem:$0x3FFE];
	_ =	sdelay $0x1  }
0x8a: {  	s1 =	srdreg.scid  }
0x8b: {  	s0 =	sand.u32 $0x1, s1  }
0x8c: {  	s16 =	sshll.u32 s0, $0xA;
	s2 =	sadd.s32 s3, s2  }
0x8d: {  	s2 =	sadd.s32 s2, s16  }
0x8e: {  	[smem:$0x3FBE] =	sst s2  }
0x8f: {  	_ = 	snop  }
0x90: {  	(tm) =	ssettm $0x1  }
0x91: {  	s17 =	sld [smem:$0x3FFB];
	_ =	sdelay $0x3  }
0x92: {  	_ =	strace s17  }
0x93: {  	s2 =	sld [smem:$0x3FFC];
	_ =	sdelay $0x3  }
0x94: {  	_ =	strace s2  }
0x95: {  	s2 =	sld [smem:$0x3FFD];
	_ =	sdelay $0x3  }
0x96: {  	_ =	strace s2  }
0x97: {  	_ =	strace $0x8FFFFFFF  }
0x98: {  	s18 =	sld [smem:$0x3FDB];
	_ =	sdelay $0x1  }
0x99: {  	s19 =	simm.s32 $_scs_section_size  }
0x9a: {  	s4 =	simm.s32 $_size__tile_overlayer_lowered;
	s5 =	simm.s32 $_tile_overlayer_lowered  }
0x9b: {  	s22 =	simm.s32 $0x1BFF;
	s21 =	sshll.u32 s5, $0x1;
	s2 =	sadd.s32 s19, s18  }
0x9c: {  	s6 =	simm.s32 $0x0;
	s20 =	sshll.u32 s4, $0x1;
	s4 =	sadd.s32 s21, s2  }
0x9d: {  	[timem:s6], [sflag:s22] =	dma.local [hbm:s4], s20  }
0x9e: {  	_ =	swait.ge [sflag:s22], s20  }
0x9f: {  	s3 =	ssub.s32 $0x0, s20;
	[sflag:s22] =	ssyncset.done $0x0  }
0xa0: {  	[sflag:s22] =	ssyncadd.s32 s3;
	_ =	sdelay $0x1  }
0xa1: {  	s23 =	simm.s32 $0x1B8B  }
0xa2: {  	_ =	swait.ge [sflag:s23], $0x1  }
0xa3: {  	[sflag:s23] =	ssyncset.done $0x0  }
0xa4: {  	s25 =	simm.s32 $0x1B8E;
	s24 =	sld [smem:$0x3FFE];
	[sflag:s23] =	ssyncadd.s32 $0xFFFFFFFF  }
0xa5: {  	s26 =	simm.s32 $execute0_lowered;
	[smem:$0x3FD2] =	sst s25  }
0xa6: {  	s4 =	sshll.u32 s26, $0x1;
	_ =	strace $0x80000046;
	[dreg:$0x1] =	wrdreg $0xFFFFFFFF  }
0xa7: {  	s28 =	simm.s32 $_size_execute0_lowered;
	s2 =	sadd.s32 s2, s4;
	[dreg:$0x0] =	wrdreg $0x0  }
0xa8: {  	s4 =	sshll.u32 s28, $0x1;
	[dreg:$0x2] =	wrdreg s2  }
0xa9: {  	[dreg:$0x3] =	wrdreg s4  }
0xaa: {  	[dreg:$0x4] =	wrdreg $0xC0  }
0xab: {  	_ =	task [dreg:s6], $0x5FFFF  }
0xac: {  	[dreg:$0x1] =	wrdreg $0xFFFFFFFF  }
0xad: {  	[dreg:$0x0] =	wrdreg $0x60  }
0xae: {  	[dreg:$0x2] =	wrdreg s24  }
0xaf: {  	[dreg:$0x3] =	wrdreg $0xA  }
0xb0: {  	_ =	task.clear_ibuf [dreg:s6], $0x4FFFF;
	_ =	strace $0x90000046  }
0xb1: {  	s29 =	simm.s32 $0xA;
	_ =	strace $0x80000048  }
0xb2: {  	_ =	swait.ge [sflag:s29], $0x1  }
0xb3: {  	[sflag:s29] =	ssyncadd.s32 $0xFFFFFFFF  }
0xb4: {  	_ =	strace $0x90000048  }
0xb5: {  	_ =	sfence  }
0xb6: {  	s30 =	sld [smem:$0x0];
	_ =	sdelay $0x2  }
0xb7: {  	s31 =	sshll.u32 s1, $0xD;
	s1 =	sshrl.u32 s1, $0x2  }
0xb8: {  	s3 =	sand.u32 $0x4000, s31;
	s1 =	sadd.s32 s1, s30  }
0xb9: {  	s0 =	sor.u32 s3, s0;
	s1 =	sshll.u32 s1, $0x11  }
0xba: {  	s0 =	sor.u32 s1, s0  }
0xbb: {  	s0 =	sadd.s32 $0x8F2B, s0  }
0xbc: {  	[sflag:s0] =	ssyncadd.remote.s32 $0x1  }
0xbd: {  	_ =	sfence.sel $0xFFFF  }
0xbe: {  	[dreg:$0x0] =	wrdreg $0xFFFFFFFF;
	(pc) =	sbr.abs _section_cstart, $3  }
0xbf: {  	[dreg:$0x1] =	wrdreg $0xFFFFFFFF  }
0xc0: {  	_ =	task.clear_ibuf [dreg:s6], $0x2FFFF;
	_ =	strace $0x9FFFFFFF  }
0xc1: {  	(tm) =	ssettm $0x7FFFFFFF  }
tec
execute0_lowered:
.L_overlay_start_1:
0x0: {  	(tag) =	ssettag $0x1  }
0x1: {  	s4 =	rddreg [dreg:$0x0]  }
0x2: {  	s0 =	rddreg [dreg:$0x1]  }
0x3: {  	s2 =	simm.s32 $0x0;
	s3 =	srdreg.scid;
	s1 =	stileid.u32  }
0x4: {  	s9 =	simm.s32 $0xA00;
	s10 =	simm.s32 $0x4A00;
	s11 =	simm.s32 $0x100  }
0x5: {  	s12 =	simm.s32 $0x8A00;
	s13 =	simm.s32 $0x180;
	s14 =	simm.s32 $0xCA00  }
0x6: {  	s15 =	simm.s32 $0x1;
	s16 =	simm.s32 $0x2;
	s17 =	simm.s32 $0x0  }
0x7: {  	s3 =	sand.u32 $0x1, s3;
	s5 =	sshll.u32 s1, $0x1;
	s6 =	smul.u32 $0xA0000, s1  }
0x8: {  	[smem:$0x7FF] =	sst s2;
	s5 =	sor.u32 s3, s5;
	s7 =	smul.u32 $0x50000, s3  }
0x9: {  	_ =	strace $0x80000047;
	s8 =	ssub.s32 $0x2, s3;
	s5 =	smul.u32 $0x140, s5  }
0xa: {  	s3 =	sadd.s32 $0x32A00, s4;
	s31 =	sshrl.u32 s8, $0x1;
	s6 =	sadd.s32 s7, s6  }
0xb: {  	s7 =	ssub.s32 s8, s31;
	s5 =	sadd.s32 s5, s4;
	s6 =	sshrl.u32 s6, $0x3  }
0xc: {  	s8 =	simm.s32 $0x80;
	s6 =	sadd.s32 s6, s4;
	s4 =	sadd.s32 $0x2DA00, s5  }
0xd: {  	s5 =	smax.u32 s7, $0x1;
	s7 =	simm.s32 $0x3;
	s6 =	sadd.s32 $0x59C00, s6  }
.LBB2_1:
0xe: {  	[tilespmem:s2], [sflag:$0x3] =	stream.linear.gather [hbm4b:s4+s2], $0xA00, $0x38;
	[tilespmem:$0x18A00] =	vst v63  }
0xf: {  	_ =	swait.ge [sflag:s7], $0xA00  }
0x10: {  	[sflag:s7] =	ssyncset.done $0x0  }
0x11: {  	[sflag:s7] =	ssyncadd.s32 $0xFFFFF600  }
0x12: {  	[tilespmem:s9], [sflag:$0x1] =	stream.indirect.gather [hbm4b:s3+s8], $0x80, s2, s8, $0xb8;
	[tilespmem:$0x18A00] =	vst v63  }
0x13: {  	_ = 	snop  }
0x14: {  	[tilespmem:s10], [sflag:$0x1] =	stream.indirect.gather [hbm4b:s3+s8], $0x80, s8, s8, $0xb8;
	[tilespmem:$0x18A00] =	vst v63  }
0x15: {  	_ = 	snop  }
0x16: {  	[tilespmem:s12], [sflag:$0x1] =	stream.indirect.gather [hbm4b:s3+s8], $0x80, s11, s8, $0xb8;
	[tilespmem:$0x18A00] =	vst v63  }
0x17: {  	s18 =	simm.s32 $0x200;
	s19 =	smov.u32 s6;
	s20 =	simm.s32 $0x0  }
0x18: {  	[tilespmem:s14], [sflag:$0x1] =	stream.indirect.gather [hbm4b:s3+s8], $0x80, s13, s8, $0xb8;
	[tilespmem:$0x18A00] =	vst v63  }
.LBB2_2:
0x19: {  	p0 =	slt.u32 s20, $0x2  }
0x1a: {  	s21 =	simm.s32 @!p0 $0x2  }
0x1b: {  	p1 =	sgt.u32 @!p0 s20, $0xF;
	_ =	swait.ge @!p0 [sflag:s21], $0x4000  }
0x1c: {  	p1 =	por p0, !p1;
	[sflag:s21] =	ssyncset.done @!p0 $0x0  }
0x1d: {  	[sflag:s21] =	ssyncadd.s32 @!p0 $0xFFFFC000;
	s21 =	sadd.s32 @p1 $0x4, s20  }
0x1e: {  	s22 =	smul.u32 @p1 $0xAB, s21;
	_ =	sdelay $0x1  }
0x1f: {  	s22 =	sshrl.u32 @p1 s22, $0xA  }
0x20: {  	s22 =	sand.u32 @p1 $0x3F, s22  }
0x21: {  	s22 =	smul.u32 @p1 $0x6, s22;
	_ =	sdelay $0x1  }
0x22: {  	s21 =	ssub.s32 @p1 s21, s22  }
0x23: {  	s21 =	sand.u32 @p1 $0xFF, s21  }
0x24: {  	s21 =	sshll.u32 @p1 s21, $0xE  }
0x25: {  	s31 =	smul.u32 $0xAB, s20;
	s21 =	sor.u32 @p1 $0xA00, s21  }
0x26: {  	[tilespmem:s21], [sflag:$0x1] =	stream.indirect.gather @p1 [hbm4b:s3+s8], $0x80, s18, s8, $0xb8;
	[tilespmem:$0x18A00] =	vst v63  }
0x27: {  	s21 =	sshrl.u32 s31, $0xA  }
0x28: {  	s21 =	sand.u32 $0x3F, s21  }
0x29: {  	s21 =	smul.u32 $0x6, s21;
	_ =	sdelay $0x1  }
0x2a: {  	s21 =	ssub.s32 s20, s21;
	s20 =	sadd.s32 $0x1, s20  }
0x2b: {  	p0 =	sne.s32 s20, $0x14  }
.Ltmp0:
0x2c: {  	_ =	swait.ge [sflag:s15], $0x4000;
	s21 =	sand.u32 $0xFF, s21;
	(pc) =	sbr.rel @p0 .LBB2_2-.Ltmp0, $4  }
0x2d: {  	[sflag:s15] =	ssyncset.done $0x0;
	s21 =	sshll.u32 s21, $0xE  }
0x2e: {  	[sflag:s15] =	ssyncadd.s32 $0xFFFFC000;
	s21 =	sor.u32 $0xA00, s21  }
0x2f: {  	[hbm4b:s19+s2] =	stream.linear.scatter [tilespmem:s21], [sflag:$0x2], $0x4000, $0x38;
	[tilespmem:$0x18A00] =	vst v63  }
0x30: {  	s18 =	sadd.s32 $0x80, s18;
	s19 =	sadd.s32 $0x800, s19  }
0x31: {  	s17 =	sadd.s32 $0x1, s17  }
0x32: {  	_ =	swait.ge [sflag:s16], $0x4000;
	p0 =	sne.s32 s17, s5  }
.Ltmp1:
0x33: {  	[sflag:s16] =	ssyncset.done $0x0;
	(pc) =	sbr.rel @p0 .LBB2_1-.Ltmp1, $4  }
0x34: {  	[sflag:s16] =	ssyncadd.s32 $0xFFFFC000  }
0x35: {  	_ =	swait.ge [sflag:s16], $0x4000  }
0x36: {  	[sflag:s16] =	ssyncset.done $0x0  }
0x37: {  	[sflag:s16] =	ssyncadd.s32 $0xFFFFC000  }
0x38: {  	_ =	sfence.sel $0x180000  }
0x39: {  	[bflag:$0x0] =	sbarrier.arrive $0xFFFF  }
0x3a: {  	p0 =	sne.s32 s1, $0x0;
	_ =	strace $0x90000047  }
0x3b: {  	s0 =	sadd.s32 @!p0 $0x100000, s0;
	[bflag:$0x2] =	sbarrier.arrive $0xFFFF  }
0x3c: {  	[sflag:s0] =	ssyncadd.tile.s32 @!p0 $0x1;
	_ =	shalt  }
.Lfunc_end2:
_tile_overlayer_lowered:
.L_overlay_start_2:
0x3d: {  	(tag) =	ssettag $0x2  }
0x3e: {  	s0 =	rddreg [dreg:$0x0];
	s2 =	stileid.u32  }
0x3f: {  	s1 =	rddreg [dreg:$0x1];
	p0 =	sne.s32 s2, $0x0  }
0x40: {  	s3 =	rddreg [dreg:$0x2];
	[bflag:$0x3] =	sbarrier.arrive $0xFFFF;
	s2 =	simm.s32 @!p0 $0x1C03  }
0x41: {  	[timem:s3], [sflag:s2] =	dma.local @!p0 [hbm:s0], s1  }
0x42: {  	s0 =	simm.s32 @!p0 $0x3  }
0x43: {  	_ =	swait.ge @!p0 [sflag:s0], s1  }
0x44: {  	s1 =	ssub.s32 @!p0 $0x0, s1;
	[sflag:s0] =	ssyncset.done @!p0 $0x0  }
0x45: {  	[sflag:s0] =	ssyncadd.s32 @!p0 s1  }
0x46: {  	[bflag:$0x3] =	sbarrier.arrive $0xFFFF  }
0x47: {  	_ =	shalt  }

// kernel: kernel.20.cloned.1.call-start
scs
__scs_entry_jumppad:
0x0: {  	(pc) =	sbr.rel $0x88, $3  }
0x1: {  	(tag) =	ssettag $0x0;
	lr =	simm.s32 $0x1  }
0x2: {  	[smem:$0x3F97] =	sst lr;
	_ =	strace $0xD0000000  }
0x3: {  	_ = 	snop  }
0x4: {  	_ = 	snop  }
0x5: {  	_ = 	snop  }
0x6: {  	_ = 	snop  }
0x7: {  	_ = 	snop  }
__scs_overlays_trampoline_lowered:
0x8: {  	[smem:$0x3FA6] =	sst s0  }
0x9: {  	[smem:$0x3FA7] =	sst s1  }
0xa: {  	[smem:$0x3FA8] =	sst s2  }
0xb: {  	[smem:$0x3FA9] =	sst s3  }
0xc: {  	[smem:$0x3FAA] =	sst s4  }
0xd: {  	[smem:$0x3FAB] =	sst s5  }
0xe: {  	[smem:$0x3FAC] =	sst s6  }
0xf: {  	[smem:$0x3FAD] =	sst s7  }
0x10: {  	[smem:$0x3FAE] =	sst s8  }
0x11: {  	[smem:$0x3FAF] =	sst s9;
	s0 =	simm.s32 @!p0 $0x0  }
0x12: {  	s1 =	sld [smem:$0x3F95];
	s0 =	simm.s32 @p0 $0x1  }
0x13: {  	[smem:$0x3FB0] =	sst s0;
	s0 =	simm.s32 @!p1 $0x0  }
0x14: {  	s2 =	sld [smem:$0x3F94];
	s0 =	simm.s32 @p1 $0x1  }
0x15: {  	[smem:$0x3FB1] =	sst s0;
	s0 =	simm.s32 @!p2 $0x0  }
0x16: {  	s3 =	sld [smem:$0x3FDB];
	s0 =	simm.s32 @p2 $0x1  }
0x17: {  	s4 =	simm.s32 $0x1BF5;
	[smem:$0x3FB3] =	sst s0  }
0x18: {  	s0 =	sld [smem:$0x3F96];
	_ =	swait.ge [sflag:s4], $0x0  }
0x19: {  	s7 =	sld [smem:$0x3F97]  }
0x1a: {  	s8 =	sadd.s32 $0xFFFFE003, lr  }
0x1b: {  	s9 =	sadd.s32 $0xFFFFFEF7, lr;
	s5 =	simm.s32 $0xFFFFFFFF;
	p2 =	slt.u32 s8, $0xFFFFF086  }
0x1c: {  	p1 =	slt.u32 s9, $0xF7A;
	s5 =	simm.s32 @!p2 $0x0  }
0x1d: {  	s5 =	simm.s32 @p1 $0x1;
	p0 =	seq.s32 s7, s2  }
0x1e: {  	s7 =	smul.u32 @!p0 $0xF7A, s2;
	p2 =	seq.s32 @!p0 s5, $0x0  }
0x1f: {  	s9 =	smul.u32 $0xF7A, s1;
	s8 =	simm.s32 @!p0 $0x1BF5;
	p2 =	por !p2, p0  }
0x20: {  	[sflag:s8] =	ssyncset.s32 @!p0 $0xFFFFF086;
	s6 =	sadd.s32 @!p0 s3, s7;
	s7 =	simm.s32 @!p0 $0x108  }
0x21: {  	s3 =	sadd.s32 s3, s9;
	s6 =	sadd.s32 @!p0 $0x88, s6;
	s7 =	simm.s32 @p2 $0x1082  }
0x22: {  	[simem:s7], [sflag:s8] =	dma.local @!p0 [hbm:s6], $0xF7A  }
0x23: {  	s9 =	sor.u32 $0xD0000000, s2;
	s6 =	simm.s32 $0x108;
	_ =	swait.ge @!p0 [sflag:s8], $0x0  }
0x24: {  	s3 =	sadd.s32 $0x88, s3;
	s6 =	simm.s32 @!p1 $0x1082;
	[sflag:s4] =	ssyncset.s32 $0xFFFFF086  }
0x25: {  	[simem:s6], [sflag:s4] =	dma.local [hbm:s3], $0xF7A  }
0x26: {  	[smem:$0x3F97] =	sst s1;
	(tag) =	ssettag s2;
	_ =	strace s9  }
0x27: {  	s1 =	sld [smem:$0x3FA7]  }
0x28: {  	s2 =	sld [smem:$0x3FA8]  }
0x29: {  	s4 =	sld [smem:$0x3FAA]  }
0x2a: {  	p0 =	seq.s32 s5, $0x0;
	s5 =	sld [smem:$0x3FAB]  }
0x2b: {  	s6 =	sld [smem:$0x3FAC]  }
0x2c: {  	s7 =	sld [smem:$0x3FAD]  }
0x2d: {  	s3 =	simm.s32 $0x108;
	s8 =	sld [smem:$0x3FAE]  }
0x2e: {  	s3 =	simm.s32 @!p0 $0x1082;
	s9 =	sld [smem:$0x3FAF]  }
0x2f: {  	lr =	sadd.s32 s0, s3;
	s0 =	sld [smem:$0x3FA6]  }
0x30: {  	s3 =	sld [smem:$0x3FA9]  }
0x31: {  	[smem:$0x3FB2] =	sst s10  }
0x32: {  	s10 =	sld [smem:$0x3FB0];
	_ =	sdelay $0x3  }
0x33: {  	p0 =	seq.s32 s10, $0x1;
	s10 =	sld [smem:$0x3FB2];
	_ =	sdelay $0x3  }
0x34: {  	[smem:$0x3FB2] =	sst s10  }
0x35: {  	s10 =	sld [smem:$0x3FB1];
	_ =	sdelay $0x3  }
0x36: {  	p1 =	seq.s32 s10, $0x1;
	s10 =	sld [smem:$0x3FB2];
	_ =	sdelay $0x3  }
0x37: {  	[smem:$0x3FB2] =	sst s10  }
0x38: {  	s10 =	sld [smem:$0x3FB3]  }
0x39: {  	_ = 	snop;
	(pc) =	sbr.ind lr, $3  }
0x3a: {  	_ = 	snop  }
0x3b: {  	_ = 	snop  }
0x3c: {  	p2 =	seq.s32 s10, $0x1;
	s10 =	sld [smem:$0x3FB2]  }
0x3d: {  	_ =	shalt  }
0x3e: {  	_ =	shalt  }
0x3f: {  	_ =	shalt  }
0x40: {  	_ =	shalt  }
0x41: {  	_ =	shalt  }
0x42: {  	_ =	shalt  }
0x43: {  	_ =	shalt  }
0x44: {  	_ =	shalt  }
0x45: {  	_ =	shalt  }
0x46: {  	_ =	shalt  }
0x47: {  	_ =	shalt  }
0x48: {  	_ =	shalt  }
0x49: {  	_ =	shalt  }
0x4a: {  	_ =	shalt  }
0x4b: {  	_ =	shalt  }
0x4c: {  	_ =	shalt  }
0x4d: {  	_ =	shalt  }
0x4e: {  	_ =	shalt  }
0x4f: {  	_ =	shalt  }
0x50: {  	_ =	shalt  }
0x51: {  	_ =	shalt  }
0x52: {  	_ =	shalt  }
0x53: {  	_ =	shalt  }
0x54: {  	_ =	shalt  }
0x55: {  	_ =	shalt  }
0x56: {  	_ =	shalt  }
0x57: {  	_ =	shalt  }
0x58: {  	_ =	shalt  }
0x59: {  	_ =	shalt  }
0x5a: {  	_ =	shalt  }
0x5b: {  	_ =	shalt  }
0x5c: {  	_ =	shalt  }
0x5d: {  	_ =	shalt  }
0x5e: {  	_ =	shalt  }
0x5f: {  	_ =	shalt  }
0x60: {  	_ =	shalt  }
0x61: {  	_ =	shalt  }
0x62: {  	_ =	shalt  }
0x63: {  	_ =	shalt  }
0x64: {  	_ =	shalt  }
0x65: {  	_ =	shalt  }
0x66: {  	_ =	shalt  }
0x67: {  	_ =	shalt  }
0x68: {  	_ =	shalt  }
0x69: {  	_ =	shalt  }
0x6a: {  	_ =	shalt  }
0x6b: {  	_ =	shalt  }
0x6c: {  	_ =	shalt  }
0x6d: {  	_ =	shalt  }
0x6e: {  	_ =	shalt  }
0x6f: {  	_ =	shalt  }
0x70: {  	_ =	shalt  }
0x71: {  	_ =	shalt  }
0x72: {  	_ =	shalt  }
0x73: {  	_ =	shalt  }
0x74: {  	_ =	shalt  }
0x75: {  	_ =	shalt  }
0x76: {  	_ =	shalt  }
0x77: {  	_ =	shalt  }
0x78: {  	_ =	shalt  }
0x79: {  	_ =	shalt  }
0x7a: {  	_ =	shalt  }
0x7b: {  	_ =	shalt  }
0x7c: {  	_ =	shalt  }
0x7d: {  	_ =	shalt  }
0x7e: {  	_ =	shalt  }
0x7f: {  	_ =	shalt  }
0x80: {  	_ =	shalt  }
0x81: {  	_ =	shalt  }
0x82: {  	_ =	shalt  }
0x83: {  	_ =	shalt  }
0x84: {  	_ =	shalt  }
0x85: {  	_ =	shalt  }
0x86: {  	_ =	shalt  }
0x87: {  	_ =	shalt  }
.Lfunc_end0:
.L_simem_size_0:
called_computation.1_lowered:
.L_overlay_start_0:
0x88: {  	s2 =	sld [smem:$0x3FD9]  }
0x89: {  	s3 =	sld [smem:$0x3FFE];
	_ =	sdelay $0x1  }
0x8a: {  	s1 =	srdreg.scid  }
0x8b: {  	s0 =	sand.u32 $0x1, s1  }
0x8c: {  	s17 =	sshll.u32 s0, $0xA;
	s2 =	sadd.s32 s3, s2  }
0x8d: {  	s2 =	sadd.s32 s2, s17  }
0x8e: {  	[smem:$0x3FBE] =	sst s2  }
0x8f: {  	_ = 	snop  }
0x90: {  	(tm) =	ssettm $0x1  }
0x91: {  	s18 =	sld [smem:$0x3FFB];
	_ =	sdelay $0x3  }
0x92: {  	_ =	strace s18  }
0x93: {  	s2 =	sld [smem:$0x3FFC];
	_ =	sdelay $0x3  }
0x94: {  	_ =	strace s2  }
0x95: {  	s2 =	sld [smem:$0x3FFD];
	_ =	sdelay $0x3  }
0x96: {  	_ =	strace s2  }
0x97: {  	_ =	strace $0x8FFFFFFF  }
0x98: {  	s19 =	sld [smem:$0x3FDB];
	_ =	sdelay $0x1  }
0x99: {  	s20 =	simm.s32 $_scs_section_size  }
0x9a: {  	s4 =	simm.s32 $_size__tile_overlayer_lowered;
	s5 =	simm.s32 $_tile_overlayer_lowered  }
0x9b: {  	s6 =	simm.s32 $0x1BFF;
	s21 =	sshll.u32 s5, $0x1;
	s3 =	sadd.s32 s20, s19  }
0x9c: {  	s22 =	simm.s32 $0x0;
	s4 =	sshll.u32 s4, $0x1;
	s5 =	sadd.s32 s21, s3  }
0x9d: {  	[timem:s22], [sflag:s6] =	dma.local [hbm:s5], s4  }
0x9e: {  	_ =	swait.ge [sflag:s6], s4  }
0x9f: {  	s4 =	ssub.s32 $0x0, s4;
	[sflag:s6] =	ssyncset.done $0x0  }
0xa0: {  	[sflag:s6] =	ssyncadd.s32 s4;
	_ =	sdelay $0x1  }
0xa1: {  	s23 =	simm.s32 $0x1B8B  }
0xa2: {  	_ =	swait.ge [sflag:s23], $0x1  }
0xa3: {  	[sflag:s23] =	ssyncset.done $0x0  }
0xa4: {  	[sflag:s23] =	ssyncadd.s32 $0xFFFFFFFF  }
0xa5: {  	s4 =	sld [smem:$0x0]  }
0xa6: {  	s5 =	sand.u32 $0xFFFFFFFE, s1  }
0xa7: {  	p0 =	sne.s32 s1, s5  }
0xa8: {  	s5 =	sshll.u32 @p0 s5, $0xE  }
0xa9: {  	s5 =	sadd.s32 @p0 $0x11B8D, s5;
	s6 =	sshll.u32 @p0 s4, $0x11  }
0xaa: {  	s5 =	sor.u32 @p0 s6, s5  }
0xab: {  	[sflag:s5] =	ssyncadd.remote.s32 @p0 $0x1;
	_ =	sdelay $0x1  }
0xac: {  	s5 =	simm.s32 @p0 $0x1B8D  }
0xad: {  	_ =	swait.eq @p0 [sflag:s5], $0x1  }
0xae: {  	[sflag:s5] =	ssyncadd.s32 @p0 $0xFFFFFFFF  }
0xaf: {  	s6 =	sshll.u32 @!p0 s1, $0xE  }
0xb0: {  	s6 =	sor.u32 @!p0 $0x4000, s6;
	s5 =	simm.s32 @!p0 $0x1B8D  }
0xb1: {  	s4 =	sshll.u32 @!p0 s4, $0x11;
	s6 =	sadd.s32 @!p0 $0x11B8D, s6;
	_ =	swait.eq @!p0 [sflag:s5], $0x1  }
0xb2: {  	s4 =	sor.u32 @!p0 s4, s6;
	[sflag:s5] =	ssyncadd.s32 @!p0 $0xFFFFFFFF  }
0xb3: {  	s25 =	simm.s32 $0x1B8E;
	s24 =	sld [smem:$0x3FFE];
	[sflag:s4] =	ssyncadd.remote.s32 @!p0 $0x1  }
0xb4: {  	s26 =	simm.s32 $execute0_lowered;
	[smem:$0x3FD2] =	sst s25  }
0xb5: {  	s5 =	sshll.u32 s26, $0x1;
	_ =	strace $0x80000049;
	[dreg:$0x1] =	wrdreg $0xFFFFFFFF  }
0xb6: {  	s28 =	simm.s32 $_size_execute0_lowered;
	s3 =	sadd.s32 s3, s5;
	[dreg:$0x0] =	wrdreg $0x0  }
0xb7: {  	s5 =	sshll.u32 s28, $0x1;
	[dreg:$0x2] =	wrdreg s3  }
0xb8: {  	[dreg:$0x3] =	wrdreg s5  }
0xb9: {  	[dreg:$0x4] =	wrdreg $0xC0  }
0xba: {  	_ =	task [dreg:s22], $0x5FFFF  }
0xbb: {  	[dreg:$0x1] =	wrdreg $0xFFFFFFFF  }
0xbc: {  	[dreg:$0x0] =	wrdreg $0x60  }
0xbd: {  	[dreg:$0x2] =	wrdreg s24  }
0xbe: {  	[dreg:$0x3] =	wrdreg $0x9  }
0xbf: {  	_ =	task.clear_ibuf [dreg:s22], $0x4FFFF;
	_ =	strace $0x90000049  }
0xc0: {  	s29 =	simm.s32 $0x9;
	_ =	strace $0x8000004B  }
0xc1: {  	_ =	swait.ge [sflag:s29], $0x1  }
0xc2: {  	[sflag:s29] =	ssyncadd.s32 $0xFFFFFFFF  }
0xc3: {  	_ =	strace $0x9000004B  }
0xc4: {  	_ =	sfence  }
0xc5: {  	s30 =	sld [smem:$0x0];
	_ =	sdelay $0x2  }
0xc6: {  	s31 =	sshll.u32 s1, $0xD;
	s1 =	sshrl.u32 s1, $0x2  }
0xc7: {  	s4 =	sand.u32 $0x4000, s31;
	s1 =	sadd.s32 s1, s30  }
0xc8: {  	s0 =	sor.u32 s4, s0;
	s1 =	sshll.u32 s1, $0x11  }
0xc9: {  	s0 =	sor.u32 s1, s0  }
0xca: {  	s0 =	sadd.s32 $0x8F2B, s0  }
0xcb: {  	[sflag:s0] =	ssyncadd.remote.s32 $0x1  }
0xcc: {  	_ =	sfence.sel $0xFFFF  }
0xcd: {  	[dreg:$0x0] =	wrdreg $0xFFFFFFFF;
	(pc) =	sbr.abs _section_cstart, $3  }
0xce: {  	[dreg:$0x1] =	wrdreg $0xFFFFFFFF  }
0xcf: {  	_ =	task.clear_ibuf [dreg:s22], $0x2FFFF;
	_ =	strace $0x9FFFFFFF  }
0xd0: {  	(tm) =	ssettm $0x7FFFFFFF  }
0xd1: {  	_ =	shalt  }
tec
execute0_lowered:
.L_overlay_start_1:
0x0: {  	(tag) =	ssettag $0x1  }
0x1: {  	s4 =	rddreg [dreg:$0x0]  }
0x2: {  	s0 =	rddreg [dreg:$0x1]  }
0x3: {  	s2 =	simm.s32 $0x0;
	s3 =	srdreg.scid;
	s1 =	stileid.u32  }
0x4: {  	s9 =	simm.s32 $0xA00;
	s10 =	simm.s32 $0x4A00;
	s11 =	simm.s32 $0x100  }
0x5: {  	s12 =	simm.s32 $0x8A00;
	s13 =	simm.s32 $0x180;
	s14 =	simm.s32 $0xCA00  }
0x6: {  	s15 =	simm.s32 $0x1;
	s16 =	simm.s32 $0x2;
	s17 =	simm.s32 $0x0  }
0x7: {  	s3 =	sand.u32 $0x1, s3;
	s5 =	sshll.u32 s1, $0x1;
	s6 =	smul.u32 $0xA0000, s1  }
0x8: {  	[smem:$0x7FF] =	sst s2;
	s5 =	sor.u32 s3, s5;
	s7 =	smul.u32 $0x50000, s3  }
0x9: {  	_ =	strace $0x8000004A;
	s8 =	ssub.s32 $0x2, s3;
	s5 =	smul.u32 $0x140, s5  }
0xa: {  	s3 =	sadd.s32 $0x32A00, s4;
	s31 =	sshrl.u32 s8, $0x1;
	s6 =	sadd.s32 s7, s6  }
0xb: {  	s7 =	ssub.s32 s8, s31;
	s5 =	sadd.s32 s5, s4;
	s6 =	sshrl.u32 s6, $0x3  }
0xc: {  	s8 =	simm.s32 $0x80;
	s6 =	sadd.s32 s6, s4;
	s4 =	sadd.s32 $0x199C00, s5  }
0xd: {  	s5 =	smax.u32 s7, $0x1;
	s7 =	simm.s32 $0x3;
	s6 =	sadd.s32 $0x19C400, s6  }
.LBB2_1:
0xe: {  	[tilespmem:s2], [sflag:$0x3] =	stream.linear.gather [hbm4b:s4+s2], $0xA00, $0x38;
	[tilespmem:$0x18A00] =	vst v63  }
0xf: {  	_ =	swait.ge [sflag:s7], $0xA00  }
0x10: {  	[sflag:s7] =	ssyncset.done $0x0  }
0x11: {  	[sflag:s7] =	ssyncadd.s32 $0xFFFFF600  }
0x12: {  	[tilespmem:s9], [sflag:$0x1] =	stream.indirect.gather [hbm4b:s3+s8], $0x80, s2, s8, $0xb8;
	[tilespmem:$0x18A00] =	vst v63  }
0x13: {  	_ = 	snop  }
0x14: {  	[tilespmem:s10], [sflag:$0x1] =	stream.indirect.gather [hbm4b:s3+s8], $0x80, s8, s8, $0xb8;
	[tilespmem:$0x18A00] =	vst v63  }
0x15: {  	_ = 	snop  }
0x16: {  	[tilespmem:s12], [sflag:$0x1] =	stream.indirect.gather [hbm4b:s3+s8], $0x80, s11, s8, $0xb8;
	[tilespmem:$0x18A00] =	vst v63  }
0x17: {  	s18 =	simm.s32 $0x200;
	s19 =	smov.u32 s6;
	s20 =	simm.s32 $0x0  }
0x18: {  	[tilespmem:s14], [sflag:$0x1] =	stream.indirect.gather [hbm4b:s3+s8], $0x80, s13, s8, $0xb8;
	[tilespmem:$0x18A00] =	vst v63  }
.LBB2_2:
0x19: {  	p0 =	slt.u32 s20, $0x2  }
0x1a: {  	s21 =	simm.s32 @!p0 $0x2  }
0x1b: {  	p1 =	sgt.u32 @!p0 s20, $0xF;
	_ =	swait.ge @!p0 [sflag:s21], $0x4000  }
0x1c: {  	p1 =	por p0, !p1;
	[sflag:s21] =	ssyncset.done @!p0 $0x0  }
0x1d: {  	[sflag:s21] =	ssyncadd.s32 @!p0 $0xFFFFC000;
	s21 =	sadd.s32 @p1 $0x4, s20  }
0x1e: {  	s22 =	smul.u32 @p1 $0xAB, s21;
	_ =	sdelay $0x1  }
0x1f: {  	s22 =	sshrl.u32 @p1 s22, $0xA  }
0x20: {  	s22 =	sand.u32 @p1 $0x3F, s22  }
0x21: {  	s22 =	smul.u32 @p1 $0x6, s22;
	_ =	sdelay $0x1  }
0x22: {  	s21 =	ssub.s32 @p1 s21, s22  }
0x23: {  	s21 =	sand.u32 @p1 $0xFF, s21  }
0x24: {  	s21 =	sshll.u32 @p1 s21, $0xE  }
0x25: {  	s31 =	smul.u32 $0xAB, s20;
	s21 =	sor.u32 @p1 $0xA00, s21  }
0x26: {  	[tilespmem:s21], [sflag:$0x1] =	stream.indirect.gather @p1 [hbm4b:s3+s8], $0x80, s18, s8, $0xb8;
	[tilespmem:$0x18A00] =	vst v63  }
0x27: {  	s21 =	sshrl.u32 s31, $0xA  }
0x28: {  	s21 =	sand.u32 $0x3F, s21  }
0x29: {  	s21 =	smul.u32 $0x6, s21;
	_ =	sdelay $0x1  }
0x2a: {  	s21 =	ssub.s32 s20, s21;
	s20 =	sadd.s32 $0x1, s20  }
0x2b: {  	p0 =	sne.s32 s20, $0x14  }
.Ltmp0:
0x2c: {  	_ =	swait.ge [sflag:s15], $0x4000;
	s21 =	sand.u32 $0xFF, s21;
	(pc) =	sbr.rel @p0 .LBB2_2-.Ltmp0, $4  }
0x2d: {  	[sflag:s15] =	ssyncset.done $0x0;
	s21 =	sshll.u32 s21, $0xE  }
0x2e: {  	[sflag:s15] =	ssyncadd.s32 $0xFFFFC000;
	s21 =	sor.u32 $0xA00, s21  }
0x2f: {  	[hbm4b:s19+s2] =	stream.linear.scatter [tilespmem:s21], [sflag:$0x2], $0x4000, $0x38;
	[tilespmem:$0x18A00] =	vst v63  }
0x30: {  	s18 =	sadd.s32 $0x80, s18;
	s19 =	sadd.s32 $0x800, s19  }
0x31: {  	s17 =	sadd.s32 $0x1, s17  }
0x32: {  	_ =	swait.ge [sflag:s16], $0x4000;
	p0 =	sne.s32 s17, s5  }
.Ltmp1:
0x33: {  	[sflag:s16] =	ssyncset.done $0x0;
	(pc) =	sbr.rel @p0 .LBB2_1-.Ltmp1, $4  }
0x34: {  	[sflag:s16] =	ssyncadd.s32 $0xFFFFC000  }
0x35: {  	_ =	swait.ge [sflag:s16], $0x4000  }
0x36: {  	[sflag:s16] =	ssyncset.done $0x0  }
0x37: {  	[sflag:s16] =	ssyncadd.s32 $0xFFFFC000  }
0x38: {  	_ =	sfence.sel $0x180000  }
0x39: {  	[bflag:$0x0] =	sbarrier.arrive $0xFFFF  }
0x3a: {  	p0 =	sne.s32 s1, $0x0;
	_ =	strace $0x9000004A  }
0x3b: {  	s0 =	sadd.s32 @!p0 $0x100000, s0;
	[bflag:$0x2] =	sbarrier.arrive $0xFFFF  }
0x3c: {  	[sflag:s0] =	ssyncadd.tile.s32 @!p0 $0x1;
	_ =	shalt  }
.Lfunc_end2:
_tile_overlayer_lowered:
.L_overlay_start_2:
0x3d: {  	(tag) =	ssettag $0x2  }
0x3e: {  	s0 =	rddreg [dreg:$0x0];
	s2 =	stileid.u32  }
0x3f: {  	s1 =	rddreg [dreg:$0x1];
	p0 =	sne.s32 s2, $0x0  }
0x40: {  	s3 =	rddreg [dreg:$0x2];
	[bflag:$0x3] =	sbarrier.arrive $0xFFFF;
	s2 =	simm.s32 @!p0 $0x1C03  }
0x41: {  	[timem:s3], [sflag:s2] =	dma.local @!p0 [hbm:s0], s1  }
0x42: {  	s0 =	simm.s32 @!p0 $0x3  }
0x43: {  	_ =	swait.ge @!p0 [sflag:s0], s1  }
0x44: {  	s1 =	ssub.s32 @!p0 $0x0, s1;
	[sflag:s0] =	ssyncset.done @!p0 $0x0  }
0x45: {  	[sflag:s0] =	ssyncadd.s32 @!p0 s1  }
0x46: {  	[bflag:$0x3] =	sbarrier.arrive $0xFFFF  }
0x47: {  	_ =	shalt  }

// kernel: kernel.23.cloned.1.call-start
scs
__scs_entry_jumppad:
0x0: {  	(pc) =	sbr.rel $0x88, $3  }
0x1: {  	(tag) =	ssettag $0x0;
	lr =	simm.s32 $0x1  }
0x2: {  	[smem:$0x3F97] =	sst lr;
	_ =	strace $0xD0000000  }
0x3: {  	_ = 	snop  }
0x4: {  	_ = 	snop  }
0x5: {  	_ = 	snop  }
0x6: {  	_ = 	snop  }
0x7: {  	_ = 	snop  }
__scs_overlays_trampoline_lowered:
0x8: {  	[smem:$0x3FA6] =	sst s0  }
0x9: {  	[smem:$0x3FA7] =	sst s1  }
0xa: {  	[smem:$0x3FA8] =	sst s2  }
0xb: {  	[smem:$0x3FA9] =	sst s3  }
0xc: {  	[smem:$0x3FAA] =	sst s4  }
0xd: {  	[smem:$0x3FAB] =	sst s5  }
0xe: {  	[smem:$0x3FAC] =	sst s6  }
0xf: {  	[smem:$0x3FAD] =	sst s7  }
0x10: {  	[smem:$0x3FAE] =	sst s8  }
0x11: {  	[smem:$0x3FAF] =	sst s9;
	s0 =	simm.s32 @!p0 $0x0  }
0x12: {  	s1 =	sld [smem:$0x3F95];
	s0 =	simm.s32 @p0 $0x1  }
0x13: {  	[smem:$0x3FB0] =	sst s0;
	s0 =	simm.s32 @!p1 $0x0  }
0x14: {  	s2 =	sld [smem:$0x3F94];
	s0 =	simm.s32 @p1 $0x1  }
0x15: {  	[smem:$0x3FB1] =	sst s0;
	s0 =	simm.s32 @!p2 $0x0  }
0x16: {  	s3 =	sld [smem:$0x3FDB];
	s0 =	simm.s32 @p2 $0x1  }
0x17: {  	s4 =	simm.s32 $0x1BF5;
	[smem:$0x3FB3] =	sst s0  }
0x18: {  	s0 =	sld [smem:$0x3F96];
	_ =	swait.ge [sflag:s4], $0x0  }
0x19: {  	s7 =	sld [smem:$0x3F97]  }
0x1a: {  	s8 =	sadd.s32 $0xFFFFE003, lr  }
0x1b: {  	s9 =	sadd.s32 $0xFFFFFEF7, lr;
	s5 =	simm.s32 $0xFFFFFFFF;
	p2 =	slt.u32 s8, $0xFFFFF086  }
0x1c: {  	p1 =	slt.u32 s9, $0xF7A;
	s5 =	simm.s32 @!p2 $0x0  }
0x1d: {  	s5 =	simm.s32 @p1 $0x1;
	p0 =	seq.s32 s7, s2  }
0x1e: {  	s7 =	smul.u32 @!p0 $0xF7A, s2;
	p2 =	seq.s32 @!p0 s5, $0x0  }
0x1f: {  	s9 =	smul.u32 $0xF7A, s1;
	s8 =	simm.s32 @!p0 $0x1BF5;
	p2 =	por !p2, p0  }
0x20: {  	[sflag:s8] =	ssyncset.s32 @!p0 $0xFFFFF086;
	s6 =	sadd.s32 @!p0 s3, s7;
	s7 =	simm.s32 @!p0 $0x108  }
0x21: {  	s3 =	sadd.s32 s3, s9;
	s6 =	sadd.s32 @!p0 $0x88, s6;
	s7 =	simm.s32 @p2 $0x1082  }
0x22: {  	[simem:s7], [sflag:s8] =	dma.local @!p0 [hbm:s6], $0xF7A  }
0x23: {  	s9 =	sor.u32 $0xD0000000, s2;
	s6 =	simm.s32 $0x108;
	_ =	swait.ge @!p0 [sflag:s8], $0x0  }
0x24: {  	s3 =	sadd.s32 $0x88, s3;
	s6 =	simm.s32 @!p1 $0x1082;
	[sflag:s4] =	ssyncset.s32 $0xFFFFF086  }
0x25: {  	[simem:s6], [sflag:s4] =	dma.local [hbm:s3], $0xF7A  }
0x26: {  	[smem:$0x3F97] =	sst s1;
	(tag) =	ssettag s2;
	_ =	strace s9  }
0x27: {  	s1 =	sld [smem:$0x3FA7]  }
0x28: {  	s2 =	sld [smem:$0x3FA8]  }
0x29: {  	s4 =	sld [smem:$0x3FAA]  }
0x2a: {  	p0 =	seq.s32 s5, $0x0;
	s5 =	sld [smem:$0x3FAB]  }
0x2b: {  	s6 =	sld [smem:$0x3FAC]  }
0x2c: {  	s7 =	sld [smem:$0x3FAD]  }
0x2d: {  	s3 =	simm.s32 $0x108;
	s8 =	sld [smem:$0x3FAE]  }
0x2e: {  	s3 =	simm.s32 @!p0 $0x1082;
	s9 =	sld [smem:$0x3FAF]  }
0x2f: {  	lr =	sadd.s32 s0, s3;
	s0 =	sld [smem:$0x3FA6]  }
0x30: {  	s3 =	sld [smem:$0x3FA9]  }
0x31: {  	[smem:$0x3FB2] =	sst s10  }
0x32: {  	s10 =	sld [smem:$0x3FB0];
	_ =	sdelay $0x3  }
0x33: {  	p0 =	seq.s32 s10, $0x1;
	s10 =	sld [smem:$0x3FB2];
	_ =	sdelay $0x3  }
0x34: {  	[smem:$0x3FB2] =	sst s10  }
0x35: {  	s10 =	sld [smem:$0x3FB1];
	_ =	sdelay $0x3  }
0x36: {  	p1 =	seq.s32 s10, $0x1;
	s10 =	sld [smem:$0x3FB2];
	_ =	sdelay $0x3  }
0x37: {  	[smem:$0x3FB2] =	sst s10  }
0x38: {  	s10 =	sld [smem:$0x3FB3]  }
0x39: {  	_ = 	snop;
	(pc) =	sbr.ind lr, $3  }
0x3a: {  	_ = 	snop  }
0x3b: {  	_ = 	snop  }
0x3c: {  	p2 =	seq.s32 s10, $0x1;
	s10 =	sld [smem:$0x3FB2]  }
0x3d: {  	_ =	shalt  }
0x3e: {  	_ =	shalt  }
0x3f: {  	_ =	shalt  }
0x40: {  	_ =	shalt  }
0x41: {  	_ =	shalt  }
0x42: {  	_ =	shalt  }
0x43: {  	_ =	shalt  }
0x44: {  	_ =	shalt  }
0x45: {  	_ =	shalt  }
0x46: {  	_ =	shalt  }
0x47: {  	_ =	shalt  }
0x48: {  	_ =	shalt  }
0x49: {  	_ =	shalt  }
0x4a: {  	_ =	shalt  }
0x4b: {  	_ =	shalt  }
0x4c: {  	_ =	shalt  }
0x4d: {  	_ =	shalt  }
0x4e: {  	_ =	shalt  }
0x4f: {  	_ =	shalt  }
0x50: {  	_ =	shalt  }
0x51: {  	_ =	shalt  }
0x52: {  	_ =	shalt  }
0x53: {  	_ =	shalt  }
0x54: {  	_ =	shalt  }
0x55: {  	_ =	shalt  }
0x56: {  	_ =	shalt  }
0x57: {  	_ =	shalt  }
0x58: {  	_ =	shalt  }
0x59: {  	_ =	shalt  }
0x5a: {  	_ =	shalt  }
0x5b: {  	_ =	shalt  }
0x5c: {  	_ =	shalt  }
0x5d: {  	_ =	shalt  }
0x5e: {  	_ =	shalt  }
0x5f: {  	_ =	shalt  }
0x60: {  	_ =	shalt  }
0x61: {  	_ =	shalt  }
0x62: {  	_ =	shalt  }
0x63: {  	_ =	shalt  }
0x64: {  	_ =	shalt  }
0x65: {  	_ =	shalt  }
0x66: {  	_ =	shalt  }
0x67: {  	_ =	shalt  }
0x68: {  	_ =	shalt  }
0x69: {  	_ =	shalt  }
0x6a: {  	_ =	shalt  }
0x6b: {  	_ =	shalt  }
0x6c: {  	_ =	shalt  }
0x6d: {  	_ =	shalt  }
0x6e: {  	_ =	shalt  }
0x6f: {  	_ =	shalt  }
0x70: {  	_ =	shalt  }
0x71: {  	_ =	shalt  }
0x72: {  	_ =	shalt  }
0x73: {  	_ =	shalt  }
0x74: {  	_ =	shalt  }
0x75: {  	_ =	shalt  }
0x76: {  	_ =	shalt  }
0x77: {  	_ =	shalt  }
0x78: {  	_ =	shalt  }
0x79: {  	_ =	shalt  }
0x7a: {  	_ =	shalt  }
0x7b: {  	_ =	shalt  }
0x7c: {  	_ =	shalt  }
0x7d: {  	_ =	shalt  }
0x7e: {  	_ =	shalt  }
0x7f: {  	_ =	shalt  }
0x80: {  	_ =	shalt  }
0x81: {  	_ =	shalt  }
0x82: {  	_ =	shalt  }
0x83: {  	_ =	shalt  }
0x84: {  	_ =	shalt  }
0x85: {  	_ =	shalt  }
0x86: {  	_ =	shalt  }
0x87: {  	_ =	shalt  }
.Lfunc_end0:
.L_simem_size_0:
called_computation.2_lowered:
.L_overlay_start_0:
0x88: {  	s2 =	sld [smem:$0x3FD9]  }
0x89: {  	s3 =	sld [smem:$0x3FFE];
	_ =	sdelay $0x1  }
0x8a: {  	s1 =	srdreg.scid  }
0x8b: {  	s0 =	sand.u32 $0x1, s1  }
0x8c: {  	s17 =	sshll.u32 s0, $0xA;
	s2 =	sadd.s32 s3, s2  }
0x8d: {  	s2 =	sadd.s32 s2, s17  }
0x8e: {  	[smem:$0x3FBE] =	sst s2  }
0x8f: {  	_ = 	snop  }
0x90: {  	(tm) =	ssettm $0x1  }
0x91: {  	s18 =	sld [smem:$0x3FFB];
	_ =	sdelay $0x3  }
0x92: {  	_ =	strace s18  }
0x93: {  	s2 =	sld [smem:$0x3FFC];
	_ =	sdelay $0x3  }
0x94: {  	_ =	strace s2  }
0x95: {  	s2 =	sld [smem:$0x3FFD];
	_ =	sdelay $0x3  }
0x96: {  	_ =	strace s2  }
0x97: {  	_ =	strace $0x8FFFFFFF  }
0x98: {  	s19 =	sld [smem:$0x3FDB];
	_ =	sdelay $0x1  }
0x99: {  	s20 =	simm.s32 $_scs_section_size  }
0x9a: {  	s4 =	simm.s32 $_size__tile_overlayer_lowered;
	s5 =	simm.s32 $_tile_overlayer_lowered  }
0x9b: {  	s6 =	simm.s32 $0x1BFF;
	s21 =	sshll.u32 s5, $0x1;
	s3 =	sadd.s32 s20, s19  }
0x9c: {  	s22 =	simm.s32 $0x0;
	s4 =	sshll.u32 s4, $0x1;
	s5 =	sadd.s32 s21, s3  }
0x9d: {  	[timem:s22], [sflag:s6] =	dma.local [hbm:s5], s4  }
0x9e: {  	_ =	swait.ge [sflag:s6], s4  }
0x9f: {  	s4 =	ssub.s32 $0x0, s4;
	[sflag:s6] =	ssyncset.done $0x0  }
0xa0: {  	[sflag:s6] =	ssyncadd.s32 s4;
	_ =	sdelay $0x1  }
0xa1: {  	s23 =	simm.s32 $0x1B8B  }
0xa2: {  	_ =	swait.ge [sflag:s23], $0x1  }
0xa3: {  	[sflag:s23] =	ssyncset.done $0x0  }
0xa4: {  	[sflag:s23] =	ssyncadd.s32 $0xFFFFFFFF  }
0xa5: {  	s4 =	sld [smem:$0x0]  }
0xa6: {  	s5 =	sand.u32 $0xFFFFFFFE, s1  }
0xa7: {  	p0 =	sne.s32 s1, s5  }
0xa8: {  	s5 =	sshll.u32 @p0 s5, $0xE  }
0xa9: {  	s5 =	sadd.s32 @p0 $0x11B8D, s5;
	s6 =	sshll.u32 @p0 s4, $0x11  }
0xaa: {  	s5 =	sor.u32 @p0 s6, s5  }
0xab: {  	[sflag:s5] =	ssyncadd.remote.s32 @p0 $0x1;
	_ =	sdelay $0x1  }
0xac: {  	s5 =	simm.s32 @p0 $0x1B8D  }
0xad: {  	_ =	swait.eq @p0 [sflag:s5], $0x1  }
0xae: {  	[sflag:s5] =	ssyncadd.s32 @p0 $0xFFFFFFFF  }
0xaf: {  	s6 =	sshll.u32 @!p0 s1, $0xE  }
0xb0: {  	s6 =	sor.u32 @!p0 $0x4000, s6;
	s5 =	simm.s32 @!p0 $0x1B8D  }
0xb1: {  	s4 =	sshll.u32 @!p0 s4, $0x11;
	s6 =	sadd.s32 @!p0 $0x11B8D, s6;
	_ =	swait.eq @!p0 [sflag:s5], $0x1  }
0xb2: {  	s4 =	sor.u32 @!p0 s4, s6;
	[sflag:s5] =	ssyncadd.s32 @!p0 $0xFFFFFFFF  }
0xb3: {  	s25 =	simm.s32 $0x1B8E;
	s24 =	sld [smem:$0x3FFE];
	[sflag:s4] =	ssyncadd.remote.s32 @!p0 $0x1  }
0xb4: {  	s26 =	simm.s32 $execute0_lowered;
	[smem:$0x3FD2] =	sst s25  }
0xb5: {  	s5 =	sshll.u32 s26, $0x1;
	_ =	strace $0x8000004C;
	[dreg:$0x1] =	wrdreg $0xFFFFFFFF  }
0xb6: {  	s28 =	simm.s32 $_size_execute0_lowered;
	s3 =	sadd.s32 s3, s5;
	[dreg:$0x0] =	wrdreg $0x0  }
0xb7: {  	s5 =	sshll.u32 s28, $0x1;
	[dreg:$0x2] =	wrdreg s3  }
0xb8: {  	[dreg:$0x3] =	wrdreg s5  }
0xb9: {  	[dreg:$0x4] =	wrdreg $0xC0  }
0xba: {  	_ =	task [dreg:s22], $0x5FFFF  }
0xbb: {  	[dreg:$0x1] =	wrdreg $0xFFFFFFFF  }
0xbc: {  	[dreg:$0x0] =	wrdreg $0x60  }
0xbd: {  	[dreg:$0x2] =	wrdreg s24  }
0xbe: {  	[dreg:$0x3] =	wrdreg $0x8C000  }
0xbf: {  	[dreg:$0x4] =	wrdreg $0xA  }
0xc0: {  	_ =	task.clear_ibuf [dreg:s22], $0x5FFFF;
	_ =	strace $0x9000004C  }
0xc1: {  	s29 =	simm.s32 $0xA;
	_ =	strace $0x8000004E  }
0xc2: {  	_ =	swait.ge [sflag:s29], $0x1  }
0xc3: {  	[sflag:s29] =	ssyncadd.s32 $0xFFFFFFFF  }
0xc4: {  	_ =	strace $0x9000004E  }
0xc5: {  	_ =	sfence  }
0xc6: {  	s30 =	sld [smem:$0x0];
	_ =	sdelay $0x2  }
0xc7: {  	s31 =	sshll.u32 s1, $0xD;
	s1 =	sshrl.u32 s1, $0x2  }
0xc8: {  	s4 =	sand.u32 $0x4000, s31;
	s1 =	sadd.s32 s1, s30  }
0xc9: {  	s0 =	sor.u32 s4, s0;
	s1 =	sshll.u32 s1, $0x11  }
0xca: {  	s0 =	sor.u32 s1, s0  }
0xcb: {  	s0 =	sadd.s32 $0x8F2B, s0  }
0xcc: {  	[sflag:s0] =	ssyncadd.remote.s32 $0x1  }
0xcd: {  	_ =	sfence.sel $0xFFFF  }
0xce: {  	[dreg:$0x0] =	wrdreg $0xFFFFFFFF;
	(pc) =	sbr.abs _section_cstart, $3  }
0xcf: {  	[dreg:$0x1] =	wrdreg $0xFFFFFFFF  }
0xd0: {  	_ =	task.clear_ibuf [dreg:s22], $0x2FFFF;
	_ =	strace $0x9FFFFFFF  }
0xd1: {  	(tm) =	ssettm $0x7FFFFFFF  }
tec
execute0_lowered:
.L_overlay_start_1:
0x0: {  	(tag) =	ssettag $0x1  }
0x1: {  	s1 =	srdreg.scid;
	s6 =	rddreg [dreg:$0x0]  }
0x2: {  	s0 =	stileid.u32;
	s2 =	rddreg [dreg:$0x1]  }
0x3: {  	s3 =	simm.s32 $0x0;
	s15 =	simm.s32 $0xC00;
	s16 =	simm.s32 $0x1  }
0x4: {  	s17 =	simm.s32 $0x80;
	s18 =	simm.s32 $0x2;
	s19 =	simm.s32 $0x0  }
0x5: {  	s10 =	sand.u32 $0x1, s1;
	s1 =	rddreg [dreg:$0x2];
	s5 =	smul.u32 $0x2700, s0  }
0x6: {  	s28 =	sshll.u32 s0, $0x1;
	[smem:$0x7FF] =	sst s3;
	s13 =	smul.u32 $0x4E000, s0  }
0x7: {  	s30 =	sshll.u32 s0, $0x6;
	s9 =	sor.u32 s10, s28;
	s8 =	smul.u32 $0x27100, s10  }
0x8: {  	_ =	strace $0x8000004D;
	s11 =	ssub.s32 $0x2, s10;
	s4 =	smul.u32 $0x140, s9  }
0x9: {  	s10 =	sshll.u32 s10, $0x9;
	s12 =	sshrl.u32 s11, $0x1;
	s31 =	smul.u32 $0xA000, s9  }
0xa: {  	s29 =	sshrl.u32 s13, $0x2;
	s9 =	smul.u32 $0x50000, s9;
	s8 =	sadd.s32 s5, s8  }
.Ltmp0:
0xb: {  	s5 =	sadd.s32 $0x59C00, s6;
	s12 =	ssub.s32 s11, s12;
	(pc) =	sbr.rel .LBB2_1-.Ltmp0, $4  }
0xc: {  	s13 =	sadd.s32 s29, s2;
	s7 =	sand.u32 $0x3F80, s4;
	s4 =	sadd.s32 $0x7C3000, s6  }
0xd: {  	s14 =	sadd.s32 s8, s6;
	s12 =	smax.u32 s12, $0x1;
	s13 =	sshrl.u32 s13, $0x3  }
0xe: {  	s7 =	sadd.s32 s7, s6;
	s6 =	sor.u32 $0x1C03, s30;
	s8 =	sadd.s32 s4, s31  }
0xf: {  	s11 =	sadd.s32 $0x5C400, s14;
	s14 =	simm.s32 $0x3;
	s7 =	sadd.s32 $0x2DC400, s7  }
.LBB2_5:
0x10: {  	_ =	swait.ge [sflag:s18], $0x4000  }
0x11: {  	s19 =	sadd.s32 $0x1, s19;
	[sflag:s18] =	ssyncset.done $0x0  }
0x12: {  	p0 =	sne.s32 s19, s12;
	[sflag:s18] =	ssyncadd.s32 $0xFFFFC000  }
.Ltmp1:
0x13: {  	[bflag:$0x0] =	sbarrier.arrive $0xFFFF;
	(pc) =	sbr.rel @!p0 .LBB2_6-.Ltmp1, $4  }
0x14: {  	[hbm:s11], [sflag:s6] =	dma.local [spmem:s13], $0x2800  }
0x15: {  	_ =	swait.ge [sflag:s14], $0x2800  }
0x16: {  	[sflag:s14] =	ssyncset.done $0x0  }
0x17: {  	[sflag:s14] =	ssyncadd.s32 $0xFFFFD800  }
.LBB2_1:
0x18: {  	[spmem:s13], [sflag:s6] =	dma.local [hbm:s5], $0x2800  }
0x19: {  	_ =	swait.ge [sflag:s14], $0x2800  }
0x1a: {  	[sflag:s14] =	ssyncset.done $0x0  }
0x1b: {  	[sflag:s14] =	ssyncadd.s32 $0xFFFFD800  }
0x1c: {  	[tilespmem:s3], [sflag:$0x3] =	stream.linear.gather [hbm4b:s7+s3], $0xC00, $0x38;
	[tilespmem:$0x1C480] =	vst v63  }
.Ltmp2:
0x1d: {  	_ =	swait.ge [sflag:s14], $0xC00;
	(pc) =	sbr.rel .LBB2_2-.Ltmp2, $4  }
0x1e: {  	[sflag:s14] =	ssyncset.done $0x0  }
0x1f: {  	[sflag:s14] =	ssyncadd.s32 $0xFFFFF400  }
0x20: {  	s20 =	simm.s32 $0x0;
	[bflag:$0x0] =	sbarrier.arrive $0xFFFF  }
0x21: {  	[tilespmem:s15], [sflag:$0x1] =	stream.linear.gather [hbm4b:s8+s3], $0x4000, $0x38;
	[tilespmem:$0x1C480] =	vst v63  }
.LBB2_4:
0x22: {  	_ =	swait.ge [sflag:s16], $0x4000;
	p0 =	slt.u32 s21, $0x14  }
.Ltmp3:
0x23: {  	s22 =	sshll.u32 s20, $0xE;
	s31 =	sshll.u32 s20, $0x7;
	(pc) =	sbr.rel @!p0 .LBB2_5-.Ltmp3, $4  }
0x24: {  	[sflag:s16] =	ssyncset.done $0x0;
	s22 =	sand.u32 $0x4000, s22;
	s20 =	sand.u32 $0x3FFFFF80, s31  }
0x25: {  	[sflag:s16] =	ssyncadd.s32 $0xFFFFC000;
	s22 =	sor.u32 $0xC00, s22;
	s20 =	sadd.s32 s20, s10  }
0x26: {  	[spmem:s2] =	stream.indirect.scatter.add.f32 [tilespmem:s22], [sflag:$0x2], $0x80, s20, s17, $0xb8;
	[tilespmem:$0x1C480] =	vst v63  }
0x27: {  	s20 =	smov.u32 s21  }
.LBB2_2:
0x28: {  	p0 =	seq.s32 s20, $0x0  }
0x29: {  	p1 =	seq.s32 @!p0 s20, $0x13  }
0x2a: {  	p1 =	por p0, !p1  }
.Ltmp4:
0x2b: {  	_ = 	snop;
	(pc) =	sbr.rel @!p1 .LBB2_4-.Ltmp4, $4  }
0x2c: {  	s21 =	simm.s32 @!p0 $0x2  }
0x2d: {  	_ =	swait.ge @!p0 [sflag:s21], $0x4000  }
0x2e: {  	[sflag:s21] =	ssyncset.done @!p0 $0x0  }
0x2f: {  	[sflag:s21] =	ssyncadd.s32 @!p0 $0xFFFFC000;
	s21 =	simm.s32 @!p0 $0x14  }
0x30: {  	s21 =	sadd.s32 @!p0 $0x1, s20  }
0x31: {  	s21 =	simm.s32 @p0 $0x1  }
.Ltmp5:
0x32: {  	s22 =	sshll.u32 s21, $0xE;
	(pc) =	sbr.rel .LBB2_4-.Ltmp5, $4  }
0x33: {  	s23 =	sadd.s32 s9, s22  }
0x34: {  	s22 =	sand.u32 $0x4000, s22;
	s23 =	sshrl.u32 s23, $0x3  }
0x35: {  	s22 =	sor.u32 $0xC00, s22;
	s23 =	sadd.s32 s4, s23  }
0x36: {  	[tilespmem:s22], [sflag:$0x1] =	stream.linear.gather [hbm4b:s23+s3], $0x4000, $0x38;
	[tilespmem:$0x1C480] =	vst v63  }
.LBB2_6:
0x37: {  	_ =	sfence.sel $0x180000  }
0x38: {  	[bflag:$0x0] =	sbarrier.arrive $0xFFFF  }
0x39: {  	p0 =	sne.s32 s0, $0x0;
	_ =	strace $0x9000004D  }
0x3a: {  	s0 =	sadd.s32 @!p0 $0x100000, s1;
	[bflag:$0x2] =	sbarrier.arrive $0xFFFF  }
0x3b: {  	[sflag:s0] =	ssyncadd.tile.s32 @!p0 $0x1;
	_ =	shalt  }
.Lfunc_end2:
_tile_overlayer_lowered:
.L_overlay_start_2:
0x3c: {  	(tag) =	ssettag $0x2  }
0x3d: {  	s0 =	rddreg [dreg:$0x0];
	s2 =	stileid.u32  }
0x3e: {  	s1 =	rddreg [dreg:$0x1];
	p0 =	sne.s32 s2, $0x0  }
0x3f: {  	s3 =	rddreg [dreg:$0x2];
	[bflag:$0x3] =	sbarrier.arrive $0xFFFF;
	s2 =	simm.s32 @!p0 $0x1C03  }
0x40: {  	[timem:s3], [sflag:s2] =	dma.local @!p0 [hbm:s0], s1  }
0x41: {  	s0 =	simm.s32 @!p0 $0x3  }
0x42: {  	_ =	swait.ge @!p0 [sflag:s0], s1  }
0x43: {  	s1 =	ssub.s32 @!p0 $0x0, s1;
	[sflag:s0] =	ssyncset.done @!p0 $0x0  }
0x44: {  	[sflag:s0] =	ssyncadd.s32 @!p0 s1  }
0x45: {  	[bflag:$0x3] =	sbarrier.arrive $0xFFFF  }
0x46: {  	_ =	shalt  }

// kernel: kernel.26.cloned.1.call-start
scs
__scs_entry_jumppad:
0x0: {  	(pc) =	sbr.rel $0x88, $3  }
0x1: {  	(tag) =	ssettag $0x0;
	lr =	simm.s32 $0x1  }
0x2: {  	[smem:$0x3F97] =	sst lr;
	_ =	strace $0xD0000000  }
0x3: {  	_ = 	snop  }
0x4: {  	_ = 	snop  }
0x5: {  	_ = 	snop  }
0x6: {  	_ = 	snop  }
0x7: {  	_ = 	snop  }
__scs_overlays_trampoline_lowered:
0x8: {  	[smem:$0x3FA6] =	sst s0  }
0x9: {  	[smem:$0x3FA7] =	sst s1  }
0xa: {  	[smem:$0x3FA8] =	sst s2  }
0xb: {  	[smem:$0x3FA9] =	sst s3  }
0xc: {  	[smem:$0x3FAA] =	sst s4  }
0xd: {  	[smem:$0x3FAB] =	sst s5  }
0xe: {  	[smem:$0x3FAC] =	sst s6  }
0xf: {  	[smem:$0x3FAD] =	sst s7  }
0x10: {  	[smem:$0x3FAE] =	sst s8  }
0x11: {  	[smem:$0x3FAF] =	sst s9;
	s0 =	simm.s32 @!p0 $0x0  }
0x12: {  	s1 =	sld [smem:$0x3F95];
	s0 =	simm.s32 @p0 $0x1  }
0x13: {  	[smem:$0x3FB0] =	sst s0;
	s0 =	simm.s32 @!p1 $0x0  }
0x14: {  	s2 =	sld [smem:$0x3F94];
	s0 =	simm.s32 @p1 $0x1  }
0x15: {  	[smem:$0x3FB1] =	sst s0;
	s0 =	simm.s32 @!p2 $0x0  }
0x16: {  	s3 =	sld [smem:$0x3FDB];
	s0 =	simm.s32 @p2 $0x1  }
0x17: {  	s4 =	simm.s32 $0x1BF5;
	[smem:$0x3FB3] =	sst s0  }
0x18: {  	s0 =	sld [smem:$0x3F96];
	_ =	swait.ge [sflag:s4], $0x0  }
0x19: {  	s7 =	sld [smem:$0x3F97]  }
0x1a: {  	s8 =	sadd.s32 $0xFFFFE003, lr  }
0x1b: {  	s9 =	sadd.s32 $0xFFFFFEF7, lr;
	s5 =	simm.s32 $0xFFFFFFFF;
	p2 =	slt.u32 s8, $0xFFFFF086  }
0x1c: {  	p1 =	slt.u32 s9, $0xF7A;
	s5 =	simm.s32 @!p2 $0x0  }
0x1d: {  	s5 =	simm.s32 @p1 $0x1;
	p0 =	seq.s32 s7, s2  }
0x1e: {  	s7 =	smul.u32 @!p0 $0xF7A, s2;
	p2 =	seq.s32 @!p0 s5, $0x0  }
0x1f: {  	s9 =	smul.u32 $0xF7A, s1;
	s8 =	simm.s32 @!p0 $0x1BF5;
	p2 =	por !p2, p0  }
0x20: {  	[sflag:s8] =	ssyncset.s32 @!p0 $0xFFFFF086;
	s6 =	sadd.s32 @!p0 s3, s7;
	s7 =	simm.s32 @!p0 $0x108  }
0x21: {  	s3 =	sadd.s32 s3, s9;
	s6 =	sadd.s32 @!p0 $0x88, s6;
	s7 =	simm.s32 @p2 $0x1082  }
0x22: {  	[simem:s7], [sflag:s8] =	dma.local @!p0 [hbm:s6], $0xF7A  }
0x23: {  	s9 =	sor.u32 $0xD0000000, s2;
	s6 =	simm.s32 $0x108;
	_ =	swait.ge @!p0 [sflag:s8], $0x0  }
0x24: {  	s3 =	sadd.s32 $0x88, s3;
	s6 =	simm.s32 @!p1 $0x1082;
	[sflag:s4] =	ssyncset.s32 $0xFFFFF086  }
0x25: {  	[simem:s6], [sflag:s4] =	dma.local [hbm:s3], $0xF7A  }
0x26: {  	[smem:$0x3F97] =	sst s1;
	(tag) =	ssettag s2;
	_ =	strace s9  }
0x27: {  	s1 =	sld [smem:$0x3FA7]  }
0x28: {  	s2 =	sld [smem:$0x3FA8]  }
0x29: {  	s4 =	sld [smem:$0x3FAA]  }
0x2a: {  	p0 =	seq.s32 s5, $0x0;
	s5 =	sld [smem:$0x3FAB]  }
0x2b: {  	s6 =	sld [smem:$0x3FAC]  }
0x2c: {  	s7 =	sld [smem:$0x3FAD]  }
0x2d: {  	s3 =	simm.s32 $0x108;
	s8 =	sld [smem:$0x3FAE]  }
0x2e: {  	s3 =	simm.s32 @!p0 $0x1082;
	s9 =	sld [smem:$0x3FAF]  }
0x2f: {  	lr =	sadd.s32 s0, s3;
	s0 =	sld [smem:$0x3FA6]  }
0x30: {  	s3 =	sld [smem:$0x3FA9]  }
0x31: {  	[smem:$0x3FB2] =	sst s10  }
0x32: {  	s10 =	sld [smem:$0x3FB0];
	_ =	sdelay $0x3  }
0x33: {  	p0 =	seq.s32 s10, $0x1;
	s10 =	sld [smem:$0x3FB2];
	_ =	sdelay $0x3  }
0x34: {  	[smem:$0x3FB2] =	sst s10  }
0x35: {  	s10 =	sld [smem:$0x3FB1];
	_ =	sdelay $0x3  }
0x36: {  	p1 =	seq.s32 s10, $0x1;
	s10 =	sld [smem:$0x3FB2];
	_ =	sdelay $0x3  }
0x37: {  	[smem:$0x3FB2] =	sst s10  }
0x38: {  	s10 =	sld [smem:$0x3FB3]  }
0x39: {  	_ = 	snop;
	(pc) =	sbr.ind lr, $3  }
0x3a: {  	_ = 	snop  }
0x3b: {  	_ = 	snop  }
0x3c: {  	p2 =	seq.s32 s10, $0x1;
	s10 =	sld [smem:$0x3FB2]  }
0x3d: {  	_ =	shalt  }
0x3e: {  	_ =	shalt  }
0x3f: {  	_ =	shalt  }
0x40: {  	_ =	shalt  }
0x41: {  	_ =	shalt  }
0x42: {  	_ =	shalt  }
0x43: {  	_ =	shalt  }
0x44: {  	_ =	shalt  }
0x45: {  	_ =	shalt  }
0x46: {  	_ =	shalt  }
0x47: {  	_ =	shalt  }
0x48: {  	_ =	shalt  }
0x49: {  	_ =	shalt  }
0x4a: {  	_ =	shalt  }
0x4b: {  	_ =	shalt  }
0x4c: {  	_ =	shalt  }
0x4d: {  	_ =	shalt  }
0x4e: {  	_ =	shalt  }
0x4f: {  	_ =	shalt  }
0x50: {  	_ =	shalt  }
0x51: {  	_ =	shalt  }
0x52: {  	_ =	shalt  }
0x53: {  	_ =	shalt  }
0x54: {  	_ =	shalt  }
0x55: {  	_ =	shalt  }
0x56: {  	_ =	shalt  }
0x57: {  	_ =	shalt  }
0x58: {  	_ =	shalt  }
0x59: {  	_ =	shalt  }
0x5a: {  	_ =	shalt  }
0x5b: {  	_ =	shalt  }
0x5c: {  	_ =	shalt  }
0x5d: {  	_ =	shalt  }
0x5e: {  	_ =	shalt  }
0x5f: {  	_ =	shalt  }
0x60: {  	_ =	shalt  }
0x61: {  	_ =	shalt  }
0x62: {  	_ =	shalt  }
0x63: {  	_ =	shalt  }
0x64: {  	_ =	shalt  }
0x65: {  	_ =	shalt  }
0x66: {  	_ =	shalt  }
0x67: {  	_ =	shalt  }
0x68: {  	_ =	shalt  }
0x69: {  	_ =	shalt  }
0x6a: {  	_ =	shalt  }
0x6b: {  	_ =	shalt  }
0x6c: {  	_ =	shalt  }
0x6d: {  	_ =	shalt  }
0x6e: {  	_ =	shalt  }
0x6f: {  	_ =	shalt  }
0x70: {  	_ =	shalt  }
0x71: {  	_ =	shalt  }
0x72: {  	_ =	shalt  }
0x73: {  	_ =	shalt  }
0x74: {  	_ =	shalt  }
0x75: {  	_ =	shalt  }
0x76: {  	_ =	shalt  }
0x77: {  	_ =	shalt  }
0x78: {  	_ =	shalt  }
0x79: {  	_ =	shalt  }
0x7a: {  	_ =	shalt  }
0x7b: {  	_ =	shalt  }
0x7c: {  	_ =	shalt  }
0x7d: {  	_ =	shalt  }
0x7e: {  	_ =	shalt  }
0x7f: {  	_ =	shalt  }
0x80: {  	_ =	shalt  }
0x81: {  	_ =	shalt  }
0x82: {  	_ =	shalt  }
0x83: {  	_ =	shalt  }
0x84: {  	_ =	shalt  }
0x85: {  	_ =	shalt  }
0x86: {  	_ =	shalt  }
0x87: {  	_ =	shalt  }
.Lfunc_end0:
.L_simem_size_0:
called_computation.3_lowered:
.L_overlay_start_0:
0x88: {  	s2 =	sld [smem:$0x3FD9]  }
0x89: {  	s3 =	sld [smem:$0x3FFE];
	_ =	sdelay $0x1  }
0x8a: {  	s1 =	srdreg.scid  }
0x8b: {  	s0 =	sand.u32 $0x1, s1  }
0x8c: {  	s17 =	sshll.u32 s0, $0xA;
	s2 =	sadd.s32 s3, s2  }
0x8d: {  	s2 =	sadd.s32 s2, s17  }
0x8e: {  	[smem:$0x3FBE] =	sst s2  }
0x8f: {  	_ = 	snop  }
0x90: {  	s18 =	sld [smem:$0x3FD0];
	(tm) =	ssettm $0x1  }
0x91: {  	s19 =	sld [smem:$0x3FFB];
	_ =	sdelay $0x3  }
0x92: {  	_ =	strace s19  }
0x93: {  	s2 =	sld [smem:$0x3FFC];
	_ =	sdelay $0x3  }
0x94: {  	_ =	strace s2  }
0x95: {  	s2 =	sld [smem:$0x3FFD];
	_ =	sdelay $0x3  }
0x96: {  	_ =	strace s2  }
0x97: {  	_ =	strace $0x8FFFFFFF  }
0x98: {  	s20 =	sld [smem:$0x3FDB];
	_ =	sdelay $0x1  }
0x99: {  	s4 =	simm.s32 $_scs_section_size  }
0x9a: {  	s5 =	simm.s32 $_size__tile_overlayer_lowered;
	s6 =	simm.s32 $_tile_overlayer_lowered  }
0x9b: {  	s7 =	simm.s32 $0x1BFF;
	s21 =	sshll.u32 s6, $0x1;
	s4 =	sadd.s32 s4, s20  }
0x9c: {  	s22 =	simm.s32 $0x0;
	s5 =	sshll.u32 s5, $0x1;
	s6 =	sadd.s32 s21, s4  }
0x9d: {  	[timem:s22], [sflag:s7] =	dma.local [hbm:s6], s5  }
0x9e: {  	_ =	swait.ge [sflag:s7], s5  }
0x9f: {  	s5 =	ssub.s32 $0x0, s5;
	[sflag:s7] =	ssyncset.done $0x0  }
0xa0: {  	[sflag:s7] =	ssyncadd.s32 s5;
	_ =	sdelay $0x1  }
0xa1: {  	s23 =	simm.s32 $0x1B8B  }
0xa2: {  	_ =	swait.ge [sflag:s23], $0x1  }
0xa3: {  	[sflag:s23] =	ssyncset.done $0x0  }
0xa4: {  	[sflag:s23] =	ssyncadd.s32 $0xFFFFFFFF  }
0xa5: {  	s5 =	sld [smem:$0x0]  }
0xa6: {  	s6 =	sand.u32 $0xFFFFFFFE, s1  }
0xa7: {  	p0 =	sne.s32 s1, s6  }
0xa8: {  	s6 =	sshll.u32 @p0 s6, $0xE  }
0xa9: {  	s6 =	sadd.s32 @p0 $0x11B8D, s6;
	s7 =	sshll.u32 @p0 s5, $0x11  }
0xaa: {  	s6 =	sor.u32 @p0 s7, s6  }
0xab: {  	[sflag:s6] =	ssyncadd.remote.s32 @p0 $0x1;
	_ =	sdelay $0x1  }
0xac: {  	s6 =	simm.s32 @p0 $0x1B8D  }
0xad: {  	_ =	swait.eq @p0 [sflag:s6], $0x1  }
0xae: {  	[sflag:s6] =	ssyncadd.s32 @p0 $0xFFFFFFFF  }
0xaf: {  	s7 =	sshll.u32 @!p0 s1, $0xE  }
0xb0: {  	s7 =	sor.u32 @!p0 $0x4000, s7;
	s6 =	simm.s32 @!p0 $0x1B8D  }
0xb1: {  	s5 =	sshll.u32 @!p0 s5, $0x11;
	s7 =	sadd.s32 @!p0 $0x11B8D, s7;
	_ =	swait.eq @!p0 [sflag:s6], $0x1  }
0xb2: {  	s5 =	sor.u32 @!p0 s5, s7;
	[sflag:s6] =	ssyncadd.s32 @!p0 $0xFFFFFFFF  }
0xb3: {  	s25 =	simm.s32 $0x1B8E;
	s24 =	sld [smem:$0x3FFE];
	[sflag:s5] =	ssyncadd.remote.s32 @!p0 $0x1  }
0xb4: {  	s26 =	simm.s32 $execute0_lowered;
	[smem:$0x3FD2] =	sst s25  }
0xb5: {  	s6 =	sshll.u32 s26, $0x1;
	_ =	strace $0x8000004F;
	[dreg:$0x1] =	wrdreg $0xFFFFFFFF  }
0xb6: {  	s28 =	simm.s32 $_size_execute0_lowered;
	s4 =	sadd.s32 s4, s6;
	[dreg:$0x0] =	wrdreg $0x0  }
0xb7: {  	s6 =	sshll.u32 s28, $0x1;
	[dreg:$0x2] =	wrdreg s4  }
0xb8: {  	[dreg:$0x3] =	wrdreg s6  }
0xb9: {  	[dreg:$0x4] =	wrdreg $0xC0  }
0xba: {  	_ =	task [dreg:s22], $0x5FFFF  }
0xbb: {  	[dreg:$0x1] =	wrdreg $0xFFFFFFFF  }
0xbc: {  	[dreg:$0x0] =	wrdreg $0x60  }
0xbd: {  	[dreg:$0x2] =	wrdreg s24  }
0xbe: {  	[dreg:$0x3] =	wrdreg s18  }
0xbf: {  	[dreg:$0x4] =	wrdreg $0x8C000  }
0xc0: {  	[dreg:$0x5] =	wrdreg $0x9  }
0xc1: {  	_ =	task.clear_ibuf [dreg:s22], $0x6FFFF;
	_ =	strace $0x9000004F  }
0xc2: {  	s29 =	simm.s32 $0x9;
	_ =	strace $0x80000051  }
0xc3: {  	_ =	swait.ge [sflag:s29], $0x1  }
0xc4: {  	[sflag:s29] =	ssyncadd.s32 $0xFFFFFFFF  }
0xc5: {  	_ =	strace $0x90000051  }
0xc6: {  	_ =	sfence  }
0xc7: {  	s30 =	sld [smem:$0x0];
	_ =	sdelay $0x2  }
0xc8: {  	s31 =	sshll.u32 s1, $0xD;
	s1 =	sshrl.u32 s1, $0x2  }
0xc9: {  	s4 =	sand.u32 $0x4000, s31;
	s1 =	sadd.s32 s1, s30  }
0xca: {  	s0 =	sor.u32 s4, s0;
	s1 =	sshll.u32 s1, $0x11  }
0xcb: {  	s0 =	sor.u32 s1, s0  }
0xcc: {  	s0 =	sadd.s32 $0x8F2B, s0  }
0xcd: {  	[sflag:s0] =	ssyncadd.remote.s32 $0x1  }
0xce: {  	_ =	sfence.sel $0xFFFF  }
0xcf: {  	[dreg:$0x0] =	wrdreg $0xFFFFFFFF;
	(pc) =	sbr.abs _section_cstart, $3  }
0xd0: {  	[dreg:$0x1] =	wrdreg $0xFFFFFFFF  }
0xd1: {  	_ =	task.clear_ibuf [dreg:s22], $0x2FFFF;
	_ =	strace $0x9FFFFFFF  }
0xd2: {  	(tm) =	ssettm $0x7FFFFFFF  }
0xd3: {  	_ =	shalt  }
tec
execute0_lowered:
.L_overlay_start_1:
0x0: {  	(tag) =	ssettag $0x1  }
0x1: {  	s6 =	rddreg [dreg:$0x0]  }
0x2: {  	s7 =	rddreg [dreg:$0x1]  }
0x3: {  	s1 =	rddreg [dreg:$0x2]  }
0x4: {  	s0 =	rddreg [dreg:$0x3]  }
0x5: {  	s3 =	simm.s32 $0x0;
	s5 =	srdreg.scid;
	s2 =	stileid.u32  }
0x6: {  	s16 =	simm.s32 $0x1;
	s17 =	simm.s32 $0x80;
	s18 =	simm.s32 $0x2  }
0x7: {  	s19 =	simm.s32 $0x0;
	[smem:$0x7FF] =	sst s3;
	s4 =	sadd.s32 $0x903000, s6  }
0x8: {  	s10 =	sand.u32 $0x1, s5;
	s8 =	smul.u32 $0x2700, s2;
	s5 =	sadd.s32 $0x59C00, s6  }
0x9: {  	s11 =	sshll.u32 s2, $0x1;
	s13 =	smul.u32 $0x4E000, s2;
	s28 =	sshll.u32 s2, $0x6  }
0xa: {  	_ =	strace $0x80000050;
	s9 =	smul.u32 $0x27100, s10;
	s11 =	sor.u32 s10, s11  }
0xb: {  	s12 =	ssub.s32 $0x2, s10;
	s10 =	sshll.u32 s10, $0x9;
	s14 =	smul.u32 $0x140, s11  }
0xc: {  	s25 =	sshrl.u32 s12, $0x1;
	s26 =	sshrl.u32 s13, $0x2;
	s30 =	smul.u32 $0xA000, s11  }
.Ltmp0:
0xd: {  	s8 =	sadd.s32 s8, s9;
	s12 =	ssub.s32 s12, s25;
	(pc) =	sbr.rel .LBB2_1-.Ltmp0, $4  }
0xe: {  	s31 =	sadd.s32 s26, s1;
	s9 =	smul.u32 $0x50000, s11;
	s15 =	sadd.s32 s8, s6  }
0xf: {  	s29 =	sand.u32 $0x3F80, s14;
	s6 =	sor.u32 $0x1C03, s28;
	s8 =	sadd.s32 s4, s30  }
0x10: {  	s12 =	smax.u32 s12, $0x1;
	s13 =	sshrl.u32 s31, $0x3;
	s14 =	simm.s32 $0x3  }
0x11: {  	s7 =	sadd.s32 s7, s29;
	s11 =	sadd.s32 $0xAA600, s15;
	s15 =	simm.s32 $0xC00  }
.LBB2_5:
0x12: {  	_ =	swait.ge [sflag:s18], $0x4000  }
0x13: {  	s19 =	sadd.s32 $0x1, s19;
	[sflag:s18] =	ssyncset.done $0x0  }
0x14: {  	p0 =	sne.s32 s19, s12;
	[sflag:s18] =	ssyncadd.s32 $0xFFFFC000  }
.Ltmp1:
0x15: {  	[bflag:$0x0] =	sbarrier.arrive $0xFFFF;
	(pc) =	sbr.rel @!p0 .LBB2_6-.Ltmp1, $4  }
0x16: {  	[hbm:s11], [sflag:s6] =	dma.local [spmem:s13], $0x2800  }
0x17: {  	_ =	swait.ge [sflag:s14], $0x2800  }
0x18: {  	[sflag:s14] =	ssyncset.done $0x0  }
0x19: {  	[sflag:s14] =	ssyncadd.s32 $0xFFFFD800  }
.LBB2_1:
0x1a: {  	[spmem:s13], [sflag:s6] =	dma.local [hbm:s5], $0x2800  }
0x1b: {  	_ =	swait.ge [sflag:s14], $0x2800  }
0x1c: {  	[sflag:s14] =	ssyncset.done $0x0  }
0x1d: {  	[sflag:s14] =	ssyncadd.s32 $0xFFFFD800  }
0x1e: {  	[tilespmem:s3], [sflag:$0x3] =	stream.linear.gather [hbm4b:s7+s3], $0xC00, $0x38;
	[tilespmem:$0x1C480] =	vst v63  }
.Ltmp2:
0x1f: {  	_ =	swait.ge [sflag:s14], $0xC00;
	(pc) =	sbr.rel .LBB2_2-.Ltmp2, $4  }
0x20: {  	[sflag:s14] =	ssyncset.done $0x0  }
0x21: {  	[sflag:s14] =	ssyncadd.s32 $0xFFFFF400  }
0x22: {  	s20 =	simm.s32 $0x0;
	[bflag:$0x0] =	sbarrier.arrive $0xFFFF  }
0x23: {  	[tilespmem:s15], [sflag:$0x1] =	stream.linear.gather [hbm4b:s8+s3], $0x4000, $0x38;
	[tilespmem:$0x1C480] =	vst v63  }
.LBB2_4:
0x24: {  	_ =	swait.ge [sflag:s16], $0x4000;
	p0 =	slt.u32 s21, $0x14  }
.Ltmp3:
0x25: {  	s22 =	sshll.u32 s20, $0xE;
	s31 =	sshll.u32 s20, $0x7;
	(pc) =	sbr.rel @!p0 .LBB2_5-.Ltmp3, $4  }
0x26: {  	[sflag:s16] =	ssyncset.done $0x0;
	s22 =	sand.u32 $0x4000, s22;
	s20 =	sand.u32 $0x3FFFFF80, s31  }
0x27: {  	[sflag:s16] =	ssyncadd.s32 $0xFFFFC000;
	s22 =	sor.u32 $0xC00, s22;
	s20 =	sadd.s32 s20, s10  }
0x28: {  	[spmem:s1] =	stream.indirect.scatter.add.f32 [tilespmem:s22], [sflag:$0x2], $0x80, s20, s17, $0xb8;
	[tilespmem:$0x1C480] =	vst v63  }
0x29: {  	s20 =	smov.u32 s21  }
.LBB2_2:
0x2a: {  	p0 =	seq.s32 s20, $0x0  }
0x2b: {  	p1 =	seq.s32 @!p0 s20, $0x13  }
0x2c: {  	p1 =	por p0, !p1  }
.Ltmp4:
0x2d: {  	_ = 	snop;
	(pc) =	sbr.rel @!p1 .LBB2_4-.Ltmp4, $4  }
0x2e: {  	s21 =	simm.s32 @!p0 $0x2  }
0x2f: {  	_ =	swait.ge @!p0 [sflag:s21], $0x4000  }
0x30: {  	[sflag:s21] =	ssyncset.done @!p0 $0x0  }
0x31: {  	[sflag:s21] =	ssyncadd.s32 @!p0 $0xFFFFC000;
	s21 =	simm.s32 @!p0 $0x14  }
0x32: {  	s21 =	sadd.s32 @!p0 $0x1, s20  }
0x33: {  	s21 =	simm.s32 @p0 $0x1  }
.Ltmp5:
0x34: {  	s22 =	sshll.u32 s21, $0xE;
	(pc) =	sbr.rel .LBB2_4-.Ltmp5, $4  }
0x35: {  	s23 =	sadd.s32 s9, s22  }
0x36: {  	s22 =	sand.u32 $0x4000, s22;
	s23 =	sshrl.u32 s23, $0x3  }
0x37: {  	s22 =	sor.u32 $0xC00, s22;
	s23 =	sadd.s32 s4, s23  }
0x38: {  	[tilespmem:s22], [sflag:$0x1] =	stream.linear.gather [hbm4b:s23+s3], $0x4000, $0x38;
	[tilespmem:$0x1C480] =	vst v63  }
.LBB2_6:
0x39: {  	_ =	sfence.sel $0x180000  }
0x3a: {  	[bflag:$0x0] =	sbarrier.arrive $0xFFFF  }
0x3b: {  	p0 =	sne.s32 s2, $0x0;
	_ =	strace $0x90000050  }
0x3c: {  	s0 =	sadd.s32 @!p0 $0x100000, s0;
	[bflag:$0x2] =	sbarrier.arrive $0xFFFF  }
0x3d: {  	[sflag:s0] =	ssyncadd.tile.s32 @!p0 $0x1;
	_ =	shalt  }
.Lfunc_end2:
_tile_overlayer_lowered:
.L_overlay_start_2:
0x3e: {  	(tag) =	ssettag $0x2  }
0x3f: {  	s0 =	rddreg [dreg:$0x0];
	s2 =	stileid.u32  }
0x40: {  	s1 =	rddreg [dreg:$0x1];
	p0 =	sne.s32 s2, $0x0  }
0x41: {  	s3 =	rddreg [dreg:$0x2];
	[bflag:$0x3] =	sbarrier.arrive $0xFFFF;
	s2 =	simm.s32 @!p0 $0x1C03  }
0x42: {  	[timem:s3], [sflag:s2] =	dma.local @!p0 [hbm:s0], s1  }
0x43: {  	s0 =	simm.s32 @!p0 $0x3  }
0x44: {  	_ =	swait.ge @!p0 [sflag:s0], s1  }
0x45: {  	s1 =	ssub.s32 @!p0 $0x0, s1;
	[sflag:s0] =	ssyncset.done @!p0 $0x0  }
0x46: {  	[sflag:s0] =	ssyncadd.s32 @!p0 s1  }
0x47: {  	[bflag:$0x3] =	sbarrier.arrive $0xFFFF  }
0x48: {  	_ =	shalt  }

// kernel: kernel.29.cloned.1.call-start
scs
__scs_entry_jumppad:
0x0: {  	(pc) =	sbr.rel $0x88, $3  }
0x1: {  	(tag) =	ssettag $0x0;
	lr =	simm.s32 $0x1  }
0x2: {  	[smem:$0x3F97] =	sst lr;
	_ =	strace $0xD0000000  }
0x3: {  	_ = 	snop  }
0x4: {  	_ = 	snop  }
0x5: {  	_ = 	snop  }
0x6: {  	_ = 	snop  }
0x7: {  	_ = 	snop  }
__scs_overlays_trampoline_lowered:
0x8: {  	[smem:$0x3FA6] =	sst s0  }
0x9: {  	[smem:$0x3FA7] =	sst s1  }
0xa: {  	[smem:$0x3FA8] =	sst s2  }
0xb: {  	[smem:$0x3FA9] =	sst s3  }
0xc: {  	[smem:$0x3FAA] =	sst s4  }
0xd: {  	[smem:$0x3FAB] =	sst s5  }
0xe: {  	[smem:$0x3FAC] =	sst s6  }
0xf: {  	[smem:$0x3FAD] =	sst s7  }
0x10: {  	[smem:$0x3FAE] =	sst s8  }
0x11: {  	[smem:$0x3FAF] =	sst s9;
	s0 =	simm.s32 @!p0 $0x0  }
0x12: {  	s1 =	sld [smem:$0x3F95];
	s0 =	simm.s32 @p0 $0x1  }
0x13: {  	[smem:$0x3FB0] =	sst s0;
	s0 =	simm.s32 @!p1 $0x0  }
0x14: {  	s2 =	sld [smem:$0x3F94];
	s0 =	simm.s32 @p1 $0x1  }
0x15: {  	[smem:$0x3FB1] =	sst s0;
	s0 =	simm.s32 @!p2 $0x0  }
0x16: {  	s3 =	sld [smem:$0x3FDB];
	s0 =	simm.s32 @p2 $0x1  }
0x17: {  	s4 =	simm.s32 $0x1BF5;
	[smem:$0x3FB3] =	sst s0  }
0x18: {  	s0 =	sld [smem:$0x3F96];
	_ =	swait.ge [sflag:s4], $0x0  }
0x19: {  	s7 =	sld [smem:$0x3F97]  }
0x1a: {  	s8 =	sadd.s32 $0xFFFFE003, lr  }
0x1b: {  	s9 =	sadd.s32 $0xFFFFFEF7, lr;
	s5 =	simm.s32 $0xFFFFFFFF;
	p2 =	slt.u32 s8, $0xFFFFF086  }
0x1c: {  	p1 =	slt.u32 s9, $0xF7A;
	s5 =	simm.s32 @!p2 $0x0  }
0x1d: {  	s5 =	simm.s32 @p1 $0x1;
	p0 =	seq.s32 s7, s2  }
0x1e: {  	s7 =	smul.u32 @!p0 $0xF7A, s2;
	p2 =	seq.s32 @!p0 s5, $0x0  }
0x1f: {  	s9 =	smul.u32 $0xF7A, s1;
	s8 =	simm.s32 @!p0 $0x1BF5;
	p2 =	por !p2, p0  }
0x20: {  	[sflag:s8] =	ssyncset.s32 @!p0 $0xFFFFF086;
	s6 =	sadd.s32 @!p0 s3, s7;
	s7 =	simm.s32 @!p0 $0x108  }
0x21: {  	s3 =	sadd.s32 s3, s9;
	s6 =	sadd.s32 @!p0 $0x88, s6;
	s7 =	simm.s32 @p2 $0x1082  }
0x22: {  	[simem:s7], [sflag:s8] =	dma.local @!p0 [hbm:s6], $0xF7A  }
0x23: {  	s9 =	sor.u32 $0xD0000000, s2;
	s6 =	simm.s32 $0x108;
	_ =	swait.ge @!p0 [sflag:s8], $0x0  }
0x24: {  	s3 =	sadd.s32 $0x88, s3;
	s6 =	simm.s32 @!p1 $0x1082;
	[sflag:s4] =	ssyncset.s32 $0xFFFFF086  }
0x25: {  	[simem:s6], [sflag:s4] =	dma.local [hbm:s3], $0xF7A  }
0x26: {  	[smem:$0x3F97] =	sst s1;
	(tag) =	ssettag s2;
	_ =	strace s9  }
0x27: {  	s1 =	sld [smem:$0x3FA7]  }
0x28: {  	s2 =	sld [smem:$0x3FA8]  }
0x29: {  	s4 =	sld [smem:$0x3FAA]  }
0x2a: {  	p0 =	seq.s32 s5, $0x0;
	s5 =	sld [smem:$0x3FAB]  }
0x2b: {  	s6 =	sld [smem:$0x3FAC]  }
0x2c: {  	s7 =	sld [smem:$0x3FAD]  }
0x2d: {  	s3 =	simm.s32 $0x108;
	s8 =	sld [smem:$0x3FAE]  }
0x2e: {  	s3 =	simm.s32 @!p0 $0x1082;
	s9 =	sld [smem:$0x3FAF]  }
0x2f: {  	lr =	sadd.s32 s0, s3;
	s0 =	sld [smem:$0x3FA6]  }
0x30: {  	s3 =	sld [smem:$0x3FA9]  }
0x31: {  	[smem:$0x3FB2] =	sst s10  }
0x32: {  	s10 =	sld [smem:$0x3FB0];
	_ =	sdelay $0x3  }
0x33: {  	p0 =	seq.s32 s10, $0x1;
	s10 =	sld [smem:$0x3FB2];
	_ =	sdelay $0x3  }
0x34: {  	[smem:$0x3FB2] =	sst s10  }
0x35: {  	s10 =	sld [smem:$0x3FB1];
	_ =	sdelay $0x3  }
0x36: {  	p1 =	seq.s32 s10, $0x1;
	s10 =	sld [smem:$0x3FB2];
	_ =	sdelay $0x3  }
0x37: {  	[smem:$0x3FB2] =	sst s10  }
0x38: {  	s10 =	sld [smem:$0x3FB3]  }
0x39: {  	_ = 	snop;
	(pc) =	sbr.ind lr, $3  }
0x3a: {  	_ = 	snop  }
0x3b: {  	_ = 	snop  }
0x3c: {  	p2 =	seq.s32 s10, $0x1;
	s10 =	sld [smem:$0x3FB2]  }
0x3d: {  	_ =	shalt  }
0x3e: {  	_ =	shalt  }
0x3f: {  	_ =	shalt  }
0x40: {  	_ =	shalt  }
0x41: {  	_ =	shalt  }
0x42: {  	_ =	shalt  }
0x43: {  	_ =	shalt  }
0x44: {  	_ =	shalt  }
0x45: {  	_ =	shalt  }
0x46: {  	_ =	shalt  }
0x47: {  	_ =	shalt  }
0x48: {  	_ =	shalt  }
0x49: {  	_ =	shalt  }
0x4a: {  	_ =	shalt  }
0x4b: {  	_ =	shalt  }
0x4c: {  	_ =	shalt  }
0x4d: {  	_ =	shalt  }
0x4e: {  	_ =	shalt  }
0x4f: {  	_ =	shalt  }
0x50: {  	_ =	shalt  }
0x51: {  	_ =	shalt  }
0x52: {  	_ =	shalt  }
0x53: {  	_ =	shalt  }
0x54: {  	_ =	shalt  }
0x55: {  	_ =	shalt  }
0x56: {  	_ =	shalt  }
0x57: {  	_ =	shalt  }
0x58: {  	_ =	shalt  }
0x59: {  	_ =	shalt  }
0x5a: {  	_ =	shalt  }
0x5b: {  	_ =	shalt  }
0x5c: {  	_ =	shalt  }
0x5d: {  	_ =	shalt  }
0x5e: {  	_ =	shalt  }
0x5f: {  	_ =	shalt  }
0x60: {  	_ =	shalt  }
0x61: {  	_ =	shalt  }
0x62: {  	_ =	shalt  }
0x63: {  	_ =	shalt  }
0x64: {  	_ =	shalt  }
0x65: {  	_ =	shalt  }
0x66: {  	_ =	shalt  }
0x67: {  	_ =	shalt  }
0x68: {  	_ =	shalt  }
0x69: {  	_ =	shalt  }
0x6a: {  	_ =	shalt  }
0x6b: {  	_ =	shalt  }
0x6c: {  	_ =	shalt  }
0x6d: {  	_ =	shalt  }
0x6e: {  	_ =	shalt  }
0x6f: {  	_ =	shalt  }
0x70: {  	_ =	shalt  }
0x71: {  	_ =	shalt  }
0x72: {  	_ =	shalt  }
0x73: {  	_ =	shalt  }
0x74: {  	_ =	shalt  }
0x75: {  	_ =	shalt  }
0x76: {  	_ =	shalt  }
0x77: {  	_ =	shalt  }
0x78: {  	_ =	shalt  }
0x79: {  	_ =	shalt  }
0x7a: {  	_ =	shalt  }
0x7b: {  	_ =	shalt  }
0x7c: {  	_ =	shalt  }
0x7d: {  	_ =	shalt  }
0x7e: {  	_ =	shalt  }
0x7f: {  	_ =	shalt  }
0x80: {  	_ =	shalt  }
0x81: {  	_ =	shalt  }
0x82: {  	_ =	shalt  }
0x83: {  	_ =	shalt  }
0x84: {  	_ =	shalt  }
0x85: {  	_ =	shalt  }
0x86: {  	_ =	shalt  }
0x87: {  	_ =	shalt  }
.Lfunc_end0:
.L_simem_size_0:
called_computation.4_lowered:
.L_overlay_start_0:
0x88: {  	s2 =	sld [smem:$0x3FD9]  }
0x89: {  	s3 =	sld [smem:$0x3FFE];
	_ =	sdelay $0x1  }
0x8a: {  	s1 =	srdreg.scid  }
0x8b: {  	s0 =	sand.u32 $0x1, s1  }
0x8c: {  	s16 =	sshll.u32 s0, $0xA;
	s2 =	sadd.s32 s3, s2  }
0x8d: {  	s2 =	sadd.s32 s2, s16  }
0x8e: {  	[smem:$0x3FBE] =	sst s2  }
0x8f: {  	_ = 	snop  }
0x90: {  	(tm) =	ssettm $0x1  }
0x91: {  	s17 =	sld [smem:$0x3FFB];
	_ =	sdelay $0x3  }
0x92: {  	_ =	strace s17  }
0x93: {  	s2 =	sld [smem:$0x3FFC];
	_ =	sdelay $0x3  }
0x94: {  	_ =	strace s2  }
0x95: {  	s2 =	sld [smem:$0x3FFD];
	_ =	sdelay $0x3  }
0x96: {  	_ =	strace s2  }
0x97: {  	_ =	strace $0x8FFFFFFF  }
0x98: {  	s18 =	sld [smem:$0x3FDB];
	_ =	sdelay $0x1  }
0x99: {  	s19 =	simm.s32 $_scs_section_size  }
0x9a: {  	s4 =	simm.s32 $_size__tile_overlayer_lowered;
	s5 =	simm.s32 $_tile_overlayer_lowered  }
0x9b: {  	s22 =	simm.s32 $0x1BFF;
	s21 =	sshll.u32 s5, $0x1;
	s2 =	sadd.s32 s19, s18  }
0x9c: {  	s6 =	simm.s32 $0x0;
	s20 =	sshll.u32 s4, $0x1;
	s4 =	sadd.s32 s21, s2  }
0x9d: {  	[timem:s6], [sflag:s22] =	dma.local [hbm:s4], s20  }
0x9e: {  	_ =	swait.ge [sflag:s22], s20  }
0x9f: {  	s3 =	ssub.s32 $0x0, s20;
	[sflag:s22] =	ssyncset.done $0x0  }
0xa0: {  	[sflag:s22] =	ssyncadd.s32 s3;
	_ =	sdelay $0x1  }
0xa1: {  	s23 =	simm.s32 $0x1B8B  }
0xa2: {  	_ =	swait.ge [sflag:s23], $0x1  }
0xa3: {  	[sflag:s23] =	ssyncset.done $0x0  }
0xa4: {  	s25 =	simm.s32 $0x1B8E;
	s24 =	sld [smem:$0x3FFE];
	[sflag:s23] =	ssyncadd.s32 $0xFFFFFFFF  }
0xa5: {  	s26 =	simm.s32 $execute0_lowered;
	[smem:$0x3FD2] =	sst s25  }
0xa6: {  	s4 =	sshll.u32 s26, $0x1;
	_ =	strace $0x80000052;
	[dreg:$0x1] =	wrdreg $0xFFFFFFFF  }
0xa7: {  	s28 =	simm.s32 $_size_execute0_lowered;
	s2 =	sadd.s32 s2, s4;
	[dreg:$0x0] =	wrdreg $0x0  }
0xa8: {  	s4 =	sshll.u32 s28, $0x1;
	[dreg:$0x2] =	wrdreg s2  }
0xa9: {  	[dreg:$0x3] =	wrdreg s4  }
0xaa: {  	[dreg:$0x4] =	wrdreg $0xC0  }
0xab: {  	_ =	task [dreg:s6], $0x5FFFF  }
0xac: {  	[dreg:$0x1] =	wrdreg $0xFFFFFFFF  }
0xad: {  	[dreg:$0x0] =	wrdreg $0x60  }
0xae: {  	[dreg:$0x2] =	wrdreg s24  }
0xaf: {  	[dreg:$0x3] =	wrdreg $0xA  }
0xb0: {  	_ =	task.clear_ibuf [dreg:s6], $0x4FFFF;
	_ =	strace $0x90000052  }
0xb1: {  	s29 =	simm.s32 $0xA;
	_ =	strace $0x80000054  }
0xb2: {  	_ =	swait.ge [sflag:s29], $0x1  }
0xb3: {  	[sflag:s29] =	ssyncadd.s32 $0xFFFFFFFF  }
0xb4: {  	_ =	strace $0x90000054  }
0xb5: {  	_ =	sfence  }
0xb6: {  	s30 =	sld [smem:$0x0];
	_ =	sdelay $0x2  }
0xb7: {  	s31 =	sshll.u32 s1, $0xD;
	s1 =	sshrl.u32 s1, $0x2  }
0xb8: {  	s3 =	sand.u32 $0x4000, s31;
	s1 =	sadd.s32 s1, s30  }
0xb9: {  	s0 =	sor.u32 s3, s0;
	s1 =	sshll.u32 s1, $0x11  }
0xba: {  	s0 =	sor.u32 s1, s0  }
0xbb: {  	s0 =	sadd.s32 $0x8F2B, s0  }
0xbc: {  	[sflag:s0] =	ssyncadd.remote.s32 $0x1  }
0xbd: {  	_ =	sfence.sel $0xFFFF  }
0xbe: {  	[dreg:$0x0] =	wrdreg $0xFFFFFFFF;
	(pc) =	sbr.abs _section_cstart, $3  }
0xbf: {  	[dreg:$0x1] =	wrdreg $0xFFFFFFFF  }
0xc0: {  	_ =	task.clear_ibuf [dreg:s6], $0x2FFFF;
	_ =	strace $0x9FFFFFFF  }
0xc1: {  	(tm) =	ssettm $0x7FFFFFFF  }
tec
execute0_lowered:
.L_overlay_start_1:
0x0: {  	(tag) =	ssettag $0x1  }
0x1: {  	s4 =	rddreg [dreg:$0x0]  }
0x2: {  	s0 =	rddreg [dreg:$0x1]  }
0x3: {  	s2 =	simm.s32 $0x0;
	s3 =	srdreg.scid;
	s1 =	stileid.u32  }
0x4: {  	s9 =	simm.s32 $0xA00;
	s10 =	simm.s32 $0x4A00;
	s11 =	simm.s32 $0x100  }
0x5: {  	s12 =	simm.s32 $0x8A00;
	s13 =	simm.s32 $0x180;
	s14 =	simm.s32 $0xCA00  }
0x6: {  	s15 =	simm.s32 $0x1;
	s16 =	simm.s32 $0x2;
	s17 =	simm.s32 $0x0  }
0x7: {  	s3 =	sand.u32 $0x1, s3;
	s5 =	sshll.u32 s1, $0x1;
	s6 =	smul.u32 $0xA0000, s1  }
0x8: {  	[smem:$0x7FF] =	sst s2;
	s5 =	sor.u32 s3, s5;
	s7 =	smul.u32 $0x50000, s3  }
0x9: {  	_ =	strace $0x80000053;
	s8 =	ssub.s32 $0x2, s3;
	s5 =	smul.u32 $0x140, s5  }
0xa: {  	s3 =	sadd.s32 $0x32A00, s4;
	s31 =	sshrl.u32 s8, $0x1;
	s6 =	sadd.s32 s7, s6  }
0xb: {  	s7 =	ssub.s32 s8, s31;
	s5 =	sadd.s32 s5, s4;
	s6 =	sshrl.u32 s6, $0x3  }
0xc: {  	s8 =	simm.s32 $0x80;
	s6 =	sadd.s32 s6, s4;
	s4 =	sadd.s32 $0x2DA00, s5  }
0xd: {  	s5 =	smax.u32 s7, $0x1;
	s7 =	simm.s32 $0x3;
	s6 =	sadd.s32 $0x19C400, s6  }
.LBB2_1:
0xe: {  	[tilespmem:s2], [sflag:$0x3] =	stream.linear.gather [hbm4b:s4+s2], $0xA00, $0x38;
	[tilespmem:$0x18A00] =	vst v63  }
0xf: {  	_ =	swait.ge [sflag:s7], $0xA00  }
0x10: {  	[sflag:s7] =	ssyncset.done $0x0  }
0x11: {  	[sflag:s7] =	ssyncadd.s32 $0xFFFFF600  }
0x12: {  	[tilespmem:s9], [sflag:$0x1] =	stream.indirect.gather [hbm4b:s3+s8], $0x80, s2, s8, $0xb8;
	[tilespmem:$0x18A00] =	vst v63  }
0x13: {  	_ = 	snop  }
0x14: {  	[tilespmem:s10], [sflag:$0x1] =	stream.indirect.gather [hbm4b:s3+s8], $0x80, s8, s8, $0xb8;
	[tilespmem:$0x18A00] =	vst v63  }
0x15: {  	_ = 	snop  }
0x16: {  	[tilespmem:s12], [sflag:$0x1] =	stream.indirect.gather [hbm4b:s3+s8], $0x80, s11, s8, $0xb8;
	[tilespmem:$0x18A00] =	vst v63  }
0x17: {  	s18 =	simm.s32 $0x200;
	s19 =	smov.u32 s6;
	s20 =	simm.s32 $0x0  }
0x18: {  	[tilespmem:s14], [sflag:$0x1] =	stream.indirect.gather [hbm4b:s3+s8], $0x80, s13, s8, $0xb8;
	[tilespmem:$0x18A00] =	vst v63  }
.LBB2_2:
0x19: {  	p0 =	slt.u32 s20, $0x2  }
0x1a: {  	s21 =	simm.s32 @!p0 $0x2  }
0x1b: {  	p1 =	sgt.u32 @!p0 s20, $0xF;
	_ =	swait.ge @!p0 [sflag:s21], $0x4000  }
0x1c: {  	p1 =	por p0, !p1;
	[sflag:s21] =	ssyncset.done @!p0 $0x0  }
0x1d: {  	[sflag:s21] =	ssyncadd.s32 @!p0 $0xFFFFC000;
	s21 =	sadd.s32 @p1 $0x4, s20  }
0x1e: {  	s22 =	smul.u32 @p1 $0xAB, s21;
	_ =	sdelay $0x1  }
0x1f: {  	s22 =	sshrl.u32 @p1 s22, $0xA  }
0x20: {  	s22 =	sand.u32 @p1 $0x3F, s22  }
0x21: {  	s22 =	smul.u32 @p1 $0x6, s22;
	_ =	sdelay $0x1  }
0x22: {  	s21 =	ssub.s32 @p1 s21, s22  }
0x23: {  	s21 =	sand.u32 @p1 $0xFF, s21  }
0x24: {  	s21 =	sshll.u32 @p1 s21, $0xE  }
0x25: {  	s31 =	smul.u32 $0xAB, s20;
	s21 =	sor.u32 @p1 $0xA00, s21  }
0x26: {  	[tilespmem:s21], [sflag:$0x1] =	stream.indirect.gather @p1 [hbm4b:s3+s8], $0x80, s18, s8, $0xb8;
	[tilespmem:$0x18A00] =	vst v63  }
0x27: {  	s21 =	sshrl.u32 s31, $0xA  }
0x28: {  	s21 =	sand.u32 $0x3F, s21  }
0x29: {  	s21 =	smul.u32 $0x6, s21;
	_ =	sdelay $0x1  }
0x2a: {  	s21 =	ssub.s32 s20, s21;
	s20 =	sadd.s32 $0x1, s20  }
0x2b: {  	p0 =	sne.s32 s20, $0x14  }
.Ltmp0:
0x2c: {  	_ =	swait.ge [sflag:s15], $0x4000;
	s21 =	sand.u32 $0xFF, s21;
	(pc) =	sbr.rel @p0 .LBB2_2-.Ltmp0, $4  }
0x2d: {  	[sflag:s15] =	ssyncset.done $0x0;
	s21 =	sshll.u32 s21, $0xE  }
0x2e: {  	[sflag:s15] =	ssyncadd.s32 $0xFFFFC000;
	s21 =	sor.u32 $0xA00, s21  }
0x2f: {  	[hbm4b:s19+s2] =	stream.linear.scatter [tilespmem:s21], [sflag:$0x2], $0x4000, $0x38;
	[tilespmem:$0x18A00] =	vst v63  }
0x30: {  	s18 =	sadd.s32 $0x80, s18;
	s19 =	sadd.s32 $0x800, s19  }
0x31: {  	s17 =	sadd.s32 $0x1, s17  }
0x32: {  	_ =	swait.ge [sflag:s16], $0x4000;
	p0 =	sne.s32 s17, s5  }
.Ltmp1:
0x33: {  	[sflag:s16] =	ssyncset.done $0x0;
	(pc) =	sbr.rel @p0 .LBB2_1-.Ltmp1, $4  }
0x34: {  	[sflag:s16] =	ssyncadd.s32 $0xFFFFC000  }
0x35: {  	_ =	swait.ge [sflag:s16], $0x4000  }
0x36: {  	[sflag:s16] =	ssyncset.done $0x0  }
0x37: {  	[sflag:s16] =	ssyncadd.s32 $0xFFFFC000  }
0x38: {  	_ =	sfence.sel $0x180000  }
0x39: {  	[bflag:$0x0] =	sbarrier.arrive $0xFFFF  }
0x3a: {  	p0 =	sne.s32 s1, $0x0;
	_ =	strace $0x90000053  }
0x3b: {  	s0 =	sadd.s32 @!p0 $0x100000, s0;
	[bflag:$0x2] =	sbarrier.arrive $0xFFFF  }
0x3c: {  	[sflag:s0] =	ssyncadd.tile.s32 @!p0 $0x1;
	_ =	shalt  }
.Lfunc_end2:
_tile_overlayer_lowered:
.L_overlay_start_2:
0x3d: {  	(tag) =	ssettag $0x2  }
0x3e: {  	s0 =	rddreg [dreg:$0x0];
	s2 =	stileid.u32  }
0x3f: {  	s1 =	rddreg [dreg:$0x1];
	p0 =	sne.s32 s2, $0x0  }
0x40: {  	s3 =	rddreg [dreg:$0x2];
	[bflag:$0x3] =	sbarrier.arrive $0xFFFF;
	s2 =	simm.s32 @!p0 $0x1C03  }
0x41: {  	[timem:s3], [sflag:s2] =	dma.local @!p0 [hbm:s0], s1  }
0x42: {  	s0 =	simm.s32 @!p0 $0x3  }
0x43: {  	_ =	swait.ge @!p0 [sflag:s0], s1  }
0x44: {  	s1 =	ssub.s32 @!p0 $0x0, s1;
	[sflag:s0] =	ssyncset.done @!p0 $0x0  }
0x45: {  	[sflag:s0] =	ssyncadd.s32 @!p0 s1  }
0x46: {  	[bflag:$0x3] =	sbarrier.arrive $0xFFFF  }
0x47: {  	_ =	shalt  }

// kernel: kernel.32.cloned.1.call-start
scs
__scs_entry_jumppad:
0x0: {  	(pc) =	sbr.rel $0x88, $3  }
0x1: {  	(tag) =	ssettag $0x0;
	lr =	simm.s32 $0x1  }
0x2: {  	[smem:$0x3F97] =	sst lr;
	_ =	strace $0xD0000000  }
0x3: {  	_ = 	snop  }
0x4: {  	_ = 	snop  }
0x5: {  	_ = 	snop  }
0x6: {  	_ = 	snop  }
0x7: {  	_ = 	snop  }
__scs_overlays_trampoline_lowered:
0x8: {  	[smem:$0x3FA6] =	sst s0  }
0x9: {  	[smem:$0x3FA7] =	sst s1  }
0xa: {  	[smem:$0x3FA8] =	sst s2  }
0xb: {  	[smem:$0x3FA9] =	sst s3  }
0xc: {  	[smem:$0x3FAA] =	sst s4  }
0xd: {  	[smem:$0x3FAB] =	sst s5  }
0xe: {  	[smem:$0x3FAC] =	sst s6  }
0xf: {  	[smem:$0x3FAD] =	sst s7  }
0x10: {  	[smem:$0x3FAE] =	sst s8  }
0x11: {  	[smem:$0x3FAF] =	sst s9;
	s0 =	simm.s32 @!p0 $0x0  }
0x12: {  	s1 =	sld [smem:$0x3F95];
	s0 =	simm.s32 @p0 $0x1  }
0x13: {  	[smem:$0x3FB0] =	sst s0;
	s0 =	simm.s32 @!p1 $0x0  }
0x14: {  	s2 =	sld [smem:$0x3F94];
	s0 =	simm.s32 @p1 $0x1  }
0x15: {  	[smem:$0x3FB1] =	sst s0;
	s0 =	simm.s32 @!p2 $0x0  }
0x16: {  	s3 =	sld [smem:$0x3FDB];
	s0 =	simm.s32 @p2 $0x1  }
0x17: {  	s4 =	simm.s32 $0x1BF5;
	[smem:$0x3FB3] =	sst s0  }
0x18: {  	s0 =	sld [smem:$0x3F96];
	_ =	swait.ge [sflag:s4], $0x0  }
0x19: {  	s7 =	sld [smem:$0x3F97]  }
0x1a: {  	s8 =	sadd.s32 $0xFFFFE003, lr  }
0x1b: {  	s9 =	sadd.s32 $0xFFFFFEF7, lr;
	s5 =	simm.s32 $0xFFFFFFFF;
	p2 =	slt.u32 s8, $0xFFFFF086  }
0x1c: {  	p1 =	slt.u32 s9, $0xF7A;
	s5 =	simm.s32 @!p2 $0x0  }
0x1d: {  	s5 =	simm.s32 @p1 $0x1;
	p0 =	seq.s32 s7, s2  }
0x1e: {  	s7 =	smul.u32 @!p0 $0xF7A, s2;
	p2 =	seq.s32 @!p0 s5, $0x0  }
0x1f: {  	s9 =	smul.u32 $0xF7A, s1;
	s8 =	simm.s32 @!p0 $0x1BF5;
	p2 =	por !p2, p0  }
0x20: {  	[sflag:s8] =	ssyncset.s32 @!p0 $0xFFFFF086;
	s6 =	sadd.s32 @!p0 s3, s7;
	s7 =	simm.s32 @!p0 $0x108  }
0x21: {  	s3 =	sadd.s32 s3, s9;
	s6 =	sadd.s32 @!p0 $0x88, s6;
	s7 =	simm.s32 @p2 $0x1082  }
0x22: {  	[simem:s7], [sflag:s8] =	dma.local @!p0 [hbm:s6], $0xF7A  }
0x23: {  	s9 =	sor.u32 $0xD0000000, s2;
	s6 =	simm.s32 $0x108;
	_ =	swait.ge @!p0 [sflag:s8], $0x0  }
0x24: {  	s3 =	sadd.s32 $0x88, s3;
	s6 =	simm.s32 @!p1 $0x1082;
	[sflag:s4] =	ssyncset.s32 $0xFFFFF086  }
0x25: {  	[simem:s6], [sflag:s4] =	dma.local [hbm:s3], $0xF7A  }
0x26: {  	[smem:$0x3F97] =	sst s1;
	(tag) =	ssettag s2;
	_ =	strace s9  }
0x27: {  	s1 =	sld [smem:$0x3FA7]  }
0x28: {  	s2 =	sld [smem:$0x3FA8]  }
0x29: {  	s4 =	sld [smem:$0x3FAA]  }
0x2a: {  	p0 =	seq.s32 s5, $0x0;
	s5 =	sld [smem:$0x3FAB]  }
0x2b: {  	s6 =	sld [smem:$0x3FAC]  }
0x2c: {  	s7 =	sld [smem:$0x3FAD]  }
0x2d: {  	s3 =	simm.s32 $0x108;
	s8 =	sld [smem:$0x3FAE]  }
0x2e: {  	s3 =	simm.s32 @!p0 $0x1082;
	s9 =	sld [smem:$0x3FAF]  }
0x2f: {  	lr =	sadd.s32 s0, s3;
	s0 =	sld [smem:$0x3FA6]  }
0x30: {  	s3 =	sld [smem:$0x3FA9]  }
0x31: {  	[smem:$0x3FB2] =	sst s10  }
0x32: {  	s10 =	sld [smem:$0x3FB0];
	_ =	sdelay $0x3  }
0x33: {  	p0 =	seq.s32 s10, $0x1;
	s10 =	sld [smem:$0x3FB2];
	_ =	sdelay $0x3  }
0x34: {  	[smem:$0x3FB2] =	sst s10  }
0x35: {  	s10 =	sld [smem:$0x3FB1];
	_ =	sdelay $0x3  }
0x36: {  	p1 =	seq.s32 s10, $0x1;
	s10 =	sld [smem:$0x3FB2];
	_ =	sdelay $0x3  }
0x37: {  	[smem:$0x3FB2] =	sst s10  }
0x38: {  	s10 =	sld [smem:$0x3FB3]  }
0x39: {  	_ = 	snop;
	(pc) =	sbr.ind lr, $3  }
0x3a: {  	_ = 	snop  }
0x3b: {  	_ = 	snop  }
0x3c: {  	p2 =	seq.s32 s10, $0x1;
	s10 =	sld [smem:$0x3FB2]  }
0x3d: {  	_ =	shalt  }
0x3e: {  	_ =	shalt  }
0x3f: {  	_ =	shalt  }
0x40: {  	_ =	shalt  }
0x41: {  	_ =	shalt  }
0x42: {  	_ =	shalt  }
0x43: {  	_ =	shalt  }
0x44: {  	_ =	shalt  }
0x45: {  	_ =	shalt  }
0x46: {  	_ =	shalt  }
0x47: {  	_ =	shalt  }
0x48: {  	_ =	shalt  }
0x49: {  	_ =	shalt  }
0x4a: {  	_ =	shalt  }
0x4b: {  	_ =	shalt  }
0x4c: {  	_ =	shalt  }
0x4d: {  	_ =	shalt  }
0x4e: {  	_ =	shalt  }
0x4f: {  	_ =	shalt  }
0x50: {  	_ =	shalt  }
0x51: {  	_ =	shalt  }
0x52: {  	_ =	shalt  }
0x53: {  	_ =	shalt  }
0x54: {  	_ =	shalt  }
0x55: {  	_ =	shalt  }
0x56: {  	_ =	shalt  }
0x57: {  	_ =	shalt  }
0x58: {  	_ =	shalt  }
0x59: {  	_ =	shalt  }
0x5a: {  	_ =	shalt  }
0x5b: {  	_ =	shalt  }
0x5c: {  	_ =	shalt  }
0x5d: {  	_ =	shalt  }
0x5e: {  	_ =	shalt  }
0x5f: {  	_ =	shalt  }
0x60: {  	_ =	shalt  }
0x61: {  	_ =	shalt  }
0x62: {  	_ =	shalt  }
0x63: {  	_ =	shalt  }
0x64: {  	_ =	shalt  }
0x65: {  	_ =	shalt  }
0x66: {  	_ =	shalt  }
0x67: {  	_ =	shalt  }
0x68: {  	_ =	shalt  }
0x69: {  	_ =	shalt  }
0x6a: {  	_ =	shalt  }
0x6b: {  	_ =	shalt  }
0x6c: {  	_ =	shalt  }
0x6d: {  	_ =	shalt  }
0x6e: {  	_ =	shalt  }
0x6f: {  	_ =	shalt  }
0x70: {  	_ =	shalt  }
0x71: {  	_ =	shalt  }
0x72: {  	_ =	shalt  }
0x73: {  	_ =	shalt  }
0x74: {  	_ =	shalt  }
0x75: {  	_ =	shalt  }
0x76: {  	_ =	shalt  }
0x77: {  	_ =	shalt  }
0x78: {  	_ =	shalt  }
0x79: {  	_ =	shalt  }
0x7a: {  	_ =	shalt  }
0x7b: {  	_ =	shalt  }
0x7c: {  	_ =	shalt  }
0x7d: {  	_ =	shalt  }
0x7e: {  	_ =	shalt  }
0x7f: {  	_ =	shalt  }
0x80: {  	_ =	shalt  }
0x81: {  	_ =	shalt  }
0x82: {  	_ =	shalt  }
0x83: {  	_ =	shalt  }
0x84: {  	_ =	shalt  }
0x85: {  	_ =	shalt  }
0x86: {  	_ =	shalt  }
0x87: {  	_ =	shalt  }
.Lfunc_end0:
.L_simem_size_0:
called_computation.5_lowered:
.L_overlay_start_0:
0x88: {  	s2 =	sld [smem:$0x3FD9]  }
0x89: {  	s3 =	sld [smem:$0x3FFE];
	_ =	sdelay $0x1  }
0x8a: {  	s1 =	srdreg.scid  }
0x8b: {  	s0 =	sand.u32 $0x1, s1  }
0x8c: {  	s17 =	sshll.u32 s0, $0xA;
	s2 =	sadd.s32 s3, s2  }
0x8d: {  	s2 =	sadd.s32 s2, s17  }
0x8e: {  	[smem:$0x3FBE] =	sst s2  }
0x8f: {  	_ = 	snop  }
0x90: {  	(tm) =	ssettm $0x1  }
0x91: {  	s18 =	sld [smem:$0x3FFB];
	_ =	sdelay $0x3  }
0x92: {  	_ =	strace s18  }
0x93: {  	s2 =	sld [smem:$0x3FFC];
	_ =	sdelay $0x3  }
0x94: {  	_ =	strace s2  }
0x95: {  	s2 =	sld [smem:$0x3FFD];
	_ =	sdelay $0x3  }
0x96: {  	_ =	strace s2  }
0x97: {  	_ =	strace $0x8FFFFFFF  }
0x98: {  	s19 =	sld [smem:$0x3FDB];
	_ =	sdelay $0x1  }
0x99: {  	s20 =	simm.s32 $_scs_section_size  }
0x9a: {  	s4 =	simm.s32 $_size__tile_overlayer_lowered;
	s5 =	simm.s32 $_tile_overlayer_lowered  }
0x9b: {  	s6 =	simm.s32 $0x1BFF;
	s21 =	sshll.u32 s5, $0x1;
	s3 =	sadd.s32 s20, s19  }
0x9c: {  	s22 =	simm.s32 $0x0;
	s4 =	sshll.u32 s4, $0x1;
	s5 =	sadd.s32 s21, s3  }
0x9d: {  	[timem:s22], [sflag:s6] =	dma.local [hbm:s5], s4  }
0x9e: {  	_ =	swait.ge [sflag:s6], s4  }
0x9f: {  	s4 =	ssub.s32 $0x0, s4;
	[sflag:s6] =	ssyncset.done $0x0  }
0xa0: {  	[sflag:s6] =	ssyncadd.s32 s4;
	_ =	sdelay $0x1  }
0xa1: {  	s23 =	simm.s32 $0x1B8B  }
0xa2: {  	_ =	swait.ge [sflag:s23], $0x1  }
0xa3: {  	[sflag:s23] =	ssyncset.done $0x0  }
0xa4: {  	[sflag:s23] =	ssyncadd.s32 $0xFFFFFFFF  }
0xa5: {  	s4 =	sld [smem:$0x0]  }
0xa6: {  	s5 =	sand.u32 $0xFFFFFFFE, s1  }
0xa7: {  	p0 =	sne.s32 s1, s5  }
0xa8: {  	s5 =	sshll.u32 @p0 s5, $0xE  }
0xa9: {  	s5 =	sadd.s32 @p0 $0x11B8D, s5;
	s6 =	sshll.u32 @p0 s4, $0x11  }
0xaa: {  	s5 =	sor.u32 @p0 s6, s5  }
0xab: {  	[sflag:s5] =	ssyncadd.remote.s32 @p0 $0x1;
	_ =	sdelay $0x1  }
0xac: {  	s5 =	simm.s32 @p0 $0x1B8D  }
0xad: {  	_ =	swait.eq @p0 [sflag:s5], $0x1  }
0xae: {  	[sflag:s5] =	ssyncadd.s32 @p0 $0xFFFFFFFF  }
0xaf: {  	s6 =	sshll.u32 @!p0 s1, $0xE  }
0xb0: {  	s6 =	sor.u32 @!p0 $0x4000, s6;
	s5 =	simm.s32 @!p0 $0x1B8D  }
0xb1: {  	s4 =	sshll.u32 @!p0 s4, $0x11;
	s6 =	sadd.s32 @!p0 $0x11B8D, s6;
	_ =	swait.eq @!p0 [sflag:s5], $0x1  }
0xb2: {  	s4 =	sor.u32 @!p0 s4, s6;
	[sflag:s5] =	ssyncadd.s32 @!p0 $0xFFFFFFFF  }
0xb3: {  	s25 =	simm.s32 $0x1B8E;
	s24 =	sld [smem:$0x3FFE];
	[sflag:s4] =	ssyncadd.remote.s32 @!p0 $0x1  }
0xb4: {  	s26 =	simm.s32 $execute0_lowered;
	[smem:$0x3FD2] =	sst s25  }
0xb5: {  	s5 =	sshll.u32 s26, $0x1;
	_ =	strace $0x80000055;
	[dreg:$0x1] =	wrdreg $0xFFFFFFFF  }
0xb6: {  	s28 =	simm.s32 $_size_execute0_lowered;
	s3 =	sadd.s32 s3, s5;
	[dreg:$0x0] =	wrdreg $0x0  }
0xb7: {  	s5 =	sshll.u32 s28, $0x1;
	[dreg:$0x2] =	wrdreg s3  }
0xb8: {  	[dreg:$0x3] =	wrdreg s5  }
0xb9: {  	[dreg:$0x4] =	wrdreg $0xC0  }
0xba: {  	_ =	task [dreg:s22], $0x5FFFF  }
0xbb: {  	[dreg:$0x1] =	wrdreg $0xFFFFFFFF  }
0xbc: {  	[dreg:$0x0] =	wrdreg $0x60  }
0xbd: {  	[dreg:$0x2] =	wrdreg s24  }
0xbe: {  	[dreg:$0x3] =	wrdreg $0x9  }
0xbf: {  	_ =	task.clear_ibuf [dreg:s22], $0x4FFFF;
	_ =	strace $0x90000055  }
0xc0: {  	s29 =	simm.s32 $0x9;
	_ =	strace $0x80000057  }
0xc1: {  	_ =	swait.ge [sflag:s29], $0x1  }
0xc2: {  	[sflag:s29] =	ssyncadd.s32 $0xFFFFFFFF  }
0xc3: {  	_ =	strace $0x90000057  }
0xc4: {  	_ =	sfence  }
0xc5: {  	s30 =	sld [smem:$0x0];
	_ =	sdelay $0x2  }
0xc6: {  	s31 =	sshll.u32 s1, $0xD;
	s1 =	sshrl.u32 s1, $0x2  }
0xc7: {  	s4 =	sand.u32 $0x4000, s31;
	s1 =	sadd.s32 s1, s30  }
0xc8: {  	s0 =	sor.u32 s4, s0;
	s1 =	sshll.u32 s1, $0x11  }
0xc9: {  	s0 =	sor.u32 s1, s0  }
0xca: {  	s0 =	sadd.s32 $0x8F2B, s0  }
0xcb: {  	[sflag:s0] =	ssyncadd.remote.s32 $0x1  }
0xcc: {  	_ =	sfence.sel $0xFFFF  }
0xcd: {  	[dreg:$0x0] =	wrdreg $0xFFFFFFFF;
	(pc) =	sbr.abs _section_cstart, $3  }
0xce: {  	[dreg:$0x1] =	wrdreg $0xFFFFFFFF  }
0xcf: {  	_ =	task.clear_ibuf [dreg:s22], $0x2FFFF;
	_ =	strace $0x9FFFFFFF  }
0xd0: {  	(tm) =	ssettm $0x7FFFFFFF  }
0xd1: {  	_ =	shalt  }
tec
execute0_lowered:
.L_overlay_start_1:
0x0: {  	(tag) =	ssettag $0x1  }
0x1: {  	s4 =	rddreg [dreg:$0x0]  }
0x2: {  	s0 =	rddreg [dreg:$0x1]  }
0x3: {  	s2 =	simm.s32 $0x0;
	s3 =	srdreg.scid;
	s1 =	stileid.u32  }
0x4: {  	s9 =	simm.s32 $0xA00;
	s10 =	simm.s32 $0x4A00;
	s11 =	simm.s32 $0x100  }
0x5: {  	s12 =	simm.s32 $0x8A00;
	s13 =	simm.s32 $0x180;
	s14 =	simm.s32 $0xCA00  }
0x6: {  	s15 =	simm.s32 $0x1;
	s16 =	simm.s32 $0x2;
	s17 =	simm.s32 $0x0  }
0x7: {  	s3 =	sand.u32 $0x1, s3;
	s5 =	sshll.u32 s1, $0x1;
	s6 =	smul.u32 $0xA0000, s1  }
0x8: {  	[smem:$0x7FF] =	sst s2;
	s5 =	sor.u32 s3, s5;
	s7 =	smul.u32 $0x50000, s3  }
0x9: {  	_ =	strace $0x80000056;
	s8 =	ssub.s32 $0x2, s3;
	s5 =	smul.u32 $0x140, s5  }
0xa: {  	s3 =	sadd.s32 $0x32A00, s4;
	s31 =	sshrl.u32 s8, $0x1;
	s6 =	sadd.s32 s7, s6  }
0xb: {  	s7 =	ssub.s32 s8, s31;
	s5 =	sadd.s32 s5, s4;
	s6 =	sshrl.u32 s6, $0x3  }
0xc: {  	s8 =	simm.s32 $0x80;
	s6 =	sadd.s32 s6, s4;
	s4 =	sadd.s32 $0x199C00, s5  }
0xd: {  	s5 =	smax.u32 s7, $0x1;
	s7 =	simm.s32 $0x3;
	s6 =	sadd.s32 $0x68FC00, s6  }
.LBB2_1:
0xe: {  	[tilespmem:s2], [sflag:$0x3] =	stream.linear.gather [hbm4b:s4+s2], $0xA00, $0x38;
	[tilespmem:$0x18A00] =	vst v63  }
0xf: {  	_ =	swait.ge [sflag:s7], $0xA00  }
0x10: {  	[sflag:s7] =	ssyncset.done $0x0  }
0x11: {  	[sflag:s7] =	ssyncadd.s32 $0xFFFFF600  }
0x12: {  	[tilespmem:s9], [sflag:$0x1] =	stream.indirect.gather [hbm4b:s3+s8], $0x80, s2, s8, $0xb8;
	[tilespmem:$0x18A00] =	vst v63  }
0x13: {  	_ = 	snop  }
0x14: {  	[tilespmem:s10], [sflag:$0x1] =	stream.indirect.gather [hbm4b:s3+s8], $0x80, s8, s8, $0xb8;
	[tilespmem:$0x18A00] =	vst v63  }
0x15: {  	_ = 	snop  }
0x16: {  	[tilespmem:s12], [sflag:$0x1] =	stream.indirect.gather [hbm4b:s3+s8], $0x80, s11, s8, $0xb8;
	[tilespmem:$0x18A00] =	vst v63  }
0x17: {  	s18 =	simm.s32 $0x200;
	s19 =	smov.u32 s6;
	s20 =	simm.s32 $0x0  }
0x18: {  	[tilespmem:s14], [sflag:$0x1] =	stream.indirect.gather [hbm4b:s3+s8], $0x80, s13, s8, $0xb8;
	[tilespmem:$0x18A00] =	vst v63  }
.LBB2_2:
0x19: {  	p0 =	slt.u32 s20, $0x2  }
0x1a: {  	s21 =	simm.s32 @!p0 $0x2  }
0x1b: {  	p1 =	sgt.u32 @!p0 s20, $0xF;
	_ =	swait.ge @!p0 [sflag:s21], $0x4000  }
0x1c: {  	p1 =	por p0, !p1;
	[sflag:s21] =	ssyncset.done @!p0 $0x0  }
0x1d: {  	[sflag:s21] =	ssyncadd.s32 @!p0 $0xFFFFC000;
	s21 =	sadd.s32 @p1 $0x4, s20  }
0x1e: {  	s22 =	smul.u32 @p1 $0xAB, s21;
	_ =	sdelay $0x1  }
0x1f: {  	s22 =	sshrl.u32 @p1 s22, $0xA  }
0x20: {  	s22 =	sand.u32 @p1 $0x3F, s22  }
0x21: {  	s22 =	smul.u32 @p1 $0x6, s22;
	_ =	sdelay $0x1  }
0x22: {  	s21 =	ssub.s32 @p1 s21, s22  }
0x23: {  	s21 =	sand.u32 @p1 $0xFF, s21  }
0x24: {  	s21 =	sshll.u32 @p1 s21, $0xE  }
0x25: {  	s31 =	smul.u32 $0xAB, s20;
	s21 =	sor.u32 @p1 $0xA00, s21  }
0x26: {  	[tilespmem:s21], [sflag:$0x1] =	stream.indirect.gather @p1 [hbm4b:s3+s8], $0x80, s18, s8, $0xb8;
	[tilespmem:$0x18A00] =	vst v63  }
0x27: {  	s21 =	sshrl.u32 s31, $0xA  }
0x28: {  	s21 =	sand.u32 $0x3F, s21  }
0x29: {  	s21 =	smul.u32 $0x6, s21;
	_ =	sdelay $0x1  }
0x2a: {  	s21 =	ssub.s32 s20, s21;
	s20 =	sadd.s32 $0x1, s20  }
0x2b: {  	p0 =	sne.s32 s20, $0x14  }
.Ltmp0:
0x2c: {  	_ =	swait.ge [sflag:s15], $0x4000;
	s21 =	sand.u32 $0xFF, s21;
	(pc) =	sbr.rel @p0 .LBB2_2-.Ltmp0, $4  }
0x2d: {  	[sflag:s15] =	ssyncset.done $0x0;
	s21 =	sshll.u32 s21, $0xE  }
0x2e: {  	[sflag:s15] =	ssyncadd.s32 $0xFFFFC000;
	s21 =	sor.u32 $0xA00, s21  }
0x2f: {  	[hbm4b:s19+s2] =	stream.linear.scatter [tilespmem:s21], [sflag:$0x2], $0x4000, $0x38;
	[tilespmem:$0x18A00] =	vst v63  }
0x30: {  	s18 =	sadd.s32 $0x80, s18;
	s19 =	sadd.s32 $0x800, s19  }
0x31: {  	s17 =	sadd.s32 $0x1, s17  }
0x32: {  	_ =	swait.ge [sflag:s16], $0x4000;
	p0 =	sne.s32 s17, s5  }
.Ltmp1:
0x33: {  	[sflag:s16] =	ssyncset.done $0x0;
	(pc) =	sbr.rel @p0 .LBB2_1-.Ltmp1, $4  }
0x34: {  	[sflag:s16] =	ssyncadd.s32 $0xFFFFC000  }
0x35: {  	_ =	swait.ge [sflag:s16], $0x4000  }
0x36: {  	[sflag:s16] =	ssyncset.done $0x0  }
0x37: {  	[sflag:s16] =	ssyncadd.s32 $0xFFFFC000  }
0x38: {  	_ =	sfence.sel $0x180000  }
0x39: {  	[bflag:$0x0] =	sbarrier.arrive $0xFFFF  }
0x3a: {  	p0 =	sne.s32 s1, $0x0;
	_ =	strace $0x90000056  }
0x3b: {  	s0 =	sadd.s32 @!p0 $0x100000, s0;
	[bflag:$0x2] =	sbarrier.arrive $0xFFFF  }
0x3c: {  	[sflag:s0] =	ssyncadd.tile.s32 @!p0 $0x1;
	_ =	shalt  }
.Lfunc_end2:
_tile_overlayer_lowered:
.L_overlay_start_2:
0x3d: {  	(tag) =	ssettag $0x2  }
0x3e: {  	s0 =	rddreg [dreg:$0x0];
	s2 =	stileid.u32  }
0x3f: {  	s1 =	rddreg [dreg:$0x1];
	p0 =	sne.s32 s2, $0x0  }
0x40: {  	s3 =	rddreg [dreg:$0x2];
	[bflag:$0x3] =	sbarrier.arrive $0xFFFF;
	s2 =	simm.s32 @!p0 $0x1C03  }
0x41: {  	[timem:s3], [sflag:s2] =	dma.local @!p0 [hbm:s0], s1  }
0x42: {  	s0 =	simm.s32 @!p0 $0x3  }
0x43: {  	_ =	swait.ge @!p0 [sflag:s0], s1  }
0x44: {  	s1 =	ssub.s32 @!p0 $0x0, s1;
	[sflag:s0] =	ssyncset.done @!p0 $0x0  }
0x45: {  	[sflag:s0] =	ssyncadd.s32 @!p0 s1  }
0x46: {  	[bflag:$0x3] =	sbarrier.arrive $0xFFFF  }
0x47: {  	_ =	shalt  }

// kernel: kernel.35.cloned.1.call-start
scs
__scs_entry_jumppad:
0x0: {  	(pc) =	sbr.rel $0x88, $3  }
0x1: {  	(tag) =	ssettag $0x0;
	lr =	simm.s32 $0x1  }
0x2: {  	[smem:$0x3F97] =	sst lr;
	_ =	strace $0xD0000000  }
0x3: {  	_ = 	snop  }
0x4: {  	_ = 	snop  }
0x5: {  	_ = 	snop  }
0x6: {  	_ = 	snop  }
0x7: {  	_ = 	snop  }
__scs_overlays_trampoline_lowered:
0x8: {  	[smem:$0x3FA6] =	sst s0  }
0x9: {  	[smem:$0x3FA7] =	sst s1  }
0xa: {  	[smem:$0x3FA8] =	sst s2  }
0xb: {  	[smem:$0x3FA9] =	sst s3  }
0xc: {  	[smem:$0x3FAA] =	sst s4  }
0xd: {  	[smem:$0x3FAB] =	sst s5  }
0xe: {  	[smem:$0x3FAC] =	sst s6  }
0xf: {  	[smem:$0x3FAD] =	sst s7  }
0x10: {  	[smem:$0x3FAE] =	sst s8  }
0x11: {  	[smem:$0x3FAF] =	sst s9;
	s0 =	simm.s32 @!p0 $0x0  }
0x12: {  	s1 =	sld [smem:$0x3F95];
	s0 =	simm.s32 @p0 $0x1  }
0x13: {  	[smem:$0x3FB0] =	sst s0;
	s0 =	simm.s32 @!p1 $0x0  }
0x14: {  	s2 =	sld [smem:$0x3F94];
	s0 =	simm.s32 @p1 $0x1  }
0x15: {  	[smem:$0x3FB1] =	sst s0;
	s0 =	simm.s32 @!p2 $0x0  }
0x16: {  	s3 =	sld [smem:$0x3FDB];
	s0 =	simm.s32 @p2 $0x1  }
0x17: {  	s4 =	simm.s32 $0x1BF5;
	[smem:$0x3FB3] =	sst s0  }
0x18: {  	s0 =	sld [smem:$0x3F96];
	_ =	swait.ge [sflag:s4], $0x0  }
0x19: {  	s7 =	sld [smem:$0x3F97]  }
0x1a: {  	s8 =	sadd.s32 $0xFFFFE003, lr  }
0x1b: {  	s9 =	sadd.s32 $0xFFFFFEF7, lr;
	s5 =	simm.s32 $0xFFFFFFFF;
	p2 =	slt.u32 s8, $0xFFFFF086  }
0x1c: {  	p1 =	slt.u32 s9, $0xF7A;
	s5 =	simm.s32 @!p2 $0x0  }
0x1d: {  	s5 =	simm.s32 @p1 $0x1;
	p0 =	seq.s32 s7, s2  }
0x1e: {  	s7 =	smul.u32 @!p0 $0xF7A, s2;
	p2 =	seq.s32 @!p0 s5, $0x0  }
0x1f: {  	s9 =	smul.u32 $0xF7A, s1;
	s8 =	simm.s32 @!p0 $0x1BF5;
	p2 =	por !p2, p0  }
0x20: {  	[sflag:s8] =	ssyncset.s32 @!p0 $0xFFFFF086;
	s6 =	sadd.s32 @!p0 s3, s7;
	s7 =	simm.s32 @!p0 $0x108  }
0x21: {  	s3 =	sadd.s32 s3, s9;
	s6 =	sadd.s32 @!p0 $0x88, s6;
	s7 =	simm.s32 @p2 $0x1082  }
0x22: {  	[simem:s7], [sflag:s8] =	dma.local @!p0 [hbm:s6], $0xF7A  }
0x23: {  	s9 =	sor.u32 $0xD0000000, s2;
	s6 =	simm.s32 $0x108;
	_ =	swait.ge @!p0 [sflag:s8], $0x0  }
0x24: {  	s3 =	sadd.s32 $0x88, s3;
	s6 =	simm.s32 @!p1 $0x1082;
	[sflag:s4] =	ssyncset.s32 $0xFFFFF086  }
0x25: {  	[simem:s6], [sflag:s4] =	dma.local [hbm:s3], $0xF7A  }
0x26: {  	[smem:$0x3F97] =	sst s1;
	(tag) =	ssettag s2;
	_ =	strace s9  }
0x27: {  	s1 =	sld [smem:$0x3FA7]  }
0x28: {  	s2 =	sld [smem:$0x3FA8]  }
0x29: {  	s4 =	sld [smem:$0x3FAA]  }
0x2a: {  	p0 =	seq.s32 s5, $0x0;
	s5 =	sld [smem:$0x3FAB]  }
0x2b: {  	s6 =	sld [smem:$0x3FAC]  }
0x2c: {  	s7 =	sld [smem:$0x3FAD]  }
0x2d: {  	s3 =	simm.s32 $0x108;
	s8 =	sld [smem:$0x3FAE]  }
0x2e: {  	s3 =	simm.s32 @!p0 $0x1082;
	s9 =	sld [smem:$0x3FAF]  }
0x2f: {  	lr =	sadd.s32 s0, s3;
	s0 =	sld [smem:$0x3FA6]  }
0x30: {  	s3 =	sld [smem:$0x3FA9]  }
0x31: {  	[smem:$0x3FB2] =	sst s10  }
0x32: {  	s10 =	sld [smem:$0x3FB0];
	_ =	sdelay $0x3  }
0x33: {  	p0 =	seq.s32 s10, $0x1;
	s10 =	sld [smem:$0x3FB2];
	_ =	sdelay $0x3  }
0x34: {  	[smem:$0x3FB2] =	sst s10  }
0x35: {  	s10 =	sld [smem:$0x3FB1];
	_ =	sdelay $0x3  }
0x36: {  	p1 =	seq.s32 s10, $0x1;
	s10 =	sld [smem:$0x3FB2];
	_ =	sdelay $0x3  }
0x37: {  	[smem:$0x3FB2] =	sst s10  }
0x38: {  	s10 =	sld [smem:$0x3FB3]  }
0x39: {  	_ = 	snop;
	(pc) =	sbr.ind lr, $3  }
0x3a: {  	_ = 	snop  }
0x3b: {  	_ = 	snop  }
0x3c: {  	p2 =	seq.s32 s10, $0x1;
	s10 =	sld [smem:$0x3FB2]  }
0x3d: {  	_ =	shalt  }
0x3e: {  	_ =	shalt  }
0x3f: {  	_ =	shalt  }
0x40: {  	_ =	shalt  }
0x41: {  	_ =	shalt  }
0x42: {  	_ =	shalt  }
0x43: {  	_ =	shalt  }
0x44: {  	_ =	shalt  }
0x45: {  	_ =	shalt  }
0x46: {  	_ =	shalt  }
0x47: {  	_ =	shalt  }
0x48: {  	_ =	shalt  }
0x49: {  	_ =	shalt  }
0x4a: {  	_ =	shalt  }
0x4b: {  	_ =	shalt  }
0x4c: {  	_ =	shalt  }
0x4d: {  	_ =	shalt  }
0x4e: {  	_ =	shalt  }
0x4f: {  	_ =	shalt  }
0x50: {  	_ =	shalt  }
0x51: {  	_ =	shalt  }
0x52: {  	_ =	shalt  }
0x53: {  	_ =	shalt  }
0x54: {  	_ =	shalt  }
0x55: {  	_ =	shalt  }
0x56: {  	_ =	shalt  }
0x57: {  	_ =	shalt  }
0x58: {  	_ =	shalt  }
0x59: {  	_ =	shalt  }
0x5a: {  	_ =	shalt  }
0x5b: {  	_ =	shalt  }
0x5c: {  	_ =	shalt  }
0x5d: {  	_ =	shalt  }
0x5e: {  	_ =	shalt  }
0x5f: {  	_ =	shalt  }
0x60: {  	_ =	shalt  }
0x61: {  	_ =	shalt  }
0x62: {  	_ =	shalt  }
0x63: {  	_ =	shalt  }
0x64: {  	_ =	shalt  }
0x65: {  	_ =	shalt  }
0x66: {  	_ =	shalt  }
0x67: {  	_ =	shalt  }
0x68: {  	_ =	shalt  }
0x69: {  	_ =	shalt  }
0x6a: {  	_ =	shalt  }
0x6b: {  	_ =	shalt  }
0x6c: {  	_ =	shalt  }
0x6d: {  	_ =	shalt  }
0x6e: {  	_ =	shalt  }
0x6f: {  	_ =	shalt  }
0x70: {  	_ =	shalt  }
0x71: {  	_ =	shalt  }
0x72: {  	_ =	shalt  }
0x73: {  	_ =	shalt  }
0x74: {  	_ =	shalt  }
0x75: {  	_ =	shalt  }
0x76: {  	_ =	shalt  }
0x77: {  	_ =	shalt  }
0x78: {  	_ =	shalt  }
0x79: {  	_ =	shalt  }
0x7a: {  	_ =	shalt  }
0x7b: {  	_ =	shalt  }
0x7c: {  	_ =	shalt  }
0x7d: {  	_ =	shalt  }
0x7e: {  	_ =	shalt  }
0x7f: {  	_ =	shalt  }
0x80: {  	_ =	shalt  }
0x81: {  	_ =	shalt  }
0x82: {  	_ =	shalt  }
0x83: {  	_ =	shalt  }
0x84: {  	_ =	shalt  }
0x85: {  	_ =	shalt  }
0x86: {  	_ =	shalt  }
0x87: {  	_ =	shalt  }
.Lfunc_end0:
.L_simem_size_0:
called_computation.6_lowered:
.L_overlay_start_0:
0x88: {  	s2 =	sld [smem:$0x3FD9]  }
0x89: {  	s3 =	sld [smem:$0x3FFE];
	_ =	sdelay $0x1  }
0x8a: {  	s1 =	srdreg.scid  }
0x8b: {  	s0 =	sand.u32 $0x1, s1  }
0x8c: {  	s17 =	sshll.u32 s0, $0xA;
	s2 =	sadd.s32 s3, s2  }
0x8d: {  	s2 =	sadd.s32 s2, s17  }
0x8e: {  	[smem:$0x3FBE] =	sst s2  }
0x8f: {  	_ = 	snop  }
0x90: {  	(tm) =	ssettm $0x1  }
0x91: {  	s18 =	sld [smem:$0x3FFB];
	_ =	sdelay $0x3  }
0x92: {  	_ =	strace s18  }
0x93: {  	s2 =	sld [smem:$0x3FFC];
	_ =	sdelay $0x3  }
0x94: {  	_ =	strace s2  }
0x95: {  	s2 =	sld [smem:$0x3FFD];
	_ =	sdelay $0x3  }
0x96: {  	_ =	strace s2  }
0x97: {  	_ =	strace $0x8FFFFFFF  }
0x98: {  	s19 =	sld [smem:$0x3FDB];
	_ =	sdelay $0x1  }
0x99: {  	s20 =	simm.s32 $_scs_section_size  }
0x9a: {  	s4 =	simm.s32 $_size__tile_overlayer_lowered;
	s5 =	simm.s32 $_tile_overlayer_lowered  }
0x9b: {  	s6 =	simm.s32 $0x1BFF;
	s21 =	sshll.u32 s5, $0x1;
	s3 =	sadd.s32 s20, s19  }
0x9c: {  	s22 =	simm.s32 $0x0;
	s4 =	sshll.u32 s4, $0x1;
	s5 =	sadd.s32 s21, s3  }
0x9d: {  	[timem:s22], [sflag:s6] =	dma.local [hbm:s5], s4  }
0x9e: {  	_ =	swait.ge [sflag:s6], s4  }
0x9f: {  	s4 =	ssub.s32 $0x0, s4;
	[sflag:s6] =	ssyncset.done $0x0  }
0xa0: {  	[sflag:s6] =	ssyncadd.s32 s4;
	_ =	sdelay $0x1  }
0xa1: {  	s23 =	simm.s32 $0x1B8B  }
0xa2: {  	_ =	swait.ge [sflag:s23], $0x1  }
0xa3: {  	[sflag:s23] =	ssyncset.done $0x0  }
0xa4: {  	[sflag:s23] =	ssyncadd.s32 $0xFFFFFFFF  }
0xa5: {  	s4 =	sld [smem:$0x0]  }
0xa6: {  	s5 =	sand.u32 $0xFFFFFFFE, s1  }
0xa7: {  	p0 =	sne.s32 s1, s5  }
0xa8: {  	s5 =	sshll.u32 @p0 s5, $0xE  }
0xa9: {  	s5 =	sadd.s32 @p0 $0x11B8D, s5;
	s6 =	sshll.u32 @p0 s4, $0x11  }
0xaa: {  	s5 =	sor.u32 @p0 s6, s5  }
0xab: {  	[sflag:s5] =	ssyncadd.remote.s32 @p0 $0x1;
	_ =	sdelay $0x1  }
0xac: {  	s5 =	simm.s32 @p0 $0x1B8D  }
0xad: {  	_ =	swait.eq @p0 [sflag:s5], $0x1  }
0xae: {  	[sflag:s5] =	ssyncadd.s32 @p0 $0xFFFFFFFF  }
0xaf: {  	s6 =	sshll.u32 @!p0 s1, $0xE  }
0xb0: {  	s6 =	sor.u32 @!p0 $0x4000, s6;
	s5 =	simm.s32 @!p0 $0x1B8D  }
0xb1: {  	s4 =	sshll.u32 @!p0 s4, $0x11;
	s6 =	sadd.s32 @!p0 $0x11B8D, s6;
	_ =	swait.eq @!p0 [sflag:s5], $0x1  }
0xb2: {  	s4 =	sor.u32 @!p0 s4, s6;
	[sflag:s5] =	ssyncadd.s32 @!p0 $0xFFFFFFFF  }
0xb3: {  	s25 =	simm.s32 $0x1B8E;
	s24 =	sld [smem:$0x3FFE];
	[sflag:s4] =	ssyncadd.remote.s32 @!p0 $0x1  }
0xb4: {  	s26 =	simm.s32 $execute0_lowered;
	[smem:$0x3FD2] =	sst s25  }
0xb5: {  	s5 =	sshll.u32 s26, $0x1;
	_ =	strace $0x80000058;
	[dreg:$0x1] =	wrdreg $0xFFFFFFFF  }
0xb6: {  	s28 =	simm.s32 $_size_execute0_lowered;
	s3 =	sadd.s32 s3, s5;
	[dreg:$0x0] =	wrdreg $0x0  }
0xb7: {  	s5 =	sshll.u32 s28, $0x1;
	[dreg:$0x2] =	wrdreg s3  }
0xb8: {  	[dreg:$0x3] =	wrdreg s5  }
0xb9: {  	[dreg:$0x4] =	wrdreg $0xC0  }
0xba: {  	_ =	task [dreg:s22], $0x5FFFF  }
0xbb: {  	[dreg:$0x1] =	wrdreg $0xFFFFFFFF  }
0xbc: {  	[dreg:$0x0] =	wrdreg $0x60  }
0xbd: {  	[dreg:$0x2] =	wrdreg s24  }
0xbe: {  	[dreg:$0x3] =	wrdreg $0x8C000  }
0xbf: {  	[dreg:$0x4] =	wrdreg $0xA  }
0xc0: {  	_ =	task.clear_ibuf [dreg:s22], $0x5FFFF;
	_ =	strace $0x90000058  }
0xc1: {  	s29 =	simm.s32 $0xA;
	_ =	strace $0x8000005A  }
0xc2: {  	_ =	swait.ge [sflag:s29], $0x1  }
0xc3: {  	[sflag:s29] =	ssyncadd.s32 $0xFFFFFFFF  }
0xc4: {  	_ =	strace $0x9000005A  }
0xc5: {  	_ =	sfence  }
0xc6: {  	s30 =	sld [smem:$0x0];
	_ =	sdelay $0x2  }
0xc7: {  	s31 =	sshll.u32 s1, $0xD;
	s1 =	sshrl.u32 s1, $0x2  }
0xc8: {  	s4 =	sand.u32 $0x4000, s31;
	s1 =	sadd.s32 s1, s30  }
0xc9: {  	s0 =	sor.u32 s4, s0;
	s1 =	sshll.u32 s1, $0x11  }
0xca: {  	s0 =	sor.u32 s1, s0  }
0xcb: {  	s0 =	sadd.s32 $0x8F2B, s0  }
0xcc: {  	[sflag:s0] =	ssyncadd.remote.s32 $0x1  }
0xcd: {  	_ =	sfence.sel $0xFFFF  }
0xce: {  	[dreg:$0x0] =	wrdreg $0xFFFFFFFF;
	(pc) =	sbr.abs _section_cstart, $3  }
0xcf: {  	[dreg:$0x1] =	wrdreg $0xFFFFFFFF  }
0xd0: {  	_ =	task.clear_ibuf [dreg:s22], $0x2FFFF;
	_ =	strace $0x9FFFFFFF  }
0xd1: {  	(tm) =	ssettm $0x7FFFFFFF  }
tec
execute0_lowered:
.L_overlay_start_1:
0x0: {  	(tag) =	ssettag $0x1  }
0x1: {  	s1 =	srdreg.scid;
	s6 =	rddreg [dreg:$0x0]  }
0x2: {  	s0 =	stileid.u32;
	s2 =	rddreg [dreg:$0x1]  }
0x3: {  	s3 =	simm.s32 $0x0;
	s15 =	simm.s32 $0xC00;
	s16 =	simm.s32 $0x1  }
0x4: {  	s17 =	simm.s32 $0x80;
	s18 =	simm.s32 $0x2;
	s19 =	simm.s32 $0x0  }
0x5: {  	s10 =	sand.u32 $0x1, s1;
	s1 =	rddreg [dreg:$0x2];
	s5 =	smul.u32 $0x2700, s0  }
0x6: {  	s28 =	sshll.u32 s0, $0x1;
	[smem:$0x7FF] =	sst s3;
	s13 =	smul.u32 $0x4E000, s0  }
0x7: {  	s30 =	sshll.u32 s0, $0x6;
	s9 =	sor.u32 s10, s28;
	s8 =	smul.u32 $0x27100, s10  }
0x8: {  	_ =	strace $0x80000059;
	s11 =	ssub.s32 $0x2, s10;
	s4 =	smul.u32 $0x140, s9  }
0x9: {  	s10 =	sshll.u32 s10, $0x9;
	s12 =	sshrl.u32 s11, $0x1;
	s31 =	smul.u32 $0xA000, s9  }
0xa: {  	s29 =	sshrl.u32 s13, $0x2;
	s9 =	smul.u32 $0x50000, s9;
	s8 =	sadd.s32 s5, s8  }
.Ltmp0:
0xb: {  	s5 =	sadd.s32 $0x59C00, s6;
	s12 =	ssub.s32 s11, s12;
	(pc) =	sbr.rel .LBB2_1-.Ltmp0, $4  }
0xc: {  	s13 =	sadd.s32 s29, s2;
	s7 =	sand.u32 $0x3F80, s4;
	s4 =	sadd.s32 $0x7CFC00, s6  }
0xd: {  	s14 =	sadd.s32 s8, s6;
	s12 =	smax.u32 s12, $0x1;
	s13 =	sshrl.u32 s13, $0x3  }
0xe: {  	s7 =	sadd.s32 s7, s6;
	s6 =	sor.u32 $0x1C03, s30;
	s8 =	sadd.s32 s4, s31  }
0xf: {  	s11 =	sadd.s32 $0x85A00, s14;
	s14 =	simm.s32 $0x3;
	s7 =	sadd.s32 $0x2DC400, s7  }
.LBB2_5:
0x10: {  	_ =	swait.ge [sflag:s18], $0x4000  }
0x11: {  	s19 =	sadd.s32 $0x1, s19;
	[sflag:s18] =	ssyncset.done $0x0  }
0x12: {  	p0 =	sne.s32 s19, s12;
	[sflag:s18] =	ssyncadd.s32 $0xFFFFC000  }
.Ltmp1:
0x13: {  	[bflag:$0x0] =	sbarrier.arrive $0xFFFF;
	(pc) =	sbr.rel @!p0 .LBB2_6-.Ltmp1, $4  }
0x14: {  	[hbm:s11], [sflag:s6] =	dma.local [spmem:s13], $0x2800  }
0x15: {  	_ =	swait.ge [sflag:s14], $0x2800  }
0x16: {  	[sflag:s14] =	ssyncset.done $0x0  }
0x17: {  	[sflag:s14] =	ssyncadd.s32 $0xFFFFD800  }
.LBB2_1:
0x18: {  	[spmem:s13], [sflag:s6] =	dma.local [hbm:s5], $0x2800  }
0x19: {  	_ =	swait.ge [sflag:s14], $0x2800  }
0x1a: {  	[sflag:s14] =	ssyncset.done $0x0  }
0x1b: {  	[sflag:s14] =	ssyncadd.s32 $0xFFFFD800  }
0x1c: {  	[tilespmem:s3], [sflag:$0x3] =	stream.linear.gather [hbm4b:s7+s3], $0xC00, $0x38;
	[tilespmem:$0x1C480] =	vst v63  }
.Ltmp2:
0x1d: {  	_ =	swait.ge [sflag:s14], $0xC00;
	(pc) =	sbr.rel .LBB2_2-.Ltmp2, $4  }
0x1e: {  	[sflag:s14] =	ssyncset.done $0x0  }
0x1f: {  	[sflag:s14] =	ssyncadd.s32 $0xFFFFF400  }
0x20: {  	s20 =	simm.s32 $0x0;
	[bflag:$0x0] =	sbarrier.arrive $0xFFFF  }
0x21: {  	[tilespmem:s15], [sflag:$0x1] =	stream.linear.gather [hbm4b:s8+s3], $0x4000, $0x38;
	[tilespmem:$0x1C480] =	vst v63  }
.LBB2_4:
0x22: {  	_ =	swait.ge [sflag:s16], $0x4000;
	p0 =	slt.u32 s21, $0x14  }
.Ltmp3:
0x23: {  	s22 =	sshll.u32 s20, $0xE;
	s31 =	sshll.u32 s20, $0x7;
	(pc) =	sbr.rel @!p0 .LBB2_5-.Ltmp3, $4  }
0x24: {  	[sflag:s16] =	ssyncset.done $0x0;
	s22 =	sand.u32 $0x4000, s22;
	s20 =	sand.u32 $0x3FFFFF80, s31  }
0x25: {  	[sflag:s16] =	ssyncadd.s32 $0xFFFFC000;
	s22 =	sor.u32 $0xC00, s22;
	s20 =	sadd.s32 s20, s10  }
0x26: {  	[spmem:s2] =	stream.indirect.scatter.add.f32 [tilespmem:s22], [sflag:$0x2], $0x80, s20, s17, $0xb8;
	[tilespmem:$0x1C480] =	vst v63  }
0x27: {  	s20 =	smov.u32 s21  }
.LBB2_2:
0x28: {  	p0 =	seq.s32 s20, $0x0  }
0x29: {  	p1 =	seq.s32 @!p0 s20, $0x13  }
0x2a: {  	p1 =	por p0, !p1  }
.Ltmp4:
0x2b: {  	_ = 	snop;
	(pc) =	sbr.rel @!p1 .LBB2_4-.Ltmp4, $4  }
0x2c: {  	s21 =	simm.s32 @!p0 $0x2  }
0x2d: {  	_ =	swait.ge @!p0 [sflag:s21], $0x4000  }
0x2e: {  	[sflag:s21] =	ssyncset.done @!p0 $0x0  }
0x2f: {  	[sflag:s21] =	ssyncadd.s32 @!p0 $0xFFFFC000;
	s21 =	simm.s32 @!p0 $0x14  }
0x30: {  	s21 =	sadd.s32 @!p0 $0x1, s20  }
0x31: {  	s21 =	simm.s32 @p0 $0x1  }
.Ltmp5:
0x32: {  	s22 =	sshll.u32 s21, $0xE;
	(pc) =	sbr.rel .LBB2_4-.Ltmp5, $4  }
0x33: {  	s23 =	sadd.s32 s9, s22  }
0x34: {  	s22 =	sand.u32 $0x4000, s22;
	s23 =	sshrl.u32 s23, $0x3  }
0x35: {  	s22 =	sor.u32 $0xC00, s22;
	s23 =	sadd.s32 s4, s23  }
0x36: {  	[tilespmem:s22], [sflag:$0x1] =	stream.linear.gather [hbm4b:s23+s3], $0x4000, $0x38;
	[tilespmem:$0x1C480] =	vst v63  }
.LBB2_6:
0x37: {  	_ =	sfence.sel $0x180000  }
0x38: {  	[bflag:$0x0] =	sbarrier.arrive $0xFFFF  }
0x39: {  	p0 =	sne.s32 s0, $0x0;
	_ =	strace $0x90000059  }
0x3a: {  	s0 =	sadd.s32 @!p0 $0x100000, s1;
	[bflag:$0x2] =	sbarrier.arrive $0xFFFF  }
0x3b: {  	[sflag:s0] =	ssyncadd.tile.s32 @!p0 $0x1;
	_ =	shalt  }
.Lfunc_end2:
_tile_overlayer_lowered:
.L_overlay_start_2:
0x3c: {  	(tag) =	ssettag $0x2  }
0x3d: {  	s0 =	rddreg [dreg:$0x0];
	s2 =	stileid.u32  }
0x3e: {  	s1 =	rddreg [dreg:$0x1];
	p0 =	sne.s32 s2, $0x0  }
0x3f: {  	s3 =	rddreg [dreg:$0x2];
	[bflag:$0x3] =	sbarrier.arrive $0xFFFF;
	s2 =	simm.s32 @!p0 $0x1C03  }
0x40: {  	[timem:s3], [sflag:s2] =	dma.local @!p0 [hbm:s0], s1  }
0x41: {  	s0 =	simm.s32 @!p0 $0x3  }
0x42: {  	_ =	swait.ge @!p0 [sflag:s0], s1  }
0x43: {  	s1 =	ssub.s32 @!p0 $0x0, s1;
	[sflag:s0] =	ssyncset.done @!p0 $0x0  }
0x44: {  	[sflag:s0] =	ssyncadd.s32 @!p0 s1  }
0x45: {  	[bflag:$0x3] =	sbarrier.arrive $0xFFFF  }
0x46: {  	_ =	shalt  }

// kernel: kernel.38.cloned.1.call-start
scs
__scs_entry_jumppad:
0x0: {  	(pc) =	sbr.rel $0x88, $3  }
0x1: {  	(tag) =	ssettag $0x0;
	lr =	simm.s32 $0x1  }
0x2: {  	[smem:$0x3F97] =	sst lr;
	_ =	strace $0xD0000000  }
0x3: {  	_ = 	snop  }
0x4: {  	_ = 	snop  }
0x5: {  	_ = 	snop  }
0x6: {  	_ = 	snop  }
0x7: {  	_ = 	snop  }
__scs_overlays_trampoline_lowered:
0x8: {  	[smem:$0x3FA6] =	sst s0  }
0x9: {  	[smem:$0x3FA7] =	sst s1  }
0xa: {  	[smem:$0x3FA8] =	sst s2  }
0xb: {  	[smem:$0x3FA9] =	sst s3  }
0xc: {  	[smem:$0x3FAA] =	sst s4  }
0xd: {  	[smem:$0x3FAB] =	sst s5  }
0xe: {  	[smem:$0x3FAC] =	sst s6  }
0xf: {  	[smem:$0x3FAD] =	sst s7  }
0x10: {  	[smem:$0x3FAE] =	sst s8  }
0x11: {  	[smem:$0x3FAF] =	sst s9;
	s0 =	simm.s32 @!p0 $0x0  }
0x12: {  	s1 =	sld [smem:$0x3F95];
	s0 =	simm.s32 @p0 $0x1  }
0x13: {  	[smem:$0x3FB0] =	sst s0;
	s0 =	simm.s32 @!p1 $0x0  }
0x14: {  	s2 =	sld [smem:$0x3F94];
	s0 =	simm.s32 @p1 $0x1  }
0x15: {  	[smem:$0x3FB1] =	sst s0;
	s0 =	simm.s32 @!p2 $0x0  }
0x16: {  	s3 =	sld [smem:$0x3FDB];
	s0 =	simm.s32 @p2 $0x1  }
0x17: {  	s4 =	simm.s32 $0x1BF5;
	[smem:$0x3FB3] =	sst s0  }
0x18: {  	s0 =	sld [smem:$0x3F96];
	_ =	swait.ge [sflag:s4], $0x0  }
0x19: {  	s7 =	sld [smem:$0x3F97]  }
0x1a: {  	s8 =	sadd.s32 $0xFFFFE003, lr  }
0x1b: {  	s9 =	sadd.s32 $0xFFFFFEF7, lr;
	s5 =	simm.s32 $0xFFFFFFFF;
	p2 =	slt.u32 s8, $0xFFFFF086  }
0x1c: {  	p1 =	slt.u32 s9, $0xF7A;
	s5 =	simm.s32 @!p2 $0x0  }
0x1d: {  	s5 =	simm.s32 @p1 $0x1;
	p0 =	seq.s32 s7, s2  }
0x1e: {  	s7 =	smul.u32 @!p0 $0xF7A, s2;
	p2 =	seq.s32 @!p0 s5, $0x0  }
0x1f: {  	s9 =	smul.u32 $0xF7A, s1;
	s8 =	simm.s32 @!p0 $0x1BF5;
	p2 =	por !p2, p0  }
0x20: {  	[sflag:s8] =	ssyncset.s32 @!p0 $0xFFFFF086;
	s6 =	sadd.s32 @!p0 s3, s7;
	s7 =	simm.s32 @!p0 $0x108  }
0x21: {  	s3 =	sadd.s32 s3, s9;
	s6 =	sadd.s32 @!p0 $0x88, s6;
	s7 =	simm.s32 @p2 $0x1082  }
0x22: {  	[simem:s7], [sflag:s8] =	dma.local @!p0 [hbm:s6], $0xF7A  }
0x23: {  	s9 =	sor.u32 $0xD0000000, s2;
	s6 =	simm.s32 $0x108;
	_ =	swait.ge @!p0 [sflag:s8], $0x0  }
0x24: {  	s3 =	sadd.s32 $0x88, s3;
	s6 =	simm.s32 @!p1 $0x1082;
	[sflag:s4] =	ssyncset.s32 $0xFFFFF086  }
0x25: {  	[simem:s6], [sflag:s4] =	dma.local [hbm:s3], $0xF7A  }
0x26: {  	[smem:$0x3F97] =	sst s1;
	(tag) =	ssettag s2;
	_ =	strace s9  }
0x27: {  	s1 =	sld [smem:$0x3FA7]  }
0x28: {  	s2 =	sld [smem:$0x3FA8]  }
0x29: {  	s4 =	sld [smem:$0x3FAA]  }
0x2a: {  	p0 =	seq.s32 s5, $0x0;
	s5 =	sld [smem:$0x3FAB]  }
0x2b: {  	s6 =	sld [smem:$0x3FAC]  }
0x2c: {  	s7 =	sld [smem:$0x3FAD]  }
0x2d: {  	s3 =	simm.s32 $0x108;
	s8 =	sld [smem:$0x3FAE]  }
0x2e: {  	s3 =	simm.s32 @!p0 $0x1082;
	s9 =	sld [smem:$0x3FAF]  }
0x2f: {  	lr =	sadd.s32 s0, s3;
	s0 =	sld [smem:$0x3FA6]  }
0x30: {  	s3 =	sld [smem:$0x3FA9]  }
0x31: {  	[smem:$0x3FB2] =	sst s10  }
0x32: {  	s10 =	sld [smem:$0x3FB0];
	_ =	sdelay $0x3  }
0x33: {  	p0 =	seq.s32 s10, $0x1;
	s10 =	sld [smem:$0x3FB2];
	_ =	sdelay $0x3  }
0x34: {  	[smem:$0x3FB2] =	sst s10  }
0x35: {  	s10 =	sld [smem:$0x3FB1];
	_ =	sdelay $0x3  }
0x36: {  	p1 =	seq.s32 s10, $0x1;
	s10 =	sld [smem:$0x3FB2];
	_ =	sdelay $0x3  }
0x37: {  	[smem:$0x3FB2] =	sst s10  }
0x38: {  	s10 =	sld [smem:$0x3FB3]  }
0x39: {  	_ = 	snop;
	(pc) =	sbr.ind lr, $3  }
0x3a: {  	_ = 	snop  }
0x3b: {  	_ = 	snop  }
0x3c: {  	p2 =	seq.s32 s10, $0x1;
	s10 =	sld [smem:$0x3FB2]  }
0x3d: {  	_ =	shalt  }
0x3e: {  	_ =	shalt  }
0x3f: {  	_ =	shalt  }
0x40: {  	_ =	shalt  }
0x41: {  	_ =	shalt  }
0x42: {  	_ =	shalt  }
0x43: {  	_ =	shalt  }
0x44: {  	_ =	shalt  }
0x45: {  	_ =	shalt  }
0x46: {  	_ =	shalt  }
0x47: {  	_ =	shalt  }
0x48: {  	_ =	shalt  }
0x49: {  	_ =	shalt  }
0x4a: {  	_ =	shalt  }
0x4b: {  	_ =	shalt  }
0x4c: {  	_ =	shalt  }
0x4d: {  	_ =	shalt  }
0x4e: {  	_ =	shalt  }
0x4f: {  	_ =	shalt  }
0x50: {  	_ =	shalt  }
0x51: {  	_ =	shalt  }
0x52: {  	_ =	shalt  }
0x53: {  	_ =	shalt  }
0x54: {  	_ =	shalt  }
0x55: {  	_ =	shalt  }
0x56: {  	_ =	shalt  }
0x57: {  	_ =	shalt  }
0x58: {  	_ =	shalt  }
0x59: {  	_ =	shalt  }
0x5a: {  	_ =	shalt  }
0x5b: {  	_ =	shalt  }
0x5c: {  	_ =	shalt  }
0x5d: {  	_ =	shalt  }
0x5e: {  	_ =	shalt  }
0x5f: {  	_ =	shalt  }
0x60: {  	_ =	shalt  }
0x61: {  	_ =	shalt  }
0x62: {  	_ =	shalt  }
0x63: {  	_ =	shalt  }
0x64: {  	_ =	shalt  }
0x65: {  	_ =	shalt  }
0x66: {  	_ =	shalt  }
0x67: {  	_ =	shalt  }
0x68: {  	_ =	shalt  }
0x69: {  	_ =	shalt  }
0x6a: {  	_ =	shalt  }
0x6b: {  	_ =	shalt  }
0x6c: {  	_ =	shalt  }
0x6d: {  	_ =	shalt  }
0x6e: {  	_ =	shalt  }
0x6f: {  	_ =	shalt  }
0x70: {  	_ =	shalt  }
0x71: {  	_ =	shalt  }
0x72: {  	_ =	shalt  }
0x73: {  	_ =	shalt  }
0x74: {  	_ =	shalt  }
0x75: {  	_ =	shalt  }
0x76: {  	_ =	shalt  }
0x77: {  	_ =	shalt  }
0x78: {  	_ =	shalt  }
0x79: {  	_ =	shalt  }
0x7a: {  	_ =	shalt  }
0x7b: {  	_ =	shalt  }
0x7c: {  	_ =	shalt  }
0x7d: {  	_ =	shalt  }
0x7e: {  	_ =	shalt  }
0x7f: {  	_ =	shalt  }
0x80: {  	_ =	shalt  }
0x81: {  	_ =	shalt  }
0x82: {  	_ =	shalt  }
0x83: {  	_ =	shalt  }
0x84: {  	_ =	shalt  }
0x85: {  	_ =	shalt  }
0x86: {  	_ =	shalt  }
0x87: {  	_ =	shalt  }
.Lfunc_end0:
.L_simem_size_0:
called_computation.7_lowered:
.L_overlay_start_0:
0x88: {  	s2 =	sld [smem:$0x3FD9]  }
0x89: {  	s3 =	sld [smem:$0x3FFE];
	_ =	sdelay $0x1  }
0x8a: {  	s1 =	srdreg.scid  }
0x8b: {  	s0 =	sand.u32 $0x1, s1  }
0x8c: {  	s17 =	sshll.u32 s0, $0xA;
	s2 =	sadd.s32 s3, s2  }
0x8d: {  	s2 =	sadd.s32 s2, s17  }
0x8e: {  	[smem:$0x3FBE] =	sst s2  }
0x8f: {  	_ = 	snop  }
0x90: {  	s18 =	sld [smem:$0x3FD0];
	(tm) =	ssettm $0x1  }
0x91: {  	s19 =	sld [smem:$0x3FFB];
	_ =	sdelay $0x3  }
0x92: {  	_ =	strace s19  }
0x93: {  	s2 =	sld [smem:$0x3FFC];
	_ =	sdelay $0x3  }
0x94: {  	_ =	strace s2  }
0x95: {  	s2 =	sld [smem:$0x3FFD];
	_ =	sdelay $0x3  }
0x96: {  	_ =	strace s2  }
0x97: {  	_ =	strace $0x8FFFFFFF  }
0x98: {  	s20 =	sld [smem:$0x3FDB];
	_ =	sdelay $0x1  }
0x99: {  	s4 =	simm.s32 $_scs_section_size  }
0x9a: {  	s5 =	simm.s32 $_size__tile_overlayer_lowered;
	s6 =	simm.s32 $_tile_overlayer_lowered  }
0x9b: {  	s7 =	simm.s32 $0x1BFF;
	s21 =	sshll.u32 s6, $0x1;
	s4 =	sadd.s32 s4, s20  }
0x9c: {  	s22 =	simm.s32 $0x0;
	s5 =	sshll.u32 s5, $0x1;
	s6 =	sadd.s32 s21, s4  }
0x9d: {  	[timem:s22], [sflag:s7] =	dma.local [hbm:s6], s5  }
0x9e: {  	_ =	swait.ge [sflag:s7], s5  }
0x9f: {  	s5 =	ssub.s32 $0x0, s5;
	[sflag:s7] =	ssyncset.done $0x0  }
0xa0: {  	[sflag:s7] =	ssyncadd.s32 s5;
	_ =	sdelay $0x1  }
0xa1: {  	s23 =	simm.s32 $0x1B8B  }
0xa2: {  	_ =	swait.ge [sflag:s23], $0x1  }
0xa3: {  	[sflag:s23] =	ssyncset.done $0x0  }
0xa4: {  	[sflag:s23] =	ssyncadd.s32 $0xFFFFFFFF  }
0xa5: {  	s5 =	sld [smem:$0x0]  }
0xa6: {  	s6 =	sand.u32 $0xFFFFFFFE, s1  }
0xa7: {  	p0 =	sne.s32 s1, s6  }
0xa8: {  	s6 =	sshll.u32 @p0 s6, $0xE  }
0xa9: {  	s6 =	sadd.s32 @p0 $0x11B8D, s6;
	s7 =	sshll.u32 @p0 s5, $0x11  }
0xaa: {  	s6 =	sor.u32 @p0 s7, s6  }
0xab: {  	[sflag:s6] =	ssyncadd.remote.s32 @p0 $0x1;
	_ =	sdelay $0x1  }
0xac: {  	s6 =	simm.s32 @p0 $0x1B8D  }
0xad: {  	_ =	swait.eq @p0 [sflag:s6], $0x1  }
0xae: {  	[sflag:s6] =	ssyncadd.s32 @p0 $0xFFFFFFFF  }
0xaf: {  	s7 =	sshll.u32 @!p0 s1, $0xE  }
0xb0: {  	s7 =	sor.u32 @!p0 $0x4000, s7;
	s6 =	simm.s32 @!p0 $0x1B8D  }
0xb1: {  	s5 =	sshll.u32 @!p0 s5, $0x11;
	s7 =	sadd.s32 @!p0 $0x11B8D, s7;
	_ =	swait.eq @!p0 [sflag:s6], $0x1  }
0xb2: {  	s5 =	sor.u32 @!p0 s5, s7;
	[sflag:s6] =	ssyncadd.s32 @!p0 $0xFFFFFFFF  }
0xb3: {  	s25 =	simm.s32 $0x1B8E;
	s24 =	sld [smem:$0x3FFE];
	[sflag:s5] =	ssyncadd.remote.s32 @!p0 $0x1  }
0xb4: {  	s26 =	simm.s32 $execute0_lowered;
	[smem:$0x3FD2] =	sst s25  }
0xb5: {  	s6 =	sshll.u32 s26, $0x1;
	_ =	strace $0x8000005B;
	[dreg:$0x1] =	wrdreg $0xFFFFFFFF  }
0xb6: {  	s28 =	simm.s32 $_size_execute0_lowered;
	s4 =	sadd.s32 s4, s6;
	[dreg:$0x0] =	wrdreg $0x0  }
0xb7: {  	s6 =	sshll.u32 s28, $0x1;
	[dreg:$0x2] =	wrdreg s4  }
0xb8: {  	[dreg:$0x3] =	wrdreg s6  }
0xb9: {  	[dreg:$0x4] =	wrdreg $0xC0  }
0xba: {  	_ =	task [dreg:s22], $0x5FFFF  }
0xbb: {  	[dreg:$0x1] =	wrdreg $0xFFFFFFFF  }
0xbc: {  	[dreg:$0x0] =	wrdreg $0x60  }
0xbd: {  	[dreg:$0x2] =	wrdreg s24  }
0xbe: {  	[dreg:$0x3] =	wrdreg s18  }
0xbf: {  	[dreg:$0x4] =	wrdreg $0x8C000  }
0xc0: {  	[dreg:$0x5] =	wrdreg $0x9  }
0xc1: {  	_ =	task.clear_ibuf [dreg:s22], $0x6FFFF;
	_ =	strace $0x9000005B  }
0xc2: {  	s29 =	simm.s32 $0x9;
	_ =	strace $0x8000005D  }
0xc3: {  	_ =	swait.ge [sflag:s29], $0x1  }
0xc4: {  	[sflag:s29] =	ssyncadd.s32 $0xFFFFFFFF  }
0xc5: {  	_ =	strace $0x9000005D  }
0xc6: {  	_ =	sfence  }
0xc7: {  	s30 =	sld [smem:$0x0];
	_ =	sdelay $0x2  }
0xc8: {  	s31 =	sshll.u32 s1, $0xD;
	s1 =	sshrl.u32 s1, $0x2  }
0xc9: {  	s4 =	sand.u32 $0x4000, s31;
	s1 =	sadd.s32 s1, s30  }
0xca: {  	s0 =	sor.u32 s4, s0;
	s1 =	sshll.u32 s1, $0x11  }
0xcb: {  	s0 =	sor.u32 s1, s0  }
0xcc: {  	s0 =	sadd.s32 $0x8F2B, s0  }
0xcd: {  	[sflag:s0] =	ssyncadd.remote.s32 $0x1  }
0xce: {  	_ =	sfence.sel $0xFFFF  }
0xcf: {  	[dreg:$0x0] =	wrdreg $0xFFFFFFFF;
	(pc) =	sbr.abs _section_cstart, $3  }
0xd0: {  	[dreg:$0x1] =	wrdreg $0xFFFFFFFF  }
0xd1: {  	_ =	task.clear_ibuf [dreg:s22], $0x2FFFF;
	_ =	strace $0x9FFFFFFF  }
0xd2: {  	(tm) =	ssettm $0x7FFFFFFF  }
0xd3: {  	_ =	shalt  }
tec
execute0_lowered:
.L_overlay_start_1:
0x0: {  	(tag) =	ssettag $0x1  }
0x1: {  	s6 =	rddreg [dreg:$0x0]  }
0x2: {  	s7 =	rddreg [dreg:$0x1]  }
0x3: {  	s1 =	rddreg [dreg:$0x2]  }
0x4: {  	s0 =	rddreg [dreg:$0x3]  }
0x5: {  	s3 =	simm.s32 $0x0;
	s5 =	srdreg.scid;
	s2 =	stileid.u32  }
0x6: {  	s16 =	simm.s32 $0x1;
	s17 =	simm.s32 $0x80;
	s18 =	simm.s32 $0x2  }
0x7: {  	s19 =	simm.s32 $0x0;
	[smem:$0x7FF] =	sst s3;
	s4 =	sadd.s32 $0xD3C00, s6  }
0x8: {  	s10 =	sand.u32 $0x1, s5;
	s8 =	smul.u32 $0x2700, s2;
	s5 =	sadd.s32 $0x59C00, s6  }
0x9: {  	s11 =	sshll.u32 s2, $0x1;
	s13 =	smul.u32 $0x4E000, s2;
	s28 =	sshll.u32 s2, $0x6  }
0xa: {  	_ =	strace $0x8000005C;
	s9 =	smul.u32 $0x27100, s10;
	s11 =	sor.u32 s10, s11  }
0xb: {  	s12 =	ssub.s32 $0x2, s10;
	s10 =	sshll.u32 s10, $0x9;
	s14 =	smul.u32 $0x140, s11  }
0xc: {  	s25 =	sshrl.u32 s12, $0x1;
	s26 =	sshrl.u32 s13, $0x2;
	s30 =	smul.u32 $0xA000, s11  }
.Ltmp0:
0xd: {  	s8 =	sadd.s32 s8, s9;
	s12 =	ssub.s32 s12, s25;
	(pc) =	sbr.rel .LBB2_1-.Ltmp0, $4  }
0xe: {  	s31 =	sadd.s32 s26, s1;
	s9 =	smul.u32 $0x50000, s11;
	s15 =	sadd.s32 s8, s6  }
0xf: {  	s29 =	sand.u32 $0x3F80, s14;
	s6 =	sor.u32 $0x1C03, s28;
	s8 =	sadd.s32 s4, s30  }
0x10: {  	s12 =	smax.u32 s12, $0x1;
	s13 =	sshrl.u32 s31, $0x3;
	s14 =	simm.s32 $0x3  }
0x11: {  	s7 =	sadd.s32 s7, s29;
	s11 =	sadd.s32 $0x213C00, s15;
	s15 =	simm.s32 $0xC00  }
.LBB2_5:
0x12: {  	_ =	swait.ge [sflag:s18], $0x4000  }
0x13: {  	s19 =	sadd.s32 $0x1, s19;
	[sflag:s18] =	ssyncset.done $0x0  }
0x14: {  	p0 =	sne.s32 s19, s12;
	[sflag:s18] =	ssyncadd.s32 $0xFFFFC000  }
.Ltmp1:
0x15: {  	[bflag:$0x0] =	sbarrier.arrive $0xFFFF;
	(pc) =	sbr.rel @!p0 .LBB2_6-.Ltmp1, $4  }
0x16: {  	[hbm:s11], [sflag:s6] =	dma.local [spmem:s13], $0x2800  }
0x17: {  	_ =	swait.ge [sflag:s14], $0x2800  }
0x18: {  	[sflag:s14] =	ssyncset.done $0x0  }
0x19: {  	[sflag:s14] =	ssyncadd.s32 $0xFFFFD800  }
.LBB2_1:
0x1a: {  	[spmem:s13], [sflag:s6] =	dma.local [hbm:s5], $0x2800  }
0x1b: {  	_ =	swait.ge [sflag:s14], $0x2800  }
0x1c: {  	[sflag:s14] =	ssyncset.done $0x0  }
0x1d: {  	[sflag:s14] =	ssyncadd.s32 $0xFFFFD800  }
0x1e: {  	[tilespmem:s3], [sflag:$0x3] =	stream.linear.gather [hbm4b:s7+s3], $0xC00, $0x38;
	[tilespmem:$0x1C480] =	vst v63  }
.Ltmp2:
0x1f: {  	_ =	swait.ge [sflag:s14], $0xC00;
	(pc) =	sbr.rel .LBB2_2-.Ltmp2, $4  }
0x20: {  	[sflag:s14] =	ssyncset.done $0x0  }
0x21: {  	[sflag:s14] =	ssyncadd.s32 $0xFFFFF400  }
0x22: {  	s20 =	simm.s32 $0x0;
	[bflag:$0x0] =	sbarrier.arrive $0xFFFF  }
0x23: {  	[tilespmem:s15], [sflag:$0x1] =	stream.linear.gather [hbm4b:s8+s3], $0x4000, $0x38;
	[tilespmem:$0x1C480] =	vst v63  }
.LBB2_4:
0x24: {  	_ =	swait.ge [sflag:s16], $0x4000;
	p0 =	slt.u32 s21, $0x14  }
.Ltmp3:
0x25: {  	s22 =	sshll.u32 s20, $0xE;
	s31 =	sshll.u32 s20, $0x7;
	(pc) =	sbr.rel @!p0 .LBB2_5-.Ltmp3, $4  }
0x26: {  	[sflag:s16] =	ssyncset.done $0x0;
	s22 =	sand.u32 $0x4000, s22;
	s20 =	sand.u32 $0x3FFFFF80, s31  }
0x27: {  	[sflag:s16] =	ssyncadd.s32 $0xFFFFC000;
	s22 =	sor.u32 $0xC00, s22;
	s20 =	sadd.s32 s20, s10  }
0x28: {  	[spmem:s1] =	stream.indirect.scatter.add.f32 [tilespmem:s22], [sflag:$0x2], $0x80, s20, s17, $0xb8;
	[tilespmem:$0x1C480] =	vst v63  }
0x29: {  	s20 =	smov.u32 s21  }
.LBB2_2:
0x2a: {  	p0 =	seq.s32 s20, $0x0  }
0x2b: {  	p1 =	seq.s32 @!p0 s20, $0x13  }
0x2c: {  	p1 =	por p0, !p1  }
.Ltmp4:
0x2d: {  	_ = 	snop;
	(pc) =	sbr.rel @!p1 .LBB2_4-.Ltmp4, $4  }
0x2e: {  	s21 =	simm.s32 @!p0 $0x2  }
0x2f: {  	_ =	swait.ge @!p0 [sflag:s21], $0x4000  }
0x30: {  	[sflag:s21] =	ssyncset.done @!p0 $0x0  }
0x31: {  	[sflag:s21] =	ssyncadd.s32 @!p0 $0xFFFFC000;
	s21 =	simm.s32 @!p0 $0x14  }
0x32: {  	s21 =	sadd.s32 @!p0 $0x1, s20  }
0x33: {  	s21 =	simm.s32 @p0 $0x1  }
.Ltmp5:
0x34: {  	s22 =	sshll.u32 s21, $0xE;
	(pc) =	sbr.rel .LBB2_4-.Ltmp5, $4  }
0x35: {  	s23 =	sadd.s32 s9, s22  }
0x36: {  	s22 =	sand.u32 $0x4000, s22;
	s23 =	sshrl.u32 s23, $0x3  }
0x37: {  	s22 =	sor.u32 $0xC00, s22;
	s23 =	sadd.s32 s4, s23  }
0x38: {  	[tilespmem:s22], [sflag:$0x1] =	stream.linear.gather [hbm4b:s23+s3], $0x4000, $0x38;
	[tilespmem:$0x1C480] =	vst v63  }
.LBB2_6:
0x39: {  	_ =	sfence.sel $0x180000  }
0x3a: {  	[bflag:$0x0] =	sbarrier.arrive $0xFFFF  }
0x3b: {  	p0 =	sne.s32 s2, $0x0;
	_ =	strace $0x9000005C  }
0x3c: {  	s0 =	sadd.s32 @!p0 $0x100000, s0;
	[bflag:$0x2] =	sbarrier.arrive $0xFFFF  }
0x3d: {  	[sflag:s0] =	ssyncadd.tile.s32 @!p0 $0x1;
	_ =	shalt  }
.Lfunc_end2:
_tile_overlayer_lowered:
.L_overlay_start_2:
0x3e: {  	(tag) =	ssettag $0x2  }
0x3f: {  	s0 =	rddreg [dreg:$0x0];
	s2 =	stileid.u32  }
0x40: {  	s1 =	rddreg [dreg:$0x1];
	p0 =	sne.s32 s2, $0x0  }
0x41: {  	s3 =	rddreg [dreg:$0x2];
	[bflag:$0x3] =	sbarrier.arrive $0xFFFF;
	s2 =	simm.s32 @!p0 $0x1C03  }
0x42: {  	[timem:s3], [sflag:s2] =	dma.local @!p0 [hbm:s0], s1  }
0x43: {  	s0 =	simm.s32 @!p0 $0x3  }
0x44: {  	_ =	swait.ge @!p0 [sflag:s0], s1  }
0x45: {  	s1 =	ssub.s32 @!p0 $0x0, s1;
	[sflag:s0] =	ssyncset.done @!p0 $0x0  }
0x46: {  	[sflag:s0] =	ssyncadd.s32 @!p0 s1  }
0x47: {  	[bflag:$0x3] =	sbarrier.arrive $0xFFFF  }
0x48: {  	_ =	shalt  }

</sc_bundles>
